<compile_context>
chip_gen: v7x
topology: tpu7x:2x2x1
jax: 0.10.2.dev20260603
libtpu: 0.0.44.dev20260713+nightly
codegen_flags: <defaults>
</compile_context>

<pallas_src>
import functools

import jax
import jax.numpy as jnp
import numpy as np
from jax import lax
from jax.experimental import pallas as pl
from jax.experimental.pallas import tpu as pltpu
from jax.experimental.pallas import tpu_sc as plsc

NC = 2
NS = 16
NW = NC * NS
CHUNK = 8

_COLS = np.empty(128, np.int32)
for _c in range(64):
    _COLS[_c] = 32 * (_c // 16) + _c % 16
    _COLS[64 + _c] = 32 * (_c // 16) + 16 + _c % 16


def _rne_pack(a, b):
    ua = lax.bitcast_convert_type(a, jnp.int32)
    ub = lax.bitcast_convert_type(b, jnp.int32)
    ra = ua + jnp.int32(0x7FFF) + ((ua >> 16) & jnp.int32(1))
    rb = ub + jnp.int32(0x7FFF) + ((ub >> 16) & jnp.int32(1))
    lo = (ra >> 16) & jnp.int32(0xFFFF)
    hi = rb & jnp.int32(-65536)
    return lo | hi


def _tables_body(x_ref, m_ref, c_ref, b2q_ref, t_ref, q_ref):
    N = x_ref.shape[1]
    y = lax.dot_general(x_ref[...], m_ref[...], (((0,), (0,)), ((), ())),
                        preferred_element_type=jnp.float32)
    y = y + c_ref[...]
    col = lax.broadcasted_iota(jnp.int32, y.shape, 1)
    t = jnp.where(col % 64 < 32, jnp.maximum(y, 0.0), y)
    A, B = t[:, :64], t[:, 64:]
    TW = _rne_pack(A, B)
    t_ref[...] = jnp.concatenate([TW[: N // 2], TW[N // 2:]], axis=1)
    Qa = A[:, 32:] + b2q_ref[:, :32]
    Qb = B[:, 32:] + b2q_ref[:, 32:]
    QW = _rne_pack(Qa, Qb)
    NQ = N // 4
    q_ref[...] = jnp.concatenate(
        [QW[:NQ], QW[NQ:2 * NQ], QW[2 * NQ:3 * NQ], QW[3 * NQ:]], axis=1)


def _make_tables(xp, M, cvec, b2q, N):
    return pl.pallas_call(
        _tables_body,
        grid=(1,),
        in_specs=[
            pl.BlockSpec((128, N), lambda i: (0, 0)),
            pl.BlockSpec((128, 128), lambda i: (0, 0)),
            pl.BlockSpec((1, 128), lambda i: (0, 0)),
            pl.BlockSpec((1, 64), lambda i: (0, 0)),
        ],
        out_specs=[
            pl.BlockSpec((N // 2, 128), lambda i: (0, 0)),
            pl.BlockSpec((N // 4, 128), lambda i: (0, 0)),
        ],
        out_shape=[
            jax.ShapeDtypeStruct((N // 2, 128), jnp.int32),
            jax.ShapeDtypeStruct((N // 4, 128), jnp.int32),
        ],
    )(xp, M, cvec, b2q)


def _make_sc_kernel(NP, N, K):
    NPW = NP // NW
    n_chunks = NPW // CHUNK
    E = CHUNK * K

    mesh = plsc.VectorSubcoreMesh(core_axis_name="c", subcore_axis_name="s")

    @functools.partial(
        pl.kernel,
        out_type=jax.ShapeDtypeStruct((NP, 128), jnp.float32),
        mesh=mesh,
        scratch_types=[
            pltpu.VMEM((n_chunks, E), jnp.int32),
            pltpu.VMEM((n_chunks, E), jnp.int32),
            pltpu.VMEM((2, E, 64), jnp.int32),
            pltpu.VMEM((2, E, 32), jnp.int32),
            pltpu.VMEM((2, CHUNK, 128), jnp.float32),
            pltpu.SemaphoreType.DMA,
            pltpu.SemaphoreType.DMA,
            pltpu.SemaphoreType.DMA,
            pltpu.SemaphoreType.DMA,
            pltpu.SemaphoreType.DMA,
            pltpu.SemaphoreType.DMA,
        ],
        compiler_params=pltpu.CompilerParams(
            use_tc_tiling_on_sc=False, needs_layout_passes=False),
    )
    def sc_kernel(t_hbm, q_hbm, ij_hbm, out_hbm,
                  ii_v, jj_v, tbuf, qbuf, obuf,
                  sem_t0, sem_t1, sem_q0, sem_q1, sem_o0, sem_o1):
        sems_t = (sem_t0, sem_t1)
        sems_q = (sem_q0, sem_q1)
        sems_o = (sem_o0, sem_o1)
        wid = lax.axis_index("s") * NC + (1 - lax.axis_index("c"))
        pltpu.sync_copy(ij_hbm.at[1, wid], ii_v)
        pltpu.sync_copy(ij_hbm.at[0, wid], jj_v)
        node_base = wid * NPW
        inv_k = 1.0 / K
        unpack = functools.partial(
            plsc.unpack, format=plsc.PackFormat.INTERLEAVED)

        def issue_gather(chunk, b):
            pltpu.async_copy(t_hbm.at[ii_v.at[chunk]], tbuf.at[b], sems_t[b])
            pltpu.async_copy(q_hbm.at[jj_v.at[chunk]], qbuf.at[b], sems_q[b])

        def wait_gather(chunk, b):
            pltpu.make_async_copy(
                t_hbm.at[ii_v.at[chunk]], tbuf.at[b], sems_t[b]).wait()
            pltpu.make_async_copy(
                q_hbm.at[jj_v.at[chunk]], qbuf.at[b], sems_q[b]).wait()

        def out_dst(chunk):
            return out_hbm.at[pl.ds(node_base + chunk * CHUNK, CHUNK)]

        issue_gather(0, 0)
        issue_gather(1, 1)

        def outer(o, _):
            for b in range(2):
                chunk = o * 2 + b
                wait_gather(chunk, b)

                @pl.when(o > 0)
                def _():
                    pltpu.make_async_copy(
                        obuf.at[b], out_dst(chunk - 2), sems_o[b]).wait()

                def node_body(m, _):
                    accs = [jnp.zeros((16,), jnp.float32) for _ in range(8)]
                    r0 = m * K
                    for k in range(K):
                        r = r0 + k
                        for u in range(2):
                            w = plsc.bitcast(
                                tbuf[b, r, pl.ds(u * 16, 16)], jnp.bfloat16)
                            av, bv = unpack(w)
                            accs[2 * u] = accs[2 * u] + av
                            accs[2 * u + 1] = accs[2 * u + 1] + bv
                        for u in range(2):
                            tw = plsc.bitcast(
                                tbuf[b, r, pl.ds(32 + u * 16, 16)],
                                jnp.bfloat16)
                            ta, tb = unpack(tw)
                            qw = plsc.bitcast(
                                qbuf[b, r, pl.ds(u * 16, 16)], jnp.bfloat16)
                            qa, qb = unpack(qw)
                            accs[4 + 2 * u] = accs[4 + 2 * u] + jnp.maximum(
                                qa - ta, 0.0)
                            accs[5 + 2 * u] = accs[5 + 2 * u] + jnp.maximum(
                                qb - tb, 0.0)
                    for ci in range(8):
                        obuf[b, m, pl.ds(ci * 16, 16)] = accs[ci] * inv_k
                    return 0

                lax.fori_loop(0, CHUNK, node_body, 0)
                pltpu.async_copy(obuf.at[b], out_dst(chunk), sems_o[b])

                @pl.when(chunk + 2 < n_chunks)
                def _():
                    issue_gather(chunk + 2, b)
            return 0

        lax.fori_loop(0, n_chunks // 2, outer, 0)
        for b in range(2):
            pltpu.make_async_copy(
                obuf.at[b], out_dst(n_chunks - 2 + b), sems_o[b]).wait()

    return sc_kernel


def kernel(x, edge_index, W, b):
    B, C, N, _ = x.shape
    K = edge_index.shape[-1]
    NP = ((N + NW * CHUNK - 1) // (NW * CHUNK)) * (NW * CHUNK)

    rb = _COLS // 32 % 2
    dmask = (np.arange(128)[:, None] // 64 == rb[None, :]).astype(np.float32)
    Wp = W[_COLS]
    M = jnp.tile(Wp.T, (2, 1)) * dmask
    chan = _COLS
    cvec = (jnp.where(chan < 64, b[chan], -b[chan])).reshape(1, 128)
    b2q = jnp.concatenate([b[_COLS[32:64]], b[_COLS[96:128]]]).reshape(1, 64)

    xb = x[0, :, :, 0]

    T2, Q2 = _make_tables(xb, M, cvec, b2q, N)
    T = T2.reshape(N, 64)
    Q = Q2.reshape(N, 32)

    HN, QN = N // 2, N // 4
    e_j, e_i = edge_index[0, 0], edge_index[1, 0]
    ti = 2 * (e_i % HN) + e_i // HN
    tj = 4 * (e_j % QN) + e_j // QN
    ij = jnp.stack([tj, ti])
    ij = jnp.pad(ij, ((0, 0), (0, NP - N), (0, 0)), mode='wrap')
    NPW = NP // NW
    n_chunks = NPW // CHUNK
    ij = ij.reshape(2, NW, n_chunks, CHUNK * K)

    out = _make_sc_kernel(NP, N, K)(T, Q, ij)

    return out[:N].T[None, :, :, None]

# --- scband reference (transcript-rebuilt; emitter-appended) ---
"""Pipeline reference for scband-edge-conv2d-69509750718743 (READ-ONLY COPY).

The authoritative reference and input builder live on the scoring server;
editing this copy changes nothing except your own understanding.
"""

import jax, jax.numpy as jnp
import numpy as np


def setup_inputs(seed: int = 0) -> dict:
    key = jax.random.key(seed)
    k1, k2, k3 = jax.random.split(key, 3)
    B, C, N, K = 1, 128, 10000, 16
    out_ch = 128
    groups = 4
    in_pg = (2 * C) // groups
    x = jax.random.normal(k1, (B, C, N, 1), dtype=jnp.float32)
    edge_index = jax.random.randint(k2, (2, B, N, K), 0, N, dtype=jnp.int32)
    # Conv2d(2C, out_ch, 1, groups=4) weight squeezed to [out_ch, in_per_group]; kaiming normal fan_in
    W = jax.random.normal(k3, (out_ch, in_pg), dtype=jnp.float32) * np.sqrt(2.0 / in_pg)
    b = jnp.zeros((out_ch,), dtype=jnp.float32)
    return {"x": x, "edge_index": edge_index, "W": W, "b": b}


def reference(x, edge_index, W, b):
    # x: [B, C, N, 1]; edge_index: [2, B, N, K]
    B, C, N, _ = x.shape
    K = edge_index.shape[-1]
    idx_i = edge_index[1]  # [B, N, K] -> center/dst indices
    idx_j = edge_index[0]  # [B, N, K] -> neighbor/src indices
    xb = jnp.transpose(x[:, :, :, 0], (0, 2, 1))  # [B, N, C]
    bar = jnp.arange(B)[:, None, None]
    x_i = xb[bar, idx_i]  # [B, N, K, C] gather (batched_index_select)
    x_j = xb[bar, idx_j]  # [B, N, K, C]
    feat = jnp.concatenate([x_i, x_j - x_i], axis=-1)  # [B, N, K, 2C]
    groups = 4
    in_pg = (2 * C) // groups
    out_ch = W.shape[0]
    out_pg = out_ch // groups
    fg = feat.reshape(B, N, K, groups, in_pg)
    Wg = W.reshape(groups, out_pg, in_pg)
    out = jnp.einsum('bnkgi,goi->bnkgo', fg, Wg).reshape(B, N, K, out_ch) + b  # grouped 1x1 conv
    out = jax.nn.relu(out)
    out = jnp.mean(out, axis=2)  # mean over k neighbors, [B, N, out_ch]
    return jnp.transpose(out, (0, 2, 1))[:, :, :, None]  # [B, out_ch, N, 1]

if __name__ == "__main__":
    import jax
    _d = setup_inputs()
    print(jax.jit(kernel)(*tuple(_d.values())))

</pallas_src>

<mosaic_0001>
#map = affine_map<(d0, d1) -> (0, 0)>
#map1 = affine_map<(d0, d1) -> (0, 0, 0, 0)>
module attributes {stable_mosaic.version = 14 : i64} {
  func.func @sc_kernel(%arg0: i32, %arg1: i32, %arg2: memref<10000x64xi32, #tpu.memory_space<hbm>>, %arg3: memref<10000x32xi32, #tpu.memory_space<hbm>>, %arg4: memref<2x32x40x128xi32, #tpu.memory_space<hbm>>, %arg5: memref<10240x128xf32, #tpu.memory_space<hbm>>, %arg6: memref<40x128xi32, #tpu.memory_space<vmem>>, %arg7: memref<40x128xi32, #tpu.memory_space<vmem>>, %arg8: memref<2x128x64xi32, #tpu.memory_space<vmem>>, %arg9: memref<2x128x32xi32, #tpu.memory_space<vmem>>, %arg10: memref<2x8x128xf32, #tpu.memory_space<vmem>>, %arg11: memref<!tpu.dma_semaphore, #tpu.memory_space<semaphore_mem>>, %arg12: memref<!tpu.dma_semaphore, #tpu.memory_space<semaphore_mem>>, %arg13: memref<!tpu.dma_semaphore, #tpu.memory_space<semaphore_mem>>, %arg14: memref<!tpu.dma_semaphore, #tpu.memory_space<semaphore_mem>>, %arg15: memref<!tpu.dma_semaphore, #tpu.memory_space<semaphore_mem>>, %arg16: memref<!tpu.dma_semaphore, #tpu.memory_space<semaphore_mem>>) attributes {dimension_semantics = [#tpu.dimension_semantics<core_parallel>, #tpu.dimension_semantics<subcore_parallel>], iteration_bounds = array<i64: 2, 16>, scalar_prefetch = 0 : i64, scratch_operands = 11 : i64, tpu.core_type = #tpu.core_type<sc_vector_subcore>, window_params = [{transform_indices = #map}, {transform_indices = #map}, {transform_indices = #map1}, {transform_indices = #map}]} {
    %mul3A = arith.constant 2 : i32
    %mul3A_0 = arith.muli %arg1, %mul3A : i32
    %sub3A = arith.constant 1 : i32
    %sub3A_1 = arith.subi %sub3A, %arg0 : i32
    %add3A = arith.addi %mul3A_0, %sub3A_1 : i32
    %run_scoped3A = arith.constant 1 : i32
    "tpu.region"() ({
      %run_scoped3A_87 = tpu.sem_alloc : memref<!tpu.dma_semaphore, #tpu.memory_space<semaphore_mem>>
      %dma_start3A_88 = arith.constant 0 : i32
      %dma_start3A_89 = arith.constant 0 : i32
      %dma_start3A_90 = tpu.memref_slice %arg4[%run_scoped3A, %add3A, %dma_start3A_88, %dma_start3A_89] : memref<2x32x40x128xi32, #tpu.memory_space<hbm>> -> memref<1x1x40x128xi32, #tpu.memory_space<hbm>>
      %dma_start3A_91 = tpu.memref_squeeze %dma_start3A_90 : memref<1x1x40x128xi32, #tpu.memory_space<hbm>> -> memref<40x128xi32, #tpu.memory_space<hbm>>
      %dma_start3A_92 = arith.constant 0 : i32
      %dma_start3A_93 = arith.constant 0 : i32
      %dma_start3A_94 = tpu.memref_slice %arg4[%run_scoped3A, %add3A, %dma_start3A_92, %dma_start3A_93] : memref<2x32x40x128xi32, #tpu.memory_space<hbm>> -> memref<1x1x40x128xi32, #tpu.memory_space<hbm>>
      %dma_start3A_95 = tpu.memref_squeeze %dma_start3A_94 : memref<1x1x40x128xi32, #tpu.memory_space<hbm>> -> memref<40x128xi32, #tpu.memory_space<hbm>>
      tpu.enqueue_dma source(%dma_start3A_95 : memref<40x128xi32, #tpu.memory_space<hbm>>) target(%arg6 : memref<40x128xi32, #tpu.memory_space<vmem>>) target_semaphore(%run_scoped3A_87 : memref<!tpu.dma_semaphore, #tpu.memory_space<semaphore_mem>>)
      %dma_wait3A_96 = arith.constant 0 : i32
      %dma_wait3A_97 = arith.constant 0 : i32
      %dma_wait3A_98 = tpu.memref_slice %arg4[%run_scoped3A, %add3A, %dma_wait3A_96, %dma_wait3A_97] : memref<2x32x40x128xi32, #tpu.memory_space<hbm>> -> memref<1x1x40x128xi32, #tpu.memory_space<hbm>>
      %dma_wait3A_99 = tpu.memref_squeeze %dma_wait3A_98 : memref<1x1x40x128xi32, #tpu.memory_space<hbm>> -> memref<40x128xi32, #tpu.memory_space<hbm>>
      %dma_wait3A_100 = arith.constant 0 : i32
      %dma_wait3A_101 = arith.constant 0 : i32
      %dma_wait3A_102 = tpu.memref_slice %arg4[%run_scoped3A, %add3A, %dma_wait3A_100, %dma_wait3A_101] : memref<2x32x40x128xi32, #tpu.memory_space<hbm>> -> memref<1x1x40x128xi32, #tpu.memory_space<hbm>>
      %dma_wait3A_103 = tpu.memref_squeeze %dma_wait3A_102 : memref<1x1x40x128xi32, #tpu.memory_space<hbm>> -> memref<40x128xi32, #tpu.memory_space<hbm>>
      tpu.wait_dma2 semaphore(%run_scoped3A_87 : memref<!tpu.dma_semaphore, #tpu.memory_space<semaphore_mem>>) src(%dma_wait3A_103 : memref<40x128xi32, #tpu.memory_space<hbm>>) dst(%arg6 : memref<40x128xi32, #tpu.memory_space<vmem>>)
      tpu.yield
    }) : () -> ()
    %run_scoped3A_2 = arith.constant 0 : i32
    "tpu.region"() ({
      %run_scoped3A_87 = tpu.sem_alloc : memref<!tpu.dma_semaphore, #tpu.memory_space<semaphore_mem>>
      %dma_start3A_88 = arith.constant 0 : i32
      %dma_start3A_89 = arith.constant 0 : i32
      %dma_start3A_90 = tpu.memref_slice %arg4[%run_scoped3A_2, %add3A, %dma_start3A_88, %dma_start3A_89] : memref<2x32x40x128xi32, #tpu.memory_space<hbm>> -> memref<1x1x40x128xi32, #tpu.memory_space<hbm>>
      %dma_start3A_91 = tpu.memref_squeeze %dma_start3A_90 : memref<1x1x40x128xi32, #tpu.memory_space<hbm>> -> memref<40x128xi32, #tpu.memory_space<hbm>>
      %dma_start3A_92 = arith.constant 0 : i32
      %dma_start3A_93 = arith.constant 0 : i32
      %dma_start3A_94 = tpu.memref_slice %arg4[%run_scoped3A_2, %add3A, %dma_start3A_92, %dma_start3A_93] : memref<2x32x40x128xi32, #tpu.memory_space<hbm>> -> memref<1x1x40x128xi32, #tpu.memory_space<hbm>>
      %dma_start3A_95 = tpu.memref_squeeze %dma_start3A_94 : memref<1x1x40x128xi32, #tpu.memory_space<hbm>> -> memref<40x128xi32, #tpu.memory_space<hbm>>
      tpu.enqueue_dma source(%dma_start3A_95 : memref<40x128xi32, #tpu.memory_space<hbm>>) target(%arg7 : memref<40x128xi32, #tpu.memory_space<vmem>>) target_semaphore(%run_scoped3A_87 : memref<!tpu.dma_semaphore, #tpu.memory_space<semaphore_mem>>)
      %dma_wait3A_96 = arith.constant 0 : i32
      %dma_wait3A_97 = arith.constant 0 : i32
      %dma_wait3A_98 = tpu.memref_slice %arg4[%run_scoped3A_2, %add3A, %dma_wait3A_96, %dma_wait3A_97] : memref<2x32x40x128xi32, #tpu.memory_space<hbm>> -> memref<1x1x40x128xi32, #tpu.memory_space<hbm>>
      %dma_wait3A_99 = tpu.memref_squeeze %dma_wait3A_98 : memref<1x1x40x128xi32, #tpu.memory_space<hbm>> -> memref<40x128xi32, #tpu.memory_space<hbm>>
      %dma_wait3A_100 = arith.constant 0 : i32
      %dma_wait3A_101 = arith.constant 0 : i32
      %dma_wait3A_102 = tpu.memref_slice %arg4[%run_scoped3A_2, %add3A, %dma_wait3A_100, %dma_wait3A_101] : memref<2x32x40x128xi32, #tpu.memory_space<hbm>> -> memref<1x1x40x128xi32, #tpu.memory_space<hbm>>
      %dma_wait3A_103 = tpu.memref_squeeze %dma_wait3A_102 : memref<1x1x40x128xi32, #tpu.memory_space<hbm>> -> memref<40x128xi32, #tpu.memory_space<hbm>>
      tpu.wait_dma2 semaphore(%run_scoped3A_87 : memref<!tpu.dma_semaphore, #tpu.memory_space<semaphore_mem>>) src(%dma_wait3A_103 : memref<40x128xi32, #tpu.memory_space<hbm>>) dst(%arg7 : memref<40x128xi32, #tpu.memory_space<vmem>>)
      tpu.yield
    }) : () -> ()
    %mul3A_3 = arith.constant 320 : i32
    %mul3A_4 = arith.muli %add3A, %mul3A_3 : i32
    %dma_start3A = arith.constant 0 : i32
    %dma_start3A_5 = arith.constant 0 : i32
    %dma_start3A_6 = arith.constant 0 : i32
    %dma_start3A_7 = arith.constant 0 : i32
    %dma_start3A_8 = tpu.memref_slice %arg8[%dma_start3A_5, %dma_start3A_6, %dma_start3A_7] : memref<2x128x64xi32, #tpu.memory_space<vmem>> -> memref<1x128x64xi32, #tpu.memory_space<vmem>>
    %dma_start3A_9 = tpu.memref_squeeze %dma_start3A_8 : memref<1x128x64xi32, #tpu.memory_space<vmem>> -> memref<128x64xi32, #tpu.memory_space<vmem>>
    %dma_start3A_10 = arith.constant 0 : i32
    %dma_start3A_11 = tpu.memref_slice %arg6[%dma_start3A, %dma_start3A_10] : memref<40x128xi32, #tpu.memory_space<vmem>> -> memref<1x128xi32, #tpu.memory_space<vmem>>
    %dma_start3A_12 = tpu.memref_squeeze %dma_start3A_11 : memref<1x128xi32, #tpu.memory_space<vmem>> -> memref<128xi32, #tpu.memory_space<vmem>>
    %dma_start3A_13 = arith.constant 0 : i32
    %dma_start3A_14 = arith.constant 0 : i32
    %dma_start3A_15 = tpu.memref_slice %arg2[%dma_start3A_13, %dma_start3A_14] : memref<10000x64xi32, #tpu.memory_space<hbm>> -> memref<10000x64xi32, #tpu.memory_space<hbm>>
    tpu.enqueue_indirect_dma source(%dma_start3A_15 : memref<10000x64xi32, #tpu.memory_space<hbm>>) target(%dma_start3A_9 : memref<128x64xi32, #tpu.memory_space<vmem>>) offsets(%dma_start3A_12 : memref<128xi32, #tpu.memory_space<vmem>>) semaphore(%arg11 : memref<!tpu.dma_semaphore, #tpu.memory_space<semaphore_mem>>)
    %dma_start3A_16 = arith.constant 0 : i32
    %dma_start3A_17 = arith.constant 0 : i32
    %dma_start3A_18 = arith.constant 0 : i32
    %dma_start3A_19 = arith.constant 0 : i32
    %dma_start3A_20 = tpu.memref_slice %arg9[%dma_start3A_17, %dma_start3A_18, %dma_start3A_19] : memref<2x128x32xi32, #tpu.memory_space<vmem>> -> memref<1x128x32xi32, #tpu.memory_space<vmem>>
    %dma_start3A_21 = tpu.memref_squeeze %dma_start3A_20 : memref<1x128x32xi32, #tpu.memory_space<vmem>> -> memref<128x32xi32, #tpu.memory_space<vmem>>
    %dma_start3A_22 = arith.constant 0 : i32
    %dma_start3A_23 = tpu.memref_slice %arg7[%dma_start3A_16, %dma_start3A_22] : memref<40x128xi32, #tpu.memory_space<vmem>> -> memref<1x128xi32, #tpu.memory_space<vmem>>
    %dma_start3A_24 = tpu.memref_squeeze %dma_start3A_23 : memref<1x128xi32, #tpu.memory_space<vmem>> -> memref<128xi32, #tpu.memory_space<vmem>>
    %dma_start3A_25 = arith.constant 0 : i32
    %dma_start3A_26 = arith.constant 0 : i32
    %dma_start3A_27 = tpu.memref_slice %arg3[%dma_start3A_25, %dma_start3A_26] : memref<10000x32xi32, #tpu.memory_space<hbm>> -> memref<10000x32xi32, #tpu.memory_space<hbm>>
    tpu.enqueue_indirect_dma source(%dma_start3A_27 : memref<10000x32xi32, #tpu.memory_space<hbm>>) target(%dma_start3A_21 : memref<128x32xi32, #tpu.memory_space<vmem>>) offsets(%dma_start3A_24 : memref<128xi32, #tpu.memory_space<vmem>>) semaphore(%arg13 : memref<!tpu.dma_semaphore, #tpu.memory_space<semaphore_mem>>)
    %dma_start3A_28 = arith.constant 1 : i32
    %dma_start3A_29 = arith.constant 1 : i32
    %dma_start3A_30 = arith.constant 0 : i32
    %dma_start3A_31 = arith.constant 0 : i32
    %dma_start3A_32 = tpu.memref_slice %arg8[%dma_start3A_29, %dma_start3A_30, %dma_start3A_31] : memref<2x128x64xi32, #tpu.memory_space<vmem>> -> memref<1x128x64xi32, #tpu.memory_space<vmem>>
    %dma_start3A_33 = tpu.memref_squeeze %dma_start3A_32 : memref<1x128x64xi32, #tpu.memory_space<vmem>> -> memref<128x64xi32, #tpu.memory_space<vmem>>
    %dma_start3A_34 = arith.constant 0 : i32
    %dma_start3A_35 = tpu.memref_slice %arg6[%dma_start3A_28, %dma_start3A_34] : memref<40x128xi32, #tpu.memory_space<vmem>> -> memref<1x128xi32, #tpu.memory_space<vmem>>
    %dma_start3A_36 = tpu.memref_squeeze %dma_start3A_35 : memref<1x128xi32, #tpu.memory_space<vmem>> -> memref<128xi32, #tpu.memory_space<vmem>>
    %dma_start3A_37 = arith.constant 0 : i32
    %dma_start3A_38 = arith.constant 0 : i32
    %dma_start3A_39 = tpu.memref_slice %arg2[%dma_start3A_37, %dma_start3A_38] : memref<10000x64xi32, #tpu.memory_space<hbm>> -> memref<10000x64xi32, #tpu.memory_space<hbm>>
    tpu.enqueue_indirect_dma source(%dma_start3A_39 : memref<10000x64xi32, #tpu.memory_space<hbm>>) target(%dma_start3A_33 : memref<128x64xi32, #tpu.memory_space<vmem>>) offsets(%dma_start3A_36 : memref<128xi32, #tpu.memory_space<vmem>>) semaphore(%arg12 : memref<!tpu.dma_semaphore, #tpu.memory_space<semaphore_mem>>)
    %dma_start3A_40 = arith.constant 1 : i32
    %dma_start3A_41 = arith.constant 1 : i32
    %dma_start3A_42 = arith.constant 0 : i32
    %dma_start3A_43 = arith.constant 0 : i32
    %dma_start3A_44 = tpu.memref_slice %arg9[%dma_start3A_41, %dma_start3A_42, %dma_start3A_43] : memref<2x128x32xi32, #tpu.memory_space<vmem>> -> memref<1x128x32xi32, #tpu.memory_space<vmem>>
    %dma_start3A_45 = tpu.memref_squeeze %dma_start3A_44 : memref<1x128x32xi32, #tpu.memory_space<vmem>> -> memref<128x32xi32, #tpu.memory_space<vmem>>
    %dma_start3A_46 = arith.constant 0 : i32
    %dma_start3A_47 = tpu.memref_slice %arg7[%dma_start3A_40, %dma_start3A_46] : memref<40x128xi32, #tpu.memory_space<vmem>> -> memref<1x128xi32, #tpu.memory_space<vmem>>
    %dma_start3A_48 = tpu.memref_squeeze %dma_start3A_47 : memref<1x128xi32, #tpu.memory_space<vmem>> -> memref<128xi32, #tpu.memory_space<vmem>>
    %dma_start3A_49 = arith.constant 0 : i32
    %dma_start3A_50 = arith.constant 0 : i32
    %dma_start3A_51 = tpu.memref_slice %arg3[%dma_start3A_49, %dma_start3A_50] : memref<10000x32xi32, #tpu.memory_space<hbm>> -> memref<10000x32xi32, #tpu.memory_space<hbm>>
    tpu.enqueue_indirect_dma source(%dma_start3A_51 : memref<10000x32xi32, #tpu.memory_space<hbm>>) target(%dma_start3A_45 : memref<128x32xi32, #tpu.memory_space<vmem>>) offsets(%dma_start3A_48 : memref<128xi32, #tpu.memory_space<vmem>>) semaphore(%arg14 : memref<!tpu.dma_semaphore, #tpu.memory_space<semaphore_mem>>)
    %scan3A = arith.constant 0 : i32
    %scan3A_52 = arith.constant 0 : i32
    %scan3A_53 = arith.constant 20 : i32
    %scan3A_54 = arith.addi %scan3A_52, %scan3A_53 : i32
    %scan3A_55 = arith.constant 1 : i32
    %scan3A_56 = scf.for %scan3A_87 = %scan3A_52 to %scan3A_54 step %scan3A_55 iter_args(%scan3A_88 = %scan3A) -> (i32)  : i32 {
      %mul3A_89 = arith.constant 2 : i32
      %mul3A_90 = arith.muli %scan3A_87, %mul3A_89 : i32
      %add3A_91 = arith.constant 0 : i32
      %add3A_92 = arith.addi %mul3A_90, %add3A_91 : i32
      %dma_wait3A_93 = arith.constant 0 : i32
      %dma_wait3A_94 = arith.constant 0 : i32
      %dma_wait3A_95 = arith.constant 0 : i32
      %dma_wait3A_96 = tpu.memref_slice %arg8[%dma_wait3A_93, %dma_wait3A_94, %dma_wait3A_95] : memref<2x128x64xi32, #tpu.memory_space<vmem>> -> memref<1x128x64xi32, #tpu.memory_space<vmem>>
      %dma_wait3A_97 = tpu.memref_squeeze %dma_wait3A_96 : memref<1x128x64xi32, #tpu.memory_space<vmem>> -> memref<128x64xi32, #tpu.memory_space<vmem>>
      %dma_wait3A_98 = arith.constant 0 : i32
      %dma_wait3A_99 = tpu.memref_slice %arg6[%add3A_92, %dma_wait3A_98] : memref<40x128xi32, #tpu.memory_space<vmem>> -> memref<1x128xi32, #tpu.memory_space<vmem>>
      %dma_wait3A_100 = tpu.memref_squeeze %dma_wait3A_99 : memref<1x128xi32, #tpu.memory_space<vmem>> -> memref<128xi32, #tpu.memory_space<vmem>>
      %dma_wait3A_101 = arith.constant 0 : i32
      %dma_wait3A_102 = arith.constant 0 : i32
      %dma_wait3A_103 = tpu.memref_slice %arg2[%dma_wait3A_101, %dma_wait3A_102] : memref<10000x64xi32, #tpu.memory_space<hbm>> -> memref<10000x64xi32, #tpu.memory_space<hbm>>
      tpu.wait_indirect_dma semaphore(%arg11 : memref<!tpu.dma_semaphore, #tpu.memory_space<semaphore_mem>>) src(%dma_wait3A_103 : memref<10000x64xi32, #tpu.memory_space<hbm>>) dst(%dma_wait3A_97 : memref<128x64xi32, #tpu.memory_space<vmem>>)
      %dma_wait3A_104 = arith.constant 0 : i32
      %dma_wait3A_105 = arith.constant 0 : i32
      %dma_wait3A_106 = arith.constant 0 : i32
      %dma_wait3A_107 = tpu.memref_slice %arg9[%dma_wait3A_104, %dma_wait3A_105, %dma_wait3A_106] : memref<2x128x32xi32, #tpu.memory_space<vmem>> -> memref<1x128x32xi32, #tpu.memory_space<vmem>>
      %dma_wait3A_108 = tpu.memref_squeeze %dma_wait3A_107 : memref<1x128x32xi32, #tpu.memory_space<vmem>> -> memref<128x32xi32, #tpu.memory_space<vmem>>
      %dma_wait3A_109 = arith.constant 0 : i32
      %dma_wait3A_110 = tpu.memref_slice %arg7[%add3A_92, %dma_wait3A_109] : memref<40x128xi32, #tpu.memory_space<vmem>> -> memref<1x128xi32, #tpu.memory_space<vmem>>
      %dma_wait3A_111 = tpu.memref_squeeze %dma_wait3A_110 : memref<1x128xi32, #tpu.memory_space<vmem>> -> memref<128xi32, #tpu.memory_space<vmem>>
      %dma_wait3A_112 = arith.constant 0 : i32
      %dma_wait3A_113 = arith.constant 0 : i32
      %dma_wait3A_114 = tpu.memref_slice %arg3[%dma_wait3A_112, %dma_wait3A_113] : memref<10000x32xi32, #tpu.memory_space<hbm>> -> memref<10000x32xi32, #tpu.memory_space<hbm>>
      tpu.wait_indirect_dma semaphore(%arg13 : memref<!tpu.dma_semaphore, #tpu.memory_space<semaphore_mem>>) src(%dma_wait3A_114 : memref<10000x32xi32, #tpu.memory_space<hbm>>) dst(%dma_wait3A_108 : memref<128x32xi32, #tpu.memory_space<vmem>>)
      %gt3A = arith.constant 0 : i32
      %gt3A_115 = arith.cmpi sgt, %scan3A_87, %gt3A : i32
      %convert_element_type3A = arith.extui %gt3A_115 : i1 to i32
      %cond3A = arith.constant 0 : i32
      %cond3A_116 = arith.cmpi ne, %convert_element_type3A, %cond3A : i32
      scf.if %cond3A_116 {
        %sub3A_208 = arith.constant 2 : i32
        %sub3A_209 = arith.subi %add3A_92, %sub3A_208 : i32
        %mul3A_210 = arith.constant 8 : i32
        %mul3A_211 = arith.muli %sub3A_209, %mul3A_210 : i32
        %add3A_212 = arith.addi %mul3A_4, %mul3A_211 : i32
        %dma_wait3A_213 = arith.constant 0 : i32
        %dma_wait3A_214 = arith.constant 0 : i32
        %dma_wait3A_215 = arith.constant 0 : i32
        %dma_wait3A_216 = tpu.memref_slice %arg10[%dma_wait3A_213, %dma_wait3A_214, %dma_wait3A_215] : memref<2x8x128xf32, #tpu.memory_space<vmem>> -> memref<1x8x128xf32, #tpu.memory_space<vmem>>
        %dma_wait3A_217 = tpu.memref_squeeze %dma_wait3A_216 : memref<1x8x128xf32, #tpu.memory_space<vmem>> -> memref<8x128xf32, #tpu.memory_space<vmem>>
        %dma_wait3A_218 = arith.constant 0 : i32
        %dma_wait3A_219 = tpu.memref_slice %arg5[%add3A_212, %dma_wait3A_218] : memref<10240x128xf32, #tpu.memory_space<hbm>> -> memref<8x128xf32, #tpu.memory_space<hbm>>
        %dma_wait3A_220 = arith.constant 0 : i32
        %dma_wait3A_221 = tpu.memref_slice %arg5[%add3A_212, %dma_wait3A_220] : memref<10240x128xf32, #tpu.memory_space<hbm>> -> memref<8x128xf32, #tpu.memory_space<hbm>>
        %dma_wait3A_222 = arith.constant 0 : i32
        %dma_wait3A_223 = arith.constant 0 : i32
        %dma_wait3A_224 = tpu.memref_slice %arg10[%dma_wait3A_213, %dma_wait3A_222, %dma_wait3A_223] : memref<2x8x128xf32, #tpu.memory_space<vmem>> -> memref<1x8x128xf32, #tpu.memory_space<vmem>>
        %dma_wait3A_225 = tpu.memref_squeeze %dma_wait3A_224 : memref<1x8x128xf32, #tpu.memory_space<vmem>> -> memref<8x128xf32, #tpu.memory_space<vmem>>
        tpu.wait_dma2 semaphore(%arg15 : memref<!tpu.dma_semaphore, #tpu.memory_space<semaphore_mem>>) src(%dma_wait3A_225 : memref<8x128xf32, #tpu.memory_space<vmem>>) dst(%dma_wait3A_221 : memref<8x128xf32, #tpu.memory_space<hbm>>)
      } else {
      }
      %scan3A_117 = arith.constant 0 : i32
      %scan3A_118 = arith.constant 0 : i32
      %scan3A_119 = arith.constant 8 : i32
      %scan3A_120 = arith.addi %scan3A_118, %scan3A_119 : i32
      %scan3A_121 = arith.constant 1 : i32
      %scan3A_122 = scf.for %scan3A_208 = %scan3A_118 to %scan3A_120 step %scan3A_121 iter_args(%scan3A_209 = %scan3A_117) -> (i32)  : i32 {
        %broadcast_in_dim3A = arith.constant 0.000000e+00 : f32
        %broadcast_in_dim3A_210 = vector.broadcast %broadcast_in_dim3A : f32 to vector<16xf32>
        %broadcast_in_dim3A_211 = arith.constant 0.000000e+00 : f32
        %broadcast_in_dim3A_212 = vector.broadcast %broadcast_in_dim3A_211 : f32 to vector<16xf32>
        %broadcast_in_dim3A_213 = arith.constant 0.000000e+00 : f32
        %broadcast_in_dim3A_214 = vector.broadcast %broadcast_in_dim3A_213 : f32 to vector<16xf32>
        %broadcast_in_dim3A_215 = arith.constant 0.000000e+00 : f32
        %broadcast_in_dim3A_216 = vector.broadcast %broadcast_in_dim3A_215 : f32 to vector<16xf32>
        %broadcast_in_dim3A_217 = arith.constant 0.000000e+00 : f32
        %broadcast_in_dim3A_218 = vector.broadcast %broadcast_in_dim3A_217 : f32 to vector<16xf32>
        %broadcast_in_dim3A_219 = arith.constant 0.000000e+00 : f32
        %broadcast_in_dim3A_220 = vector.broadcast %broadcast_in_dim3A_219 : f32 to vector<16xf32>
        %broadcast_in_dim3A_221 = arith.constant 0.000000e+00 : f32
        %broadcast_in_dim3A_222 = vector.broadcast %broadcast_in_dim3A_221 : f32 to vector<16xf32>
        %broadcast_in_dim3A_223 = arith.constant 0.000000e+00 : f32
        %broadcast_in_dim3A_224 = vector.broadcast %broadcast_in_dim3A_223 : f32 to vector<16xf32>
        %mul3A_225 = arith.constant 16 : i32
        %mul3A_226 = arith.muli %scan3A_208, %mul3A_225 : i32
        %add3A_227 = arith.constant 0 : i32
        %add3A_228 = arith.addi %mul3A_226, %add3A_227 : i32
        %get3A = arith.constant 0 : i32
        %get3A_229 = arith.index_cast %get3A : i32 to index
        %get3A_230 = arith.index_cast %add3A_228 : i32 to index
        %get3A_231 = arith.constant 0 : index
        %get3A_232 = tpu.vector_load %arg8[%get3A_229, %get3A_230, %get3A_231] {strides = array<i32>} : memref<2x128x64xi32, #tpu.memory_space<vmem>>, vector<16xi32>,
        %bitcast3A = vector.bitcast %get3A_232 : vector<16xi32> to vector<32xbf16>
        %unpack3A = tpu.unpack_subelements %bitcast3A, 0 {pack_format = #tpu.pack_format<interleaved>} : vector<32xbf16> -> vector<16xf32>
        %unpack3A_233 = tpu.unpack_subelements %bitcast3A, 1 {pack_format = #tpu.pack_format<interleaved>} : vector<32xbf16> -> vector<16xf32>
        %add3A_234 = arith.addf %broadcast_in_dim3A_210, %unpack3A : vector<16xf32>
        %add3A_235 = arith.addf %broadcast_in_dim3A_212, %unpack3A_233 : vector<16xf32>
        %get3A_236 = arith.constant 0 : i32
        %get3A_237 = arith.index_cast %get3A_236 : i32 to index
        %get3A_238 = arith.index_cast %add3A_228 : i32 to index
        %get3A_239 = arith.constant 16 : index
        %get3A_240 = tpu.vector_load %arg8[%get3A_237, %get3A_238, %get3A_239] {strides = array<i32>} : memref<2x128x64xi32, #tpu.memory_space<vmem>>, vector<16xi32>,
        %bitcast3A_241 = vector.bitcast %get3A_240 : vector<16xi32> to vector<32xbf16>
        %unpack3A_242 = tpu.unpack_subelements %bitcast3A_241, 0 {pack_format = #tpu.pack_format<interleaved>} : vector<32xbf16> -> vector<16xf32>
        %unpack3A_243 = tpu.unpack_subelements %bitcast3A_241, 1 {pack_format = #tpu.pack_format<interleaved>} : vector<32xbf16> -> vector<16xf32>
        %add3A_244 = arith.addf %broadcast_in_dim3A_214, %unpack3A_242 : vector<16xf32>
        %add3A_245 = arith.addf %broadcast_in_dim3A_216, %unpack3A_243 : vector<16xf32>
        %get3A_246 = arith.constant 0 : i32
        %get3A_247 = arith.index_cast %get3A_246 : i32 to index
        %get3A_248 = arith.index_cast %add3A_228 : i32 to index
        %get3A_249 = arith.constant 32 : index
        %get3A_250 = tpu.vector_load %arg8[%get3A_247, %get3A_248, %get3A_249] {strides = array<i32>} : memref<2x128x64xi32, #tpu.memory_space<vmem>>, vector<16xi32>,
        %bitcast3A_251 = vector.bitcast %get3A_250 : vector<16xi32> to vector<32xbf16>
        %unpack3A_252 = tpu.unpack_subelements %bitcast3A_251, 0 {pack_format = #tpu.pack_format<interleaved>} : vector<32xbf16> -> vector<16xf32>
        %unpack3A_253 = tpu.unpack_subelements %bitcast3A_251, 1 {pack_format = #tpu.pack_format<interleaved>} : vector<32xbf16> -> vector<16xf32>
        %get3A_254 = arith.constant 0 : i32
        %get3A_255 = arith.index_cast %get3A_254 : i32 to index
        %get3A_256 = arith.index_cast %add3A_228 : i32 to index
        %get3A_257 = arith.constant 0 : index
        %get3A_258 = tpu.vector_load %arg9[%get3A_255, %get3A_256, %get3A_257] {strides = array<i32>} : memref<2x128x32xi32, #tpu.memory_space<vmem>>, vector<16xi32>,
        %bitcast3A_259 = vector.bitcast %get3A_258 : vector<16xi32> to vector<32xbf16>
        %unpack3A_260 = tpu.unpack_subelements %bitcast3A_259, 0 {pack_format = #tpu.pack_format<interleaved>} : vector<32xbf16> -> vector<16xf32>
        %unpack3A_261 = tpu.unpack_subelements %bitcast3A_259, 1 {pack_format = #tpu.pack_format<interleaved>} : vector<32xbf16> -> vector<16xf32>
        %sub3A_262 = arith.subf %unpack3A_260, %unpack3A_252 : vector<16xf32>
        %max3A = arith.constant 0.000000e+00 : f32
        %max3A_263 = vector.broadcast %max3A : f32 to vector<16xf32>
        %max3A_264 = arith.maximumf %sub3A_262, %max3A_263 : vector<16xf32>
        %add3A_265 = arith.addf %broadcast_in_dim3A_218, %max3A_264 : vector<16xf32>
        %sub3A_266 = arith.subf %unpack3A_261, %unpack3A_253 : vector<16xf32>
        %max3A_267 = arith.constant 0.000000e+00 : f32
        %max3A_268 = vector.broadcast %max3A_267 : f32 to vector<16xf32>
        %max3A_269 = arith.maximumf %sub3A_266, %max3A_268 : vector<16xf32>
        %add3A_270 = arith.addf %broadcast_in_dim3A_220, %max3A_269 : vector<16xf32>
        %get3A_271 = arith.constant 0 : i32
        %get3A_272 = arith.index_cast %get3A_271 : i32 to index
        %get3A_273 = arith.index_cast %add3A_228 : i32 to index
        %get3A_274 = arith.constant 48 : index
        %get3A_275 = tpu.vector_load %arg8[%get3A_272, %get3A_273, %get3A_274] {strides = array<i32>} : memref<2x128x64xi32, #tpu.memory_space<vmem>>, vector<16xi32>,
        %bitcast3A_276 = vector.bitcast %get3A_275 : vector<16xi32> to vector<32xbf16>
        %unpack3A_277 = tpu.unpack_subelements %bitcast3A_276, 0 {pack_format = #tpu.pack_format<interleaved>} : vector<32xbf16> -> vector<16xf32>
        %unpack3A_278 = tpu.unpack_subelements %bitcast3A_276, 1 {pack_format = #tpu.pack_format<interleaved>} : vector<32xbf16> -> vector<16xf32>
        %get3A_279 = arith.constant 0 : i32
        %get3A_280 = arith.index_cast %get3A_279 : i32 to index
        %get3A_281 = arith.index_cast %add3A_228 : i32 to index
        %get3A_282 = arith.constant 16 : index
        %get3A_283 = tpu.vector_load %arg9[%get3A_280, %get3A_281, %get3A_282] {strides = array<i32>} : memref<2x128x32xi32, #tpu.memory_space<vmem>>, vector<16xi32>,
        %bitcast3A_284 = vector.bitcast %get3A_283 : vector<16xi32> to vector<32xbf16>
        %unpack3A_285 = tpu.unpack_subelements %bitcast3A_284, 0 {pack_format = #tpu.pack_format<interleaved>} : vector<32xbf16> -> vector<16xf32>
        %unpack3A_286 = tpu.unpack_subelements %bitcast3A_284, 1 {pack_format = #tpu.pack_format<interleaved>} : vector<32xbf16> -> vector<16xf32>
        %sub3A_287 = arith.subf %unpack3A_285, %unpack3A_277 : vector<16xf32>
        %max3A_288 = arith.constant 0.000000e+00 : f32
        %max3A_289 = vector.broadcast %max3A_288 : f32 to vector<16xf32>
        %max3A_290 = arith.maximumf %sub3A_287, %max3A_289 : vector<16xf32>
        %add3A_291 = arith.addf %broadcast_in_dim3A_222, %max3A_290 : vector<16xf32>
        %sub3A_292 = arith.subf %unpack3A_286, %unpack3A_278 : vector<16xf32>
        %max3A_293 = arith.constant 0.000000e+00 : f32
        %max3A_294 = vector.broadcast %max3A_293 : f32 to vector<16xf32>
        %max3A_295 = arith.maximumf %sub3A_292, %max3A_294 : vector<16xf32>
        %add3A_296 = arith.addf %broadcast_in_dim3A_224, %max3A_295 : vector<16xf32>
        %add3A_297 = arith.constant 1 : i32
        %add3A_298 = arith.addi %mul3A_226, %add3A_297 : i32
        %get3A_299 = arith.constant 0 : i32
        %get3A_300 = arith.index_cast %get3A_299 : i32 to index
        %get3A_301 = arith.index_cast %add3A_298 : i32 to index
        %get3A_302 = arith.constant 0 : index
        %get3A_303 = tpu.vector_load %arg8[%get3A_300, %get3A_301, %get3A_302] {strides = array<i32>} : memref<2x128x64xi32, #tpu.memory_space<vmem>>, vector<16xi32>,
        %bitcast3A_304 = vector.bitcast %get3A_303 : vector<16xi32> to vector<32xbf16>
        %unpack3A_305 = tpu.unpack_subelements %bitcast3A_304, 0 {pack_format = #tpu.pack_format<interleaved>} : vector<32xbf16> -> vector<16xf32>
        %unpack3A_306 = tpu.unpack_subelements %bitcast3A_304, 1 {pack_format = #tpu.pack_format<interleaved>} : vector<32xbf16> -> vector<16xf32>
        %add3A_307 = arith.addf %add3A_234, %unpack3A_305 : vector<16xf32>
        %add3A_308 = arith.addf %add3A_235, %unpack3A_306 : vector<16xf32>
        %get3A_309 = arith.constant 0 : i32
        %get3A_310 = arith.index_cast %get3A_309 : i32 to index
        %get3A_311 = arith.index_cast %add3A_298 : i32 to index
        %get3A_312 = arith.constant 16 : index
        %get3A_313 = tpu.vector_load %arg8[%get3A_310, %get3A_311, %get3A_312] {strides = array<i32>} : memref<2x128x64xi32, #tpu.memory_space<vmem>>, vector<16xi32>,
        %bitcast3A_314 = vector.bitcast %get3A_313 : vector<16xi32> to vector<32xbf16>
        %unpack3A_315 = tpu.unpack_subelements %bitcast3A_314, 0 {pack_format = #tpu.pack_format<interleaved>} : vector<32xbf16> -> vector<16xf32>
        %unpack3A_316 = tpu.unpack_subelements %bitcast3A_314, 1 {pack_format = #tpu.pack_format<interleaved>} : vector<32xbf16> -> vector<16xf32>
        %add3A_317 = arith.addf %add3A_244, %unpack3A_315 : vector<16xf32>
        %add3A_318 = arith.addf %add3A_245, %unpack3A_316 : vector<16xf32>
        %get3A_319 = arith.constant 0 : i32
        %get3A_320 = arith.index_cast %get3A_319 : i32 to index
        %get3A_321 = arith.index_cast %add3A_298 : i32 to index
        %get3A_322 = arith.constant 32 : index
        %get3A_323 = tpu.vector_load %arg8[%get3A_320, %get3A_321, %get3A_322] {strides = array<i32>} : memref<2x128x64xi32, #tpu.memory_space<vmem>>, vector<16xi32>,
        %bitcast3A_324 = vector.bitcast %get3A_323 : vector<16xi32> to vector<32xbf16>
        %unpack3A_325 = tpu.unpack_subelements %bitcast3A_324, 0 {pack_format = #tpu.pack_format<interleaved>} : vector<32xbf16> -> vector<16xf32>
        %unpack3A_326 = tpu.unpack_subelements %bitcast3A_324, 1 {pack_format = #tpu.pack_format<interleaved>} : vector<32xbf16> -> vector<16xf32>
        %get3A_327 = arith.constant 0 : i32
        %get3A_328 = arith.index_cast %get3A_327 : i32 to index
        %get3A_329 = arith.index_cast %add3A_298 : i32 to index
        %get3A_330 = arith.constant 0 : index
        %get3A_331 = tpu.vector_load %arg9[%get3A_328, %get3A_329, %get3A_330] {strides = array<i32>} : memref<2x128x32xi32, #tpu.memory_space<vmem>>, vector<16xi32>,
        %bitcast3A_332 = vector.bitcast %get3A_331 : vector<16xi32> to vector<32xbf16>
        %unpack3A_333 = tpu.unpack_subelements %bitcast3A_332, 0 {pack_format = #tpu.pack_format<interleaved>} : vector<32xbf16> -> vector<16xf32>
        %unpack3A_334 = tpu.unpack_subelements %bitcast3A_332, 1 {pack_format = #tpu.pack_format<interleaved>} : vector<32xbf16> -> vector<16xf32>
        %sub3A_335 = arith.subf %unpack3A_333, %unpack3A_325 : vector<16xf32>
        %max3A_336 = arith.constant 0.000000e+00 : f32
        %max3A_337 = vector.broadcast %max3A_336 : f32 to vector<16xf32>
        %max3A_338 = arith.maximumf %sub3A_335, %max3A_337 : vector<16xf32>
        %add3A_339 = arith.addf %add3A_265, %max3A_338 : vector<16xf32>
        %sub3A_340 = arith.subf %unpack3A_334, %unpack3A_326 : vector<16xf32>
        %max3A_341 = arith.constant 0.000000e+00 : f32
        %max3A_342 = vector.broadcast %max3A_341 : f32 to vector<16xf32>
        %max3A_343 = arith.maximumf %sub3A_340, %max3A_342 : vector<16xf32>
        %add3A_344 = arith.addf %add3A_270, %max3A_343 : vector<16xf32>
        %get3A_345 = arith.constant 0 : i32
        %get3A_346 = arith.index_cast %get3A_345 : i32 to index
        %get3A_347 = arith.index_cast %add3A_298 : i32 to index
        %get3A_348 = arith.constant 48 : index
        %get3A_349 = tpu.vector_load %arg8[%get3A_346, %get3A_347, %get3A_348] {strides = array<i32>} : memref<2x128x64xi32, #tpu.memory_space<vmem>>, vector<16xi32>,
        %bitcast3A_350 = vector.bitcast %get3A_349 : vector<16xi32> to vector<32xbf16>
        %unpack3A_351 = tpu.unpack_subelements %bitcast3A_350, 0 {pack_format = #tpu.pack_format<interleaved>} : vector<32xbf16> -> vector<16xf32>
        %unpack3A_352 = tpu.unpack_subelements %bitcast3A_350, 1 {pack_format = #tpu.pack_format<interleaved>} : vector<32xbf16> -> vector<16xf32>
        %get3A_353 = arith.constant 0 : i32
        %get3A_354 = arith.index_cast %get3A_353 : i32 to index
        %get3A_355 = arith.index_cast %add3A_298 : i32 to index
        %get3A_356 = arith.constant 16 : index
        %get3A_357 = tpu.vector_load %arg9[%get3A_354, %get3A_355, %get3A_356] {strides = array<i32>} : memref<2x128x32xi32, #tpu.memory_space<vmem>>, vector<16xi32>,
        %bitcast3A_358 = vector.bitcast %get3A_357 : vector<16xi32> to vector<32xbf16>
        %unpack3A_359 = tpu.unpack_subelements %bitcast3A_358, 0 {pack_format = #tpu.pack_format<interleaved>} : vector<32xbf16> -> vector<16xf32>
        %unpack3A_360 = tpu.unpack_subelements %bitcast3A_358, 1 {pack_format = #tpu.pack_format<interleaved>} : vector<32xbf16> -> vector<16xf32>
        %sub3A_361 = arith.subf %unpack3A_359, %unpack3A_351 : vector<16xf32>
        %max3A_362 = arith.constant 0.000000e+00 : f32
        %max3A_363 = vector.broadcast %max3A_362 : f32 to vector<16xf32>
        %max3A_364 = arith.maximumf %sub3A_361, %max3A_363 : vector<16xf32>
        %add3A_365 = arith.addf %add3A_291, %max3A_364 : vector<16xf32>
        %sub3A_366 = arith.subf %unpack3A_360, %unpack3A_352 : vector<16xf32>
        %max3A_367 = arith.constant 0.000000e+00 : f32
        %max3A_368 = vector.broadcast %max3A_367 : f32 to vector<16xf32>
        %max3A_369 = arith.maximumf %sub3A_366, %max3A_368 : vector<16xf32>
        %add3A_370 = arith.addf %add3A_296, %max3A_369 : vector<16xf32>
        %add3A_371 = arith.constant 2 : i32
        %add3A_372 = arith.addi %mul3A_226, %add3A_371 : i32
        %get3A_373 = arith.constant 0 : i32
        %get3A_374 = arith.index_cast %get3A_373 : i32 to index
        %get3A_375 = arith.index_cast %add3A_372 : i32 to index
        %get3A_376 = arith.constant 0 : index
        %get3A_377 = tpu.vector_load %arg8[%get3A_374, %get3A_375, %get3A_376] {strides = array<i32>} : memref<2x128x64xi32, #tpu.memory_space<vmem>>, vector<16xi32>,
        %bitcast3A_378 = vector.bitcast %get3A_377 : vector<16xi32> to vector<32xbf16>
        %unpack3A_379 = tpu.unpack_subelements %bitcast3A_378, 0 {pack_format = #tpu.pack_format<interleaved>} : vector<32xbf16> -> vector<16xf32>
        %unpack3A_380 = tpu.unpack_subelements %bitcast3A_378, 1 {pack_format = #tpu.pack_format<interleaved>} : vector<32xbf16> -> vector<16xf32>
        %add3A_381 = arith.addf %add3A_307, %unpack3A_379 : vector<16xf32>
        %add3A_382 = arith.addf %add3A_308, %unpack3A_380 : vector<16xf32>
        %get3A_383 = arith.constant 0 : i32
        %get3A_384 = arith.index_cast %get3A_383 : i32 to index
        %get3A_385 = arith.index_cast %add3A_372 : i32 to index
        %get3A_386 = arith.constant 16 : index
        %get3A_387 = tpu.vector_load %arg8[%get3A_384, %get3A_385, %get3A_386] {strides = array<i32>} : memref<2x128x64xi32, #tpu.memory_space<vmem>>, vector<16xi32>,
        %bitcast3A_388 = vector.bitcast %get3A_387 : vector<16xi32> to vector<32xbf16>
        %unpack3A_389 = tpu.unpack_subelements %bitcast3A_388, 0 {pack_format = #tpu.pack_format<interleaved>} : vector<32xbf16> -> vector<16xf32>
        %unpack3A_390 = tpu.unpack_subelements %bitcast3A_388, 1 {pack_format = #tpu.pack_format<interleaved>} : vector<32xbf16> -> vector<16xf32>
        %add3A_391 = arith.addf %add3A_317, %unpack3A_389 : vector<16xf32>
        %add3A_392 = arith.addf %add3A_318, %unpack3A_390 : vector<16xf32>
        %get3A_393 = arith.constant 0 : i32
        %get3A_394 = arith.index_cast %get3A_393 : i32 to index
        %get3A_395 = arith.index_cast %add3A_372 : i32 to index
        %get3A_396 = arith.constant 32 : index
        %get3A_397 = tpu.vector_load %arg8[%get3A_394, %get3A_395, %get3A_396] {strides = array<i32>} : memref<2x128x64xi32, #tpu.memory_space<vmem>>, vector<16xi32>,
        %bitcast3A_398 = vector.bitcast %get3A_397 : vector<16xi32> to vector<32xbf16>
        %unpack3A_399 = tpu.unpack_subelements %bitcast3A_398, 0 {pack_format = #tpu.pack_format<interleaved>} : vector<32xbf16> -> vector<16xf32>
        %unpack3A_400 = tpu.unpack_subelements %bitcast3A_398, 1 {pack_format = #tpu.pack_format<interleaved>} : vector<32xbf16> -> vector<16xf32>
        %get3A_401 = arith.constant 0 : i32
        %get3A_402 = arith.index_cast %get3A_401 : i32 to index
        %get3A_403 = arith.index_cast %add3A_372 : i32 to index
        %get3A_404 = arith.constant 0 : index
        %get3A_405 = tpu.vector_load %arg9[%get3A_402, %get3A_403, %get3A_404] {strides = array<i32>} : memref<2x128x32xi32, #tpu.memory_space<vmem>>, vector<16xi32>,
        %bitcast3A_406 = vector.bitcast %get3A_405 : vector<16xi32> to vector<32xbf16>
        %unpack3A_407 = tpu.unpack_subelements %bitcast3A_406, 0 {pack_format = #tpu.pack_format<interleaved>} : vector<32xbf16> -> vector<16xf32>
        %unpack3A_408 = tpu.unpack_subelements %bitcast3A_406, 1 {pack_format = #tpu.pack_format<interleaved>} : vector<32xbf16> -> vector<16xf32>
        %sub3A_409 = arith.subf %unpack3A_407, %unpack3A_399 : vector<16xf32>
        %max3A_410 = arith.constant 0.000000e+00 : f32
        %max3A_411 = vector.broadcast %max3A_410 : f32 to vector<16xf32>
        %max3A_412 = arith.maximumf %sub3A_409, %max3A_411 : vector<16xf32>
        %add3A_413 = arith.addf %add3A_339, %max3A_412 : vector<16xf32>
        %sub3A_414 = arith.subf %unpack3A_408, %unpack3A_400 : vector<16xf32>
        %max3A_415 = arith.constant 0.000000e+00 : f32
        %max3A_416 = vector.broadcast %max3A_415 : f32 to vector<16xf32>
        %max3A_417 = arith.maximumf %sub3A_414, %max3A_416 : vector<16xf32>
        %add3A_418 = arith.addf %add3A_344, %max3A_417 : vector<16xf32>
        %get3A_419 = arith.constant 0 : i32
        %get3A_420 = arith.index_cast %get3A_419 : i32 to index
        %get3A_421 = arith.index_cast %add3A_372 : i32 to index
        %get3A_422 = arith.constant 48 : index
        %get3A_423 = tpu.vector_load %arg8[%get3A_420, %get3A_421, %get3A_422] {strides = array<i32>} : memref<2x128x64xi32, #tpu.memory_space<vmem>>, vector<16xi32>,
        %bitcast3A_424 = vector.bitcast %get3A_423 : vector<16xi32> to vector<32xbf16>
        %unpack3A_425 = tpu.unpack_subelements %bitcast3A_424, 0 {pack_format = #tpu.pack_format<interleaved>} : vector<32xbf16> -> vector<16xf32>
        %unpack3A_426 = tpu.unpack_subelements %bitcast3A_424, 1 {pack_format = #tpu.pack_format<interleaved>} : vector<32xbf16> -> vector<16xf32>
        %get3A_427 = arith.constant 0 : i32
        %get3A_428 = arith.index_cast %get3A_427 : i32 to index
        %get3A_429 = arith.index_cast %add3A_372 : i32 to index
        %get3A_430 = arith.constant 16 : index
        %get3A_431 = tpu.vector_load %arg9[%get3A_428, %get3A_429, %get3A_430] {strides = array<i32>} : memref<2x128x32xi32, #tpu.memory_space<vmem>>, vector<16xi32>,
        %bitcast3A_432 = vector.bitcast %get3A_431 : vector<16xi32> to vector<32xbf16>
        %unpack3A_433 = tpu.unpack_subelements %bitcast3A_432, 0 {pack_format = #tpu.pack_format<interleaved>} : vector<32xbf16> -> vector<16xf32>
        %unpack3A_434 = tpu.unpack_subelements %bitcast3A_432, 1 {pack_format = #tpu.pack_format<interleaved>} : vector<32xbf16> -> vector<16xf32>
        %sub3A_435 = arith.subf %unpack3A_433, %unpack3A_425 : vector<16xf32>
        %max3A_436 = arith.constant 0.000000e+00 : f32
        %max3A_437 = vector.broadcast %max3A_436 : f32 to vector<16xf32>
        %max3A_438 = arith.maximumf %sub3A_435, %max3A_437 : vector<16xf32>
        %add3A_439 = arith.addf %add3A_365, %max3A_438 : vector<16xf32>
        %sub3A_440 = arith.subf %unpack3A_434, %unpack3A_426 : vector<16xf32>
        %max3A_441 = arith.constant 0.000000e+00 : f32
        %max3A_442 = vector.broadcast %max3A_441 : f32 to vector<16xf32>
        %max3A_443 = arith.maximumf %sub3A_440, %max3A_442 : vector<16xf32>
        %add3A_444 = arith.addf %add3A_370, %max3A_443 : vector<16xf32>
        %add3A_445 = arith.constant 3 : i32
        %add3A_446 = arith.addi %mul3A_226, %add3A_445 : i32
        %get3A_447 = arith.constant 0 : i32
        %get3A_448 = arith.index_cast %get3A_447 : i32 to index
        %get3A_449 = arith.index_cast %add3A_446 : i32 to index
        %get3A_450 = arith.constant 0 : index
        %get3A_451 = tpu.vector_load %arg8[%get3A_448, %get3A_449, %get3A_450] {strides = array<i32>} : memref<2x128x64xi32, #tpu.memory_space<vmem>>, vector<16xi32>,
        %bitcast3A_452 = vector.bitcast %get3A_451 : vector<16xi32> to vector<32xbf16>
        %unpack3A_453 = tpu.unpack_subelements %bitcast3A_452, 0 {pack_format = #tpu.pack_format<interleaved>} : vector<32xbf16> -> vector<16xf32>
        %unpack3A_454 = tpu.unpack_subelements %bitcast3A_452, 1 {pack_format = #tpu.pack_format<interleaved>} : vector<32xbf16> -> vector<16xf32>
        %add3A_455 = arith.addf %add3A_381, %unpack3A_453 : vector<16xf32>
        %add3A_456 = arith.addf %add3A_382, %unpack3A_454 : vector<16xf32>
        %get3A_457 = arith.constant 0 : i32
        %get3A_458 = arith.index_cast %get3A_457 : i32 to index
        %get3A_459 = arith.index_cast %add3A_446 : i32 to index
        %get3A_460 = arith.constant 16 : index
        %get3A_461 = tpu.vector_load %arg8[%get3A_458, %get3A_459, %get3A_460] {strides = array<i32>} : memref<2x128x64xi32, #tpu.memory_space<vmem>>, vector<16xi32>,
        %bitcast3A_462 = vector.bitcast %get3A_461 : vector<16xi32> to vector<32xbf16>
        %unpack3A_463 = tpu.unpack_subelements %bitcast3A_462, 0 {pack_format = #tpu.pack_format<interleaved>} : vector<32xbf16> -> vector<16xf32>
        %unpack3A_464 = tpu.unpack_subelements %bitcast3A_462, 1 {pack_format = #tpu.pack_format<interleaved>} : vector<32xbf16> -> vector<16xf32>
        %add3A_465 = arith.addf %add3A_391, %unpack3A_463 : vector<16xf32>
        %add3A_466 = arith.addf %add3A_392, %unpack3A_464 : vector<16xf32>
        %get3A_467 = arith.constant 0 : i32
        %get3A_468 = arith.index_cast %get3A_467 : i32 to index
        %get3A_469 = arith.index_cast %add3A_446 : i32 to index
        %get3A_470 = arith.constant 32 : index
        %get3A_471 = tpu.vector_load %arg8[%get3A_468, %get3A_469, %get3A_470] {strides = array<i32>} : memref<2x128x64xi32, #tpu.memory_space<vmem>>, vector<16xi32>,
        %bitcast3A_472 = vector.bitcast %get3A_471 : vector<16xi32> to vector<32xbf16>
        %unpack3A_473 = tpu.unpack_subelements %bitcast3A_472, 0 {pack_format = #tpu.pack_format<interleaved>} : vector<32xbf16> -> vector<16xf32>
        %unpack3A_474 = tpu.unpack_subelements %bitcast3A_472, 1 {pack_format = #tpu.pack_format<interleaved>} : vector<32xbf16> -> vector<16xf32>
        %get3A_475 = arith.constant 0 : i32
        %get3A_476 = arith.index_cast %get3A_475 : i32 to index
        %get3A_477 = arith.index_cast %add3A_446 : i32 to index
        %get3A_478 = arith.constant 0 : index
        %get3A_479 = tpu.vector_load %arg9[%get3A_476, %get3A_477, %get3A_478] {strides = array<i32>} : memref<2x128x32xi32, #tpu.memory_space<vmem>>, vector<16xi32>,
        %bitcast3A_480 = vector.bitcast %get3A_479 : vector<16xi32> to vector<32xbf16>
        %unpack3A_481 = tpu.unpack_subelements %bitcast3A_480, 0 {pack_format = #tpu.pack_format<interleaved>} : vector<32xbf16> -> vector<16xf32>
        %unpack3A_482 = tpu.unpack_subelements %bitcast3A_480, 1 {pack_format = #tpu.pack_format<interleaved>} : vector<32xbf16> -> vector<16xf32>
        %sub3A_483 = arith.subf %unpack3A_481, %unpack3A_473 : vector<16xf32>
        %max3A_484 = arith.constant 0.000000e+00 : f32
        %max3A_485 = vector.broadcast %max3A_484 : f32 to vector<16xf32>
        %max3A_486 = arith.maximumf %sub3A_483, %max3A_485 : vector<16xf32>
        %add3A_487 = arith.addf %add3A_413, %max3A_486 : vector<16xf32>
        %sub3A_488 = arith.subf %unpack3A_482, %unpack3A_474 : vector<16xf32>
        %max3A_489 = arith.constant 0.000000e+00 : f32
        %max3A_490 = vector.broadcast %max3A_489 : f32 to vector<16xf32>
        %max3A_491 = arith.maximumf %sub3A_488, %max3A_490 : vector<16xf32>
        %add3A_492 = arith.addf %add3A_418, %max3A_491 : vector<16xf32>
        %get3A_493 = arith.constant 0 : i32
        %get3A_494 = arith.index_cast %get3A_493 : i32 to index
        %get3A_495 = arith.index_cast %add3A_446 : i32 to index
        %get3A_496 = arith.constant 48 : index
        %get3A_497 = tpu.vector_load %arg8[%get3A_494, %get3A_495, %get3A_496] {strides = array<i32>} : memref<2x128x64xi32, #tpu.memory_space<vmem>>, vector<16xi32>,
        %bitcast3A_498 = vector.bitcast %get3A_497 : vector<16xi32> to vector<32xbf16>
        %unpack3A_499 = tpu.unpack_subelements %bitcast3A_498, 0 {pack_format = #tpu.pack_format<interleaved>} : vector<32xbf16> -> vector<16xf32>
        %unpack3A_500 = tpu.unpack_subelements %bitcast3A_498, 1 {pack_format = #tpu.pack_format<interleaved>} : vector<32xbf16> -> vector<16xf32>
        %get3A_501 = arith.constant 0 : i32
        %get3A_502 = arith.index_cast %get3A_501 : i32 to index
        %get3A_503 = arith.index_cast %add3A_446 : i32 to index
        %get3A_504 = arith.constant 16 : index
        %get3A_505 = tpu.vector_load %arg9[%get3A_502, %get3A_503, %get3A_504] {strides = array<i32>} : memref<2x128x32xi32, #tpu.memory_space<vmem>>, vector<16xi32>,
        %bitcast3A_506 = vector.bitcast %get3A_505 : vector<16xi32> to vector<32xbf16>
        %unpack3A_507 = tpu.unpack_subelements %bitcast3A_506, 0 {pack_format = #tpu.pack_format<interleaved>} : vector<32xbf16> -> vector<16xf32>
        %unpack3A_508 = tpu.unpack_subelements %bitcast3A_506, 1 {pack_format = #tpu.pack_format<interleaved>} : vector<32xbf16> -> vector<16xf32>
        %sub3A_509 = arith.subf %unpack3A_507, %unpack3A_499 : vector<16xf32>
        %max3A_510 = arith.constant 0.000000e+00 : f32
        %max3A_511 = vector.broadcast %max3A_510 : f32 to vector<16xf32>
        %max3A_512 = arith.maximumf %sub3A_509, %max3A_511 : vector<16xf32>
        %add3A_513 = arith.addf %add3A_439, %max3A_512 : vector<16xf32>
        %sub3A_514 = arith.subf %unpack3A_508, %unpack3A_500 : vector<16xf32>
        %max3A_515 = arith.constant 0.000000e+00 : f32
        %max3A_516 = vector.broadcast %max3A_515 : f32 to vector<16xf32>
        %max3A_517 = arith.maximumf %sub3A_514, %max3A_516 : vector<16xf32>
        %add3A_518 = arith.addf %add3A_444, %max3A_517 : vector<16xf32>
        %add3A_519 = arith.constant 4 : i32
        %add3A_520 = arith.addi %mul3A_226, %add3A_519 : i32
        %get3A_521 = arith.constant 0 : i32
        %get3A_522 = arith.index_cast %get3A_521 : i32 to index
        %get3A_523 = arith.index_cast %add3A_520 : i32 to index
        %get3A_524 = arith.constant 0 : index
        %get3A_525 = tpu.vector_load %arg8[%get3A_522, %get3A_523, %get3A_524] {strides = array<i32>} : memref<2x128x64xi32, #tpu.memory_space<vmem>>, vector<16xi32>,
        %bitcast3A_526 = vector.bitcast %get3A_525 : vector<16xi32> to vector<32xbf16>
        %unpack3A_527 = tpu.unpack_subelements %bitcast3A_526, 0 {pack_format = #tpu.pack_format<interleaved>} : vector<32xbf16> -> vector<16xf32>
        %unpack3A_528 = tpu.unpack_subelements %bitcast3A_526, 1 {pack_format = #tpu.pack_format<interleaved>} : vector<32xbf16> -> vector<16xf32>
        %add3A_529 = arith.addf %add3A_455, %unpack3A_527 : vector<16xf32>
        %add3A_530 = arith.addf %add3A_456, %unpack3A_528 : vector<16xf32>
        %get3A_531 = arith.constant 0 : i32
        %get3A_532 = arith.index_cast %get3A_531 : i32 to index
        %get3A_533 = arith.index_cast %add3A_520 : i32 to index
        %get3A_534 = arith.constant 16 : index
        %get3A_535 = tpu.vector_load %arg8[%get3A_532, %get3A_533, %get3A_534] {strides = array<i32>} : memref<2x128x64xi32, #tpu.memory_space<vmem>>, vector<16xi32>,
        %bitcast3A_536 = vector.bitcast %get3A_535 : vector<16xi32> to vector<32xbf16>
        %unpack3A_537 = tpu.unpack_subelements %bitcast3A_536, 0 {pack_format = #tpu.pack_format<interleaved>} : vector<32xbf16> -> vector<16xf32>
        %unpack3A_538 = tpu.unpack_subelements %bitcast3A_536, 1 {pack_format = #tpu.pack_format<interleaved>} : vector<32xbf16> -> vector<16xf32>
        %add3A_539 = arith.addf %add3A_465, %unpack3A_537 : vector<16xf32>
        %add3A_540 = arith.addf %add3A_466, %unpack3A_538 : vector<16xf32>
        %get3A_541 = arith.constant 0 : i32
        %get3A_542 = arith.index_cast %get3A_541 : i32 to index
        %get3A_543 = arith.index_cast %add3A_520 : i32 to index
        %get3A_544 = arith.constant 32 : index
        %get3A_545 = tpu.vector_load %arg8[%get3A_542, %get3A_543, %get3A_544] {strides = array<i32>} : memref<2x128x64xi32, #tpu.memory_space<vmem>>, vector<16xi32>,
        %bitcast3A_546 = vector.bitcast %get3A_545 : vector<16xi32> to vector<32xbf16>
        %unpack3A_547 = tpu.unpack_subelements %bitcast3A_546, 0 {pack_format = #tpu.pack_format<interleaved>} : vector<32xbf16> -> vector<16xf32>
        %unpack3A_548 = tpu.unpack_subelements %bitcast3A_546, 1 {pack_format = #tpu.pack_format<interleaved>} : vector<32xbf16> -> vector<16xf32>
        %get3A_549 = arith.constant 0 : i32
        %get3A_550 = arith.index_cast %get3A_549 : i32 to index
        %get3A_551 = arith.index_cast %add3A_520 : i32 to index
        %get3A_552 = arith.constant 0 : index
        %get3A_553 = tpu.vector_load %arg9[%get3A_550, %get3A_551, %get3A_552] {strides = array<i32>} : memref<2x128x32xi32, #tpu.memory_space<vmem>>, vector<16xi32>,
        %bitcast3A_554 = vector.bitcast %get3A_553 : vector<16xi32> to vector<32xbf16>
        %unpack3A_555 = tpu.unpack_subelements %bitcast3A_554, 0 {pack_format = #tpu.pack_format<interleaved>} : vector<32xbf16> -> vector<16xf32>
        %unpack3A_556 = tpu.unpack_subelements %bitcast3A_554, 1 {pack_format = #tpu.pack_format<interleaved>} : vector<32xbf16> -> vector<16xf32>
        %sub3A_557 = arith.subf %unpack3A_555, %unpack3A_547 : vector<16xf32>
        %max3A_558 = arith.constant 0.000000e+00 : f32
        %max3A_559 = vector.broadcast %max3A_558 : f32 to vector<16xf32>
        %max3A_560 = arith.maximumf %sub3A_557, %max3A_559 : vector<16xf32>
        %add3A_561 = arith.addf %add3A_487, %max3A_560 : vector<16xf32>
        %sub3A_562 = arith.subf %unpack3A_556, %unpack3A_548 : vector<16xf32>
        %max3A_563 = arith.constant 0.000000e+00 : f32
        %max3A_564 = vector.broadcast %max3A_563 : f32 to vector<16xf32>
        %max3A_565 = arith.maximumf %sub3A_562, %max3A_564 : vector<16xf32>
        %add3A_566 = arith.addf %add3A_492, %max3A_565 : vector<16xf32>
        %get3A_567 = arith.constant 0 : i32
        %get3A_568 = arith.index_cast %get3A_567 : i32 to index
        %get3A_569 = arith.index_cast %add3A_520 : i32 to index
        %get3A_570 = arith.constant 48 : index
        %get3A_571 = tpu.vector_load %arg8[%get3A_568, %get3A_569, %get3A_570] {strides = array<i32>} : memref<2x128x64xi32, #tpu.memory_space<vmem>>, vector<16xi32>,
        %bitcast3A_572 = vector.bitcast %get3A_571 : vector<16xi32> to vector<32xbf16>
        %unpack3A_573 = tpu.unpack_subelements %bitcast3A_572, 0 {pack_format = #tpu.pack_format<interleaved>} : vector<32xbf16> -> vector<16xf32>
        %unpack3A_574 = tpu.unpack_subelements %bitcast3A_572, 1 {pack_format = #tpu.pack_format<interleaved>} : vector<32xbf16> -> vector<16xf32>
        %get3A_575 = arith.constant 0 : i32
        %get3A_576 = arith.index_cast %get3A_575 : i32 to index
        %get3A_577 = arith.index_cast %add3A_520 : i32 to index
        %get3A_578 = arith.constant 16 : index
        %get3A_579 = tpu.vector_load %arg9[%get3A_576, %get3A_577, %get3A_578] {strides = array<i32>} : memref<2x128x32xi32, #tpu.memory_space<vmem>>, vector<16xi32>,
        %bitcast3A_580 = vector.bitcast %get3A_579 : vector<16xi32> to vector<32xbf16>
        %unpack3A_581 = tpu.unpack_subelements %bitcast3A_580, 0 {pack_format = #tpu.pack_format<interleaved>} : vector<32xbf16> -> vector<16xf32>
        %unpack3A_582 = tpu.unpack_subelements %bitcast3A_580, 1 {pack_format = #tpu.pack_format<interleaved>} : vector<32xbf16> -> vector<16xf32>
        %sub3A_583 = arith.subf %unpack3A_581, %unpack3A_573 : vector<16xf32>
        %max3A_584 = arith.constant 0.000000e+00 : f32
        %max3A_585 = vector.broadcast %max3A_584 : f32 to vector<16xf32>
        %max3A_586 = arith.maximumf %sub3A_583, %max3A_585 : vector<16xf32>
        %add3A_587 = arith.addf %add3A_513, %max3A_586 : vector<16xf32>
        %sub3A_588 = arith.subf %unpack3A_582, %unpack3A_574 : vector<16xf32>
        %max3A_589 = arith.constant 0.000000e+00 : f32
        %max3A_590 = vector.broadcast %max3A_589 : f32 to vector<16xf32>
        %max3A_591 = arith.maximumf %sub3A_588, %max3A_590 : vector<16xf32>
        %add3A_592 = arith.addf %add3A_518, %max3A_591 : vector<16xf32>
        %add3A_593 = arith.constant 5 : i32
        %add3A_594 = arith.addi %mul3A_226, %add3A_593 : i32
        %get3A_595 = arith.constant 0 : i32
        %get3A_596 = arith.index_cast %get3A_595 : i32 to index
        %get3A_597 = arith.index_cast %add3A_594 : i32 to index
        %get3A_598 = arith.constant 0 : index
        %get3A_599 = tpu.vector_load %arg8[%get3A_596, %get3A_597, %get3A_598] {strides = array<i32>} : memref<2x128x64xi32, #tpu.memory_space<vmem>>, vector<16xi32>,
        %bitcast3A_600 = vector.bitcast %get3A_599 : vector<16xi32> to vector<32xbf16>
        %unpack3A_601 = tpu.unpack_subelements %bitcast3A_600, 0 {pack_format = #tpu.pack_format<interleaved>} : vector<32xbf16> -> vector<16xf32>
        %unpack3A_602 = tpu.unpack_subelements %bitcast3A_600, 1 {pack_format = #tpu.pack_format<interleaved>} : vector<32xbf16> -> vector<16xf32>
        %add3A_603 = arith.addf %add3A_529, %unpack3A_601 : vector<16xf32>
        %add3A_604 = arith.addf %add3A_530, %unpack3A_602 : vector<16xf32>
        %get3A_605 = arith.constant 0 : i32
        %get3A_606 = arith.index_cast %get3A_605 : i32 to index
        %get3A_607 = arith.index_cast %add3A_594 : i32 to index
        %get3A_608 = arith.constant 16 : index
        %get3A_609 = tpu.vector_load %arg8[%get3A_606, %get3A_607, %get3A_608] {strides = array<i32>} : memref<2x128x64xi32, #tpu.memory_space<vmem>>, vector<16xi32>,
        %bitcast3A_610 = vector.bitcast %get3A_609 : vector<16xi32> to vector<32xbf16>
        %unpack3A_611 = tpu.unpack_subelements %bitcast3A_610, 0 {pack_format = #tpu.pack_format<interleaved>} : vector<32xbf16> -> vector<16xf32>
        %unpack3A_612 = tpu.unpack_subelements %bitcast3A_610, 1 {pack_format = #tpu.pack_format<interleaved>} : vector<32xbf16> -> vector<16xf32>
        %add3A_613 = arith.addf %add3A_539, %unpack3A_611 : vector<16xf32>
        %add3A_614 = arith.addf %add3A_540, %unpack3A_612 : vector<16xf32>
        %get3A_615 = arith.constant 0 : i32
        %get3A_616 = arith.index_cast %get3A_615 : i32 to index
        %get3A_617 = arith.index_cast %add3A_594 : i32 to index
        %get3A_618 = arith.constant 32 : index
        %get3A_619 = tpu.vector_load %arg8[%get3A_616, %get3A_617, %get3A_618] {strides = array<i32>} : memref<2x128x64xi32, #tpu.memory_space<vmem>>, vector<16xi32>,
        %bitcast3A_620 = vector.bitcast %get3A_619 : vector<16xi32> to vector<32xbf16>
        %unpack3A_621 = tpu.unpack_subelements %bitcast3A_620, 0 {pack_format = #tpu.pack_format<interleaved>} : vector<32xbf16> -> vector<16xf32>
        %unpack3A_622 = tpu.unpack_subelements %bitcast3A_620, 1 {pack_format = #tpu.pack_format<interleaved>} : vector<32xbf16> -> vector<16xf32>
        %get3A_623 = arith.constant 0 : i32
        %get3A_624 = arith.index_cast %get3A_623 : i32 to index
        %get3A_625 = arith.index_cast %add3A_594 : i32 to index
        %get3A_626 = arith.constant 0 : index
        %get3A_627 = tpu.vector_load %arg9[%get3A_624, %get3A_625, %get3A_626] {strides = array<i32>} : memref<2x128x32xi32, #tpu.memory_space<vmem>>, vector<16xi32>,
        %bitcast3A_628 = vector.bitcast %get3A_627 : vector<16xi32> to vector<32xbf16>
        %unpack3A_629 = tpu.unpack_subelements %bitcast3A_628, 0 {pack_format = #tpu.pack_format<interleaved>} : vector<32xbf16> -> vector<16xf32>
        %unpack3A_630 = tpu.unpack_subelements %bitcast3A_628, 1 {pack_format = #tpu.pack_format<interleaved>} : vector<32xbf16> -> vector<16xf32>
        %sub3A_631 = arith.subf %unpack3A_629, %unpack3A_621 : vector<16xf32>
        %max3A_632 = arith.constant 0.000000e+00 : f32
        %max3A_633 = vector.broadcast %max3A_632 : f32 to vector<16xf32>
        %max3A_634 = arith.maximumf %sub3A_631, %max3A_633 : vector<16xf32>
        %add3A_635 = arith.addf %add3A_561, %max3A_634 : vector<16xf32>
        %sub3A_636 = arith.subf %unpack3A_630, %unpack3A_622 : vector<16xf32>
        %max3A_637 = arith.constant 0.000000e+00 : f32
        %max3A_638 = vector.broadcast %max3A_637 : f32 to vector<16xf32>
        %max3A_639 = arith.maximumf %sub3A_636, %max3A_638 : vector<16xf32>
        %add3A_640 = arith.addf %add3A_566, %max3A_639 : vector<16xf32>
        %get3A_641 = arith.constant 0 : i32
        %get3A_642 = arith.index_cast %get3A_641 : i32 to index
        %get3A_643 = arith.index_cast %add3A_594 : i32 to index
        %get3A_644 = arith.constant 48 : index
        %get3A_645 = tpu.vector_load %arg8[%get3A_642, %get3A_643, %get3A_644] {strides = array<i32>} : memref<2x128x64xi32, #tpu.memory_space<vmem>>, vector<16xi32>,
        %bitcast3A_646 = vector.bitcast %get3A_645 : vector<16xi32> to vector<32xbf16>
        %unpack3A_647 = tpu.unpack_subelements %bitcast3A_646, 0 {pack_format = #tpu.pack_format<interleaved>} : vector<32xbf16> -> vector<16xf32>
        %unpack3A_648 = tpu.unpack_subelements %bitcast3A_646, 1 {pack_format = #tpu.pack_format<interleaved>} : vector<32xbf16> -> vector<16xf32>
        %get3A_649 = arith.constant 0 : i32
        %get3A_650 = arith.index_cast %get3A_649 : i32 to index
        %get3A_651 = arith.index_cast %add3A_594 : i32 to index
        %get3A_652 = arith.constant 16 : index
        %get3A_653 = tpu.vector_load %arg9[%get3A_650, %get3A_651, %get3A_652] {strides = array<i32>} : memref<2x128x32xi32, #tpu.memory_space<vmem>>, vector<16xi32>,
        %bitcast3A_654 = vector.bitcast %get3A_653 : vector<16xi32> to vector<32xbf16>
        %unpack3A_655 = tpu.unpack_subelements %bitcast3A_654, 0 {pack_format = #tpu.pack_format<interleaved>} : vector<32xbf16> -> vector<16xf32>
        %unpack3A_656 = tpu.unpack_subelements %bitcast3A_654, 1 {pack_format = #tpu.pack_format<interleaved>} : vector<32xbf16> -> vector<16xf32>
        %sub3A_657 = arith.subf %unpack3A_655, %unpack3A_647 : vector<16xf32>
        %max3A_658 = arith.constant 0.000000e+00 : f32
        %max3A_659 = vector.broadcast %max3A_658 : f32 to vector<16xf32>
        %max3A_660 = arith.maximumf %sub3A_657, %max3A_659 : vector<16xf32>
        %add3A_661 = arith.addf %add3A_587, %max3A_660 : vector<16xf32>
        %sub3A_662 = arith.subf %unpack3A_656, %unpack3A_648 : vector<16xf32>
        %max3A_663 = arith.constant 0.000000e+00 : f32
        %max3A_664 = vector.broadcast %max3A_663 : f32 to vector<16xf32>
        %max3A_665 = arith.maximumf %sub3A_662, %max3A_664 : vector<16xf32>
        %add3A_666 = arith.addf %add3A_592, %max3A_665 : vector<16xf32>
        %add3A_667 = arith.constant 6 : i32
        %add3A_668 = arith.addi %mul3A_226, %add3A_667 : i32
        %get3A_669 = arith.constant 0 : i32
        %get3A_670 = arith.index_cast %get3A_669 : i32 to index
        %get3A_671 = arith.index_cast %add3A_668 : i32 to index
        %get3A_672 = arith.constant 0 : index
        %get3A_673 = tpu.vector_load %arg8[%get3A_670, %get3A_671, %get3A_672] {strides = array<i32>} : memref<2x128x64xi32, #tpu.memory_space<vmem>>, vector<16xi32>,
        %bitcast3A_674 = vector.bitcast %get3A_673 : vector<16xi32> to vector<32xbf16>
        %unpack3A_675 = tpu.unpack_subelements %bitcast3A_674, 0 {pack_format = #tpu.pack_format<interleaved>} : vector<32xbf16> -> vector<16xf32>
        %unpack3A_676 = tpu.unpack_subelements %bitcast3A_674, 1 {pack_format = #tpu.pack_format<interleaved>} : vector<32xbf16> -> vector<16xf32>
        %add3A_677 = arith.addf %add3A_603, %unpack3A_675 : vector<16xf32>
        %add3A_678 = arith.addf %add3A_604, %unpack3A_676 : vector<16xf32>
        %get3A_679 = arith.constant 0 : i32
        %get3A_680 = arith.index_cast %get3A_679 : i32 to index
        %get3A_681 = arith.index_cast %add3A_668 : i32 to index
        %get3A_682 = arith.constant 16 : index
        %get3A_683 = tpu.vector_load %arg8[%get3A_680, %get3A_681, %get3A_682] {strides = array<i32>} : memref<2x128x64xi32, #tpu.memory_space<vmem>>, vector<16xi32>,
        %bitcast3A_684 = vector.bitcast %get3A_683 : vector<16xi32> to vector<32xbf16>
        %unpack3A_685 = tpu.unpack_subelements %bitcast3A_684, 0 {pack_format = #tpu.pack_format<interleaved>} : vector<32xbf16> -> vector<16xf32>
        %unpack3A_686 = tpu.unpack_subelements %bitcast3A_684, 1 {pack_format = #tpu.pack_format<interleaved>} : vector<32xbf16> -> vector<16xf32>
        %add3A_687 = arith.addf %add3A_613, %unpack3A_685 : vector<16xf32>
        %add3A_688 = arith.addf %add3A_614, %unpack3A_686 : vector<16xf32>
        %get3A_689 = arith.constant 0 : i32
        %get3A_690 = arith.index_cast %get3A_689 : i32 to index
        %get3A_691 = arith.index_cast %add3A_668 : i32 to index
        %get3A_692 = arith.constant 32 : index
        %get3A_693 = tpu.vector_load %arg8[%get3A_690, %get3A_691, %get3A_692] {strides = array<i32>} : memref<2x128x64xi32, #tpu.memory_space<vmem>>, vector<16xi32>,
        %bitcast3A_694 = vector.bitcast %get3A_693 : vector<16xi32> to vector<32xbf16>
        %unpack3A_695 = tpu.unpack_subelements %bitcast3A_694, 0 {pack_format = #tpu.pack_format<interleaved>} : vector<32xbf16> -> vector<16xf32>
        %unpack3A_696 = tpu.unpack_subelements %bitcast3A_694, 1 {pack_format = #tpu.pack_format<interleaved>} : vector<32xbf16> -> vector<16xf32>
        %get3A_697 = arith.constant 0 : i32
        %get3A_698 = arith.index_cast %get3A_697 : i32 to index
        %get3A_699 = arith.index_cast %add3A_668 : i32 to index
        %get3A_700 = arith.constant 0 : index
        %get3A_701 = tpu.vector_load %arg9[%get3A_698, %get3A_699, %get3A_700] {strides = array<i32>} : memref<2x128x32xi32, #tpu.memory_space<vmem>>, vector<16xi32>,
        %bitcast3A_702 = vector.bitcast %get3A_701 : vector<16xi32> to vector<32xbf16>
        %unpack3A_703 = tpu.unpack_subelements %bitcast3A_702, 0 {pack_format = #tpu.pack_format<interleaved>} : vector<32xbf16> -> vector<16xf32>
        %unpack3A_704 = tpu.unpack_subelements %bitcast3A_702, 1 {pack_format = #tpu.pack_format<interleaved>} : vector<32xbf16> -> vector<16xf32>
        %sub3A_705 = arith.subf %unpack3A_703, %unpack3A_695 : vector<16xf32>
        %max3A_706 = arith.constant 0.000000e+00 : f32
        %max3A_707 = vector.broadcast %max3A_706 : f32 to vector<16xf32>
        %max3A_708 = arith.maximumf %sub3A_705, %max3A_707 : vector<16xf32>
        %add3A_709 = arith.addf %add3A_635, %max3A_708 : vector<16xf32>
        %sub3A_710 = arith.subf %unpack3A_704, %unpack3A_696 : vector<16xf32>
        %max3A_711 = arith.constant 0.000000e+00 : f32
        %max3A_712 = vector.broadcast %max3A_711 : f32 to vector<16xf32>
        %max3A_713 = arith.maximumf %sub3A_710, %max3A_712 : vector<16xf32>
        %add3A_714 = arith.addf %add3A_640, %max3A_713 : vector<16xf32>
        %get3A_715 = arith.constant 0 : i32
        %get3A_716 = arith.index_cast %get3A_715 : i32 to index
        %get3A_717 = arith.index_cast %add3A_668 : i32 to index
        %get3A_718 = arith.constant 48 : index
        %get3A_719 = tpu.vector_load %arg8[%get3A_716, %get3A_717, %get3A_718] {strides = array<i32>} : memref<2x128x64xi32, #tpu.memory_space<vmem>>, vector<16xi32>,
        %bitcast3A_720 = vector.bitcast %get3A_719 : vector<16xi32> to vector<32xbf16>
        %unpack3A_721 = tpu.unpack_subelements %bitcast3A_720, 0 {pack_format = #tpu.pack_format<interleaved>} : vector<32xbf16> -> vector<16xf32>
        %unpack3A_722 = tpu.unpack_subelements %bitcast3A_720, 1 {pack_format = #tpu.pack_format<interleaved>} : vector<32xbf16> -> vector<16xf32>
        %get3A_723 = arith.constant 0 : i32
        %get3A_724 = arith.index_cast %get3A_723 : i32 to index
        %get3A_725 = arith.index_cast %add3A_668 : i32 to index
        %get3A_726 = arith.constant 16 : index
        %get3A_727 = tpu.vector_load %arg9[%get3A_724, %get3A_725, %get3A_726] {strides = array<i32>} : memref<2x128x32xi32, #tpu.memory_space<vmem>>, vector<16xi32>,
        %bitcast3A_728 = vector.bitcast %get3A_727 : vector<16xi32> to vector<32xbf16>
        %unpack3A_729 = tpu.unpack_subelements %bitcast3A_728, 0 {pack_format = #tpu.pack_format<interleaved>} : vector<32xbf16> -> vector<16xf32>
        %unpack3A_730 = tpu.unpack_subelements %bitcast3A_728, 1 {pack_format = #tpu.pack_format<interleaved>} : vector<32xbf16> -> vector<16xf32>
        %sub3A_731 = arith.subf %unpack3A_729, %unpack3A_721 : vector<16xf32>
        %max3A_732 = arith.constant 0.000000e+00 : f32
        %max3A_733 = vector.broadcast %max3A_732 : f32 to vector<16xf32>
        %max3A_734 = arith.maximumf %sub3A_731, %max3A_733 : vector<16xf32>
        %add3A_735 = arith.addf %add3A_661, %max3A_734 : vector<16xf32>
        %sub3A_736 = arith.subf %unpack3A_730, %unpack3A_722 : vector<16xf32>
        %max3A_737 = arith.constant 0.000000e+00 : f32
        %max3A_738 = vector.broadcast %max3A_737 : f32 to vector<16xf32>
        %max3A_739 = arith.maximumf %sub3A_736, %max3A_738 : vector<16xf32>
        %add3A_740 = arith.addf %add3A_666, %max3A_739 : vector<16xf32>
        %add3A_741 = arith.constant 7 : i32
        %add3A_742 = arith.addi %mul3A_226, %add3A_741 : i32
        %get3A_743 = arith.constant 0 : i32
        %get3A_744 = arith.index_cast %get3A_743 : i32 to index
        %get3A_745 = arith.index_cast %add3A_742 : i32 to index
        %get3A_746 = arith.constant 0 : index
        %get3A_747 = tpu.vector_load %arg8[%get3A_744, %get3A_745, %get3A_746] {strides = array<i32>} : memref<2x128x64xi32, #tpu.memory_space<vmem>>, vector<16xi32>,
        %bitcast3A_748 = vector.bitcast %get3A_747 : vector<16xi32> to vector<32xbf16>
        %unpack3A_749 = tpu.unpack_subelements %bitcast3A_748, 0 {pack_format = #tpu.pack_format<interleaved>} : vector<32xbf16> -> vector<16xf32>
        %unpack3A_750 = tpu.unpack_subelements %bitcast3A_748, 1 {pack_format = #tpu.pack_format<interleaved>} : vector<32xbf16> -> vector<16xf32>
        %add3A_751 = arith.addf %add3A_677, %unpack3A_749 : vector<16xf32>
        %add3A_752 = arith.addf %add3A_678, %unpack3A_750 : vector<16xf32>
        %get3A_753 = arith.constant 0 : i32
        %get3A_754 = arith.index_cast %get3A_753 : i32 to index
        %get3A_755 = arith.index_cast %add3A_742 : i32 to index
        %get3A_756 = arith.constant 16 : index
        %get3A_757 = tpu.vector_load %arg8[%get3A_754, %get3A_755, %get3A_756] {strides = array<i32>} : memref<2x128x64xi32, #tpu.memory_space<vmem>>, vector<16xi32>,
        %bitcast3A_758 = vector.bitcast %get3A_757 : vector<16xi32> to vector<32xbf16>
        %unpack3A_759 = tpu.unpack_subelements %bitcast3A_758, 0 {pack_format = #tpu.pack_format<interleaved>} : vector<32xbf16> -> vector<16xf32>
        %unpack3A_760 = tpu.unpack_subelements %bitcast3A_758, 1 {pack_format = #tpu.pack_format<interleaved>} : vector<32xbf16> -> vector<16xf32>
        %add3A_761 = arith.addf %add3A_687, %unpack3A_759 : vector<16xf32>
        %add3A_762 = arith.addf %add3A_688, %unpack3A_760 : vector<16xf32>
        %get3A_763 = arith.constant 0 : i32
        %get3A_764 = arith.index_cast %get3A_763 : i32 to index
        %get3A_765 = arith.index_cast %add3A_742 : i32 to index
        %get3A_766 = arith.constant 32 : index
        %get3A_767 = tpu.vector_load %arg8[%get3A_764, %get3A_765, %get3A_766] {strides = array<i32>} : memref<2x128x64xi32, #tpu.memory_space<vmem>>, vector<16xi32>,
        %bitcast3A_768 = vector.bitcast %get3A_767 : vector<16xi32> to vector<32xbf16>
        %unpack3A_769 = tpu.unpack_subelements %bitcast3A_768, 0 {pack_format = #tpu.pack_format<interleaved>} : vector<32xbf16> -> vector<16xf32>
        %unpack3A_770 = tpu.unpack_subelements %bitcast3A_768, 1 {pack_format = #tpu.pack_format<interleaved>} : vector<32xbf16> -> vector<16xf32>
        %get3A_771 = arith.constant 0 : i32
        %get3A_772 = arith.index_cast %get3A_771 : i32 to index
        %get3A_773 = arith.index_cast %add3A_742 : i32 to index
        %get3A_774 = arith.constant 0 : index
        %get3A_775 = tpu.vector_load %arg9[%get3A_772, %get3A_773, %get3A_774] {strides = array<i32>} : memref<2x128x32xi32, #tpu.memory_space<vmem>>, vector<16xi32>,
        %bitcast3A_776 = vector.bitcast %get3A_775 : vector<16xi32> to vector<32xbf16>
        %unpack3A_777 = tpu.unpack_subelements %bitcast3A_776, 0 {pack_format = #tpu.pack_format<interleaved>} : vector<32xbf16> -> vector<16xf32>
        %unpack3A_778 = tpu.unpack_subelements %bitcast3A_776, 1 {pack_format = #tpu.pack_format<interleaved>} : vector<32xbf16> -> vector<16xf32>
        %sub3A_779 = arith.subf %unpack3A_777, %unpack3A_769 : vector<16xf32>
        %max3A_780 = arith.constant 0.000000e+00 : f32
        %max3A_781 = vector.broadcast %max3A_780 : f32 to vector<16xf32>
        %max3A_782 = arith.maximumf %sub3A_779, %max3A_781 : vector<16xf32>
        %add3A_783 = arith.addf %add3A_709, %max3A_782 : vector<16xf32>
        %sub3A_784 = arith.subf %unpack3A_778, %unpack3A_770 : vector<16xf32>
        %max3A_785 = arith.constant 0.000000e+00 : f32
        %max3A_786 = vector.broadcast %max3A_785 : f32 to vector<16xf32>
        %max3A_787 = arith.maximumf %sub3A_784, %max3A_786 : vector<16xf32>
        %add3A_788 = arith.addf %add3A_714, %max3A_787 : vector<16xf32>
        %get3A_789 = arith.constant 0 : i32
        %get3A_790 = arith.index_cast %get3A_789 : i32 to index
        %get3A_791 = arith.index_cast %add3A_742 : i32 to index
        %get3A_792 = arith.constant 48 : index
        %get3A_793 = tpu.vector_load %arg8[%get3A_790, %get3A_791, %get3A_792] {strides = array<i32>} : memref<2x128x64xi32, #tpu.memory_space<vmem>>, vector<16xi32>,
        %bitcast3A_794 = vector.bitcast %get3A_793 : vector<16xi32> to vector<32xbf16>
        %unpack3A_795 = tpu.unpack_subelements %bitcast3A_794, 0 {pack_format = #tpu.pack_format<interleaved>} : vector<32xbf16> -> vector<16xf32>
        %unpack3A_796 = tpu.unpack_subelements %bitcast3A_794, 1 {pack_format = #tpu.pack_format<interleaved>} : vector<32xbf16> -> vector<16xf32>
        %get3A_797 = arith.constant 0 : i32
        %get3A_798 = arith.index_cast %get3A_797 : i32 to index
        %get3A_799 = arith.index_cast %add3A_742 : i32 to index
        %get3A_800 = arith.constant 16 : index
        %get3A_801 = tpu.vector_load %arg9[%get3A_798, %get3A_799, %get3A_800] {strides = array<i32>} : memref<2x128x32xi32, #tpu.memory_space<vmem>>, vector<16xi32>,
        %bitcast3A_802 = vector.bitcast %get3A_801 : vector<16xi32> to vector<32xbf16>
        %unpack3A_803 = tpu.unpack_subelements %bitcast3A_802, 0 {pack_format = #tpu.pack_format<interleaved>} : vector<32xbf16> -> vector<16xf32>
        %unpack3A_804 = tpu.unpack_subelements %bitcast3A_802, 1 {pack_format = #tpu.pack_format<interleaved>} : vector<32xbf16> -> vector<16xf32>
        %sub3A_805 = arith.subf %unpack3A_803, %unpack3A_795 : vector<16xf32>
        %max3A_806 = arith.constant 0.000000e+00 : f32
        %max3A_807 = vector.broadcast %max3A_806 : f32 to vector<16xf32>
        %max3A_808 = arith.maximumf %sub3A_805, %max3A_807 : vector<16xf32>
        %add3A_809 = arith.addf %add3A_735, %max3A_808 : vector<16xf32>
        %sub3A_810 = arith.subf %unpack3A_804, %unpack3A_796 : vector<16xf32>
        %max3A_811 = arith.constant 0.000000e+00 : f32
        %max3A_812 = vector.broadcast %max3A_811 : f32 to vector<16xf32>
        %max3A_813 = arith.maximumf %sub3A_810, %max3A_812 : vector<16xf32>
        %add3A_814 = arith.addf %add3A_740, %max3A_813 : vector<16xf32>
        %add3A_815 = arith.constant 8 : i32
        %add3A_816 = arith.addi %mul3A_226, %add3A_815 : i32
        %get3A_817 = arith.constant 0 : i32
        %get3A_818 = arith.index_cast %get3A_817 : i32 to index
        %get3A_819 = arith.index_cast %add3A_816 : i32 to index
        %get3A_820 = arith.constant 0 : index
        %get3A_821 = tpu.vector_load %arg8[%get3A_818, %get3A_819, %get3A_820] {strides = array<i32>} : memref<2x128x64xi32, #tpu.memory_space<vmem>>, vector<16xi32>,
        %bitcast3A_822 = vector.bitcast %get3A_821 : vector<16xi32> to vector<32xbf16>
        %unpack3A_823 = tpu.unpack_subelements %bitcast3A_822, 0 {pack_format = #tpu.pack_format<interleaved>} : vector<32xbf16> -> vector<16xf32>
        %unpack3A_824 = tpu.unpack_subelements %bitcast3A_822, 1 {pack_format = #tpu.pack_format<interleaved>} : vector<32xbf16> -> vector<16xf32>
        %add3A_825 = arith.addf %add3A_751, %unpack3A_823 : vector<16xf32>
        %add3A_826 = arith.addf %add3A_752, %unpack3A_824 : vector<16xf32>
        %get3A_827 = arith.constant 0 : i32
        %get3A_828 = arith.index_cast %get3A_827 : i32 to index
        %get3A_829 = arith.index_cast %add3A_816 : i32 to index
        %get3A_830 = arith.constant 16 : index
        %get3A_831 = tpu.vector_load %arg8[%get3A_828, %get3A_829, %get3A_830] {strides = array<i32>} : memref<2x128x64xi32, #tpu.memory_space<vmem>>, vector<16xi32>,
        %bitcast3A_832 = vector.bitcast %get3A_831 : vector<16xi32> to vector<32xbf16>
        %unpack3A_833 = tpu.unpack_subelements %bitcast3A_832, 0 {pack_format = #tpu.pack_format<interleaved>} : vector<32xbf16> -> vector<16xf32>
        %unpack3A_834 = tpu.unpack_subelements %bitcast3A_832, 1 {pack_format = #tpu.pack_format<interleaved>} : vector<32xbf16> -> vector<16xf32>
        %add3A_835 = arith.addf %add3A_761, %unpack3A_833 : vector<16xf32>
        %add3A_836 = arith.addf %add3A_762, %unpack3A_834 : vector<16xf32>
        %get3A_837 = arith.constant 0 : i32
        %get3A_838 = arith.index_cast %get3A_837 : i32 to index
        %get3A_839 = arith.index_cast %add3A_816 : i32 to index
        %get3A_840 = arith.constant 32 : index
        %get3A_841 = tpu.vector_load %arg8[%get3A_838, %get3A_839, %get3A_840] {strides = array<i32>} : memref<2x128x64xi32, #tpu.memory_space<vmem>>, vector<16xi32>,
        %bitcast3A_842 = vector.bitcast %get3A_841 : vector<16xi32> to vector<32xbf16>
        %unpack3A_843 = tpu.unpack_subelements %bitcast3A_842, 0 {pack_format = #tpu.pack_format<interleaved>} : vector<32xbf16> -> vector<16xf32>
        %unpack3A_844 = tpu.unpack_subelements %bitcast3A_842, 1 {pack_format = #tpu.pack_format<interleaved>} : vector<32xbf16> -> vector<16xf32>
        %get3A_845 = arith.constant 0 : i32
        %get3A_846 = arith.index_cast %get3A_845 : i32 to index
        %get3A_847 = arith.index_cast %add3A_816 : i32 to index
        %get3A_848 = arith.constant 0 : index
        %get3A_849 = tpu.vector_load %arg9[%get3A_846, %get3A_847, %get3A_848] {strides = array<i32>} : memref<2x128x32xi32, #tpu.memory_space<vmem>>, vector<16xi32>,
        %bitcast3A_850 = vector.bitcast %get3A_849 : vector<16xi32> to vector<32xbf16>
        %unpack3A_851 = tpu.unpack_subelements %bitcast3A_850, 0 {pack_format = #tpu.pack_format<interleaved>} : vector<32xbf16> -> vector<16xf32>
        %unpack3A_852 = tpu.unpack_subelements %bitcast3A_850, 1 {pack_format = #tpu.pack_format<interleaved>} : vector<32xbf16> -> vector<16xf32>
        %sub3A_853 = arith.subf %unpack3A_851, %unpack3A_843 : vector<16xf32>
        %max3A_854 = arith.constant 0.000000e+00 : f32
        %max3A_855 = vector.broadcast %max3A_854 : f32 to vector<16xf32>
        %max3A_856 = arith.maximumf %sub3A_853, %max3A_855 : vector<16xf32>
        %add3A_857 = arith.addf %add3A_783, %max3A_856 : vector<16xf32>
        %sub3A_858 = arith.subf %unpack3A_852, %unpack3A_844 : vector<16xf32>
        %max3A_859 = arith.constant 0.000000e+00 : f32
        %max3A_860 = vector.broadcast %max3A_859 : f32 to vector<16xf32>
        %max3A_861 = arith.maximumf %sub3A_858, %max3A_860 : vector<16xf32>
        %add3A_862 = arith.addf %add3A_788, %max3A_861 : vector<16xf32>
        %get3A_863 = arith.constant 0 : i32
        %get3A_864 = arith.index_cast %get3A_863 : i32 to index
        %get3A_865 = arith.index_cast %add3A_816 : i32 to index
        %get3A_866 = arith.constant 48 : index
        %get3A_867 = tpu.vector_load %arg8[%get3A_864, %get3A_865, %get3A_866] {strides = array<i32>} : memref<2x128x64xi32, #tpu.memory_space<vmem>>, vector<16xi32>,
        %bitcast3A_868 = vector.bitcast %get3A_867 : vector<16xi32> to vector<32xbf16>
        %unpack3A_869 = tpu.unpack_subelements %bitcast3A_868, 0 {pack_format = #tpu.pack_format<interleaved>} : vector<32xbf16> -> vector<16xf32>
        %unpack3A_870 = tpu.unpack_subelements %bitcast3A_868, 1 {pack_format = #tpu.pack_format<interleaved>} : vector<32xbf16> -> vector<16xf32>
        %get3A_871 = arith.constant 0 : i32
        %get3A_872 = arith.index_cast %get3A_871 : i32 to index
        %get3A_873 = arith.index_cast %add3A_816 : i32 to index
        %get3A_874 = arith.constant 16 : index
        %get3A_875 = tpu.vector_load %arg9[%get3A_872, %get3A_873, %get3A_874] {strides = array<i32>} : memref<2x128x32xi32, #tpu.memory_space<vmem>>, vector<16xi32>,
        %bitcast3A_876 = vector.bitcast %get3A_875 : vector<16xi32> to vector<32xbf16>
        %unpack3A_877 = tpu.unpack_subelements %bitcast3A_876, 0 {pack_format = #tpu.pack_format<interleaved>} : vector<32xbf16> -> vector<16xf32>
        %unpack3A_878 = tpu.unpack_subelements %bitcast3A_876, 1 {pack_format = #tpu.pack_format<interleaved>} : vector<32xbf16> -> vector<16xf32>
        %sub3A_879 = arith.subf %unpack3A_877, %unpack3A_869 : vector<16xf32>
        %max3A_880 = arith.constant 0.000000e+00 : f32
        %max3A_881 = vector.broadcast %max3A_880 : f32 to vector<16xf32>
        %max3A_882 = arith.maximumf %sub3A_879, %max3A_881 : vector<16xf32>
        %add3A_883 = arith.addf %add3A_809, %max3A_882 : vector<16xf32>
        %sub3A_884 = arith.subf %unpack3A_878, %unpack3A_870 : vector<16xf32>
        %max3A_885 = arith.constant 0.000000e+00 : f32
        %max3A_886 = vector.broadcast %max3A_885 : f32 to vector<16xf32>
        %max3A_887 = arith.maximumf %sub3A_884, %max3A_886 : vector<16xf32>
        %add3A_888 = arith.addf %add3A_814, %max3A_887 : vector<16xf32>
        %add3A_889 = arith.constant 9 : i32
        %add3A_890 = arith.addi %mul3A_226, %add3A_889 : i32
        %get3A_891 = arith.constant 0 : i32
        %get3A_892 = arith.index_cast %get3A_891 : i32 to index
        %get3A_893 = arith.index_cast %add3A_890 : i32 to index
        %get3A_894 = arith.constant 0 : index
        %get3A_895 = tpu.vector_load %arg8[%get3A_892, %get3A_893, %get3A_894] {strides = array<i32>} : memref<2x128x64xi32, #tpu.memory_space<vmem>>, vector<16xi32>,
        %bitcast3A_896 = vector.bitcast %get3A_895 : vector<16xi32> to vector<32xbf16>
        %unpack3A_897 = tpu.unpack_subelements %bitcast3A_896, 0 {pack_format = #tpu.pack_format<interleaved>} : vector<32xbf16> -> vector<16xf32>
        %unpack3A_898 = tpu.unpack_subelements %bitcast3A_896, 1 {pack_format = #tpu.pack_format<interleaved>} : vector<32xbf16> -> vector<16xf32>
        %add3A_899 = arith.addf %add3A_825, %unpack3A_897 : vector<16xf32>
        %add3A_900 = arith.addf %add3A_826, %unpack3A_898 : vector<16xf32>
        %get3A_901 = arith.constant 0 : i32
        %get3A_902 = arith.index_cast %get3A_901 : i32 to index
        %get3A_903 = arith.index_cast %add3A_890 : i32 to index
        %get3A_904 = arith.constant 16 : index
        %get3A_905 = tpu.vector_load %arg8[%get3A_902, %get3A_903, %get3A_904] {strides = array<i32>} : memref<2x128x64xi32, #tpu.memory_space<vmem>>, vector<16xi32>,
        %bitcast3A_906 = vector.bitcast %get3A_905 : vector<16xi32> to vector<32xbf16>
        %unpack3A_907 = tpu.unpack_subelements %bitcast3A_906, 0 {pack_format = #tpu.pack_format<interleaved>} : vector<32xbf16> -> vector<16xf32>
        %unpack3A_908 = tpu.unpack_subelements %bitcast3A_906, 1 {pack_format = #tpu.pack_format<interleaved>} : vector<32xbf16> -> vector<16xf32>
        %add3A_909 = arith.addf %add3A_835, %unpack3A_907 : vector<16xf32>
        %add3A_910 = arith.addf %add3A_836, %unpack3A_908 : vector<16xf32>
        %get3A_911 = arith.constant 0 : i32
        %get3A_912 = arith.index_cast %get3A_911 : i32 to index
        %get3A_913 = arith.index_cast %add3A_890 : i32 to index
        %get3A_914 = arith.constant 32 : index
        %get3A_915 = tpu.vector_load %arg8[%get3A_912, %get3A_913, %get3A_914] {strides = array<i32>} : memref<2x128x64xi32, #tpu.memory_space<vmem>>, vector<16xi32>,
        %bitcast3A_916 = vector.bitcast %get3A_915 : vector<16xi32> to vector<32xbf16>
        %unpack3A_917 = tpu.unpack_subelements %bitcast3A_916, 0 {pack_format = #tpu.pack_format<interleaved>} : vector<32xbf16> -> vector<16xf32>
        %unpack3A_918 = tpu.unpack_subelements %bitcast3A_916, 1 {pack_format = #tpu.pack_format<interleaved>} : vector<32xbf16> -> vector<16xf32>
        %get3A_919 = arith.constant 0 : i32
        %get3A_920 = arith.index_cast %get3A_919 : i32 to index
        %get3A_921 = arith.index_cast %add3A_890 : i32 to index
        %get3A_922 = arith.constant 0 : index
        %get3A_923 = tpu.vector_load %arg9[%get3A_920, %get3A_921, %get3A_922] {strides = array<i32>} : memref<2x128x32xi32, #tpu.memory_space<vmem>>, vector<16xi32>,
        %bitcast3A_924 = vector.bitcast %get3A_923 : vector<16xi32> to vector<32xbf16>
        %unpack3A_925 = tpu.unpack_subelements %bitcast3A_924, 0 {pack_format = #tpu.pack_format<interleaved>} : vector<32xbf16> -> vector<16xf32>
        %unpack3A_926 = tpu.unpack_subelements %bitcast3A_924, 1 {pack_format = #tpu.pack_format<interleaved>} : vector<32xbf16> -> vector<16xf32>
        %sub3A_927 = arith.subf %unpack3A_925, %unpack3A_917 : vector<16xf32>
        %max3A_928 = arith.constant 0.000000e+00 : f32
        %max3A_929 = vector.broadcast %max3A_928 : f32 to vector<16xf32>
        %max3A_930 = arith.maximumf %sub3A_927, %max3A_929 : vector<16xf32>
        %add3A_931 = arith.addf %add3A_857, %max3A_930 : vector<16xf32>
        %sub3A_932 = arith.subf %unpack3A_926, %unpack3A_918 : vector<16xf32>
        %max3A_933 = arith.constant 0.000000e+00 : f32
        %max3A_934 = vector.broadcast %max3A_933 : f32 to vector<16xf32>
        %max3A_935 = arith.maximumf %sub3A_932, %max3A_934 : vector<16xf32>
        %add3A_936 = arith.addf %add3A_862, %max3A_935 : vector<16xf32>
        %get3A_937 = arith.constant 0 : i32
        %get3A_938 = arith.index_cast %get3A_937 : i32 to index
        %get3A_939 = arith.index_cast %add3A_890 : i32 to index
        %get3A_940 = arith.constant 48 : index
        %get3A_941 = tpu.vector_load %arg8[%get3A_938, %get3A_939, %get3A_940] {strides = array<i32>} : memref<2x128x64xi32, #tpu.memory_space<vmem>>, vector<16xi32>,
        %bitcast3A_942 = vector.bitcast %get3A_941 : vector<16xi32> to vector<32xbf16>
        %unpack3A_943 = tpu.unpack_subelements %bitcast3A_942, 0 {pack_format = #tpu.pack_format<interleaved>} : vector<32xbf16> -> vector<16xf32>
        %unpack3A_944 = tpu.unpack_subelements %bitcast3A_942, 1 {pack_format = #tpu.pack_format<interleaved>} : vector<32xbf16> -> vector<16xf32>
        %get3A_945 = arith.constant 0 : i32
        %get3A_946 = arith.index_cast %get3A_945 : i32 to index
        %get3A_947 = arith.index_cast %add3A_890 : i32 to index
        %get3A_948 = arith.constant 16 : index
        %get3A_949 = tpu.vector_load %arg9[%get3A_946, %get3A_947, %get3A_948] {strides = array<i32>} : memref<2x128x32xi32, #tpu.memory_space<vmem>>, vector<16xi32>,
        %bitcast3A_950 = vector.bitcast %get3A_949 : vector<16xi32> to vector<32xbf16>
        %unpack3A_951 = tpu.unpack_subelements %bitcast3A_950, 0 {pack_format = #tpu.pack_format<interleaved>} : vector<32xbf16> -> vector<16xf32>
        %unpack3A_952 = tpu.unpack_subelements %bitcast3A_950, 1 {pack_format = #tpu.pack_format<interleaved>} : vector<32xbf16> -> vector<16xf32>
        %sub3A_953 = arith.subf %unpack3A_951, %unpack3A_943 : vector<16xf32>
        %max3A_954 = arith.constant 0.000000e+00 : f32
        %max3A_955 = vector.broadcast %max3A_954 : f32 to vector<16xf32>
        %max3A_956 = arith.maximumf %sub3A_953, %max3A_955 : vector<16xf32>
        %add3A_957 = arith.addf %add3A_883, %max3A_956 : vector<16xf32>
        %sub3A_958 = arith.subf %unpack3A_952, %unpack3A_944 : vector<16xf32>
        %max3A_959 = arith.constant 0.000000e+00 : f32
        %max3A_960 = vector.broadcast %max3A_959 : f32 to vector<16xf32>
        %max3A_961 = arith.maximumf %sub3A_958, %max3A_960 : vector<16xf32>
        %add3A_962 = arith.addf %add3A_888, %max3A_961 : vector<16xf32>
        %add3A_963 = arith.constant 10 : i32
        %add3A_964 = arith.addi %mul3A_226, %add3A_963 : i32
        %get3A_965 = arith.constant 0 : i32
        %get3A_966 = arith.index_cast %get3A_965 : i32 to index
        %get3A_967 = arith.index_cast %add3A_964 : i32 to index
        %get3A_968 = arith.constant 0 : index
        %get3A_969 = tpu.vector_load %arg8[%get3A_966, %get3A_967, %get3A_968] {strides = array<i32>} : memref<2x128x64xi32, #tpu.memory_space<vmem>>, vector<16xi32>,
        %bitcast3A_970 = vector.bitcast %get3A_969 : vector<16xi32> to vector<32xbf16>
        %unpack3A_971 = tpu.unpack_subelements %bitcast3A_970, 0 {pack_format = #tpu.pack_format<interleaved>} : vector<32xbf16> -> vector<16xf32>
        %unpack3A_972 = tpu.unpack_subelements %bitcast3A_970, 1 {pack_format = #tpu.pack_format<interleaved>} : vector<32xbf16> -> vector<16xf32>
        %add3A_973 = arith.addf %add3A_899, %unpack3A_971 : vector<16xf32>
        %add3A_974 = arith.addf %add3A_900, %unpack3A_972 : vector<16xf32>
        %get3A_975 = arith.constant 0 : i32
        %get3A_976 = arith.index_cast %get3A_975 : i32 to index
        %get3A_977 = arith.index_cast %add3A_964 : i32 to index
        %get3A_978 = arith.constant 16 : index
        %get3A_979 = tpu.vector_load %arg8[%get3A_976, %get3A_977, %get3A_978] {strides = array<i32>} : memref<2x128x64xi32, #tpu.memory_space<vmem>>, vector<16xi32>,
        %bitcast3A_980 = vector.bitcast %get3A_979 : vector<16xi32> to vector<32xbf16>
        %unpack3A_981 = tpu.unpack_subelements %bitcast3A_980, 0 {pack_format = #tpu.pack_format<interleaved>} : vector<32xbf16> -> vector<16xf32>
        %unpack3A_982 = tpu.unpack_subelements %bitcast3A_980, 1 {pack_format = #tpu.pack_format<interleaved>} : vector<32xbf16> -> vector<16xf32>
        %add3A_983 = arith.addf %add3A_909, %unpack3A_981 : vector<16xf32>
        %add3A_984 = arith.addf %add3A_910, %unpack3A_982 : vector<16xf32>
        %get3A_985 = arith.constant 0 : i32
        %get3A_986 = arith.index_cast %get3A_985 : i32 to index
        %get3A_987 = arith.index_cast %add3A_964 : i32 to index
        %get3A_988 = arith.constant 32 : index
        %get3A_989 = tpu.vector_load %arg8[%get3A_986, %get3A_987, %get3A_988] {strides = array<i32>} : memref<2x128x64xi32, #tpu.memory_space<vmem>>, vector<16xi32>,
        %bitcast3A_990 = vector.bitcast %get3A_989 : vector<16xi32> to vector<32xbf16>
        %unpack3A_991 = tpu.unpack_subelements %bitcast3A_990, 0 {pack_format = #tpu.pack_format<interleaved>} : vector<32xbf16> -> vector<16xf32>
        %unpack3A_992 = tpu.unpack_subelements %bitcast3A_990, 1 {pack_format = #tpu.pack_format<interleaved>} : vector<32xbf16> -> vector<16xf32>
        %get3A_993 = arith.constant 0 : i32
        %get3A_994 = arith.index_cast %get3A_993 : i32 to index
        %get3A_995 = arith.index_cast %add3A_964 : i32 to index
        %get3A_996 = arith.constant 0 : index
        %get3A_997 = tpu.vector_load %arg9[%get3A_994, %get3A_995, %get3A_996] {strides = array<i32>} : memref<2x128x32xi32, #tpu.memory_space<vmem>>, vector<16xi32>,
        %bitcast3A_998 = vector.bitcast %get3A_997 : vector<16xi32> to vector<32xbf16>
        %unpack3A_999 = tpu.unpack_subelements %bitcast3A_998, 0 {pack_format = #tpu.pack_format<interleaved>} : vector<32xbf16> -> vector<16xf32>
        %unpack3A_1000 = tpu.unpack_subelements %bitcast3A_998, 1 {pack_format = #tpu.pack_format<interleaved>} : vector<32xbf16> -> vector<16xf32>
        %sub3A_1001 = arith.subf %unpack3A_999, %unpack3A_991 : vector<16xf32>
        %max3A_1002 = arith.constant 0.000000e+00 : f32
        %max3A_1003 = vector.broadcast %max3A_1002 : f32 to vector<16xf32>
        %max3A_1004 = arith.maximumf %sub3A_1001, %max3A_1003 : vector<16xf32>
        %add3A_1005 = arith.addf %add3A_931, %max3A_1004 : vector<16xf32>
        %sub3A_1006 = arith.subf %unpack3A_1000, %unpack3A_992 : vector<16xf32>
        %max3A_1007 = arith.constant 0.000000e+00 : f32
        %max3A_1008 = vector.broadcast %max3A_1007 : f32 to vector<16xf32>
        %max3A_1009 = arith.maximumf %sub3A_1006, %max3A_1008 : vector<16xf32>
        %add3A_1010 = arith.addf %add3A_936, %max3A_1009 : vector<16xf32>
        %get3A_1011 = arith.constant 0 : i32
        %get3A_1012 = arith.index_cast %get3A_1011 : i32 to index
        %get3A_1013 = arith.index_cast %add3A_964 : i32 to index
        %get3A_1014 = arith.constant 48 : index
        %get3A_1015 = tpu.vector_load %arg8[%get3A_1012, %get3A_1013, %get3A_1014] {strides = array<i32>} : memref<2x128x64xi32, #tpu.memory_space<vmem>>, vector<16xi32>,
        %bitcast3A_1016 = vector.bitcast %get3A_1015 : vector<16xi32> to vector<32xbf16>
        %unpack3A_1017 = tpu.unpack_subelements %bitcast3A_1016, 0 {pack_format = #tpu.pack_format<interleaved>} : vector<32xbf16> -> vector<16xf32>
        %unpack3A_1018 = tpu.unpack_subelements %bitcast3A_1016, 1 {pack_format = #tpu.pack_format<interleaved>} : vector<32xbf16> -> vector<16xf32>
        %get3A_1019 = arith.constant 0 : i32
        %get3A_1020 = arith.index_cast %get3A_1019 : i32 to index
        %get3A_1021 = arith.index_cast %add3A_964 : i32 to index
        %get3A_1022 = arith.constant 16 : index
        %get3A_1023 = tpu.vector_load %arg9[%get3A_1020, %get3A_1021, %get3A_1022] {strides = array<i32>} : memref<2x128x32xi32, #tpu.memory_space<vmem>>, vector<16xi32>,
        %bitcast3A_1024 = vector.bitcast %get3A_1023 : vector<16xi32> to vector<32xbf16>
        %unpack3A_1025 = tpu.unpack_subelements %bitcast3A_1024, 0 {pack_format = #tpu.pack_format<interleaved>} : vector<32xbf16> -> vector<16xf32>
        %unpack3A_1026 = tpu.unpack_subelements %bitcast3A_1024, 1 {pack_format = #tpu.pack_format<interleaved>} : vector<32xbf16> -> vector<16xf32>
        %sub3A_1027 = arith.subf %unpack3A_1025, %unpack3A_1017 : vector<16xf32>
        %max3A_1028 = arith.constant 0.000000e+00 : f32
        %max3A_1029 = vector.broadcast %max3A_1028 : f32 to vector<16xf32>
        %max3A_1030 = arith.maximumf %sub3A_1027, %max3A_1029 : vector<16xf32>
        %add3A_1031 = arith.addf %add3A_957, %max3A_1030 : vector<16xf32>
        %sub3A_1032 = arith.subf %unpack3A_1026, %unpack3A_1018 : vector<16xf32>
        %max3A_1033 = arith.constant 0.000000e+00 : f32
        %max3A_1034 = vector.broadcast %max3A_1033 : f32 to vector<16xf32>
        %max3A_1035 = arith.maximumf %sub3A_1032, %max3A_1034 : vector<16xf32>
        %add3A_1036 = arith.addf %add3A_962, %max3A_1035 : vector<16xf32>
        %add3A_1037 = arith.constant 11 : i32
        %add3A_1038 = arith.addi %mul3A_226, %add3A_1037 : i32
        %get3A_1039 = arith.constant 0 : i32
        %get3A_1040 = arith.index_cast %get3A_1039 : i32 to index
        %get3A_1041 = arith.index_cast %add3A_1038 : i32 to index
        %get3A_1042 = arith.constant 0 : index
        %get3A_1043 = tpu.vector_load %arg8[%get3A_1040, %get3A_1041, %get3A_1042] {strides = array<i32>} : memref<2x128x64xi32, #tpu.memory_space<vmem>>, vector<16xi32>,
        %bitcast3A_1044 = vector.bitcast %get3A_1043 : vector<16xi32> to vector<32xbf16>
        %unpack3A_1045 = tpu.unpack_subelements %bitcast3A_1044, 0 {pack_format = #tpu.pack_format<interleaved>} : vector<32xbf16> -> vector<16xf32>
        %unpack3A_1046 = tpu.unpack_subelements %bitcast3A_1044, 1 {pack_format = #tpu.pack_format<interleaved>} : vector<32xbf16> -> vector<16xf32>
        %add3A_1047 = arith.addf %add3A_973, %unpack3A_1045 : vector<16xf32>
        %add3A_1048 = arith.addf %add3A_974, %unpack3A_1046 : vector<16xf32>
        %get3A_1049 = arith.constant 0 : i32
        %get3A_1050 = arith.index_cast %get3A_1049 : i32 to index
        %get3A_1051 = arith.index_cast %add3A_1038 : i32 to index
        %get3A_1052 = arith.constant 16 : index
        %get3A_1053 = tpu.vector_load %arg8[%get3A_1050, %get3A_1051, %get3A_1052] {strides = array<i32>} : memref<2x128x64xi32, #tpu.memory_space<vmem>>, vector<16xi32>,
        %bitcast3A_1054 = vector.bitcast %get3A_1053 : vector<16xi32> to vector<32xbf16>
        %unpack3A_1055 = tpu.unpack_subelements %bitcast3A_1054, 0 {pack_format = #tpu.pack_format<interleaved>} : vector<32xbf16> -> vector<16xf32>
        %unpack3A_1056 = tpu.unpack_subelements %bitcast3A_1054, 1 {pack_format = #tpu.pack_format<interleaved>} : vector<32xbf16> -> vector<16xf32>
        %add3A_1057 = arith.addf %add3A_983, %unpack3A_1055 : vector<16xf32>
        %add3A_1058 = arith.addf %add3A_984, %unpack3A_1056 : vector<16xf32>
        %get3A_1059 = arith.constant 0 : i32
        %get3A_1060 = arith.index_cast %get3A_1059 : i32 to index
        %get3A_1061 = arith.index_cast %add3A_1038 : i32 to index
        %get3A_1062 = arith.constant 32 : index
        %get3A_1063 = tpu.vector_load %arg8[%get3A_1060, %get3A_1061, %get3A_1062] {strides = array<i32>} : memref<2x128x64xi32, #tpu.memory_space<vmem>>, vector<16xi32>,
        %bitcast3A_1064 = vector.bitcast %get3A_1063 : vector<16xi32> to vector<32xbf16>
        %unpack3A_1065 = tpu.unpack_subelements %bitcast3A_1064, 0 {pack_format = #tpu.pack_format<interleaved>} : vector<32xbf16> -> vector<16xf32>
        %unpack3A_1066 = tpu.unpack_subelements %bitcast3A_1064, 1 {pack_format = #tpu.pack_format<interleaved>} : vector<32xbf16> -> vector<16xf32>
        %get3A_1067 = arith.constant 0 : i32
        %get3A_1068 = arith.index_cast %get3A_1067 : i32 to index
        %get3A_1069 = arith.index_cast %add3A_1038 : i32 to index
        %get3A_1070 = arith.constant 0 : index
        %get3A_1071 = tpu.vector_load %arg9[%get3A_1068, %get3A_1069, %get3A_1070] {strides = array<i32>} : memref<2x128x32xi32, #tpu.memory_space<vmem>>, vector<16xi32>,
        %bitcast3A_1072 = vector.bitcast %get3A_1071 : vector<16xi32> to vector<32xbf16>
        %unpack3A_1073 = tpu.unpack_subelements %bitcast3A_1072, 0 {pack_format = #tpu.pack_format<interleaved>} : vector<32xbf16> -> vector<16xf32>
        %unpack3A_1074 = tpu.unpack_subelements %bitcast3A_1072, 1 {pack_format = #tpu.pack_format<interleaved>} : vector<32xbf16> -> vector<16xf32>
        %sub3A_1075 = arith.subf %unpack3A_1073, %unpack3A_1065 : vector<16xf32>
        %max3A_1076 = arith.constant 0.000000e+00 : f32
        %max3A_1077 = vector.broadcast %max3A_1076 : f32 to vector<16xf32>
        %max3A_1078 = arith.maximumf %sub3A_1075, %max3A_1077 : vector<16xf32>
        %add3A_1079 = arith.addf %add3A_1005, %max3A_1078 : vector<16xf32>
        %sub3A_1080 = arith.subf %unpack3A_1074, %unpack3A_1066 : vector<16xf32>
        %max3A_1081 = arith.constant 0.000000e+00 : f32
        %max3A_1082 = vector.broadcast %max3A_1081 : f32 to vector<16xf32>
        %max3A_1083 = arith.maximumf %sub3A_1080, %max3A_1082 : vector<16xf32>
        %add3A_1084 = arith.addf %add3A_1010, %max3A_1083 : vector<16xf32>
        %get3A_1085 = arith.constant 0 : i32
        %get3A_1086 = arith.index_cast %get3A_1085 : i32 to index
        %get3A_1087 = arith.index_cast %add3A_1038 : i32 to index
        %get3A_1088 = arith.constant 48 : index
        %get3A_1089 = tpu.vector_load %arg8[%get3A_1086, %get3A_1087, %get3A_1088] {strides = array<i32>} : memref<2x128x64xi32, #tpu.memory_space<vmem>>, vector<16xi32>,
        %bitcast3A_1090 = vector.bitcast %get3A_1089 : vector<16xi32> to vector<32xbf16>
        %unpack3A_1091 = tpu.unpack_subelements %bitcast3A_1090, 0 {pack_format = #tpu.pack_format<interleaved>} : vector<32xbf16> -> vector<16xf32>
        %unpack3A_1092 = tpu.unpack_subelements %bitcast3A_1090, 1 {pack_format = #tpu.pack_format<interleaved>} : vector<32xbf16> -> vector<16xf32>
        %get3A_1093 = arith.constant 0 : i32
        %get3A_1094 = arith.index_cast %get3A_1093 : i32 to index
        %get3A_1095 = arith.index_cast %add3A_1038 : i32 to index
        %get3A_1096 = arith.constant 16 : index
        %get3A_1097 = tpu.vector_load %arg9[%get3A_1094, %get3A_1095, %get3A_1096] {strides = array<i32>} : memref<2x128x32xi32, #tpu.memory_space<vmem>>, vector<16xi32>,
        %bitcast3A_1098 = vector.bitcast %get3A_1097 : vector<16xi32> to vector<32xbf16>
        %unpack3A_1099 = tpu.unpack_subelements %bitcast3A_1098, 0 {pack_format = #tpu.pack_format<interleaved>} : vector<32xbf16> -> vector<16xf32>
        %unpack3A_1100 = tpu.unpack_subelements %bitcast3A_1098, 1 {pack_format = #tpu.pack_format<interleaved>} : vector<32xbf16> -> vector<16xf32>
        %sub3A_1101 = arith.subf %unpack3A_1099, %unpack3A_1091 : vector<16xf32>
        %max3A_1102 = arith.constant 0.000000e+00 : f32
        %max3A_1103 = vector.broadcast %max3A_1102 : f32 to vector<16xf32>
        %max3A_1104 = arith.maximumf %sub3A_1101, %max3A_1103 : vector<16xf32>
        %add3A_1105 = arith.addf %add3A_1031, %max3A_1104 : vector<16xf32>
        %sub3A_1106 = arith.subf %unpack3A_1100, %unpack3A_1092 : vector<16xf32>
        %max3A_1107 = arith.constant 0.000000e+00 : f32
        %max3A_1108 = vector.broadcast %max3A_1107 : f32 to vector<16xf32>
        %max3A_1109 = arith.maximumf %sub3A_1106, %max3A_1108 : vector<16xf32>
        %add3A_1110 = arith.addf %add3A_1036, %max3A_1109 : vector<16xf32>
        %add3A_1111 = arith.constant 12 : i32
        %add3A_1112 = arith.addi %mul3A_226, %add3A_1111 : i32
        %get3A_1113 = arith.constant 0 : i32
        %get3A_1114 = arith.index_cast %get3A_1113 : i32 to index
        %get3A_1115 = arith.index_cast %add3A_1112 : i32 to index
        %get3A_1116 = arith.constant 0 : index
        %get3A_1117 = tpu.vector_load %arg8[%get3A_1114, %get3A_1115, %get3A_1116] {strides = array<i32>} : memref<2x128x64xi32, #tpu.memory_space<vmem>>, vector<16xi32>,
        %bitcast3A_1118 = vector.bitcast %get3A_1117 : vector<16xi32> to vector<32xbf16>
        %unpack3A_1119 = tpu.unpack_subelements %bitcast3A_1118, 0 {pack_format = #tpu.pack_format<interleaved>} : vector<32xbf16> -> vector<16xf32>
        %unpack3A_1120 = tpu.unpack_subelements %bitcast3A_1118, 1 {pack_format = #tpu.pack_format<interleaved>} : vector<32xbf16> -> vector<16xf32>
        %add3A_1121 = arith.addf %add3A_1047, %unpack3A_1119 : vector<16xf32>
        %add3A_1122 = arith.addf %add3A_1048, %unpack3A_1120 : vector<16xf32>
        %get3A_1123 = arith.constant 0 : i32
        %get3A_1124 = arith.index_cast %get3A_1123 : i32 to index
        %get3A_1125 = arith.index_cast %add3A_1112 : i32 to index
        %get3A_1126 = arith.constant 16 : index
        %get3A_1127 = tpu.vector_load %arg8[%get3A_1124, %get3A_1125, %get3A_1126] {strides = array<i32>} : memref<2x128x64xi32, #tpu.memory_space<vmem>>, vector<16xi32>,
        %bitcast3A_1128 = vector.bitcast %get3A_1127 : vector<16xi32> to vector<32xbf16>
        %unpack3A_1129 = tpu.unpack_subelements %bitcast3A_1128, 0 {pack_format = #tpu.pack_format<interleaved>} : vector<32xbf16> -> vector<16xf32>
        %unpack3A_1130 = tpu.unpack_subelements %bitcast3A_1128, 1 {pack_format = #tpu.pack_format<interleaved>} : vector<32xbf16> -> vector<16xf32>
        %add3A_1131 = arith.addf %add3A_1057, %unpack3A_1129 : vector<16xf32>
        %add3A_1132 = arith.addf %add3A_1058, %unpack3A_1130 : vector<16xf32>
        %get3A_1133 = arith.constant 0 : i32
        %get3A_1134 = arith.index_cast %get3A_1133 : i32 to index
        %get3A_1135 = arith.index_cast %add3A_1112 : i32 to index
        %get3A_1136 = arith.constant 32 : index
        %get3A_1137 = tpu.vector_load %arg8[%get3A_1134, %get3A_1135, %get3A_1136] {strides = array<i32>} : memref<2x128x64xi32, #tpu.memory_space<vmem>>, vector<16xi32>,
        %bitcast3A_1138 = vector.bitcast %get3A_1137 : vector<16xi32> to vector<32xbf16>
        %unpack3A_1139 = tpu.unpack_subelements %bitcast3A_1138, 0 {pack_format = #tpu.pack_format<interleaved>} : vector<32xbf16> -> vector<16xf32>
        %unpack3A_1140 = tpu.unpack_subelements %bitcast3A_1138, 1 {pack_format = #tpu.pack_format<interleaved>} : vector<32xbf16> -> vector<16xf32>
        %get3A_1141 = arith.constant 0 : i32
        %get3A_1142 = arith.index_cast %get3A_1141 : i32 to index
        %get3A_1143 = arith.index_cast %add3A_1112 : i32 to index
        %get3A_1144 = arith.constant 0 : index
        %get3A_1145 = tpu.vector_load %arg9[%get3A_1142, %get3A_1143, %get3A_1144] {strides = array<i32>} : memref<2x128x32xi32, #tpu.memory_space<vmem>>, vector<16xi32>,
        %bitcast3A_1146 = vector.bitcast %get3A_1145 : vector<16xi32> to vector<32xbf16>
        %unpack3A_1147 = tpu.unpack_subelements %bitcast3A_1146, 0 {pack_format = #tpu.pack_format<interleaved>} : vector<32xbf16> -> vector<16xf32>
        %unpack3A_1148 = tpu.unpack_subelements %bitcast3A_1146, 1 {pack_format = #tpu.pack_format<interleaved>} : vector<32xbf16> -> vector<16xf32>
        %sub3A_1149 = arith.subf %unpack3A_1147, %unpack3A_1139 : vector<16xf32>
        %max3A_1150 = arith.constant 0.000000e+00 : f32
        %max3A_1151 = vector.broadcast %max3A_1150 : f32 to vector<16xf32>
        %max3A_1152 = arith.maximumf %sub3A_1149, %max3A_1151 : vector<16xf32>
        %add3A_1153 = arith.addf %add3A_1079, %max3A_1152 : vector<16xf32>
        %sub3A_1154 = arith.subf %unpack3A_1148, %unpack3A_1140 : vector<16xf32>
        %max3A_1155 = arith.constant 0.000000e+00 : f32
        %max3A_1156 = vector.broadcast %max3A_1155 : f32 to vector<16xf32>
        %max3A_1157 = arith.maximumf %sub3A_1154, %max3A_1156 : vector<16xf32>
        %add3A_1158 = arith.addf %add3A_1084, %max3A_1157 : vector<16xf32>
        %get3A_1159 = arith.constant 0 : i32
        %get3A_1160 = arith.index_cast %get3A_1159 : i32 to index
        %get3A_1161 = arith.index_cast %add3A_1112 : i32 to index
        %get3A_1162 = arith.constant 48 : index
        %get3A_1163 = tpu.vector_load %arg8[%get3A_1160, %get3A_1161, %get3A_1162] {strides = array<i32>} : memref<2x128x64xi32, #tpu.memory_space<vmem>>, vector<16xi32>,
        %bitcast3A_1164 = vector.bitcast %get3A_1163 : vector<16xi32> to vector<32xbf16>
        %unpack3A_1165 = tpu.unpack_subelements %bitcast3A_1164, 0 {pack_format = #tpu.pack_format<interleaved>} : vector<32xbf16> -> vector<16xf32>
        %unpack3A_1166 = tpu.unpack_subelements %bitcast3A_1164, 1 {pack_format = #tpu.pack_format<interleaved>} : vector<32xbf16> -> vector<16xf32>
        %get3A_1167 = arith.constant 0 : i32
        %get3A_1168 = arith.index_cast %get3A_1167 : i32 to index
        %get3A_1169 = arith.index_cast %add3A_1112 : i32 to index
        %get3A_1170 = arith.constant 16 : index
        %get3A_1171 = tpu.vector_load %arg9[%get3A_1168, %get3A_1169, %get3A_1170] {strides = array<i32>} : memref<2x128x32xi32, #tpu.memory_space<vmem>>, vector<16xi32>,
        %bitcast3A_1172 = vector.bitcast %get3A_1171 : vector<16xi32> to vector<32xbf16>
        %unpack3A_1173 = tpu.unpack_subelements %bitcast3A_1172, 0 {pack_format = #tpu.pack_format<interleaved>} : vector<32xbf16> -> vector<16xf32>
        %unpack3A_1174 = tpu.unpack_subelements %bitcast3A_1172, 1 {pack_format = #tpu.pack_format<interleaved>} : vector<32xbf16> -> vector<16xf32>
        %sub3A_1175 = arith.subf %unpack3A_1173, %unpack3A_1165 : vector<16xf32>
        %max3A_1176 = arith.constant 0.000000e+00 : f32
        %max3A_1177 = vector.broadcast %max3A_1176 : f32 to vector<16xf32>
        %max3A_1178 = arith.maximumf %sub3A_1175, %max3A_1177 : vector<16xf32>
        %add3A_1179 = arith.addf %add3A_1105, %max3A_1178 : vector<16xf32>
        %sub3A_1180 = arith.subf %unpack3A_1174, %unpack3A_1166 : vector<16xf32>
        %max3A_1181 = arith.constant 0.000000e+00 : f32
        %max3A_1182 = vector.broadcast %max3A_1181 : f32 to vector<16xf32>
        %max3A_1183 = arith.maximumf %sub3A_1180, %max3A_1182 : vector<16xf32>
        %add3A_1184 = arith.addf %add3A_1110, %max3A_1183 : vector<16xf32>
        %add3A_1185 = arith.constant 13 : i32
        %add3A_1186 = arith.addi %mul3A_226, %add3A_1185 : i32
        %get3A_1187 = arith.constant 0 : i32
        %get3A_1188 = arith.index_cast %get3A_1187 : i32 to index
        %get3A_1189 = arith.index_cast %add3A_1186 : i32 to index
        %get3A_1190 = arith.constant 0 : index
        %get3A_1191 = tpu.vector_load %arg8[%get3A_1188, %get3A_1189, %get3A_1190] {strides = array<i32>} : memref<2x128x64xi32, #tpu.memory_space<vmem>>, vector<16xi32>,
        %bitcast3A_1192 = vector.bitcast %get3A_1191 : vector<16xi32> to vector<32xbf16>
        %unpack3A_1193 = tpu.unpack_subelements %bitcast3A_1192, 0 {pack_format = #tpu.pack_format<interleaved>} : vector<32xbf16> -> vector<16xf32>
        %unpack3A_1194 = tpu.unpack_subelements %bitcast3A_1192, 1 {pack_format = #tpu.pack_format<interleaved>} : vector<32xbf16> -> vector<16xf32>
        %add3A_1195 = arith.addf %add3A_1121, %unpack3A_1193 : vector<16xf32>
        %add3A_1196 = arith.addf %add3A_1122, %unpack3A_1194 : vector<16xf32>
        %get3A_1197 = arith.constant 0 : i32
        %get3A_1198 = arith.index_cast %get3A_1197 : i32 to index
        %get3A_1199 = arith.index_cast %add3A_1186 : i32 to index
        %get3A_1200 = arith.constant 16 : index
        %get3A_1201 = tpu.vector_load %arg8[%get3A_1198, %get3A_1199, %get3A_1200] {strides = array<i32>} : memref<2x128x64xi32, #tpu.memory_space<vmem>>, vector<16xi32>,
        %bitcast3A_1202 = vector.bitcast %get3A_1201 : vector<16xi32> to vector<32xbf16>
        %unpack3A_1203 = tpu.unpack_subelements %bitcast3A_1202, 0 {pack_format = #tpu.pack_format<interleaved>} : vector<32xbf16> -> vector<16xf32>
        %unpack3A_1204 = tpu.unpack_subelements %bitcast3A_1202, 1 {pack_format = #tpu.pack_format<interleaved>} : vector<32xbf16> -> vector<16xf32>
        %add3A_1205 = arith.addf %add3A_1131, %unpack3A_1203 : vector<16xf32>
        %add3A_1206 = arith.addf %add3A_1132, %unpack3A_1204 : vector<16xf32>
        %get3A_1207 = arith.constant 0 : i32
        %get3A_1208 = arith.index_cast %get3A_1207 : i32 to index
        %get3A_1209 = arith.index_cast %add3A_1186 : i32 to index
        %get3A_1210 = arith.constant 32 : index
        %get3A_1211 = tpu.vector_load %arg8[%get3A_1208, %get3A_1209, %get3A_1210] {strides = array<i32>} : memref<2x128x64xi32, #tpu.memory_space<vmem>>, vector<16xi32>,
        %bitcast3A_1212 = vector.bitcast %get3A_1211 : vector<16xi32> to vector<32xbf16>
        %unpack3A_1213 = tpu.unpack_subelements %bitcast3A_1212, 0 {pack_format = #tpu.pack_format<interleaved>} : vector<32xbf16> -> vector<16xf32>
        %unpack3A_1214 = tpu.unpack_subelements %bitcast3A_1212, 1 {pack_format = #tpu.pack_format<interleaved>} : vector<32xbf16> -> vector<16xf32>
        %get3A_1215 = arith.constant 0 : i32
        %get3A_1216 = arith.index_cast %get3A_1215 : i32 to index
        %get3A_1217 = arith.index_cast %add3A_1186 : i32 to index
        %get3A_1218 = arith.constant 0 : index
        %get3A_1219 = tpu.vector_load %arg9[%get3A_1216, %get3A_1217, %get3A_1218] {strides = array<i32>} : memref<2x128x32xi32, #tpu.memory_space<vmem>>, vector<16xi32>,
        %bitcast3A_1220 = vector.bitcast %get3A_1219 : vector<16xi32> to vector<32xbf16>
        %unpack3A_1221 = tpu.unpack_subelements %bitcast3A_1220, 0 {pack_format = #tpu.pack_format<interleaved>} : vector<32xbf16> -> vector<16xf32>
        %unpack3A_1222 = tpu.unpack_subelements %bitcast3A_1220, 1 {pack_format = #tpu.pack_format<interleaved>} : vector<32xbf16> -> vector<16xf32>
        %sub3A_1223 = arith.subf %unpack3A_1221, %unpack3A_1213 : vector<16xf32>
        %max3A_1224 = arith.constant 0.000000e+00 : f32
        %max3A_1225 = vector.broadcast %max3A_1224 : f32 to vector<16xf32>
        %max3A_1226 = arith.maximumf %sub3A_1223, %max3A_1225 : vector<16xf32>
        %add3A_1227 = arith.addf %add3A_1153, %max3A_1226 : vector<16xf32>
        %sub3A_1228 = arith.subf %unpack3A_1222, %unpack3A_1214 : vector<16xf32>
        %max3A_1229 = arith.constant 0.000000e+00 : f32
        %max3A_1230 = vector.broadcast %max3A_1229 : f32 to vector<16xf32>
        %max3A_1231 = arith.maximumf %sub3A_1228, %max3A_1230 : vector<16xf32>
        %add3A_1232 = arith.addf %add3A_1158, %max3A_1231 : vector<16xf32>
        %get3A_1233 = arith.constant 0 : i32
        %get3A_1234 = arith.index_cast %get3A_1233 : i32 to index
        %get3A_1235 = arith.index_cast %add3A_1186 : i32 to index
        %get3A_1236 = arith.constant 48 : index
        %get3A_1237 = tpu.vector_load %arg8[%get3A_1234, %get3A_1235, %get3A_1236] {strides = array<i32>} : memref<2x128x64xi32, #tpu.memory_space<vmem>>, vector<16xi32>,
        %bitcast3A_1238 = vector.bitcast %get3A_1237 : vector<16xi32> to vector<32xbf16>
        %unpack3A_1239 = tpu.unpack_subelements %bitcast3A_1238, 0 {pack_format = #tpu.pack_format<interleaved>} : vector<32xbf16> -> vector<16xf32>
        %unpack3A_1240 = tpu.unpack_subelements %bitcast3A_1238, 1 {pack_format = #tpu.pack_format<interleaved>} : vector<32xbf16> -> vector<16xf32>
        %get3A_1241 = arith.constant 0 : i32
        %get3A_1242 = arith.index_cast %get3A_1241 : i32 to index
        %get3A_1243 = arith.index_cast %add3A_1186 : i32 to index
        %get3A_1244 = arith.constant 16 : index
        %get3A_1245 = tpu.vector_load %arg9[%get3A_1242, %get3A_1243, %get3A_1244] {strides = array<i32>} : memref<2x128x32xi32, #tpu.memory_space<vmem>>, vector<16xi32>,
        %bitcast3A_1246 = vector.bitcast %get3A_1245 : vector<16xi32> to vector<32xbf16>
        %unpack3A_1247 = tpu.unpack_subelements %bitcast3A_1246, 0 {pack_format = #tpu.pack_format<interleaved>} : vector<32xbf16> -> vector<16xf32>
        %unpack3A_1248 = tpu.unpack_subelements %bitcast3A_1246, 1 {pack_format = #tpu.pack_format<interleaved>} : vector<32xbf16> -> vector<16xf32>
        %sub3A_1249 = arith.subf %unpack3A_1247, %unpack3A_1239 : vector<16xf32>
        %max3A_1250 = arith.constant 0.000000e+00 : f32
        %max3A_1251 = vector.broadcast %max3A_1250 : f32 to vector<16xf32>
        %max3A_1252 = arith.maximumf %sub3A_1249, %max3A_1251 : vector<16xf32>
        %add3A_1253 = arith.addf %add3A_1179, %max3A_1252 : vector<16xf32>
        %sub3A_1254 = arith.subf %unpack3A_1248, %unpack3A_1240 : vector<16xf32>
        %max3A_1255 = arith.constant 0.000000e+00 : f32
        %max3A_1256 = vector.broadcast %max3A_1255 : f32 to vector<16xf32>
        %max3A_1257 = arith.maximumf %sub3A_1254, %max3A_1256 : vector<16xf32>
        %add3A_1258 = arith.addf %add3A_1184, %max3A_1257 : vector<16xf32>
        %add3A_1259 = arith.constant 14 : i32
        %add3A_1260 = arith.addi %mul3A_226, %add3A_1259 : i32
        %get3A_1261 = arith.constant 0 : i32
        %get3A_1262 = arith.index_cast %get3A_1261 : i32 to index
        %get3A_1263 = arith.index_cast %add3A_1260 : i32 to index
        %get3A_1264 = arith.constant 0 : index
        %get3A_1265 = tpu.vector_load %arg8[%get3A_1262, %get3A_1263, %get3A_1264] {strides = array<i32>} : memref<2x128x64xi32, #tpu.memory_space<vmem>>, vector<16xi32>,
        %bitcast3A_1266 = vector.bitcast %get3A_1265 : vector<16xi32> to vector<32xbf16>
        %unpack3A_1267 = tpu.unpack_subelements %bitcast3A_1266, 0 {pack_format = #tpu.pack_format<interleaved>} : vector<32xbf16> -> vector<16xf32>
        %unpack3A_1268 = tpu.unpack_subelements %bitcast3A_1266, 1 {pack_format = #tpu.pack_format<interleaved>} : vector<32xbf16> -> vector<16xf32>
        %add3A_1269 = arith.addf %add3A_1195, %unpack3A_1267 : vector<16xf32>
        %add3A_1270 = arith.addf %add3A_1196, %unpack3A_1268 : vector<16xf32>
        %get3A_1271 = arith.constant 0 : i32
        %get3A_1272 = arith.index_cast %get3A_1271 : i32 to index
        %get3A_1273 = arith.index_cast %add3A_1260 : i32 to index
        %get3A_1274 = arith.constant 16 : index
        %get3A_1275 = tpu.vector_load %arg8[%get3A_1272, %get3A_1273, %get3A_1274] {strides = array<i32>} : memref<2x128x64xi32, #tpu.memory_space<vmem>>, vector<16xi32>,
        %bitcast3A_1276 = vector.bitcast %get3A_1275 : vector<16xi32> to vector<32xbf16>
        %unpack3A_1277 = tpu.unpack_subelements %bitcast3A_1276, 0 {pack_format = #tpu.pack_format<interleaved>} : vector<32xbf16> -> vector<16xf32>
        %unpack3A_1278 = tpu.unpack_subelements %bitcast3A_1276, 1 {pack_format = #tpu.pack_format<interleaved>} : vector<32xbf16> -> vector<16xf32>
        %add3A_1279 = arith.addf %add3A_1205, %unpack3A_1277 : vector<16xf32>
        %add3A_1280 = arith.addf %add3A_1206, %unpack3A_1278 : vector<16xf32>
        %get3A_1281 = arith.constant 0 : i32
        %get3A_1282 = arith.index_cast %get3A_1281 : i32 to index
        %get3A_1283 = arith.index_cast %add3A_1260 : i32 to index
        %get3A_1284 = arith.constant 32 : index
        %get3A_1285 = tpu.vector_load %arg8[%get3A_1282, %get3A_1283, %get3A_1284] {strides = array<i32>} : memref<2x128x64xi32, #tpu.memory_space<vmem>>, vector<16xi32>,
        %bitcast3A_1286 = vector.bitcast %get3A_1285 : vector<16xi32> to vector<32xbf16>
        %unpack3A_1287 = tpu.unpack_subelements %bitcast3A_1286, 0 {pack_format = #tpu.pack_format<interleaved>} : vector<32xbf16> -> vector<16xf32>
        %unpack3A_1288 = tpu.unpack_subelements %bitcast3A_1286, 1 {pack_format = #tpu.pack_format<interleaved>} : vector<32xbf16> -> vector<16xf32>
        %get3A_1289 = arith.constant 0 : i32
        %get3A_1290 = arith.index_cast %get3A_1289 : i32 to index
        %get3A_1291 = arith.index_cast %add3A_1260 : i32 to index
        %get3A_1292 = arith.constant 0 : index
        %get3A_1293 = tpu.vector_load %arg9[%get3A_1290, %get3A_1291, %get3A_1292] {strides = array<i32>} : memref<2x128x32xi32, #tpu.memory_space<vmem>>, vector<16xi32>,
        %bitcast3A_1294 = vector.bitcast %get3A_1293 : vector<16xi32> to vector<32xbf16>
        %unpack3A_1295 = tpu.unpack_subelements %bitcast3A_1294, 0 {pack_format = #tpu.pack_format<interleaved>} : vector<32xbf16> -> vector<16xf32>
        %unpack3A_1296 = tpu.unpack_subelements %bitcast3A_1294, 1 {pack_format = #tpu.pack_format<interleaved>} : vector<32xbf16> -> vector<16xf32>
        %sub3A_1297 = arith.subf %unpack3A_1295, %unpack3A_1287 : vector<16xf32>
        %max3A_1298 = arith.constant 0.000000e+00 : f32
        %max3A_1299 = vector.broadcast %max3A_1298 : f32 to vector<16xf32>
        %max3A_1300 = arith.maximumf %sub3A_1297, %max3A_1299 : vector<16xf32>
        %add3A_1301 = arith.addf %add3A_1227, %max3A_1300 : vector<16xf32>
        %sub3A_1302 = arith.subf %unpack3A_1296, %unpack3A_1288 : vector<16xf32>
        %max3A_1303 = arith.constant 0.000000e+00 : f32
        %max3A_1304 = vector.broadcast %max3A_1303 : f32 to vector<16xf32>
        %max3A_1305 = arith.maximumf %sub3A_1302, %max3A_1304 : vector<16xf32>
        %add3A_1306 = arith.addf %add3A_1232, %max3A_1305 : vector<16xf32>
        %get3A_1307 = arith.constant 0 : i32
        %get3A_1308 = arith.index_cast %get3A_1307 : i32 to index
        %get3A_1309 = arith.index_cast %add3A_1260 : i32 to index
        %get3A_1310 = arith.constant 48 : index
        %get3A_1311 = tpu.vector_load %arg8[%get3A_1308, %get3A_1309, %get3A_1310] {strides = array<i32>} : memref<2x128x64xi32, #tpu.memory_space<vmem>>, vector<16xi32>,
        %bitcast3A_1312 = vector.bitcast %get3A_1311 : vector<16xi32> to vector<32xbf16>
        %unpack3A_1313 = tpu.unpack_subelements %bitcast3A_1312, 0 {pack_format = #tpu.pack_format<interleaved>} : vector<32xbf16> -> vector<16xf32>
        %unpack3A_1314 = tpu.unpack_subelements %bitcast3A_1312, 1 {pack_format = #tpu.pack_format<interleaved>} : vector<32xbf16> -> vector<16xf32>
        %get3A_1315 = arith.constant 0 : i32
        %get3A_1316 = arith.index_cast %get3A_1315 : i32 to index
        %get3A_1317 = arith.index_cast %add3A_1260 : i32 to index
        %get3A_1318 = arith.constant 16 : index
        %get3A_1319 = tpu.vector_load %arg9[%get3A_1316, %get3A_1317, %get3A_1318] {strides = array<i32>} : memref<2x128x32xi32, #tpu.memory_space<vmem>>, vector<16xi32>,
        %bitcast3A_1320 = vector.bitcast %get3A_1319 : vector<16xi32> to vector<32xbf16>
        %unpack3A_1321 = tpu.unpack_subelements %bitcast3A_1320, 0 {pack_format = #tpu.pack_format<interleaved>} : vector<32xbf16> -> vector<16xf32>
        %unpack3A_1322 = tpu.unpack_subelements %bitcast3A_1320, 1 {pack_format = #tpu.pack_format<interleaved>} : vector<32xbf16> -> vector<16xf32>
        %sub3A_1323 = arith.subf %unpack3A_1321, %unpack3A_1313 : vector<16xf32>
        %max3A_1324 = arith.constant 0.000000e+00 : f32
        %max3A_1325 = vector.broadcast %max3A_1324 : f32 to vector<16xf32>
        %max3A_1326 = arith.maximumf %sub3A_1323, %max3A_1325 : vector<16xf32>
        %add3A_1327 = arith.addf %add3A_1253, %max3A_1326 : vector<16xf32>
        %sub3A_1328 = arith.subf %unpack3A_1322, %unpack3A_1314 : vector<16xf32>
        %max3A_1329 = arith.constant 0.000000e+00 : f32
        %max3A_1330 = vector.broadcast %max3A_1329 : f32 to vector<16xf32>
        %max3A_1331 = arith.maximumf %sub3A_1328, %max3A_1330 : vector<16xf32>
        %add3A_1332 = arith.addf %add3A_1258, %max3A_1331 : vector<16xf32>
        %add3A_1333 = arith.constant 15 : i32
        %add3A_1334 = arith.addi %mul3A_226, %add3A_1333 : i32
        %get3A_1335 = arith.constant 0 : i32
        %get3A_1336 = arith.index_cast %get3A_1335 : i32 to index
        %get3A_1337 = arith.index_cast %add3A_1334 : i32 to index
        %get3A_1338 = arith.constant 0 : index
        %get3A_1339 = tpu.vector_load %arg8[%get3A_1336, %get3A_1337, %get3A_1338] {strides = array<i32>} : memref<2x128x64xi32, #tpu.memory_space<vmem>>, vector<16xi32>,
        %bitcast3A_1340 = vector.bitcast %get3A_1339 : vector<16xi32> to vector<32xbf16>
        %unpack3A_1341 = tpu.unpack_subelements %bitcast3A_1340, 0 {pack_format = #tpu.pack_format<interleaved>} : vector<32xbf16> -> vector<16xf32>
        %unpack3A_1342 = tpu.unpack_subelements %bitcast3A_1340, 1 {pack_format = #tpu.pack_format<interleaved>} : vector<32xbf16> -> vector<16xf32>
        %add3A_1343 = arith.addf %add3A_1269, %unpack3A_1341 : vector<16xf32>
        %add3A_1344 = arith.addf %add3A_1270, %unpack3A_1342 : vector<16xf32>
        %get3A_1345 = arith.constant 0 : i32
        %get3A_1346 = arith.index_cast %get3A_1345 : i32 to index
        %get3A_1347 = arith.index_cast %add3A_1334 : i32 to index
        %get3A_1348 = arith.constant 16 : index
        %get3A_1349 = tpu.vector_load %arg8[%get3A_1346, %get3A_1347, %get3A_1348] {strides = array<i32>} : memref<2x128x64xi32, #tpu.memory_space<vmem>>, vector<16xi32>,
        %bitcast3A_1350 = vector.bitcast %get3A_1349 : vector<16xi32> to vector<32xbf16>
        %unpack3A_1351 = tpu.unpack_subelements %bitcast3A_1350, 0 {pack_format = #tpu.pack_format<interleaved>} : vector<32xbf16> -> vector<16xf32>
        %unpack3A_1352 = tpu.unpack_subelements %bitcast3A_1350, 1 {pack_format = #tpu.pack_format<interleaved>} : vector<32xbf16> -> vector<16xf32>
        %add3A_1353 = arith.addf %add3A_1279, %unpack3A_1351 : vector<16xf32>
        %add3A_1354 = arith.addf %add3A_1280, %unpack3A_1352 : vector<16xf32>
        %get3A_1355 = arith.constant 0 : i32
        %get3A_1356 = arith.index_cast %get3A_1355 : i32 to index
        %get3A_1357 = arith.index_cast %add3A_1334 : i32 to index
        %get3A_1358 = arith.constant 32 : index
        %get3A_1359 = tpu.vector_load %arg8[%get3A_1356, %get3A_1357, %get3A_1358] {strides = array<i32>} : memref<2x128x64xi32, #tpu.memory_space<vmem>>, vector<16xi32>,
        %bitcast3A_1360 = vector.bitcast %get3A_1359 : vector<16xi32> to vector<32xbf16>
        %unpack3A_1361 = tpu.unpack_subelements %bitcast3A_1360, 0 {pack_format = #tpu.pack_format<interleaved>} : vector<32xbf16> -> vector<16xf32>
        %unpack3A_1362 = tpu.unpack_subelements %bitcast3A_1360, 1 {pack_format = #tpu.pack_format<interleaved>} : vector<32xbf16> -> vector<16xf32>
        %get3A_1363 = arith.constant 0 : i32
        %get3A_1364 = arith.index_cast %get3A_1363 : i32 to index
        %get3A_1365 = arith.index_cast %add3A_1334 : i32 to index
        %get3A_1366 = arith.constant 0 : index
        %get3A_1367 = tpu.vector_load %arg9[%get3A_1364, %get3A_1365, %get3A_1366] {strides = array<i32>} : memref<2x128x32xi32, #tpu.memory_space<vmem>>, vector<16xi32>,
        %bitcast3A_1368 = vector.bitcast %get3A_1367 : vector<16xi32> to vector<32xbf16>
        %unpack3A_1369 = tpu.unpack_subelements %bitcast3A_1368, 0 {pack_format = #tpu.pack_format<interleaved>} : vector<32xbf16> -> vector<16xf32>
        %unpack3A_1370 = tpu.unpack_subelements %bitcast3A_1368, 1 {pack_format = #tpu.pack_format<interleaved>} : vector<32xbf16> -> vector<16xf32>
        %sub3A_1371 = arith.subf %unpack3A_1369, %unpack3A_1361 : vector<16xf32>
        %max3A_1372 = arith.constant 0.000000e+00 : f32
        %max3A_1373 = vector.broadcast %max3A_1372 : f32 to vector<16xf32>
        %max3A_1374 = arith.maximumf %sub3A_1371, %max3A_1373 : vector<16xf32>
        %add3A_1375 = arith.addf %add3A_1301, %max3A_1374 : vector<16xf32>
        %sub3A_1376 = arith.subf %unpack3A_1370, %unpack3A_1362 : vector<16xf32>
        %max3A_1377 = arith.constant 0.000000e+00 : f32
        %max3A_1378 = vector.broadcast %max3A_1377 : f32 to vector<16xf32>
        %max3A_1379 = arith.maximumf %sub3A_1376, %max3A_1378 : vector<16xf32>
        %add3A_1380 = arith.addf %add3A_1306, %max3A_1379 : vector<16xf32>
        %get3A_1381 = arith.constant 0 : i32
        %get3A_1382 = arith.index_cast %get3A_1381 : i32 to index
        %get3A_1383 = arith.index_cast %add3A_1334 : i32 to index
        %get3A_1384 = arith.constant 48 : index
        %get3A_1385 = tpu.vector_load %arg8[%get3A_1382, %get3A_1383, %get3A_1384] {strides = array<i32>} : memref<2x128x64xi32, #tpu.memory_space<vmem>>, vector<16xi32>,
        %bitcast3A_1386 = vector.bitcast %get3A_1385 : vector<16xi32> to vector<32xbf16>
        %unpack3A_1387 = tpu.unpack_subelements %bitcast3A_1386, 0 {pack_format = #tpu.pack_format<interleaved>} : vector<32xbf16> -> vector<16xf32>
        %unpack3A_1388 = tpu.unpack_subelements %bitcast3A_1386, 1 {pack_format = #tpu.pack_format<interleaved>} : vector<32xbf16> -> vector<16xf32>
        %get3A_1389 = arith.constant 0 : i32
        %get3A_1390 = arith.index_cast %get3A_1389 : i32 to index
        %get3A_1391 = arith.index_cast %add3A_1334 : i32 to index
        %get3A_1392 = arith.constant 16 : index
        %get3A_1393 = tpu.vector_load %arg9[%get3A_1390, %get3A_1391, %get3A_1392] {strides = array<i32>} : memref<2x128x32xi32, #tpu.memory_space<vmem>>, vector<16xi32>,
        %bitcast3A_1394 = vector.bitcast %get3A_1393 : vector<16xi32> to vector<32xbf16>
        %unpack3A_1395 = tpu.unpack_subelements %bitcast3A_1394, 0 {pack_format = #tpu.pack_format<interleaved>} : vector<32xbf16> -> vector<16xf32>
        %unpack3A_1396 = tpu.unpack_subelements %bitcast3A_1394, 1 {pack_format = #tpu.pack_format<interleaved>} : vector<32xbf16> -> vector<16xf32>
        %sub3A_1397 = arith.subf %unpack3A_1395, %unpack3A_1387 : vector<16xf32>
        %max3A_1398 = arith.constant 0.000000e+00 : f32
        %max3A_1399 = vector.broadcast %max3A_1398 : f32 to vector<16xf32>
        %max3A_1400 = arith.maximumf %sub3A_1397, %max3A_1399 : vector<16xf32>
        %add3A_1401 = arith.addf %add3A_1327, %max3A_1400 : vector<16xf32>
        %sub3A_1402 = arith.subf %unpack3A_1396, %unpack3A_1388 : vector<16xf32>
        %max3A_1403 = arith.constant 0.000000e+00 : f32
        %max3A_1404 = vector.broadcast %max3A_1403 : f32 to vector<16xf32>
        %max3A_1405 = arith.maximumf %sub3A_1402, %max3A_1404 : vector<16xf32>
        %add3A_1406 = arith.addf %add3A_1332, %max3A_1405 : vector<16xf32>
        %mul3A_1407 = arith.constant 6.250000e-02 : f32
        %mul3A_1408 = vector.broadcast %mul3A_1407 : f32 to vector<16xf32>
        %mul3A_1409 = arith.mulf %add3A_1343, %mul3A_1408 : vector<16xf32>
        %swap3A = arith.constant 0 : i32
        %swap3A_1410 = arith.index_cast %swap3A : i32 to index
        %swap3A_1411 = arith.index_cast %scan3A_208 : i32 to index
        %swap3A_1412 = arith.constant 0 : index
        %swap3A_1413 = tpu.vector_load %arg10[%swap3A_1410, %swap3A_1411, %swap3A_1412] {strides = array<i32>} : memref<2x8x128xf32, #tpu.memory_space<vmem>>, vector<16xf32>,
        tpu.vector_store %arg10[%swap3A_1410, %swap3A_1411, %swap3A_1412], %mul3A_1409 {strides = array<i32>} : memref<2x8x128xf32, #tpu.memory_space<vmem>>, vector<16xf32>,
        %mul3A_1414 = arith.constant 6.250000e-02 : f32
        %mul3A_1415 = vector.broadcast %mul3A_1414 : f32 to vector<16xf32>
        %mul3A_1416 = arith.mulf %add3A_1344, %mul3A_1415 : vector<16xf32>
        %swap3A_1417 = arith.constant 0 : i32
        %swap3A_1418 = arith.index_cast %swap3A_1417 : i32 to index
        %swap3A_1419 = arith.index_cast %scan3A_208 : i32 to index
        %swap3A_1420 = arith.constant 16 : index
        %swap3A_1421 = tpu.vector_load %arg10[%swap3A_1418, %swap3A_1419, %swap3A_1420] {strides = array<i32>} : memref<2x8x128xf32, #tpu.memory_space<vmem>>, vector<16xf32>,
        tpu.vector_store %arg10[%swap3A_1418, %swap3A_1419, %swap3A_1420], %mul3A_1416 {strides = array<i32>} : memref<2x8x128xf32, #tpu.memory_space<vmem>>, vector<16xf32>,
        %mul3A_1422 = arith.constant 6.250000e-02 : f32
        %mul3A_1423 = vector.broadcast %mul3A_1422 : f32 to vector<16xf32>
        %mul3A_1424 = arith.mulf %add3A_1353, %mul3A_1423 : vector<16xf32>
        %swap3A_1425 = arith.constant 0 : i32
        %swap3A_1426 = arith.index_cast %swap3A_1425 : i32 to index
        %swap3A_1427 = arith.index_cast %scan3A_208 : i32 to index
        %swap3A_1428 = arith.constant 32 : index
        %swap3A_1429 = tpu.vector_load %arg10[%swap3A_1426, %swap3A_1427, %swap3A_1428] {strides = array<i32>} : memref<2x8x128xf32, #tpu.memory_space<vmem>>, vector<16xf32>,
        tpu.vector_store %arg10[%swap3A_1426, %swap3A_1427, %swap3A_1428], %mul3A_1424 {strides = array<i32>} : memref<2x8x128xf32, #tpu.memory_space<vmem>>, vector<16xf32>,
        %mul3A_1430 = arith.constant 6.250000e-02 : f32
        %mul3A_1431 = vector.broadcast %mul3A_1430 : f32 to vector<16xf32>
        %mul3A_1432 = arith.mulf %add3A_1354, %mul3A_1431 : vector<16xf32>
        %swap3A_1433 = arith.constant 0 : i32
        %swap3A_1434 = arith.index_cast %swap3A_1433 : i32 to index
        %swap3A_1435 = arith.index_cast %scan3A_208 : i32 to index
        %swap3A_1436 = arith.constant 48 : index
        %swap3A_1437 = tpu.vector_load %arg10[%swap3A_1434, %swap3A_1435, %swap3A_1436] {strides = array<i32>} : memref<2x8x128xf32, #tpu.memory_space<vmem>>, vector<16xf32>,
        tpu.vector_store %arg10[%swap3A_1434, %swap3A_1435, %swap3A_1436], %mul3A_1432 {strides = array<i32>} : memref<2x8x128xf32, #tpu.memory_space<vmem>>, vector<16xf32>,
        %mul3A_1438 = arith.constant 6.250000e-02 : f32
        %mul3A_1439 = vector.broadcast %mul3A_1438 : f32 to vector<16xf32>
        %mul3A_1440 = arith.mulf %add3A_1375, %mul3A_1439 : vector<16xf32>
        %swap3A_1441 = arith.constant 0 : i32
        %swap3A_1442 = arith.index_cast %swap3A_1441 : i32 to index
        %swap3A_1443 = arith.index_cast %scan3A_208 : i32 to index
        %swap3A_1444 = arith.constant 64 : index
        %swap3A_1445 = tpu.vector_load %arg10[%swap3A_1442, %swap3A_1443, %swap3A_1444] {strides = array<i32>} : memref<2x8x128xf32, #tpu.memory_space<vmem>>, vector<16xf32>,
        tpu.vector_store %arg10[%swap3A_1442, %swap3A_1443, %swap3A_1444], %mul3A_1440 {strides = array<i32>} : memref<2x8x128xf32, #tpu.memory_space<vmem>>, vector<16xf32>,
        %mul3A_1446 = arith.constant 6.250000e-02 : f32
        %mul3A_1447 = vector.broadcast %mul3A_1446 : f32 to vector<16xf32>
        %mul3A_1448 = arith.mulf %add3A_1380, %mul3A_1447 : vector<16xf32>
        %swap3A_1449 = arith.constant 0 : i32
        %swap3A_1450 = arith.index_cast %swap3A_1449 : i32 to index
        %swap3A_1451 = arith.index_cast %scan3A_208 : i32 to index
        %swap3A_1452 = arith.constant 80 : index
        %swap3A_1453 = tpu.vector_load %arg10[%swap3A_1450, %swap3A_1451, %swap3A_1452] {strides = array<i32>} : memref<2x8x128xf32, #tpu.memory_space<vmem>>, vector<16xf32>,
        tpu.vector_store %arg10[%swap3A_1450, %swap3A_1451, %swap3A_1452], %mul3A_1448 {strides = array<i32>} : memref<2x8x128xf32, #tpu.memory_space<vmem>>, vector<16xf32>,
        %mul3A_1454 = arith.constant 6.250000e-02 : f32
        %mul3A_1455 = vector.broadcast %mul3A_1454 : f32 to vector<16xf32>
        %mul3A_1456 = arith.mulf %add3A_1401, %mul3A_1455 : vector<16xf32>
        %swap3A_1457 = arith.constant 0 : i32
        %swap3A_1458 = arith.index_cast %swap3A_1457 : i32 to index
        %swap3A_1459 = arith.index_cast %scan3A_208 : i32 to index
        %swap3A_1460 = arith.constant 96 : index
        %swap3A_1461 = tpu.vector_load %arg10[%swap3A_1458, %swap3A_1459, %swap3A_1460] {strides = array<i32>} : memref<2x8x128xf32, #tpu.memory_space<vmem>>, vector<16xf32>,
        tpu.vector_store %arg10[%swap3A_1458, %swap3A_1459, %swap3A_1460], %mul3A_1456 {strides = array<i32>} : memref<2x8x128xf32, #tpu.memory_space<vmem>>, vector<16xf32>,
        %mul3A_1462 = arith.constant 6.250000e-02 : f32
        %mul3A_1463 = vector.broadcast %mul3A_1462 : f32 to vector<16xf32>
        %mul3A_1464 = arith.mulf %add3A_1406, %mul3A_1463 : vector<16xf32>
        %swap3A_1465 = arith.constant 0 : i32
        %swap3A_1466 = arith.index_cast %swap3A_1465 : i32 to index
        %swap3A_1467 = arith.index_cast %scan3A_208 : i32 to index
        %swap3A_1468 = arith.constant 112 : index
        %swap3A_1469 = tpu.vector_load %arg10[%swap3A_1466, %swap3A_1467, %swap3A_1468] {strides = array<i32>} : memref<2x8x128xf32, #tpu.memory_space<vmem>>, vector<16xf32>,
        tpu.vector_store %arg10[%swap3A_1466, %swap3A_1467, %swap3A_1468], %mul3A_1464 {strides = array<i32>} : memref<2x8x128xf32, #tpu.memory_space<vmem>>, vector<16xf32>,
        %scan3A_1470 = arith.constant 0 : i32
        scf.yield %scan3A_1470 : i32
      }
      %scan3A_123 = arith.constant 8 : i32
      %mul3A_124 = arith.constant 8 : i32
      %mul3A_125 = arith.muli %add3A_92, %mul3A_124 : i32
      %add3A_126 = arith.addi %mul3A_4, %mul3A_125 : i32
      %dma_start3A_127 = arith.constant 0 : i32
      %dma_start3A_128 = arith.constant 0 : i32
      %dma_start3A_129 = arith.constant 0 : i32
      %dma_start3A_130 = tpu.memref_slice %arg10[%dma_start3A_127, %dma_start3A_128, %dma_start3A_129] : memref<2x8x128xf32, #tpu.memory_space<vmem>> -> memref<1x8x128xf32, #tpu.memory_space<vmem>>
      %dma_start3A_131 = tpu.memref_squeeze %dma_start3A_130 : memref<1x8x128xf32, #tpu.memory_space<vmem>> -> memref<8x128xf32, #tpu.memory_space<vmem>>
      %dma_start3A_132 = arith.constant 0 : i32
      %dma_start3A_133 = tpu.memref_slice %arg5[%add3A_126, %dma_start3A_132] : memref<10240x128xf32, #tpu.memory_space<hbm>> -> memref<8x128xf32, #tpu.memory_space<hbm>>
      %dma_start3A_134 = arith.constant 0 : i32
      %dma_start3A_135 = tpu.memref_slice %arg5[%add3A_126, %dma_start3A_134] : memref<10240x128xf32, #tpu.memory_space<hbm>> -> memref<8x128xf32, #tpu.memory_space<hbm>>
      %dma_start3A_136 = arith.constant 0 : i32
      %dma_start3A_137 = arith.constant 0 : i32
      %dma_start3A_138 = tpu.memref_slice %arg10[%dma_start3A_127, %dma_start3A_136, %dma_start3A_137] : memref<2x8x128xf32, #tpu.memory_space<vmem>> -> memref<1x8x128xf32, #tpu.memory_space<vmem>>
      %dma_start3A_139 = tpu.memref_squeeze %dma_start3A_138 : memref<1x8x128xf32, #tpu.memory_space<vmem>> -> memref<8x128xf32, #tpu.memory_space<vmem>>
      tpu.enqueue_dma source(%dma_start3A_139 : memref<8x128xf32, #tpu.memory_space<vmem>>) target(%dma_start3A_135 : memref<8x128xf32, #tpu.memory_space<hbm>>) target_semaphore(%arg15 : memref<!tpu.dma_semaphore, #tpu.memory_space<semaphore_mem>>)
      %add3A_140 = arith.constant 2 : i32
      %add3A_141 = arith.addi %add3A_92, %add3A_140 : i32
      %lt3A = arith.constant 40 : i32
      %lt3A_142 = arith.cmpi slt, %add3A_141, %lt3A : i32
      %convert_element_type3A_143 = arith.extui %lt3A_142 : i1 to i32
      %cond3A_144 = arith.constant 0 : i32
      %cond3A_145 = arith.cmpi ne, %convert_element_type3A_143, %cond3A_144 : i32
      scf.if %cond3A_145 {
        %add3A_208 = arith.constant 2 : i32
        %add3A_209 = arith.addi %add3A_92, %add3A_208 : i32
        %dma_start3A_210 = arith.constant 0 : i32
        %dma_start3A_211 = arith.constant 0 : i32
        %dma_start3A_212 = arith.constant 0 : i32
        %dma_start3A_213 = tpu.memref_slice %arg8[%dma_start3A_210, %dma_start3A_211, %dma_start3A_212] : memref<2x128x64xi32, #tpu.memory_space<vmem>> -> memref<1x128x64xi32, #tpu.memory_space<vmem>>
        %dma_start3A_214 = tpu.memref_squeeze %dma_start3A_213 : memref<1x128x64xi32, #tpu.memory_space<vmem>> -> memref<128x64xi32, #tpu.memory_space<vmem>>
        %dma_start3A_215 = arith.constant 0 : i32
        %dma_start3A_216 = tpu.memref_slice %arg6[%add3A_209, %dma_start3A_215] : memref<40x128xi32, #tpu.memory_space<vmem>> -> memref<1x128xi32, #tpu.memory_space<vmem>>
        %dma_start3A_217 = tpu.memref_squeeze %dma_start3A_216 : memref<1x128xi32, #tpu.memory_space<vmem>> -> memref<128xi32, #tpu.memory_space<vmem>>
        %dma_start3A_218 = arith.constant 0 : i32
        %dma_start3A_219 = arith.constant 0 : i32
        %dma_start3A_220 = tpu.memref_slice %arg2[%dma_start3A_218, %dma_start3A_219] : memref<10000x64xi32, #tpu.memory_space<hbm>> -> memref<10000x64xi32, #tpu.memory_space<hbm>>
        tpu.enqueue_indirect_dma source(%dma_start3A_220 : memref<10000x64xi32, #tpu.memory_space<hbm>>) target(%dma_start3A_214 : memref<128x64xi32, #tpu.memory_space<vmem>>) offsets(%dma_start3A_217 : memref<128xi32, #tpu.memory_space<vmem>>) semaphore(%arg11 : memref<!tpu.dma_semaphore, #tpu.memory_space<semaphore_mem>>)
        %dma_start3A_221 = arith.constant 0 : i32
        %dma_start3A_222 = arith.constant 0 : i32
        %dma_start3A_223 = arith.constant 0 : i32
        %dma_start3A_224 = tpu.memref_slice %arg9[%dma_start3A_221, %dma_start3A_222, %dma_start3A_223] : memref<2x128x32xi32, #tpu.memory_space<vmem>> -> memref<1x128x32xi32, #tpu.memory_space<vmem>>
        %dma_start3A_225 = tpu.memref_squeeze %dma_start3A_224 : memref<1x128x32xi32, #tpu.memory_space<vmem>> -> memref<128x32xi32, #tpu.memory_space<vmem>>
        %dma_start3A_226 = arith.constant 0 : i32
        %dma_start3A_227 = tpu.memref_slice %arg7[%add3A_209, %dma_start3A_226] : memref<40x128xi32, #tpu.memory_space<vmem>> -> memref<1x128xi32, #tpu.memory_space<vmem>>
        %dma_start3A_228 = tpu.memref_squeeze %dma_start3A_227 : memref<1x128xi32, #tpu.memory_space<vmem>> -> memref<128xi32, #tpu.memory_space<vmem>>
        %dma_start3A_229 = arith.constant 0 : i32
        %dma_start3A_230 = arith.constant 0 : i32
        %dma_start3A_231 = tpu.memref_slice %arg3[%dma_start3A_229, %dma_start3A_230] : memref<10000x32xi32, #tpu.memory_space<hbm>> -> memref<10000x32xi32, #tpu.memory_space<hbm>>
        tpu.enqueue_indirect_dma source(%dma_start3A_231 : memref<10000x32xi32, #tpu.memory_space<hbm>>) target(%dma_start3A_225 : memref<128x32xi32, #tpu.memory_space<vmem>>) offsets(%dma_start3A_228 : memref<128xi32, #tpu.memory_space<vmem>>) semaphore(%arg13 : memref<!tpu.dma_semaphore, #tpu.memory_space<semaphore_mem>>)
      } else {
      }
      %mul3A_146 = arith.constant 2 : i32
      %mul3A_147 = arith.muli %scan3A_87, %mul3A_146 : i32
      %add3A_148 = arith.constant 1 : i32
      %add3A_149 = arith.addi %mul3A_147, %add3A_148 : i32
      %dma_wait3A_150 = arith.constant 1 : i32
      %dma_wait3A_151 = arith.constant 0 : i32
      %dma_wait3A_152 = arith.constant 0 : i32
      %dma_wait3A_153 = tpu.memref_slice %arg8[%dma_wait3A_150, %dma_wait3A_151, %dma_wait3A_152] : memref<2x128x64xi32, #tpu.memory_space<vmem>> -> memref<1x128x64xi32, #tpu.memory_space<vmem>>
      %dma_wait3A_154 = tpu.memref_squeeze %dma_wait3A_153 : memref<1x128x64xi32, #tpu.memory_space<vmem>> -> memref<128x64xi32, #tpu.memory_space<vmem>>
      %dma_wait3A_155 = arith.constant 0 : i32
      %dma_wait3A_156 = tpu.memref_slice %arg6[%add3A_149, %dma_wait3A_155] : memref<40x128xi32, #tpu.memory_space<vmem>> -> memref<1x128xi32, #tpu.memory_space<vmem>>
      %dma_wait3A_157 = tpu.memref_squeeze %dma_wait3A_156 : memref<1x128xi32, #tpu.memory_space<vmem>> -> memref<128xi32, #tpu.memory_space<vmem>>
      %dma_wait3A_158 = arith.constant 0 : i32
      %dma_wait3A_159 = arith.constant 0 : i32
      %dma_wait3A_160 = tpu.memref_slice %arg2[%dma_wait3A_158, %dma_wait3A_159] : memref<10000x64xi32, #tpu.memory_space<hbm>> -> memref<10000x64xi32, #tpu.memory_space<hbm>>
      tpu.wait_indirect_dma semaphore(%arg12 : memref<!tpu.dma_semaphore, #tpu.memory_space<semaphore_mem>>) src(%dma_wait3A_160 : memref<10000x64xi32, #tpu.memory_space<hbm>>) dst(%dma_wait3A_154 : memref<128x64xi32, #tpu.memory_space<vmem>>)
      %dma_wait3A_161 = arith.constant 1 : i32
      %dma_wait3A_162 = arith.constant 0 : i32
      %dma_wait3A_163 = arith.constant 0 : i32
      %dma_wait3A_164 = tpu.memref_slice %arg9[%dma_wait3A_161, %dma_wait3A_162, %dma_wait3A_163] : memref<2x128x32xi32, #tpu.memory_space<vmem>> -> memref<1x128x32xi32, #tpu.memory_space<vmem>>
      %dma_wait3A_165 = tpu.memref_squeeze %dma_wait3A_164 : memref<1x128x32xi32, #tpu.memory_space<vmem>> -> memref<128x32xi32, #tpu.memory_space<vmem>>
      %dma_wait3A_166 = arith.constant 0 : i32
      %dma_wait3A_167 = tpu.memref_slice %arg7[%add3A_149, %dma_wait3A_166] : memref<40x128xi32, #tpu.memory_space<vmem>> -> memref<1x128xi32, #tpu.memory_space<vmem>>
      %dma_wait3A_168 = tpu.memref_squeeze %dma_wait3A_167 : memref<1x128xi32, #tpu.memory_space<vmem>> -> memref<128xi32, #tpu.memory_space<vmem>>
      %dma_wait3A_169 = arith.constant 0 : i32
      %dma_wait3A_170 = arith.constant 0 : i32
      %dma_wait3A_171 = tpu.memref_slice %arg3[%dma_wait3A_169, %dma_wait3A_170] : memref<10000x32xi32, #tpu.memory_space<hbm>> -> memref<10000x32xi32, #tpu.memory_space<hbm>>
      tpu.wait_indirect_dma semaphore(%arg14 : memref<!tpu.dma_semaphore, #tpu.memory_space<semaphore_mem>>) src(%dma_wait3A_171 : memref<10000x32xi32, #tpu.memory_space<hbm>>) dst(%dma_wait3A_165 : memref<128x32xi32, #tpu.memory_space<vmem>>)
      %gt3A_172 = arith.constant 0 : i32
      %gt3A_173 = arith.cmpi sgt, %scan3A_87, %gt3A_172 : i32
      %convert_element_type3A_174 = arith.extui %gt3A_173 : i1 to i32
      %cond3A_175 = arith.constant 0 : i32
      %cond3A_176 = arith.cmpi ne, %convert_element_type3A_174, %cond3A_175 : i32
      scf.if %cond3A_176 {
        %sub3A_208 = arith.constant 2 : i32
        %sub3A_209 = arith.subi %add3A_149, %sub3A_208 : i32
        %mul3A_210 = arith.constant 8 : i32
        %mul3A_211 = arith.muli %sub3A_209, %mul3A_210 : i32
        %add3A_212 = arith.addi %mul3A_4, %mul3A_211 : i32
        %dma_wait3A_213 = arith.constant 1 : i32
        %dma_wait3A_214 = arith.constant 0 : i32
        %dma_wait3A_215 = arith.constant 0 : i32
        %dma_wait3A_216 = tpu.memref_slice %arg10[%dma_wait3A_213, %dma_wait3A_214, %dma_wait3A_215] : memref<2x8x128xf32, #tpu.memory_space<vmem>> -> memref<1x8x128xf32, #tpu.memory_space<vmem>>
        %dma_wait3A_217 = tpu.memref_squeeze %dma_wait3A_216 : memref<1x8x128xf32, #tpu.memory_space<vmem>> -> memref<8x128xf32, #tpu.memory_space<vmem>>
        %dma_wait3A_218 = arith.constant 0 : i32
        %dma_wait3A_219 = tpu.memref_slice %arg5[%add3A_212, %dma_wait3A_218] : memref<10240x128xf32, #tpu.memory_space<hbm>> -> memref<8x128xf32, #tpu.memory_space<hbm>>
        %dma_wait3A_220 = arith.constant 0 : i32
        %dma_wait3A_221 = tpu.memref_slice %arg5[%add3A_212, %dma_wait3A_220] : memref<10240x128xf32, #tpu.memory_space<hbm>> -> memref<8x128xf32, #tpu.memory_space<hbm>>
        %dma_wait3A_222 = arith.constant 0 : i32
        %dma_wait3A_223 = arith.constant 0 : i32
        %dma_wait3A_224 = tpu.memref_slice %arg10[%dma_wait3A_213, %dma_wait3A_222, %dma_wait3A_223] : memref<2x8x128xf32, #tpu.memory_space<vmem>> -> memref<1x8x128xf32, #tpu.memory_space<vmem>>
        %dma_wait3A_225 = tpu.memref_squeeze %dma_wait3A_224 : memref<1x8x128xf32, #tpu.memory_space<vmem>> -> memref<8x128xf32, #tpu.memory_space<vmem>>
        tpu.wait_dma2 semaphore(%arg16 : memref<!tpu.dma_semaphore, #tpu.memory_space<semaphore_mem>>) src(%dma_wait3A_225 : memref<8x128xf32, #tpu.memory_space<vmem>>) dst(%dma_wait3A_221 : memref<8x128xf32, #tpu.memory_space<hbm>>)
      } else {
      }
      %scan3A_177 = arith.constant 0 : i32
      %scan3A_178 = arith.constant 0 : i32
      %scan3A_179 = arith.constant 8 : i32
      %scan3A_180 = arith.addi %scan3A_178, %scan3A_179 : i32
      %scan3A_181 = arith.constant 1 : i32
      %scan3A_182 = scf.for %scan3A_208 = %scan3A_178 to %scan3A_180 step %scan3A_181 iter_args(%scan3A_209 = %scan3A_177) -> (i32)  : i32 {
        %broadcast_in_dim3A = arith.constant 0.000000e+00 : f32
        %broadcast_in_dim3A_210 = vector.broadcast %broadcast_in_dim3A : f32 to vector<16xf32>
        %broadcast_in_dim3A_211 = arith.constant 0.000000e+00 : f32
        %broadcast_in_dim3A_212 = vector.broadcast %broadcast_in_dim3A_211 : f32 to vector<16xf32>
        %broadcast_in_dim3A_213 = arith.constant 0.000000e+00 : f32
        %broadcast_in_dim3A_214 = vector.broadcast %broadcast_in_dim3A_213 : f32 to vector<16xf32>
        %broadcast_in_dim3A_215 = arith.constant 0.000000e+00 : f32
        %broadcast_in_dim3A_216 = vector.broadcast %broadcast_in_dim3A_215 : f32 to vector<16xf32>
        %broadcast_in_dim3A_217 = arith.constant 0.000000e+00 : f32
        %broadcast_in_dim3A_218 = vector.broadcast %broadcast_in_dim3A_217 : f32 to vector<16xf32>
        %broadcast_in_dim3A_219 = arith.constant 0.000000e+00 : f32
        %broadcast_in_dim3A_220 = vector.broadcast %broadcast_in_dim3A_219 : f32 to vector<16xf32>
        %broadcast_in_dim3A_221 = arith.constant 0.000000e+00 : f32
        %broadcast_in_dim3A_222 = vector.broadcast %broadcast_in_dim3A_221 : f32 to vector<16xf32>
        %broadcast_in_dim3A_223 = arith.constant 0.000000e+00 : f32
        %broadcast_in_dim3A_224 = vector.broadcast %broadcast_in_dim3A_223 : f32 to vector<16xf32>
        %mul3A_225 = arith.constant 16 : i32
        %mul3A_226 = arith.muli %scan3A_208, %mul3A_225 : i32
        %add3A_227 = arith.constant 0 : i32
        %add3A_228 = arith.addi %mul3A_226, %add3A_227 : i32
        %get3A = arith.constant 1 : i32
        %get3A_229 = arith.index_cast %get3A : i32 to index
        %get3A_230 = arith.index_cast %add3A_228 : i32 to index
        %get3A_231 = arith.constant 0 : index
        %get3A_232 = tpu.vector_load %arg8[%get3A_229, %get3A_230, %get3A_231] {strides = array<i32>} : memref<2x128x64xi32, #tpu.memory_space<vmem>>, vector<16xi32>,
        %bitcast3A = vector.bitcast %get3A_232 : vector<16xi32> to vector<32xbf16>
        %unpack3A = tpu.unpack_subelements %bitcast3A, 0 {pack_format = #tpu.pack_format<interleaved>} : vector<32xbf16> -> vector<16xf32>
        %unpack3A_233 = tpu.unpack_subelements %bitcast3A, 1 {pack_format = #tpu.pack_format<interleaved>} : vector<32xbf16> -> vector<16xf32>
        %add3A_234 = arith.addf %broadcast_in_dim3A_210, %unpack3A : vector<16xf32>
        %add3A_235 = arith.addf %broadcast_in_dim3A_212, %unpack3A_233 : vector<16xf32>
        %get3A_236 = arith.constant 1 : i32
        %get3A_237 = arith.index_cast %get3A_236 : i32 to index
        %get3A_238 = arith.index_cast %add3A_228 : i32 to index
        %get3A_239 = arith.constant 16 : index
        %get3A_240 = tpu.vector_load %arg8[%get3A_237, %get3A_238, %get3A_239] {strides = array<i32>} : memref<2x128x64xi32, #tpu.memory_space<vmem>>, vector<16xi32>,
        %bitcast3A_241 = vector.bitcast %get3A_240 : vector<16xi32> to vector<32xbf16>
        %unpack3A_242 = tpu.unpack_subelements %bitcast3A_241, 0 {pack_format = #tpu.pack_format<interleaved>} : vector<32xbf16> -> vector<16xf32>
        %unpack3A_243 = tpu.unpack_subelements %bitcast3A_241, 1 {pack_format = #tpu.pack_format<interleaved>} : vector<32xbf16> -> vector<16xf32>
        %add3A_244 = arith.addf %broadcast_in_dim3A_214, %unpack3A_242 : vector<16xf32>
        %add3A_245 = arith.addf %broadcast_in_dim3A_216, %unpack3A_243 : vector<16xf32>
        %get3A_246 = arith.constant 1 : i32
        %get3A_247 = arith.index_cast %get3A_246 : i32 to index
        %get3A_248 = arith.index_cast %add3A_228 : i32 to index
        %get3A_249 = arith.constant 32 : index
        %get3A_250 = tpu.vector_load %arg8[%get3A_247, %get3A_248, %get3A_249] {strides = array<i32>} : memref<2x128x64xi32, #tpu.memory_space<vmem>>, vector<16xi32>,
        %bitcast3A_251 = vector.bitcast %get3A_250 : vector<16xi32> to vector<32xbf16>
        %unpack3A_252 = tpu.unpack_subelements %bitcast3A_251, 0 {pack_format = #tpu.pack_format<interleaved>} : vector<32xbf16> -> vector<16xf32>
        %unpack3A_253 = tpu.unpack_subelements %bitcast3A_251, 1 {pack_format = #tpu.pack_format<interleaved>} : vector<32xbf16> -> vector<16xf32>
        %get3A_254 = arith.constant 1 : i32
        %get3A_255 = arith.index_cast %get3A_254 : i32 to index
        %get3A_256 = arith.index_cast %add3A_228 : i32 to index
        %get3A_257 = arith.constant 0 : index
        %get3A_258 = tpu.vector_load %arg9[%get3A_255, %get3A_256, %get3A_257] {strides = array<i32>} : memref<2x128x32xi32, #tpu.memory_space<vmem>>, vector<16xi32>,
        %bitcast3A_259 = vector.bitcast %get3A_258 : vector<16xi32> to vector<32xbf16>
        %unpack3A_260 = tpu.unpack_subelements %bitcast3A_259, 0 {pack_format = #tpu.pack_format<interleaved>} : vector<32xbf16> -> vector<16xf32>
        %unpack3A_261 = tpu.unpack_subelements %bitcast3A_259, 1 {pack_format = #tpu.pack_format<interleaved>} : vector<32xbf16> -> vector<16xf32>
        %sub3A_262 = arith.subf %unpack3A_260, %unpack3A_252 : vector<16xf32>
        %max3A = arith.constant 0.000000e+00 : f32
        %max3A_263 = vector.broadcast %max3A : f32 to vector<16xf32>
        %max3A_264 = arith.maximumf %sub3A_262, %max3A_263 : vector<16xf32>
        %add3A_265 = arith.addf %broadcast_in_dim3A_218, %max3A_264 : vector<16xf32>
        %sub3A_266 = arith.subf %unpack3A_261, %unpack3A_253 : vector<16xf32>
        %max3A_267 = arith.constant 0.000000e+00 : f32
        %max3A_268 = vector.broadcast %max3A_267 : f32 to vector<16xf32>
        %max3A_269 = arith.maximumf %sub3A_266, %max3A_268 : vector<16xf32>
        %add3A_270 = arith.addf %broadcast_in_dim3A_220, %max3A_269 : vector<16xf32>
        %get3A_271 = arith.constant 1 : i32
        %get3A_272 = arith.index_cast %get3A_271 : i32 to index
        %get3A_273 = arith.index_cast %add3A_228 : i32 to index
        %get3A_274 = arith.constant 48 : index
        %get3A_275 = tpu.vector_load %arg8[%get3A_272, %get3A_273, %get3A_274] {strides = array<i32>} : memref<2x128x64xi32, #tpu.memory_space<vmem>>, vector<16xi32>,
        %bitcast3A_276 = vector.bitcast %get3A_275 : vector<16xi32> to vector<32xbf16>
        %unpack3A_277 = tpu.unpack_subelements %bitcast3A_276, 0 {pack_format = #tpu.pack_format<interleaved>} : vector<32xbf16> -> vector<16xf32>
        %unpack3A_278 = tpu.unpack_subelements %bitcast3A_276, 1 {pack_format = #tpu.pack_format<interleaved>} : vector<32xbf16> -> vector<16xf32>
        %get3A_279 = arith.constant 1 : i32
        %get3A_280 = arith.index_cast %get3A_279 : i32 to index
        %get3A_281 = arith.index_cast %add3A_228 : i32 to index
        %get3A_282 = arith.constant 16 : index
        %get3A_283 = tpu.vector_load %arg9[%get3A_280, %get3A_281, %get3A_282] {strides = array<i32>} : memref<2x128x32xi32, #tpu.memory_space<vmem>>, vector<16xi32>,
        %bitcast3A_284 = vector.bitcast %get3A_283 : vector<16xi32> to vector<32xbf16>
        %unpack3A_285 = tpu.unpack_subelements %bitcast3A_284, 0 {pack_format = #tpu.pack_format<interleaved>} : vector<32xbf16> -> vector<16xf32>
        %unpack3A_286 = tpu.unpack_subelements %bitcast3A_284, 1 {pack_format = #tpu.pack_format<interleaved>} : vector<32xbf16> -> vector<16xf32>
        %sub3A_287 = arith.subf %unpack3A_285, %unpack3A_277 : vector<16xf32>
        %max3A_288 = arith.constant 0.000000e+00 : f32
        %max3A_289 = vector.broadcast %max3A_288 : f32 to vector<16xf32>
        %max3A_290 = arith.maximumf %sub3A_287, %max3A_289 : vector<16xf32>
        %add3A_291 = arith.addf %broadcast_in_dim3A_222, %max3A_290 : vector<16xf32>
        %sub3A_292 = arith.subf %unpack3A_286, %unpack3A_278 : vector<16xf32>
        %max3A_293 = arith.constant 0.000000e+00 : f32
        %max3A_294 = vector.broadcast %max3A_293 : f32 to vector<16xf32>
        %max3A_295 = arith.maximumf %sub3A_292, %max3A_294 : vector<16xf32>
        %add3A_296 = arith.addf %broadcast_in_dim3A_224, %max3A_295 : vector<16xf32>
        %add3A_297 = arith.constant 1 : i32
        %add3A_298 = arith.addi %mul3A_226, %add3A_297 : i32
        %get3A_299 = arith.constant 1 : i32
        %get3A_300 = arith.index_cast %get3A_299 : i32 to index
        %get3A_301 = arith.index_cast %add3A_298 : i32 to index
        %get3A_302 = arith.constant 0 : index
        %get3A_303 = tpu.vector_load %arg8[%get3A_300, %get3A_301, %get3A_302] {strides = array<i32>} : memref<2x128x64xi32, #tpu.memory_space<vmem>>, vector<16xi32>,
        %bitcast3A_304 = vector.bitcast %get3A_303 : vector<16xi32> to vector<32xbf16>
        %unpack3A_305 = tpu.unpack_subelements %bitcast3A_304, 0 {pack_format = #tpu.pack_format<interleaved>} : vector<32xbf16> -> vector<16xf32>
        %unpack3A_306 = tpu.unpack_subelements %bitcast3A_304, 1 {pack_format = #tpu.pack_format<interleaved>} : vector<32xbf16> -> vector<16xf32>
        %add3A_307 = arith.addf %add3A_234, %unpack3A_305 : vector<16xf32>
        %add3A_308 = arith.addf %add3A_235, %unpack3A_306 : vector<16xf32>
        %get3A_309 = arith.constant 1 : i32
        %get3A_310 = arith.index_cast %get3A_309 : i32 to index
        %get3A_311 = arith.index_cast %add3A_298 : i32 to index
        %get3A_312 = arith.constant 16 : index
        %get3A_313 = tpu.vector_load %arg8[%get3A_310, %get3A_311, %get3A_312] {strides = array<i32>} : memref<2x128x64xi32, #tpu.memory_space<vmem>>, vector<16xi32>,
        %bitcast3A_314 = vector.bitcast %get3A_313 : vector<16xi32> to vector<32xbf16>
        %unpack3A_315 = tpu.unpack_subelements %bitcast3A_314, 0 {pack_format = #tpu.pack_format<interleaved>} : vector<32xbf16> -> vector<16xf32>
        %unpack3A_316 = tpu.unpack_subelements %bitcast3A_314, 1 {pack_format = #tpu.pack_format<interleaved>} : vector<32xbf16> -> vector<16xf32>
        %add3A_317 = arith.addf %add3A_244, %unpack3A_315 : vector<16xf32>
        %add3A_318 = arith.addf %add3A_245, %unpack3A_316 : vector<16xf32>
        %get3A_319 = arith.constant 1 : i32
        %get3A_320 = arith.index_cast %get3A_319 : i32 to index
        %get3A_321 = arith.index_cast %add3A_298 : i32 to index
        %get3A_322 = arith.constant 32 : index
        %get3A_323 = tpu.vector_load %arg8[%get3A_320, %get3A_321, %get3A_322] {strides = array<i32>} : memref<2x128x64xi32, #tpu.memory_space<vmem>>, vector<16xi32>,
        %bitcast3A_324 = vector.bitcast %get3A_323 : vector<16xi32> to vector<32xbf16>
        %unpack3A_325 = tpu.unpack_subelements %bitcast3A_324, 0 {pack_format = #tpu.pack_format<interleaved>} : vector<32xbf16> -> vector<16xf32>
        %unpack3A_326 = tpu.unpack_subelements %bitcast3A_324, 1 {pack_format = #tpu.pack_format<interleaved>} : vector<32xbf16> -> vector<16xf32>
        %get3A_327 = arith.constant 1 : i32
        %get3A_328 = arith.index_cast %get3A_327 : i32 to index
        %get3A_329 = arith.index_cast %add3A_298 : i32 to index
        %get3A_330 = arith.constant 0 : index
        %get3A_331 = tpu.vector_load %arg9[%get3A_328, %get3A_329, %get3A_330] {strides = array<i32>} : memref<2x128x32xi32, #tpu.memory_space<vmem>>, vector<16xi32>,
        %bitcast3A_332 = vector.bitcast %get3A_331 : vector<16xi32> to vector<32xbf16>
        %unpack3A_333 = tpu.unpack_subelements %bitcast3A_332, 0 {pack_format = #tpu.pack_format<interleaved>} : vector<32xbf16> -> vector<16xf32>
        %unpack3A_334 = tpu.unpack_subelements %bitcast3A_332, 1 {pack_format = #tpu.pack_format<interleaved>} : vector<32xbf16> -> vector<16xf32>
        %sub3A_335 = arith.subf %unpack3A_333, %unpack3A_325 : vector<16xf32>
        %max3A_336 = arith.constant 0.000000e+00 : f32
        %max3A_337 = vector.broadcast %max3A_336 : f32 to vector<16xf32>
        %max3A_338 = arith.maximumf %sub3A_335, %max3A_337 : vector<16xf32>
        %add3A_339 = arith.addf %add3A_265, %max3A_338 : vector<16xf32>
        %sub3A_340 = arith.subf %unpack3A_334, %unpack3A_326 : vector<16xf32>
        %max3A_341 = arith.constant 0.000000e+00 : f32
        %max3A_342 = vector.broadcast %max3A_341 : f32 to vector<16xf32>
        %max3A_343 = arith.maximumf %sub3A_340, %max3A_342 : vector<16xf32>
        %add3A_344 = arith.addf %add3A_270, %max3A_343 : vector<16xf32>
        %get3A_345 = arith.constant 1 : i32
        %get3A_346 = arith.index_cast %get3A_345 : i32 to index
        %get3A_347 = arith.index_cast %add3A_298 : i32 to index
        %get3A_348 = arith.constant 48 : index
        %get3A_349 = tpu.vector_load %arg8[%get3A_346, %get3A_347, %get3A_348] {strides = array<i32>} : memref<2x128x64xi32, #tpu.memory_space<vmem>>, vector<16xi32>,
        %bitcast3A_350 = vector.bitcast %get3A_349 : vector<16xi32> to vector<32xbf16>
        %unpack3A_351 = tpu.unpack_subelements %bitcast3A_350, 0 {pack_format = #tpu.pack_format<interleaved>} : vector<32xbf16> -> vector<16xf32>
        %unpack3A_352 = tpu.unpack_subelements %bitcast3A_350, 1 {pack_format = #tpu.pack_format<interleaved>} : vector<32xbf16> -> vector<16xf32>
        %get3A_353 = arith.constant 1 : i32
        %get3A_354 = arith.index_cast %get3A_353 : i32 to index
        %get3A_355 = arith.index_cast %add3A_298 : i32 to index
        %get3A_356 = arith.constant 16 : index
        %get3A_357 = tpu.vector_load %arg9[%get3A_354, %get3A_355, %get3A_356] {strides = array<i32>} : memref<2x128x32xi32, #tpu.memory_space<vmem>>, vector<16xi32>,
        %bitcast3A_358 = vector.bitcast %get3A_357 : vector<16xi32> to vector<32xbf16>
        %unpack3A_359 = tpu.unpack_subelements %bitcast3A_358, 0 {pack_format = #tpu.pack_format<interleaved>} : vector<32xbf16> -> vector<16xf32>
        %unpack3A_360 = tpu.unpack_subelements %bitcast3A_358, 1 {pack_format = #tpu.pack_format<interleaved>} : vector<32xbf16> -> vector<16xf32>
        %sub3A_361 = arith.subf %unpack3A_359, %unpack3A_351 : vector<16xf32>
        %max3A_362 = arith.constant 0.000000e+00 : f32
        %max3A_363 = vector.broadcast %max3A_362 : f32 to vector<16xf32>
        %max3A_364 = arith.maximumf %sub3A_361, %max3A_363 : vector<16xf32>
        %add3A_365 = arith.addf %add3A_291, %max3A_364 : vector<16xf32>
        %sub3A_366 = arith.subf %unpack3A_360, %unpack3A_352 : vector<16xf32>
        %max3A_367 = arith.constant 0.000000e+00 : f32
        %max3A_368 = vector.broadcast %max3A_367 : f32 to vector<16xf32>
        %max3A_369 = arith.maximumf %sub3A_366, %max3A_368 : vector<16xf32>
        %add3A_370 = arith.addf %add3A_296, %max3A_369 : vector<16xf32>
        %add3A_371 = arith.constant 2 : i32
        %add3A_372 = arith.addi %mul3A_226, %add3A_371 : i32
        %get3A_373 = arith.constant 1 : i32
        %get3A_374 = arith.index_cast %get3A_373 : i32 to index
        %get3A_375 = arith.index_cast %add3A_372 : i32 to index
        %get3A_376 = arith.constant 0 : index
        %get3A_377 = tpu.vector_load %arg8[%get3A_374, %get3A_375, %get3A_376] {strides = array<i32>} : memref<2x128x64xi32, #tpu.memory_space<vmem>>, vector<16xi32>,
        %bitcast3A_378 = vector.bitcast %get3A_377 : vector<16xi32> to vector<32xbf16>
        %unpack3A_379 = tpu.unpack_subelements %bitcast3A_378, 0 {pack_format = #tpu.pack_format<interleaved>} : vector<32xbf16> -> vector<16xf32>
        %unpack3A_380 = tpu.unpack_subelements %bitcast3A_378, 1 {pack_format = #tpu.pack_format<interleaved>} : vector<32xbf16> -> vector<16xf32>
        %add3A_381 = arith.addf %add3A_307, %unpack3A_379 : vector<16xf32>
        %add3A_382 = arith.addf %add3A_308, %unpack3A_380 : vector<16xf32>
        %get3A_383 = arith.constant 1 : i32
        %get3A_384 = arith.index_cast %get3A_383 : i32 to index
        %get3A_385 = arith.index_cast %add3A_372 : i32 to index
        %get3A_386 = arith.constant 16 : index
        %get3A_387 = tpu.vector_load %arg8[%get3A_384, %get3A_385, %get3A_386] {strides = array<i32>} : memref<2x128x64xi32, #tpu.memory_space<vmem>>, vector<16xi32>,
        %bitcast3A_388 = vector.bitcast %get3A_387 : vector<16xi32> to vector<32xbf16>
        %unpack3A_389 = tpu.unpack_subelements %bitcast3A_388, 0 {pack_format = #tpu.pack_format<interleaved>} : vector<32xbf16> -> vector<16xf32>
        %unpack3A_390 = tpu.unpack_subelements %bitcast3A_388, 1 {pack_format = #tpu.pack_format<interleaved>} : vector<32xbf16> -> vector<16xf32>
        %add3A_391 = arith.addf %add3A_317, %unpack3A_389 : vector<16xf32>
        %add3A_392 = arith.addf %add3A_318, %unpack3A_390 : vector<16xf32>
        %get3A_393 = arith.constant 1 : i32
        %get3A_394 = arith.index_cast %get3A_393 : i32 to index
        %get3A_395 = arith.index_cast %add3A_372 : i32 to index
        %get3A_396 = arith.constant 32 : index
        %get3A_397 = tpu.vector_load %arg8[%get3A_394, %get3A_395, %get3A_396] {strides = array<i32>} : memref<2x128x64xi32, #tpu.memory_space<vmem>>, vector<16xi32>,
        %bitcast3A_398 = vector.bitcast %get3A_397 : vector<16xi32> to vector<32xbf16>
        %unpack3A_399 = tpu.unpack_subelements %bitcast3A_398, 0 {pack_format = #tpu.pack_format<interleaved>} : vector<32xbf16> -> vector<16xf32>
        %unpack3A_400 = tpu.unpack_subelements %bitcast3A_398, 1 {pack_format = #tpu.pack_format<interleaved>} : vector<32xbf16> -> vector<16xf32>
        %get3A_401 = arith.constant 1 : i32
        %get3A_402 = arith.index_cast %get3A_401 : i32 to index
        %get3A_403 = arith.index_cast %add3A_372 : i32 to index
        %get3A_404 = arith.constant 0 : index
        %get3A_405 = tpu.vector_load %arg9[%get3A_402, %get3A_403, %get3A_404] {strides = array<i32>} : memref<2x128x32xi32, #tpu.memory_space<vmem>>, vector<16xi32>,
        %bitcast3A_406 = vector.bitcast %get3A_405 : vector<16xi32> to vector<32xbf16>
        %unpack3A_407 = tpu.unpack_subelements %bitcast3A_406, 0 {pack_format = #tpu.pack_format<interleaved>} : vector<32xbf16> -> vector<16xf32>
        %unpack3A_408 = tpu.unpack_subelements %bitcast3A_406, 1 {pack_format = #tpu.pack_format<interleaved>} : vector<32xbf16> -> vector<16xf32>
        %sub3A_409 = arith.subf %unpack3A_407, %unpack3A_399 : vector<16xf32>
        %max3A_410 = arith.constant 0.000000e+00 : f32
        %max3A_411 = vector.broadcast %max3A_410 : f32 to vector<16xf32>
        %max3A_412 = arith.maximumf %sub3A_409, %max3A_411 : vector<16xf32>
        %add3A_413 = arith.addf %add3A_339, %max3A_412 : vector<16xf32>
        %sub3A_414 = arith.subf %unpack3A_408, %unpack3A_400 : vector<16xf32>
        %max3A_415 = arith.constant 0.000000e+00 : f32
        %max3A_416 = vector.broadcast %max3A_415 : f32 to vector<16xf32>
        %max3A_417 = arith.maximumf %sub3A_414, %max3A_416 : vector<16xf32>
        %add3A_418 = arith.addf %add3A_344, %max3A_417 : vector<16xf32>
        %get3A_419 = arith.constant 1 : i32
        %get3A_420 = arith.index_cast %get3A_419 : i32 to index
        %get3A_421 = arith.index_cast %add3A_372 : i32 to index
        %get3A_422 = arith.constant 48 : index
        %get3A_423 = tpu.vector_load %arg8[%get3A_420, %get3A_421, %get3A_422] {strides = array<i32>} : memref<2x128x64xi32, #tpu.memory_space<vmem>>, vector<16xi32>,
        %bitcast3A_424 = vector.bitcast %get3A_423 : vector<16xi32> to vector<32xbf16>
        %unpack3A_425 = tpu.unpack_subelements %bitcast3A_424, 0 {pack_format = #tpu.pack_format<interleaved>} : vector<32xbf16> -> vector<16xf32>
        %unpack3A_426 = tpu.unpack_subelements %bitcast3A_424, 1 {pack_format = #tpu.pack_format<interleaved>} : vector<32xbf16> -> vector<16xf32>
        %get3A_427 = arith.constant 1 : i32
        %get3A_428 = arith.index_cast %get3A_427 : i32 to index
        %get3A_429 = arith.index_cast %add3A_372 : i32 to index
        %get3A_430 = arith.constant 16 : index
        %get3A_431 = tpu.vector_load %arg9[%get3A_428, %get3A_429, %get3A_430] {strides = array<i32>} : memref<2x128x32xi32, #tpu.memory_space<vmem>>, vector<16xi32>,
        %bitcast3A_432 = vector.bitcast %get3A_431 : vector<16xi32> to vector<32xbf16>
        %unpack3A_433 = tpu.unpack_subelements %bitcast3A_432, 0 {pack_format = #tpu.pack_format<interleaved>} : vector<32xbf16> -> vector<16xf32>
        %unpack3A_434 = tpu.unpack_subelements %bitcast3A_432, 1 {pack_format = #tpu.pack_format<interleaved>} : vector<32xbf16> -> vector<16xf32>
        %sub3A_435 = arith.subf %unpack3A_433, %unpack3A_425 : vector<16xf32>
        %max3A_436 = arith.constant 0.000000e+00 : f32
        %max3A_437 = vector.broadcast %max3A_436 : f32 to vector<16xf32>
        %max3A_438 = arith.maximumf %sub3A_435, %max3A_437 : vector<16xf32>
        %add3A_439 = arith.addf %add3A_365, %max3A_438 : vector<16xf32>
        %sub3A_440 = arith.subf %unpack3A_434, %unpack3A_426 : vector<16xf32>
        %max3A_441 = arith.constant 0.000000e+00 : f32
        %max3A_442 = vector.broadcast %max3A_441 : f32 to vector<16xf32>
        %max3A_443 = arith.maximumf %sub3A_440, %max3A_442 : vector<16xf32>
        %add3A_444 = arith.addf %add3A_370, %max3A_443 : vector<16xf32>
        %add3A_445 = arith.constant 3 : i32
        %add3A_446 = arith.addi %mul3A_226, %add3A_445 : i32
        %get3A_447 = arith.constant 1 : i32
        %get3A_448 = arith.index_cast %get3A_447 : i32 to index
        %get3A_449 = arith.index_cast %add3A_446 : i32 to index
        %get3A_450 = arith.constant 0 : index
        %get3A_451 = tpu.vector_load %arg8[%get3A_448, %get3A_449, %get3A_450] {strides = array<i32>} : memref<2x128x64xi32, #tpu.memory_space<vmem>>, vector<16xi32>,
        %bitcast3A_452 = vector.bitcast %get3A_451 : vector<16xi32> to vector<32xbf16>
        %unpack3A_453 = tpu.unpack_subelements %bitcast3A_452, 0 {pack_format = #tpu.pack_format<interleaved>} : vector<32xbf16> -> vector<16xf32>
        %unpack3A_454 = tpu.unpack_subelements %bitcast3A_452, 1 {pack_format = #tpu.pack_format<interleaved>} : vector<32xbf16> -> vector<16xf32>
        %add3A_455 = arith.addf %add3A_381, %unpack3A_453 : vector<16xf32>
        %add3A_456 = arith.addf %add3A_382, %unpack3A_454 : vector<16xf32>
        %get3A_457 = arith.constant 1 : i32
        %get3A_458 = arith.index_cast %get3A_457 : i32 to index
        %get3A_459 = arith.index_cast %add3A_446 : i32 to index
        %get3A_460 = arith.constant 16 : index
        %get3A_461 = tpu.vector_load %arg8[%get3A_458, %get3A_459, %get3A_460] {strides = array<i32>} : memref<2x128x64xi32, #tpu.memory_space<vmem>>, vector<16xi32>,
        %bitcast3A_462 = vector.bitcast %get3A_461 : vector<16xi32> to vector<32xbf16>
        %unpack3A_463 = tpu.unpack_subelements %bitcast3A_462, 0 {pack_format = #tpu.pack_format<interleaved>} : vector<32xbf16> -> vector<16xf32>
        %unpack3A_464 = tpu.unpack_subelements %bitcast3A_462, 1 {pack_format = #tpu.pack_format<interleaved>} : vector<32xbf16> -> vector<16xf32>
        %add3A_465 = arith.addf %add3A_391, %unpack3A_463 : vector<16xf32>
        %add3A_466 = arith.addf %add3A_392, %unpack3A_464 : vector<16xf32>
        %get3A_467 = arith.constant 1 : i32
        %get3A_468 = arith.index_cast %get3A_467 : i32 to index
        %get3A_469 = arith.index_cast %add3A_446 : i32 to index
        %get3A_470 = arith.constant 32 : index
        %get3A_471 = tpu.vector_load %arg8[%get3A_468, %get3A_469, %get3A_470] {strides = array<i32>} : memref<2x128x64xi32, #tpu.memory_space<vmem>>, vector<16xi32>,
        %bitcast3A_472 = vector.bitcast %get3A_471 : vector<16xi32> to vector<32xbf16>
        %unpack3A_473 = tpu.unpack_subelements %bitcast3A_472, 0 {pack_format = #tpu.pack_format<interleaved>} : vector<32xbf16> -> vector<16xf32>
        %unpack3A_474 = tpu.unpack_subelements %bitcast3A_472, 1 {pack_format = #tpu.pack_format<interleaved>} : vector<32xbf16> -> vector<16xf32>
        %get3A_475 = arith.constant 1 : i32
        %get3A_476 = arith.index_cast %get3A_475 : i32 to index
        %get3A_477 = arith.index_cast %add3A_446 : i32 to index
        %get3A_478 = arith.constant 0 : index
        %get3A_479 = tpu.vector_load %arg9[%get3A_476, %get3A_477, %get3A_478] {strides = array<i32>} : memref<2x128x32xi32, #tpu.memory_space<vmem>>, vector<16xi32>,
        %bitcast3A_480 = vector.bitcast %get3A_479 : vector<16xi32> to vector<32xbf16>
        %unpack3A_481 = tpu.unpack_subelements %bitcast3A_480, 0 {pack_format = #tpu.pack_format<interleaved>} : vector<32xbf16> -> vector<16xf32>
        %unpack3A_482 = tpu.unpack_subelements %bitcast3A_480, 1 {pack_format = #tpu.pack_format<interleaved>} : vector<32xbf16> -> vector<16xf32>
        %sub3A_483 = arith.subf %unpack3A_481, %unpack3A_473 : vector<16xf32>
        %max3A_484 = arith.constant 0.000000e+00 : f32
        %max3A_485 = vector.broadcast %max3A_484 : f32 to vector<16xf32>
        %max3A_486 = arith.maximumf %sub3A_483, %max3A_485 : vector<16xf32>
        %add3A_487 = arith.addf %add3A_413, %max3A_486 : vector<16xf32>
        %sub3A_488 = arith.subf %unpack3A_482, %unpack3A_474 : vector<16xf32>
        %max3A_489 = arith.constant 0.000000e+00 : f32
        %max3A_490 = vector.broadcast %max3A_489 : f32 to vector<16xf32>
        %max3A_491 = arith.maximumf %sub3A_488, %max3A_490 : vector<16xf32>
        %add3A_492 = arith.addf %add3A_418, %max3A_491 : vector<16xf32>
        %get3A_493 = arith.constant 1 : i32
        %get3A_494 = arith.index_cast %get3A_493 : i32 to index
        %get3A_495 = arith.index_cast %add3A_446 : i32 to index
        %get3A_496 = arith.constant 48 : index
        %get3A_497 = tpu.vector_load %arg8[%get3A_494, %get3A_495, %get3A_496] {strides = array<i32>} : memref<2x128x64xi32, #tpu.memory_space<vmem>>, vector<16xi32>,
        %bitcast3A_498 = vector.bitcast %get3A_497 : vector<16xi32> to vector<32xbf16>
        %unpack3A_499 = tpu.unpack_subelements %bitcast3A_498, 0 {pack_format = #tpu.pack_format<interleaved>} : vector<32xbf16> -> vector<16xf32>
        %unpack3A_500 = tpu.unpack_subelements %bitcast3A_498, 1 {pack_format = #tpu.pack_format<interleaved>} : vector<32xbf16> -> vector<16xf32>
        %get3A_501 = arith.constant 1 : i32
        %get3A_502 = arith.index_cast %get3A_501 : i32 to index
        %get3A_503 = arith.index_cast %add3A_446 : i32 to index
        %get3A_504 = arith.constant 16 : index
        %get3A_505 = tpu.vector_load %arg9[%get3A_502, %get3A_503, %get3A_504] {strides = array<i32>} : memref<2x128x32xi32, #tpu.memory_space<vmem>>, vector<16xi32>,
        %bitcast3A_506 = vector.bitcast %get3A_505 : vector<16xi32> to vector<32xbf16>
        %unpack3A_507 = tpu.unpack_subelements %bitcast3A_506, 0 {pack_format = #tpu.pack_format<interleaved>} : vector<32xbf16> -> vector<16xf32>
        %unpack3A_508 = tpu.unpack_subelements %bitcast3A_506, 1 {pack_format = #tpu.pack_format<interleaved>} : vector<32xbf16> -> vector<16xf32>
        %sub3A_509 = arith.subf %unpack3A_507, %unpack3A_499 : vector<16xf32>
        %max3A_510 = arith.constant 0.000000e+00 : f32
        %max3A_511 = vector.broadcast %max3A_510 : f32 to vector<16xf32>
        %max3A_512 = arith.maximumf %sub3A_509, %max3A_511 : vector<16xf32>
        %add3A_513 = arith.addf %add3A_439, %max3A_512 : vector<16xf32>
        %sub3A_514 = arith.subf %unpack3A_508, %unpack3A_500 : vector<16xf32>
        %max3A_515 = arith.constant 0.000000e+00 : f32
        %max3A_516 = vector.broadcast %max3A_515 : f32 to vector<16xf32>
        %max3A_517 = arith.maximumf %sub3A_514, %max3A_516 : vector<16xf32>
        %add3A_518 = arith.addf %add3A_444, %max3A_517 : vector<16xf32>
        %add3A_519 = arith.constant 4 : i32
        %add3A_520 = arith.addi %mul3A_226, %add3A_519 : i32
        %get3A_521 = arith.constant 1 : i32
        %get3A_522 = arith.index_cast %get3A_521 : i32 to index
        %get3A_523 = arith.index_cast %add3A_520 : i32 to index
        %get3A_524 = arith.constant 0 : index
        %get3A_525 = tpu.vector_load %arg8[%get3A_522, %get3A_523, %get3A_524] {strides = array<i32>} : memref<2x128x64xi32, #tpu.memory_space<vmem>>, vector<16xi32>,
        %bitcast3A_526 = vector.bitcast %get3A_525 : vector<16xi32> to vector<32xbf16>
        %unpack3A_527 = tpu.unpack_subelements %bitcast3A_526, 0 {pack_format = #tpu.pack_format<interleaved>} : vector<32xbf16> -> vector<16xf32>
        %unpack3A_528 = tpu.unpack_subelements %bitcast3A_526, 1 {pack_format = #tpu.pack_format<interleaved>} : vector<32xbf16> -> vector<16xf32>
        %add3A_529 = arith.addf %add3A_455, %unpack3A_527 : vector<16xf32>
        %add3A_530 = arith.addf %add3A_456, %unpack3A_528 : vector<16xf32>
        %get3A_531 = arith.constant 1 : i32
        %get3A_532 = arith.index_cast %get3A_531 : i32 to index
        %get3A_533 = arith.index_cast %add3A_520 : i32 to index
        %get3A_534 = arith.constant 16 : index
        %get3A_535 = tpu.vector_load %arg8[%get3A_532, %get3A_533, %get3A_534] {strides = array<i32>} : memref<2x128x64xi32, #tpu.memory_space<vmem>>, vector<16xi32>,
        %bitcast3A_536 = vector.bitcast %get3A_535 : vector<16xi32> to vector<32xbf16>
        %unpack3A_537 = tpu.unpack_subelements %bitcast3A_536, 0 {pack_format = #tpu.pack_format<interleaved>} : vector<32xbf16> -> vector<16xf32>
        %unpack3A_538 = tpu.unpack_subelements %bitcast3A_536, 1 {pack_format = #tpu.pack_format<interleaved>} : vector<32xbf16> -> vector<16xf32>
        %add3A_539 = arith.addf %add3A_465, %unpack3A_537 : vector<16xf32>
        %add3A_540 = arith.addf %add3A_466, %unpack3A_538 : vector<16xf32>
        %get3A_541 = arith.constant 1 : i32
        %get3A_542 = arith.index_cast %get3A_541 : i32 to index
        %get3A_543 = arith.index_cast %add3A_520 : i32 to index
        %get3A_544 = arith.constant 32 : index
        %get3A_545 = tpu.vector_load %arg8[%get3A_542, %get3A_543, %get3A_544] {strides = array<i32>} : memref<2x128x64xi32, #tpu.memory_space<vmem>>, vector<16xi32>,
        %bitcast3A_546 = vector.bitcast %get3A_545 : vector<16xi32> to vector<32xbf16>
        %unpack3A_547 = tpu.unpack_subelements %bitcast3A_546, 0 {pack_format = #tpu.pack_format<interleaved>} : vector<32xbf16> -> vector<16xf32>
        %unpack3A_548 = tpu.unpack_subelements %bitcast3A_546, 1 {pack_format = #tpu.pack_format<interleaved>} : vector<32xbf16> -> vector<16xf32>
        %get3A_549 = arith.constant 1 : i32
        %get3A_550 = arith.index_cast %get3A_549 : i32 to index
        %get3A_551 = arith.index_cast %add3A_520 : i32 to index
        %get3A_552 = arith.constant 0 : index
        %get3A_553 = tpu.vector_load %arg9[%get3A_550, %get3A_551, %get3A_552] {strides = array<i32>} : memref<2x128x32xi32, #tpu.memory_space<vmem>>, vector<16xi32>,
        %bitcast3A_554 = vector.bitcast %get3A_553 : vector<16xi32> to vector<32xbf16>
        %unpack3A_555 = tpu.unpack_subelements %bitcast3A_554, 0 {pack_format = #tpu.pack_format<interleaved>} : vector<32xbf16> -> vector<16xf32>
        %unpack3A_556 = tpu.unpack_subelements %bitcast3A_554, 1 {pack_format = #tpu.pack_format<interleaved>} : vector<32xbf16> -> vector<16xf32>
        %sub3A_557 = arith.subf %unpack3A_555, %unpack3A_547 : vector<16xf32>
        %max3A_558 = arith.constant 0.000000e+00 : f32
        %max3A_559 = vector.broadcast %max3A_558 : f32 to vector<16xf32>
        %max3A_560 = arith.maximumf %sub3A_557, %max3A_559 : vector<16xf32>
        %add3A_561 = arith.addf %add3A_487, %max3A_560 : vector<16xf32>
        %sub3A_562 = arith.subf %unpack3A_556, %unpack3A_548 : vector<16xf32>
        %max3A_563 = arith.constant 0.000000e+00 : f32
        %max3A_564 = vector.broadcast %max3A_563 : f32 to vector<16xf32>
        %max3A_565 = arith.maximumf %sub3A_562, %max3A_564 : vector<16xf32>
        %add3A_566 = arith.addf %add3A_492, %max3A_565 : vector<16xf32>
        %get3A_567 = arith.constant 1 : i32
        %get3A_568 = arith.index_cast %get3A_567 : i32 to index
        %get3A_569 = arith.index_cast %add3A_520 : i32 to index
        %get3A_570 = arith.constant 48 : index
        %get3A_571 = tpu.vector_load %arg8[%get3A_568, %get3A_569, %get3A_570] {strides = array<i32>} : memref<2x128x64xi32, #tpu.memory_space<vmem>>, vector<16xi32>,
        %bitcast3A_572 = vector.bitcast %get3A_571 : vector<16xi32> to vector<32xbf16>
        %unpack3A_573 = tpu.unpack_subelements %bitcast3A_572, 0 {pack_format = #tpu.pack_format<interleaved>} : vector<32xbf16> -> vector<16xf32>
        %unpack3A_574 = tpu.unpack_subelements %bitcast3A_572, 1 {pack_format = #tpu.pack_format<interleaved>} : vector<32xbf16> -> vector<16xf32>
        %get3A_575 = arith.constant 1 : i32
        %get3A_576 = arith.index_cast %get3A_575 : i32 to index
        %get3A_577 = arith.index_cast %add3A_520 : i32 to index
        %get3A_578 = arith.constant 16 : index
        %get3A_579 = tpu.vector_load %arg9[%get3A_576, %get3A_577, %get3A_578] {strides = array<i32>} : memref<2x128x32xi32, #tpu.memory_space<vmem>>, vector<16xi32>,
        %bitcast3A_580 = vector.bitcast %get3A_579 : vector<16xi32> to vector<32xbf16>
        %unpack3A_581 = tpu.unpack_subelements %bitcast3A_580, 0 {pack_format = #tpu.pack_format<interleaved>} : vector<32xbf16> -> vector<16xf32>
        %unpack3A_582 = tpu.unpack_subelements %bitcast3A_580, 1 {pack_format = #tpu.pack_format<interleaved>} : vector<32xbf16> -> vector<16xf32>
        %sub3A_583 = arith.subf %unpack3A_581, %unpack3A_573 : vector<16xf32>
        %max3A_584 = arith.constant 0.000000e+00 : f32
        %max3A_585 = vector.broadcast %max3A_584 : f32 to vector<16xf32>
        %max3A_586 = arith.maximumf %sub3A_583, %max3A_585 : vector<16xf32>
        %add3A_587 = arith.addf %add3A_513, %max3A_586 : vector<16xf32>
        %sub3A_588 = arith.subf %unpack3A_582, %unpack3A_574 : vector<16xf32>
        %max3A_589 = arith.constant 0.000000e+00 : f32
        %max3A_590 = vector.broadcast %max3A_589 : f32 to vector<16xf32>
        %max3A_591 = arith.maximumf %sub3A_588, %max3A_590 : vector<16xf32>
        %add3A_592 = arith.addf %add3A_518, %max3A_591 : vector<16xf32>
        %add3A_593 = arith.constant 5 : i32
        %add3A_594 = arith.addi %mul3A_226, %add3A_593 : i32
        %get3A_595 = arith.constant 1 : i32
        %get3A_596 = arith.index_cast %get3A_595 : i32 to index
        %get3A_597 = arith.index_cast %add3A_594 : i32 to index
        %get3A_598 = arith.constant 0 : index
        %get3A_599 = tpu.vector_load %arg8[%get3A_596, %get3A_597, %get3A_598] {strides = array<i32>} : memref<2x128x64xi32, #tpu.memory_space<vmem>>, vector<16xi32>,
        %bitcast3A_600 = vector.bitcast %get3A_599 : vector<16xi32> to vector<32xbf16>
        %unpack3A_601 = tpu.unpack_subelements %bitcast3A_600, 0 {pack_format = #tpu.pack_format<interleaved>} : vector<32xbf16> -> vector<16xf32>
        %unpack3A_602 = tpu.unpack_subelements %bitcast3A_600, 1 {pack_format = #tpu.pack_format<interleaved>} : vector<32xbf16> -> vector<16xf32>
        %add3A_603 = arith.addf %add3A_529, %unpack3A_601 : vector<16xf32>
        %add3A_604 = arith.addf %add3A_530, %unpack3A_602 : vector<16xf32>
        %get3A_605 = arith.constant 1 : i32
        %get3A_606 = arith.index_cast %get3A_605 : i32 to index
        %get3A_607 = arith.index_cast %add3A_594 : i32 to index
        %get3A_608 = arith.constant 16 : index
        %get3A_609 = tpu.vector_load %arg8[%get3A_606, %get3A_607, %get3A_608] {strides = array<i32>} : memref<2x128x64xi32, #tpu.memory_space<vmem>>, vector<16xi32>,
        %bitcast3A_610 = vector.bitcast %get3A_609 : vector<16xi32> to vector<32xbf16>
        %unpack3A_611 = tpu.unpack_subelements %bitcast3A_610, 0 {pack_format = #tpu.pack_format<interleaved>} : vector<32xbf16> -> vector<16xf32>
        %unpack3A_612 = tpu.unpack_subelements %bitcast3A_610, 1 {pack_format = #tpu.pack_format<interleaved>} : vector<32xbf16> -> vector<16xf32>
        %add3A_613 = arith.addf %add3A_539, %unpack3A_611 : vector<16xf32>
        %add3A_614 = arith.addf %add3A_540, %unpack3A_612 : vector<16xf32>
        %get3A_615 = arith.constant 1 : i32
        %get3A_616 = arith.index_cast %get3A_615 : i32 to index
        %get3A_617 = arith.index_cast %add3A_594 : i32 to index
        %get3A_618 = arith.constant 32 : index
        %get3A_619 = tpu.vector_load %arg8[%get3A_616, %get3A_617, %get3A_618] {strides = array<i32>} : memref<2x128x64xi32, #tpu.memory_space<vmem>>, vector<16xi32>,
        %bitcast3A_620 = vector.bitcast %get3A_619 : vector<16xi32> to vector<32xbf16>
        %unpack3A_621 = tpu.unpack_subelements %bitcast3A_620, 0 {pack_format = #tpu.pack_format<interleaved>} : vector<32xbf16> -> vector<16xf32>
        %unpack3A_622 = tpu.unpack_subelements %bitcast3A_620, 1 {pack_format = #tpu.pack_format<interleaved>} : vector<32xbf16> -> vector<16xf32>
        %get3A_623 = arith.constant 1 : i32
        %get3A_624 = arith.index_cast %get3A_623 : i32 to index
        %get3A_625 = arith.index_cast %add3A_594 : i32 to index
        %get3A_626 = arith.constant 0 : index
        %get3A_627 = tpu.vector_load %arg9[%get3A_624, %get3A_625, %get3A_626] {strides = array<i32>} : memref<2x128x32xi32, #tpu.memory_space<vmem>>, vector<16xi32>,
        %bitcast3A_628 = vector.bitcast %get3A_627 : vector<16xi32> to vector<32xbf16>
        %unpack3A_629 = tpu.unpack_subelements %bitcast3A_628, 0 {pack_format = #tpu.pack_format<interleaved>} : vector<32xbf16> -> vector<16xf32>
        %unpack3A_630 = tpu.unpack_subelements %bitcast3A_628, 1 {pack_format = #tpu.pack_format<interleaved>} : vector<32xbf16> -> vector<16xf32>
        %sub3A_631 = arith.subf %unpack3A_629, %unpack3A_621 : vector<16xf32>
        %max3A_632 = arith.constant 0.000000e+00 : f32
        %max3A_633 = vector.broadcast %max3A_632 : f32 to vector<16xf32>
        %max3A_634 = arith.maximumf %sub3A_631, %max3A_633 : vector<16xf32>
        %add3A_635 = arith.addf %add3A_561, %max3A_634 : vector<16xf32>
        %sub3A_636 = arith.subf %unpack3A_630, %unpack3A_622 : vector<16xf32>
        %max3A_637 = arith.constant 0.000000e+00 : f32
        %max3A_638 = vector.broadcast %max3A_637 : f32 to vector<16xf32>
        %max3A_639 = arith.maximumf %sub3A_636, %max3A_638 : vector<16xf32>
        %add3A_640 = arith.addf %add3A_566, %max3A_639 : vector<16xf32>
        %get3A_641 = arith.constant 1 : i32
        %get3A_642 = arith.index_cast %get3A_641 : i32 to index
        %get3A_643 = arith.index_cast %add3A_594 : i32 to index
        %get3A_644 = arith.constant 48 : index
        %get3A_645 = tpu.vector_load %arg8[%get3A_642, %get3A_643, %get3A_644] {strides = array<i32>} : memref<2x128x64xi32, #tpu.memory_space<vmem>>, vector<16xi32>,
        %bitcast3A_646 = vector.bitcast %get3A_645 : vector<16xi32> to vector<32xbf16>
        %unpack3A_647 = tpu.unpack_subelements %bitcast3A_646, 0 {pack_format = #tpu.pack_format<interleaved>} : vector<32xbf16> -> vector<16xf32>
        %unpack3A_648 = tpu.unpack_subelements %bitcast3A_646, 1 {pack_format = #tpu.pack_format<interleaved>} : vector<32xbf16> -> vector<16xf32>
        %get3A_649 = arith.constant 1 : i32
        %get3A_650 = arith.index_cast %get3A_649 : i32 to index
        %get3A_651 = arith.index_cast %add3A_594 : i32 to index
        %get3A_652 = arith.constant 16 : index
        %get3A_653 = tpu.vector_load %arg9[%get3A_650, %get3A_651, %get3A_652] {strides = array<i32>} : memref<2x128x32xi32, #tpu.memory_space<vmem>>, vector<16xi32>,
        %bitcast3A_654 = vector.bitcast %get3A_653 : vector<16xi32> to vector<32xbf16>
        %unpack3A_655 = tpu.unpack_subelements %bitcast3A_654, 0 {pack_format = #tpu.pack_format<interleaved>} : vector<32xbf16> -> vector<16xf32>
        %unpack3A_656 = tpu.unpack_subelements %bitcast3A_654, 1 {pack_format = #tpu.pack_format<interleaved>} : vector<32xbf16> -> vector<16xf32>
        %sub3A_657 = arith.subf %unpack3A_655, %unpack3A_647 : vector<16xf32>
        %max3A_658 = arith.constant 0.000000e+00 : f32
        %max3A_659 = vector.broadcast %max3A_658 : f32 to vector<16xf32>
        %max3A_660 = arith.maximumf %sub3A_657, %max3A_659 : vector<16xf32>
        %add3A_661 = arith.addf %add3A_587, %max3A_660 : vector<16xf32>
        %sub3A_662 = arith.subf %unpack3A_656, %unpack3A_648 : vector<16xf32>
        %max3A_663 = arith.constant 0.000000e+00 : f32
        %max3A_664 = vector.broadcast %max3A_663 : f32 to vector<16xf32>
        %max3A_665 = arith.maximumf %sub3A_662, %max3A_664 : vector<16xf32>
        %add3A_666 = arith.addf %add3A_592, %max3A_665 : vector<16xf32>
        %add3A_667 = arith.constant 6 : i32
        %add3A_668 = arith.addi %mul3A_226, %add3A_667 : i32
        %get3A_669 = arith.constant 1 : i32
        %get3A_670 = arith.index_cast %get3A_669 : i32 to index
        %get3A_671 = arith.index_cast %add3A_668 : i32 to index
        %get3A_672 = arith.constant 0 : index
        %get3A_673 = tpu.vector_load %arg8[%get3A_670, %get3A_671, %get3A_672] {strides = array<i32>} : memref<2x128x64xi32, #tpu.memory_space<vmem>>, vector<16xi32>,
        %bitcast3A_674 = vector.bitcast %get3A_673 : vector<16xi32> to vector<32xbf16>
        %unpack3A_675 = tpu.unpack_subelements %bitcast3A_674, 0 {pack_format = #tpu.pack_format<interleaved>} : vector<32xbf16> -> vector<16xf32>
        %unpack3A_676 = tpu.unpack_subelements %bitcast3A_674, 1 {pack_format = #tpu.pack_format<interleaved>} : vector<32xbf16> -> vector<16xf32>
        %add3A_677 = arith.addf %add3A_603, %unpack3A_675 : vector<16xf32>
        %add3A_678 = arith.addf %add3A_604, %unpack3A_676 : vector<16xf32>
        %get3A_679 = arith.constant 1 : i32
        %get3A_680 = arith.index_cast %get3A_679 : i32 to index
        %get3A_681 = arith.index_cast %add3A_668 : i32 to index
        %get3A_682 = arith.constant 16 : index
        %get3A_683 = tpu.vector_load %arg8[%get3A_680, %get3A_681, %get3A_682] {strides = array<i32>} : memref<2x128x64xi32, #tpu.memory_space<vmem>>, vector<16xi32>,
        %bitcast3A_684 = vector.bitcast %get3A_683 : vector<16xi32> to vector<32xbf16>
        %unpack3A_685 = tpu.unpack_subelements %bitcast3A_684, 0 {pack_format = #tpu.pack_format<interleaved>} : vector<32xbf16> -> vector<16xf32>
        %unpack3A_686 = tpu.unpack_subelements %bitcast3A_684, 1 {pack_format = #tpu.pack_format<interleaved>} : vector<32xbf16> -> vector<16xf32>
        %add3A_687 = arith.addf %add3A_613, %unpack3A_685 : vector<16xf32>
        %add3A_688 = arith.addf %add3A_614, %unpack3A_686 : vector<16xf32>
        %get3A_689 = arith.constant 1 : i32
        %get3A_690 = arith.index_cast %get3A_689 : i32 to index
        %get3A_691 = arith.index_cast %add3A_668 : i32 to index
        %get3A_692 = arith.constant 32 : index
        %get3A_693 = tpu.vector_load %arg8[%get3A_690, %get3A_691, %get3A_692] {strides = array<i32>} : memref<2x128x64xi32, #tpu.memory_space<vmem>>, vector<16xi32>,
        %bitcast3A_694 = vector.bitcast %get3A_693 : vector<16xi32> to vector<32xbf16>
        %unpack3A_695 = tpu.unpack_subelements %bitcast3A_694, 0 {pack_format = #tpu.pack_format<interleaved>} : vector<32xbf16> -> vector<16xf32>
        %unpack3A_696 = tpu.unpack_subelements %bitcast3A_694, 1 {pack_format = #tpu.pack_format<interleaved>} : vector<32xbf16> -> vector<16xf32>
        %get3A_697 = arith.constant 1 : i32
        %get3A_698 = arith.index_cast %get3A_697 : i32 to index
        %get3A_699 = arith.index_cast %add3A_668 : i32 to index
        %get3A_700 = arith.constant 0 : index
        %get3A_701 = tpu.vector_load %arg9[%get3A_698, %get3A_699, %get3A_700] {strides = array<i32>} : memref<2x128x32xi32, #tpu.memory_space<vmem>>, vector<16xi32>,
        %bitcast3A_702 = vector.bitcast %get3A_701 : vector<16xi32> to vector<32xbf16>
        %unpack3A_703 = tpu.unpack_subelements %bitcast3A_702, 0 {pack_format = #tpu.pack_format<interleaved>} : vector<32xbf16> -> vector<16xf32>
        %unpack3A_704 = tpu.unpack_subelements %bitcast3A_702, 1 {pack_format = #tpu.pack_format<interleaved>} : vector<32xbf16> -> vector<16xf32>
        %sub3A_705 = arith.subf %unpack3A_703, %unpack3A_695 : vector<16xf32>
        %max3A_706 = arith.constant 0.000000e+00 : f32
        %max3A_707 = vector.broadcast %max3A_706 : f32 to vector<16xf32>
        %max3A_708 = arith.maximumf %sub3A_705, %max3A_707 : vector<16xf32>
        %add3A_709 = arith.addf %add3A_635, %max3A_708 : vector<16xf32>
        %sub3A_710 = arith.subf %unpack3A_704, %unpack3A_696 : vector<16xf32>
        %max3A_711 = arith.constant 0.000000e+00 : f32
        %max3A_712 = vector.broadcast %max3A_711 : f32 to vector<16xf32>
        %max3A_713 = arith.maximumf %sub3A_710, %max3A_712 : vector<16xf32>
        %add3A_714 = arith.addf %add3A_640, %max3A_713 : vector<16xf32>
        %get3A_715 = arith.constant 1 : i32
        %get3A_716 = arith.index_cast %get3A_715 : i32 to index
        %get3A_717 = arith.index_cast %add3A_668 : i32 to index
        %get3A_718 = arith.constant 48 : index
        %get3A_719 = tpu.vector_load %arg8[%get3A_716, %get3A_717, %get3A_718] {strides = array<i32>} : memref<2x128x64xi32, #tpu.memory_space<vmem>>, vector<16xi32>,
        %bitcast3A_720 = vector.bitcast %get3A_719 : vector<16xi32> to vector<32xbf16>
        %unpack3A_721 = tpu.unpack_subelements %bitcast3A_720, 0 {pack_format = #tpu.pack_format<interleaved>} : vector<32xbf16> -> vector<16xf32>
        %unpack3A_722 = tpu.unpack_subelements %bitcast3A_720, 1 {pack_format = #tpu.pack_format<interleaved>} : vector<32xbf16> -> vector<16xf32>
        %get3A_723 = arith.constant 1 : i32
        %get3A_724 = arith.index_cast %get3A_723 : i32 to index
        %get3A_725 = arith.index_cast %add3A_668 : i32 to index
        %get3A_726 = arith.constant 16 : index
        %get3A_727 = tpu.vector_load %arg9[%get3A_724, %get3A_725, %get3A_726] {strides = array<i32>} : memref<2x128x32xi32, #tpu.memory_space<vmem>>, vector<16xi32>,
        %bitcast3A_728 = vector.bitcast %get3A_727 : vector<16xi32> to vector<32xbf16>
        %unpack3A_729 = tpu.unpack_subelements %bitcast3A_728, 0 {pack_format = #tpu.pack_format<interleaved>} : vector<32xbf16> -> vector<16xf32>
        %unpack3A_730 = tpu.unpack_subelements %bitcast3A_728, 1 {pack_format = #tpu.pack_format<interleaved>} : vector<32xbf16> -> vector<16xf32>
        %sub3A_731 = arith.subf %unpack3A_729, %unpack3A_721 : vector<16xf32>
        %max3A_732 = arith.constant 0.000000e+00 : f32
        %max3A_733 = vector.broadcast %max3A_732 : f32 to vector<16xf32>
        %max3A_734 = arith.maximumf %sub3A_731, %max3A_733 : vector<16xf32>
        %add3A_735 = arith.addf %add3A_661, %max3A_734 : vector<16xf32>
        %sub3A_736 = arith.subf %unpack3A_730, %unpack3A_722 : vector<16xf32>
        %max3A_737 = arith.constant 0.000000e+00 : f32
        %max3A_738 = vector.broadcast %max3A_737 : f32 to vector<16xf32>
        %max3A_739 = arith.maximumf %sub3A_736, %max3A_738 : vector<16xf32>
        %add3A_740 = arith.addf %add3A_666, %max3A_739 : vector<16xf32>
        %add3A_741 = arith.constant 7 : i32
        %add3A_742 = arith.addi %mul3A_226, %add3A_741 : i32
        %get3A_743 = arith.constant 1 : i32
        %get3A_744 = arith.index_cast %get3A_743 : i32 to index
        %get3A_745 = arith.index_cast %add3A_742 : i32 to index
        %get3A_746 = arith.constant 0 : index
        %get3A_747 = tpu.vector_load %arg8[%get3A_744, %get3A_745, %get3A_746] {strides = array<i32>} : memref<2x128x64xi32, #tpu.memory_space<vmem>>, vector<16xi32>,
        %bitcast3A_748 = vector.bitcast %get3A_747 : vector<16xi32> to vector<32xbf16>
        %unpack3A_749 = tpu.unpack_subelements %bitcast3A_748, 0 {pack_format = #tpu.pack_format<interleaved>} : vector<32xbf16> -> vector<16xf32>
        %unpack3A_750 = tpu.unpack_subelements %bitcast3A_748, 1 {pack_format = #tpu.pack_format<interleaved>} : vector<32xbf16> -> vector<16xf32>
        %add3A_751 = arith.addf %add3A_677, %unpack3A_749 : vector<16xf32>
        %add3A_752 = arith.addf %add3A_678, %unpack3A_750 : vector<16xf32>
        %get3A_753 = arith.constant 1 : i32
        %get3A_754 = arith.index_cast %get3A_753 : i32 to index
        %get3A_755 = arith.index_cast %add3A_742 : i32 to index
        %get3A_756 = arith.constant 16 : index
        %get3A_757 = tpu.vector_load %arg8[%get3A_754, %get3A_755, %get3A_756] {strides = array<i32>} : memref<2x128x64xi32, #tpu.memory_space<vmem>>, vector<16xi32>,
        %bitcast3A_758 = vector.bitcast %get3A_757 : vector<16xi32> to vector<32xbf16>
        %unpack3A_759 = tpu.unpack_subelements %bitcast3A_758, 0 {pack_format = #tpu.pack_format<interleaved>} : vector<32xbf16> -> vector<16xf32>
        %unpack3A_760 = tpu.unpack_subelements %bitcast3A_758, 1 {pack_format = #tpu.pack_format<interleaved>} : vector<32xbf16> -> vector<16xf32>
        %add3A_761 = arith.addf %add3A_687, %unpack3A_759 : vector<16xf32>
        %add3A_762 = arith.addf %add3A_688, %unpack3A_760 : vector<16xf32>
        %get3A_763 = arith.constant 1 : i32
        %get3A_764 = arith.index_cast %get3A_763 : i32 to index
        %get3A_765 = arith.index_cast %add3A_742 : i32 to index
        %get3A_766 = arith.constant 32 : index
        %get3A_767 = tpu.vector_load %arg8[%get3A_764, %get3A_765, %get3A_766] {strides = array<i32>} : memref<2x128x64xi32, #tpu.memory_space<vmem>>, vector<16xi32>,
        %bitcast3A_768 = vector.bitcast %get3A_767 : vector<16xi32> to vector<32xbf16>
        %unpack3A_769 = tpu.unpack_subelements %bitcast3A_768, 0 {pack_format = #tpu.pack_format<interleaved>} : vector<32xbf16> -> vector<16xf32>
        %unpack3A_770 = tpu.unpack_subelements %bitcast3A_768, 1 {pack_format = #tpu.pack_format<interleaved>} : vector<32xbf16> -> vector<16xf32>
        %get3A_771 = arith.constant 1 : i32
        %get3A_772 = arith.index_cast %get3A_771 : i32 to index
        %get3A_773 = arith.index_cast %add3A_742 : i32 to index
        %get3A_774 = arith.constant 0 : index
        %get3A_775 = tpu.vector_load %arg9[%get3A_772, %get3A_773, %get3A_774] {strides = array<i32>} : memref<2x128x32xi32, #tpu.memory_space<vmem>>, vector<16xi32>,
        %bitcast3A_776 = vector.bitcast %get3A_775 : vector<16xi32> to vector<32xbf16>
        %unpack3A_777 = tpu.unpack_subelements %bitcast3A_776, 0 {pack_format = #tpu.pack_format<interleaved>} : vector<32xbf16> -> vector<16xf32>
        %unpack3A_778 = tpu.unpack_subelements %bitcast3A_776, 1 {pack_format = #tpu.pack_format<interleaved>} : vector<32xbf16> -> vector<16xf32>
        %sub3A_779 = arith.subf %unpack3A_777, %unpack3A_769 : vector<16xf32>
        %max3A_780 = arith.constant 0.000000e+00 : f32
        %max3A_781 = vector.broadcast %max3A_780 : f32 to vector<16xf32>
        %max3A_782 = arith.maximumf %sub3A_779, %max3A_781 : vector<16xf32>
        %add3A_783 = arith.addf %add3A_709, %max3A_782 : vector<16xf32>
        %sub3A_784 = arith.subf %unpack3A_778, %unpack3A_770 : vector<16xf32>
        %max3A_785 = arith.constant 0.000000e+00 : f32
        %max3A_786 = vector.broadcast %max3A_785 : f32 to vector<16xf32>
        %max3A_787 = arith.maximumf %sub3A_784, %max3A_786 : vector<16xf32>
        %add3A_788 = arith.addf %add3A_714, %max3A_787 : vector<16xf32>
        %get3A_789 = arith.constant 1 : i32
        %get3A_790 = arith.index_cast %get3A_789 : i32 to index
        %get3A_791 = arith.index_cast %add3A_742 : i32 to index
        %get3A_792 = arith.constant 48 : index
        %get3A_793 = tpu.vector_load %arg8[%get3A_790, %get3A_791, %get3A_792] {strides = array<i32>} : memref<2x128x64xi32, #tpu.memory_space<vmem>>, vector<16xi32>,
        %bitcast3A_794 = vector.bitcast %get3A_793 : vector<16xi32> to vector<32xbf16>
        %unpack3A_795 = tpu.unpack_subelements %bitcast3A_794, 0 {pack_format = #tpu.pack_format<interleaved>} : vector<32xbf16> -> vector<16xf32>
        %unpack3A_796 = tpu.unpack_subelements %bitcast3A_794, 1 {pack_format = #tpu.pack_format<interleaved>} : vector<32xbf16> -> vector<16xf32>
        %get3A_797 = arith.constant 1 : i32
        %get3A_798 = arith.index_cast %get3A_797 : i32 to index
        %get3A_799 = arith.index_cast %add3A_742 : i32 to index
        %get3A_800 = arith.constant 16 : index
        %get3A_801 = tpu.vector_load %arg9[%get3A_798, %get3A_799, %get3A_800] {strides = array<i32>} : memref<2x128x32xi32, #tpu.memory_space<vmem>>, vector<16xi32>,
        %bitcast3A_802 = vector.bitcast %get3A_801 : vector<16xi32> to vector<32xbf16>
        %unpack3A_803 = tpu.unpack_subelements %bitcast3A_802, 0 {pack_format = #tpu.pack_format<interleaved>} : vector<32xbf16> -> vector<16xf32>
        %unpack3A_804 = tpu.unpack_subelements %bitcast3A_802, 1 {pack_format = #tpu.pack_format<interleaved>} : vector<32xbf16> -> vector<16xf32>
        %sub3A_805 = arith.subf %unpack3A_803, %unpack3A_795 : vector<16xf32>
        %max3A_806 = arith.constant 0.000000e+00 : f32
        %max3A_807 = vector.broadcast %max3A_806 : f32 to vector<16xf32>
        %max3A_808 = arith.maximumf %sub3A_805, %max3A_807 : vector<16xf32>
        %add3A_809 = arith.addf %add3A_735, %max3A_808 : vector<16xf32>
        %sub3A_810 = arith.subf %unpack3A_804, %unpack3A_796 : vector<16xf32>
        %max3A_811 = arith.constant 0.000000e+00 : f32
        %max3A_812 = vector.broadcast %max3A_811 : f32 to vector<16xf32>
        %max3A_813 = arith.maximumf %sub3A_810, %max3A_812 : vector<16xf32>
        %add3A_814 = arith.addf %add3A_740, %max3A_813 : vector<16xf32>
        %add3A_815 = arith.constant 8 : i32
        %add3A_816 = arith.addi %mul3A_226, %add3A_815 : i32
        %get3A_817 = arith.constant 1 : i32
        %get3A_818 = arith.index_cast %get3A_817 : i32 to index
        %get3A_819 = arith.index_cast %add3A_816 : i32 to index
        %get3A_820 = arith.constant 0 : index
        %get3A_821 = tpu.vector_load %arg8[%get3A_818, %get3A_819, %get3A_820] {strides = array<i32>} : memref<2x128x64xi32, #tpu.memory_space<vmem>>, vector<16xi32>,
        %bitcast3A_822 = vector.bitcast %get3A_821 : vector<16xi32> to vector<32xbf16>
        %unpack3A_823 = tpu.unpack_subelements %bitcast3A_822, 0 {pack_format = #tpu.pack_format<interleaved>} : vector<32xbf16> -> vector<16xf32>
        %unpack3A_824 = tpu.unpack_subelements %bitcast3A_822, 1 {pack_format = #tpu.pack_format<interleaved>} : vector<32xbf16> -> vector<16xf32>
        %add3A_825 = arith.addf %add3A_751, %unpack3A_823 : vector<16xf32>
        %add3A_826 = arith.addf %add3A_752, %unpack3A_824 : vector<16xf32>
        %get3A_827 = arith.constant 1 : i32
        %get3A_828 = arith.index_cast %get3A_827 : i32 to index
        %get3A_829 = arith.index_cast %add3A_816 : i32 to index
        %get3A_830 = arith.constant 16 : index
        %get3A_831 = tpu.vector_load %arg8[%get3A_828, %get3A_829, %get3A_830] {strides = array<i32>} : memref<2x128x64xi32, #tpu.memory_space<vmem>>, vector<16xi32>,
        %bitcast3A_832 = vector.bitcast %get3A_831 : vector<16xi32> to vector<32xbf16>
        %unpack3A_833 = tpu.unpack_subelements %bitcast3A_832, 0 {pack_format = #tpu.pack_format<interleaved>} : vector<32xbf16> -> vector<16xf32>
        %unpack3A_834 = tpu.unpack_subelements %bitcast3A_832, 1 {pack_format = #tpu.pack_format<interleaved>} : vector<32xbf16> -> vector<16xf32>
        %add3A_835 = arith.addf %add3A_761, %unpack3A_833 : vector<16xf32>
        %add3A_836 = arith.addf %add3A_762, %unpack3A_834 : vector<16xf32>
        %get3A_837 = arith.constant 1 : i32
        %get3A_838 = arith.index_cast %get3A_837 : i32 to index
        %get3A_839 = arith.index_cast %add3A_816 : i32 to index
        %get3A_840 = arith.constant 32 : index
        %get3A_841 = tpu.vector_load %arg8[%get3A_838, %get3A_839, %get3A_840] {strides = array<i32>} : memref<2x128x64xi32, #tpu.memory_space<vmem>>, vector<16xi32>,
        %bitcast3A_842 = vector.bitcast %get3A_841 : vector<16xi32> to vector<32xbf16>
        %unpack3A_843 = tpu.unpack_subelements %bitcast3A_842, 0 {pack_format = #tpu.pack_format<interleaved>} : vector<32xbf16> -> vector<16xf32>
        %unpack3A_844 = tpu.unpack_subelements %bitcast3A_842, 1 {pack_format = #tpu.pack_format<interleaved>} : vector<32xbf16> -> vector<16xf32>
        %get3A_845 = arith.constant 1 : i32
        %get3A_846 = arith.index_cast %get3A_845 : i32 to index
        %get3A_847 = arith.index_cast %add3A_816 : i32 to index
        %get3A_848 = arith.constant 0 : index
        %get3A_849 = tpu.vector_load %arg9[%get3A_846, %get3A_847, %get3A_848] {strides = array<i32>} : memref<2x128x32xi32, #tpu.memory_space<vmem>>, vector<16xi32>,
        %bitcast3A_850 = vector.bitcast %get3A_849 : vector<16xi32> to vector<32xbf16>
        %unpack3A_851 = tpu.unpack_subelements %bitcast3A_850, 0 {pack_format = #tpu.pack_format<interleaved>} : vector<32xbf16> -> vector<16xf32>
        %unpack3A_852 = tpu.unpack_subelements %bitcast3A_850, 1 {pack_format = #tpu.pack_format<interleaved>} : vector<32xbf16> -> vector<16xf32>
        %sub3A_853 = arith.subf %unpack3A_851, %unpack3A_843 : vector<16xf32>
        %max3A_854 = arith.constant 0.000000e+00 : f32
        %max3A_855 = vector.broadcast %max3A_854 : f32 to vector<16xf32>
        %max3A_856 = arith.maximumf %sub3A_853, %max3A_855 : vector<16xf32>
        %add3A_857 = arith.addf %add3A_783, %max3A_856 : vector<16xf32>
        %sub3A_858 = arith.subf %unpack3A_852, %unpack3A_844 : vector<16xf32>
        %max3A_859 = arith.constant 0.000000e+00 : f32
        %max3A_860 = vector.broadcast %max3A_859 : f32 to vector<16xf32>
        %max3A_861 = arith.maximumf %sub3A_858, %max3A_860 : vector<16xf32>
        %add3A_862 = arith.addf %add3A_788, %max3A_861 : vector<16xf32>
        %get3A_863 = arith.constant 1 : i32
        %get3A_864 = arith.index_cast %get3A_863 : i32 to index
        %get3A_865 = arith.index_cast %add3A_816 : i32 to index
        %get3A_866 = arith.constant 48 : index
        %get3A_867 = tpu.vector_load %arg8[%get3A_864, %get3A_865, %get3A_866] {strides = array<i32>} : memref<2x128x64xi32, #tpu.memory_space<vmem>>, vector<16xi32>,
        %bitcast3A_868 = vector.bitcast %get3A_867 : vector<16xi32> to vector<32xbf16>
        %unpack3A_869 = tpu.unpack_subelements %bitcast3A_868, 0 {pack_format = #tpu.pack_format<interleaved>} : vector<32xbf16> -> vector<16xf32>
        %unpack3A_870 = tpu.unpack_subelements %bitcast3A_868, 1 {pack_format = #tpu.pack_format<interleaved>} : vector<32xbf16> -> vector<16xf32>
        %get3A_871 = arith.constant 1 : i32
        %get3A_872 = arith.index_cast %get3A_871 : i32 to index
        %get3A_873 = arith.index_cast %add3A_816 : i32 to index
        %get3A_874 = arith.constant 16 : index
        %get3A_875 = tpu.vector_load %arg9[%get3A_872, %get3A_873, %get3A_874] {strides = array<i32>} : memref<2x128x32xi32, #tpu.memory_space<vmem>>, vector<16xi32>,
        %bitcast3A_876 = vector.bitcast %get3A_875 : vector<16xi32> to vector<32xbf16>
        %unpack3A_877 = tpu.unpack_subelements %bitcast3A_876, 0 {pack_format = #tpu.pack_format<interleaved>} : vector<32xbf16> -> vector<16xf32>
        %unpack3A_878 = tpu.unpack_subelements %bitcast3A_876, 1 {pack_format = #tpu.pack_format<interleaved>} : vector<32xbf16> -> vector<16xf32>
        %sub3A_879 = arith.subf %unpack3A_877, %unpack3A_869 : vector<16xf32>
        %max3A_880 = arith.constant 0.000000e+00 : f32
        %max3A_881 = vector.broadcast %max3A_880 : f32 to vector<16xf32>
        %max3A_882 = arith.maximumf %sub3A_879, %max3A_881 : vector<16xf32>
        %add3A_883 = arith.addf %add3A_809, %max3A_882 : vector<16xf32>
        %sub3A_884 = arith.subf %unpack3A_878, %unpack3A_870 : vector<16xf32>
        %max3A_885 = arith.constant 0.000000e+00 : f32
        %max3A_886 = vector.broadcast %max3A_885 : f32 to vector<16xf32>
        %max3A_887 = arith.maximumf %sub3A_884, %max3A_886 : vector<16xf32>
        %add3A_888 = arith.addf %add3A_814, %max3A_887 : vector<16xf32>
        %add3A_889 = arith.constant 9 : i32
        %add3A_890 = arith.addi %mul3A_226, %add3A_889 : i32
        %get3A_891 = arith.constant 1 : i32
        %get3A_892 = arith.index_cast %get3A_891 : i32 to index
        %get3A_893 = arith.index_cast %add3A_890 : i32 to index
        %get3A_894 = arith.constant 0 : index
        %get3A_895 = tpu.vector_load %arg8[%get3A_892, %get3A_893, %get3A_894] {strides = array<i32>} : memref<2x128x64xi32, #tpu.memory_space<vmem>>, vector<16xi32>,
        %bitcast3A_896 = vector.bitcast %get3A_895 : vector<16xi32> to vector<32xbf16>
        %unpack3A_897 = tpu.unpack_subelements %bitcast3A_896, 0 {pack_format = #tpu.pack_format<interleaved>} : vector<32xbf16> -> vector<16xf32>
        %unpack3A_898 = tpu.unpack_subelements %bitcast3A_896, 1 {pack_format = #tpu.pack_format<interleaved>} : vector<32xbf16> -> vector<16xf32>
        %add3A_899 = arith.addf %add3A_825, %unpack3A_897 : vector<16xf32>
        %add3A_900 = arith.addf %add3A_826, %unpack3A_898 : vector<16xf32>
        %get3A_901 = arith.constant 1 : i32
        %get3A_902 = arith.index_cast %get3A_901 : i32 to index
        %get3A_903 = arith.index_cast %add3A_890 : i32 to index
        %get3A_904 = arith.constant 16 : index
        %get3A_905 = tpu.vector_load %arg8[%get3A_902, %get3A_903, %get3A_904] {strides = array<i32>} : memref<2x128x64xi32, #tpu.memory_space<vmem>>, vector<16xi32>,
        %bitcast3A_906 = vector.bitcast %get3A_905 : vector<16xi32> to vector<32xbf16>
        %unpack3A_907 = tpu.unpack_subelements %bitcast3A_906, 0 {pack_format = #tpu.pack_format<interleaved>} : vector<32xbf16> -> vector<16xf32>
        %unpack3A_908 = tpu.unpack_subelements %bitcast3A_906, 1 {pack_format = #tpu.pack_format<interleaved>} : vector<32xbf16> -> vector<16xf32>
        %add3A_909 = arith.addf %add3A_835, %unpack3A_907 : vector<16xf32>
        %add3A_910 = arith.addf %add3A_836, %unpack3A_908 : vector<16xf32>
        %get3A_911 = arith.constant 1 : i32
        %get3A_912 = arith.index_cast %get3A_911 : i32 to index
        %get3A_913 = arith.index_cast %add3A_890 : i32 to index
        %get3A_914 = arith.constant 32 : index
        %get3A_915 = tpu.vector_load %arg8[%get3A_912, %get3A_913, %get3A_914] {strides = array<i32>} : memref<2x128x64xi32, #tpu.memory_space<vmem>>, vector<16xi32>,
        %bitcast3A_916 = vector.bitcast %get3A_915 : vector<16xi32> to vector<32xbf16>
        %unpack3A_917 = tpu.unpack_subelements %bitcast3A_916, 0 {pack_format = #tpu.pack_format<interleaved>} : vector<32xbf16> -> vector<16xf32>
        %unpack3A_918 = tpu.unpack_subelements %bitcast3A_916, 1 {pack_format = #tpu.pack_format<interleaved>} : vector<32xbf16> -> vector<16xf32>
        %get3A_919 = arith.constant 1 : i32
        %get3A_920 = arith.index_cast %get3A_919 : i32 to index
        %get3A_921 = arith.index_cast %add3A_890 : i32 to index
        %get3A_922 = arith.constant 0 : index
        %get3A_923 = tpu.vector_load %arg9[%get3A_920, %get3A_921, %get3A_922] {strides = array<i32>} : memref<2x128x32xi32, #tpu.memory_space<vmem>>, vector<16xi32>,
        %bitcast3A_924 = vector.bitcast %get3A_923 : vector<16xi32> to vector<32xbf16>
        %unpack3A_925 = tpu.unpack_subelements %bitcast3A_924, 0 {pack_format = #tpu.pack_format<interleaved>} : vector<32xbf16> -> vector<16xf32>
        %unpack3A_926 = tpu.unpack_subelements %bitcast3A_924, 1 {pack_format = #tpu.pack_format<interleaved>} : vector<32xbf16> -> vector<16xf32>
        %sub3A_927 = arith.subf %unpack3A_925, %unpack3A_917 : vector<16xf32>
        %max3A_928 = arith.constant 0.000000e+00 : f32
        %max3A_929 = vector.broadcast %max3A_928 : f32 to vector<16xf32>
        %max3A_930 = arith.maximumf %sub3A_927, %max3A_929 : vector<16xf32>
        %add3A_931 = arith.addf %add3A_857, %max3A_930 : vector<16xf32>
        %sub3A_932 = arith.subf %unpack3A_926, %unpack3A_918 : vector<16xf32>
        %max3A_933 = arith.constant 0.000000e+00 : f32
        %max3A_934 = vector.broadcast %max3A_933 : f32 to vector<16xf32>
        %max3A_935 = arith.maximumf %sub3A_932, %max3A_934 : vector<16xf32>
        %add3A_936 = arith.addf %add3A_862, %max3A_935 : vector<16xf32>
        %get3A_937 = arith.constant 1 : i32
        %get3A_938 = arith.index_cast %get3A_937 : i32 to index
        %get3A_939 = arith.index_cast %add3A_890 : i32 to index
        %get3A_940 = arith.constant 48 : index
        %get3A_941 = tpu.vector_load %arg8[%get3A_938, %get3A_939, %get3A_940] {strides = array<i32>} : memref<2x128x64xi32, #tpu.memory_space<vmem>>, vector<16xi32>,
        %bitcast3A_942 = vector.bitcast %get3A_941 : vector<16xi32> to vector<32xbf16>
        %unpack3A_943 = tpu.unpack_subelements %bitcast3A_942, 0 {pack_format = #tpu.pack_format<interleaved>} : vector<32xbf16> -> vector<16xf32>
        %unpack3A_944 = tpu.unpack_subelements %bitcast3A_942, 1 {pack_format = #tpu.pack_format<interleaved>} : vector<32xbf16> -> vector<16xf32>
        %get3A_945 = arith.constant 1 : i32
        %get3A_946 = arith.index_cast %get3A_945 : i32 to index
        %get3A_947 = arith.index_cast %add3A_890 : i32 to index
        %get3A_948 = arith.constant 16 : index
        %get3A_949 = tpu.vector_load %arg9[%get3A_946, %get3A_947, %get3A_948] {strides = array<i32>} : memref<2x128x32xi32, #tpu.memory_space<vmem>>, vector<16xi32>,
        %bitcast3A_950 = vector.bitcast %get3A_949 : vector<16xi32> to vector<32xbf16>
        %unpack3A_951 = tpu.unpack_subelements %bitcast3A_950, 0 {pack_format = #tpu.pack_format<interleaved>} : vector<32xbf16> -> vector<16xf32>
        %unpack3A_952 = tpu.unpack_subelements %bitcast3A_950, 1 {pack_format = #tpu.pack_format<interleaved>} : vector<32xbf16> -> vector<16xf32>
        %sub3A_953 = arith.subf %unpack3A_951, %unpack3A_943 : vector<16xf32>
        %max3A_954 = arith.constant 0.000000e+00 : f32
        %max3A_955 = vector.broadcast %max3A_954 : f32 to vector<16xf32>
        %max3A_956 = arith.maximumf %sub3A_953, %max3A_955 : vector<16xf32>
        %add3A_957 = arith.addf %add3A_883, %max3A_956 : vector<16xf32>
        %sub3A_958 = arith.subf %unpack3A_952, %unpack3A_944 : vector<16xf32>
        %max3A_959 = arith.constant 0.000000e+00 : f32
        %max3A_960 = vector.broadcast %max3A_959 : f32 to vector<16xf32>
        %max3A_961 = arith.maximumf %sub3A_958, %max3A_960 : vector<16xf32>
        %add3A_962 = arith.addf %add3A_888, %max3A_961 : vector<16xf32>
        %add3A_963 = arith.constant 10 : i32
        %add3A_964 = arith.addi %mul3A_226, %add3A_963 : i32
        %get3A_965 = arith.constant 1 : i32
        %get3A_966 = arith.index_cast %get3A_965 : i32 to index
        %get3A_967 = arith.index_cast %add3A_964 : i32 to index
        %get3A_968 = arith.constant 0 : index
        %get3A_969 = tpu.vector_load %arg8[%get3A_966, %get3A_967, %get3A_968] {strides = array<i32>} : memref<2x128x64xi32, #tpu.memory_space<vmem>>, vector<16xi32>,
        %bitcast3A_970 = vector.bitcast %get3A_969 : vector<16xi32> to vector<32xbf16>
        %unpack3A_971 = tpu.unpack_subelements %bitcast3A_970, 0 {pack_format = #tpu.pack_format<interleaved>} : vector<32xbf16> -> vector<16xf32>
        %unpack3A_972 = tpu.unpack_subelements %bitcast3A_970, 1 {pack_format = #tpu.pack_format<interleaved>} : vector<32xbf16> -> vector<16xf32>
        %add3A_973 = arith.addf %add3A_899, %unpack3A_971 : vector<16xf32>
        %add3A_974 = arith.addf %add3A_900, %unpack3A_972 : vector<16xf32>
        %get3A_975 = arith.constant 1 : i32
        %get3A_976 = arith.index_cast %get3A_975 : i32 to index
        %get3A_977 = arith.index_cast %add3A_964 : i32 to index
        %get3A_978 = arith.constant 16 : index
        %get3A_979 = tpu.vector_load %arg8[%get3A_976, %get3A_977, %get3A_978] {strides = array<i32>} : memref<2x128x64xi32, #tpu.memory_space<vmem>>, vector<16xi32>,
        %bitcast3A_980 = vector.bitcast %get3A_979 : vector<16xi32> to vector<32xbf16>
        %unpack3A_981 = tpu.unpack_subelements %bitcast3A_980, 0 {pack_format = #tpu.pack_format<interleaved>} : vector<32xbf16> -> vector<16xf32>
        %unpack3A_982 = tpu.unpack_subelements %bitcast3A_980, 1 {pack_format = #tpu.pack_format<interleaved>} : vector<32xbf16> -> vector<16xf32>
        %add3A_983 = arith.addf %add3A_909, %unpack3A_981 : vector<16xf32>
        %add3A_984 = arith.addf %add3A_910, %unpack3A_982 : vector<16xf32>
        %get3A_985 = arith.constant 1 : i32
        %get3A_986 = arith.index_cast %get3A_985 : i32 to index
        %get3A_987 = arith.index_cast %add3A_964 : i32 to index
        %get3A_988 = arith.constant 32 : index
        %get3A_989 = tpu.vector_load %arg8[%get3A_986, %get3A_987, %get3A_988] {strides = array<i32>} : memref<2x128x64xi32, #tpu.memory_space<vmem>>, vector<16xi32>,
        %bitcast3A_990 = vector.bitcast %get3A_989 : vector<16xi32> to vector<32xbf16>
        %unpack3A_991 = tpu.unpack_subelements %bitcast3A_990, 0 {pack_format = #tpu.pack_format<interleaved>} : vector<32xbf16> -> vector<16xf32>
        %unpack3A_992 = tpu.unpack_subelements %bitcast3A_990, 1 {pack_format = #tpu.pack_format<interleaved>} : vector<32xbf16> -> vector<16xf32>
        %get3A_993 = arith.constant 1 : i32
        %get3A_994 = arith.index_cast %get3A_993 : i32 to index
        %get3A_995 = arith.index_cast %add3A_964 : i32 to index
        %get3A_996 = arith.constant 0 : index
        %get3A_997 = tpu.vector_load %arg9[%get3A_994, %get3A_995, %get3A_996] {strides = array<i32>} : memref<2x128x32xi32, #tpu.memory_space<vmem>>, vector<16xi32>,
        %bitcast3A_998 = vector.bitcast %get3A_997 : vector<16xi32> to vector<32xbf16>
        %unpack3A_999 = tpu.unpack_subelements %bitcast3A_998, 0 {pack_format = #tpu.pack_format<interleaved>} : vector<32xbf16> -> vector<16xf32>
        %unpack3A_1000 = tpu.unpack_subelements %bitcast3A_998, 1 {pack_format = #tpu.pack_format<interleaved>} : vector<32xbf16> -> vector<16xf32>
        %sub3A_1001 = arith.subf %unpack3A_999, %unpack3A_991 : vector<16xf32>
        %max3A_1002 = arith.constant 0.000000e+00 : f32
        %max3A_1003 = vector.broadcast %max3A_1002 : f32 to vector<16xf32>
        %max3A_1004 = arith.maximumf %sub3A_1001, %max3A_1003 : vector<16xf32>
        %add3A_1005 = arith.addf %add3A_931, %max3A_1004 : vector<16xf32>
        %sub3A_1006 = arith.subf %unpack3A_1000, %unpack3A_992 : vector<16xf32>
        %max3A_1007 = arith.constant 0.000000e+00 : f32
        %max3A_1008 = vector.broadcast %max3A_1007 : f32 to vector<16xf32>
        %max3A_1009 = arith.maximumf %sub3A_1006, %max3A_1008 : vector<16xf32>
        %add3A_1010 = arith.addf %add3A_936, %max3A_1009 : vector<16xf32>
        %get3A_1011 = arith.constant 1 : i32
        %get3A_1012 = arith.index_cast %get3A_1011 : i32 to index
        %get3A_1013 = arith.index_cast %add3A_964 : i32 to index
        %get3A_1014 = arith.constant 48 : index
        %get3A_1015 = tpu.vector_load %arg8[%get3A_1012, %get3A_1013, %get3A_1014] {strides = array<i32>} : memref<2x128x64xi32, #tpu.memory_space<vmem>>, vector<16xi32>,
        %bitcast3A_1016 = vector.bitcast %get3A_1015 : vector<16xi32> to vector<32xbf16>
        %unpack3A_1017 = tpu.unpack_subelements %bitcast3A_1016, 0 {pack_format = #tpu.pack_format<interleaved>} : vector<32xbf16> -> vector<16xf32>
        %unpack3A_1018 = tpu.unpack_subelements %bitcast3A_1016, 1 {pack_format = #tpu.pack_format<interleaved>} : vector<32xbf16> -> vector<16xf32>
        %get3A_1019 = arith.constant 1 : i32
        %get3A_1020 = arith.index_cast %get3A_1019 : i32 to index
        %get3A_1021 = arith.index_cast %add3A_964 : i32 to index
        %get3A_1022 = arith.constant 16 : index
        %get3A_1023 = tpu.vector_load %arg9[%get3A_1020, %get3A_1021, %get3A_1022] {strides = array<i32>} : memref<2x128x32xi32, #tpu.memory_space<vmem>>, vector<16xi32>,
        %bitcast3A_1024 = vector.bitcast %get3A_1023 : vector<16xi32> to vector<32xbf16>
        %unpack3A_1025 = tpu.unpack_subelements %bitcast3A_1024, 0 {pack_format = #tpu.pack_format<interleaved>} : vector<32xbf16> -> vector<16xf32>
        %unpack3A_1026 = tpu.unpack_subelements %bitcast3A_1024, 1 {pack_format = #tpu.pack_format<interleaved>} : vector<32xbf16> -> vector<16xf32>
        %sub3A_1027 = arith.subf %unpack3A_1025, %unpack3A_1017 : vector<16xf32>
        %max3A_1028 = arith.constant 0.000000e+00 : f32
        %max3A_1029 = vector.broadcast %max3A_1028 : f32 to vector<16xf32>
        %max3A_1030 = arith.maximumf %sub3A_1027, %max3A_1029 : vector<16xf32>
        %add3A_1031 = arith.addf %add3A_957, %max3A_1030 : vector<16xf32>
        %sub3A_1032 = arith.subf %unpack3A_1026, %unpack3A_1018 : vector<16xf32>
        %max3A_1033 = arith.constant 0.000000e+00 : f32
        %max3A_1034 = vector.broadcast %max3A_1033 : f32 to vector<16xf32>
        %max3A_1035 = arith.maximumf %sub3A_1032, %max3A_1034 : vector<16xf32>
        %add3A_1036 = arith.addf %add3A_962, %max3A_1035 : vector<16xf32>
        %add3A_1037 = arith.constant 11 : i32
        %add3A_1038 = arith.addi %mul3A_226, %add3A_1037 : i32
        %get3A_1039 = arith.constant 1 : i32
        %get3A_1040 = arith.index_cast %get3A_1039 : i32 to index
        %get3A_1041 = arith.index_cast %add3A_1038 : i32 to index
        %get3A_1042 = arith.constant 0 : index
        %get3A_1043 = tpu.vector_load %arg8[%get3A_1040, %get3A_1041, %get3A_1042] {strides = array<i32>} : memref<2x128x64xi32, #tpu.memory_space<vmem>>, vector<16xi32>,
        %bitcast3A_1044 = vector.bitcast %get3A_1043 : vector<16xi32> to vector<32xbf16>
        %unpack3A_1045 = tpu.unpack_subelements %bitcast3A_1044, 0 {pack_format = #tpu.pack_format<interleaved>} : vector<32xbf16> -> vector<16xf32>
        %unpack3A_1046 = tpu.unpack_subelements %bitcast3A_1044, 1 {pack_format = #tpu.pack_format<interleaved>} : vector<32xbf16> -> vector<16xf32>
        %add3A_1047 = arith.addf %add3A_973, %unpack3A_1045 : vector<16xf32>
        %add3A_1048 = arith.addf %add3A_974, %unpack3A_1046 : vector<16xf32>
        %get3A_1049 = arith.constant 1 : i32
        %get3A_1050 = arith.index_cast %get3A_1049 : i32 to index
        %get3A_1051 = arith.index_cast %add3A_1038 : i32 to index
        %get3A_1052 = arith.constant 16 : index
        %get3A_1053 = tpu.vector_load %arg8[%get3A_1050, %get3A_1051, %get3A_1052] {strides = array<i32>} : memref<2x128x64xi32, #tpu.memory_space<vmem>>, vector<16xi32>,
        %bitcast3A_1054 = vector.bitcast %get3A_1053 : vector<16xi32> to vector<32xbf16>
        %unpack3A_1055 = tpu.unpack_subelements %bitcast3A_1054, 0 {pack_format = #tpu.pack_format<interleaved>} : vector<32xbf16> -> vector<16xf32>
        %unpack3A_1056 = tpu.unpack_subelements %bitcast3A_1054, 1 {pack_format = #tpu.pack_format<interleaved>} : vector<32xbf16> -> vector<16xf32>
        %add3A_1057 = arith.addf %add3A_983, %unpack3A_1055 : vector<16xf32>
        %add3A_1058 = arith.addf %add3A_984, %unpack3A_1056 : vector<16xf32>
        %get3A_1059 = arith.constant 1 : i32
        %get3A_1060 = arith.index_cast %get3A_1059 : i32 to index
        %get3A_1061 = arith.index_cast %add3A_1038 : i32 to index
        %get3A_1062 = arith.constant 32 : index
        %get3A_1063 = tpu.vector_load %arg8[%get3A_1060, %get3A_1061, %get3A_1062] {strides = array<i32>} : memref<2x128x64xi32, #tpu.memory_space<vmem>>, vector<16xi32>,
        %bitcast3A_1064 = vector.bitcast %get3A_1063 : vector<16xi32> to vector<32xbf16>
        %unpack3A_1065 = tpu.unpack_subelements %bitcast3A_1064, 0 {pack_format = #tpu.pack_format<interleaved>} : vector<32xbf16> -> vector<16xf32>
        %unpack3A_1066 = tpu.unpack_subelements %bitcast3A_1064, 1 {pack_format = #tpu.pack_format<interleaved>} : vector<32xbf16> -> vector<16xf32>
        %get3A_1067 = arith.constant 1 : i32
        %get3A_1068 = arith.index_cast %get3A_1067 : i32 to index
        %get3A_1069 = arith.index_cast %add3A_1038 : i32 to index
        %get3A_1070 = arith.constant 0 : index
        %get3A_1071 = tpu.vector_load %arg9[%get3A_1068, %get3A_1069, %get3A_1070] {strides = array<i32>} : memref<2x128x32xi32, #tpu.memory_space<vmem>>, vector<16xi32>,
        %bitcast3A_1072 = vector.bitcast %get3A_1071 : vector<16xi32> to vector<32xbf16>
        %unpack3A_1073 = tpu.unpack_subelements %bitcast3A_1072, 0 {pack_format = #tpu.pack_format<interleaved>} : vector<32xbf16> -> vector<16xf32>
        %unpack3A_1074 = tpu.unpack_subelements %bitcast3A_1072, 1 {pack_format = #tpu.pack_format<interleaved>} : vector<32xbf16> -> vector<16xf32>
        %sub3A_1075 = arith.subf %unpack3A_1073, %unpack3A_1065 : vector<16xf32>
        %max3A_1076 = arith.constant 0.000000e+00 : f32
        %max3A_1077 = vector.broadcast %max3A_1076 : f32 to vector<16xf32>
        %max3A_1078 = arith.maximumf %sub3A_1075, %max3A_1077 : vector<16xf32>
        %add3A_1079 = arith.addf %add3A_1005, %max3A_1078 : vector<16xf32>
        %sub3A_1080 = arith.subf %unpack3A_1074, %unpack3A_1066 : vector<16xf32>
        %max3A_1081 = arith.constant 0.000000e+00 : f32
        %max3A_1082 = vector.broadcast %max3A_1081 : f32 to vector<16xf32>
        %max3A_1083 = arith.maximumf %sub3A_1080, %max3A_1082 : vector<16xf32>
        %add3A_1084 = arith.addf %add3A_1010, %max3A_1083 : vector<16xf32>
        %get3A_1085 = arith.constant 1 : i32
        %get3A_1086 = arith.index_cast %get3A_1085 : i32 to index
        %get3A_1087 = arith.index_cast %add3A_1038 : i32 to index
        %get3A_1088 = arith.constant 48 : index
        %get3A_1089 = tpu.vector_load %arg8[%get3A_1086, %get3A_1087, %get3A_1088] {strides = array<i32>} : memref<2x128x64xi32, #tpu.memory_space<vmem>>, vector<16xi32>,
        %bitcast3A_1090 = vector.bitcast %get3A_1089 : vector<16xi32> to vector<32xbf16>
        %unpack3A_1091 = tpu.unpack_subelements %bitcast3A_1090, 0 {pack_format = #tpu.pack_format<interleaved>} : vector<32xbf16> -> vector<16xf32>
        %unpack3A_1092 = tpu.unpack_subelements %bitcast3A_1090, 1 {pack_format = #tpu.pack_format<interleaved>} : vector<32xbf16> -> vector<16xf32>
        %get3A_1093 = arith.constant 1 : i32
        %get3A_1094 = arith.index_cast %get3A_1093 : i32 to index
        %get3A_1095 = arith.index_cast %add3A_1038 : i32 to index
        %get3A_1096 = arith.constant 16 : index
        %get3A_1097 = tpu.vector_load %arg9[%get3A_1094, %get3A_1095, %get3A_1096] {strides = array<i32>} : memref<2x128x32xi32, #tpu.memory_space<vmem>>, vector<16xi32>,
        %bitcast3A_1098 = vector.bitcast %get3A_1097 : vector<16xi32> to vector<32xbf16>
        %unpack3A_1099 = tpu.unpack_subelements %bitcast3A_1098, 0 {pack_format = #tpu.pack_format<interleaved>} : vector<32xbf16> -> vector<16xf32>
        %unpack3A_1100 = tpu.unpack_subelements %bitcast3A_1098, 1 {pack_format = #tpu.pack_format<interleaved>} : vector<32xbf16> -> vector<16xf32>
        %sub3A_1101 = arith.subf %unpack3A_1099, %unpack3A_1091 : vector<16xf32>
        %max3A_1102 = arith.constant 0.000000e+00 : f32
        %max3A_1103 = vector.broadcast %max3A_1102 : f32 to vector<16xf32>
        %max3A_1104 = arith.maximumf %sub3A_1101, %max3A_1103 : vector<16xf32>
        %add3A_1105 = arith.addf %add3A_1031, %max3A_1104 : vector<16xf32>
        %sub3A_1106 = arith.subf %unpack3A_1100, %unpack3A_1092 : vector<16xf32>
        %max3A_1107 = arith.constant 0.000000e+00 : f32
        %max3A_1108 = vector.broadcast %max3A_1107 : f32 to vector<16xf32>
        %max3A_1109 = arith.maximumf %sub3A_1106, %max3A_1108 : vector<16xf32>
        %add3A_1110 = arith.addf %add3A_1036, %max3A_1109 : vector<16xf32>
        %add3A_1111 = arith.constant 12 : i32
        %add3A_1112 = arith.addi %mul3A_226, %add3A_1111 : i32
        %get3A_1113 = arith.constant 1 : i32
        %get3A_1114 = arith.index_cast %get3A_1113 : i32 to index
        %get3A_1115 = arith.index_cast %add3A_1112 : i32 to index
        %get3A_1116 = arith.constant 0 : index
        %get3A_1117 = tpu.vector_load %arg8[%get3A_1114, %get3A_1115, %get3A_1116] {strides = array<i32>} : memref<2x128x64xi32, #tpu.memory_space<vmem>>, vector<16xi32>,
        %bitcast3A_1118 = vector.bitcast %get3A_1117 : vector<16xi32> to vector<32xbf16>
        %unpack3A_1119 = tpu.unpack_subelements %bitcast3A_1118, 0 {pack_format = #tpu.pack_format<interleaved>} : vector<32xbf16> -> vector<16xf32>
        %unpack3A_1120 = tpu.unpack_subelements %bitcast3A_1118, 1 {pack_format = #tpu.pack_format<interleaved>} : vector<32xbf16> -> vector<16xf32>
        %add3A_1121 = arith.addf %add3A_1047, %unpack3A_1119 : vector<16xf32>
        %add3A_1122 = arith.addf %add3A_1048, %unpack3A_1120 : vector<16xf32>
        %get3A_1123 = arith.constant 1 : i32
        %get3A_1124 = arith.index_cast %get3A_1123 : i32 to index
        %get3A_1125 = arith.index_cast %add3A_1112 : i32 to index
        %get3A_1126 = arith.constant 16 : index
        %get3A_1127 = tpu.vector_load %arg8[%get3A_1124, %get3A_1125, %get3A_1126] {strides = array<i32>} : memref<2x128x64xi32, #tpu.memory_space<vmem>>, vector<16xi32>,
        %bitcast3A_1128 = vector.bitcast %get3A_1127 : vector<16xi32> to vector<32xbf16>
        %unpack3A_1129 = tpu.unpack_subelements %bitcast3A_1128, 0 {pack_format = #tpu.pack_format<interleaved>} : vector<32xbf16> -> vector<16xf32>
        %unpack3A_1130 = tpu.unpack_subelements %bitcast3A_1128, 1 {pack_format = #tpu.pack_format<interleaved>} : vector<32xbf16> -> vector<16xf32>
        %add3A_1131 = arith.addf %add3A_1057, %unpack3A_1129 : vector<16xf32>
        %add3A_1132 = arith.addf %add3A_1058, %unpack3A_1130 : vector<16xf32>
        %get3A_1133 = arith.constant 1 : i32
        %get3A_1134 = arith.index_cast %get3A_1133 : i32 to index
        %get3A_1135 = arith.index_cast %add3A_1112 : i32 to index
        %get3A_1136 = arith.constant 32 : index
        %get3A_1137 = tpu.vector_load %arg8[%get3A_1134, %get3A_1135, %get3A_1136] {strides = array<i32>} : memref<2x128x64xi32, #tpu.memory_space<vmem>>, vector<16xi32>,
        %bitcast3A_1138 = vector.bitcast %get3A_1137 : vector<16xi32> to vector<32xbf16>
        %unpack3A_1139 = tpu.unpack_subelements %bitcast3A_1138, 0 {pack_format = #tpu.pack_format<interleaved>} : vector<32xbf16> -> vector<16xf32>
        %unpack3A_1140 = tpu.unpack_subelements %bitcast3A_1138, 1 {pack_format = #tpu.pack_format<interleaved>} : vector<32xbf16> -> vector<16xf32>
        %get3A_1141 = arith.constant 1 : i32
        %get3A_1142 = arith.index_cast %get3A_1141 : i32 to index
        %get3A_1143 = arith.index_cast %add3A_1112 : i32 to index
        %get3A_1144 = arith.constant 0 : index
        %get3A_1145 = tpu.vector_load %arg9[%get3A_1142, %get3A_1143, %get3A_1144] {strides = array<i32>} : memref<2x128x32xi32, #tpu.memory_space<vmem>>, vector<16xi32>,
        %bitcast3A_1146 = vector.bitcast %get3A_1145 : vector<16xi32> to vector<32xbf16>
        %unpack3A_1147 = tpu.unpack_subelements %bitcast3A_1146, 0 {pack_format = #tpu.pack_format<interleaved>} : vector<32xbf16> -> vector<16xf32>
        %unpack3A_1148 = tpu.unpack_subelements %bitcast3A_1146, 1 {pack_format = #tpu.pack_format<interleaved>} : vector<32xbf16> -> vector<16xf32>
        %sub3A_1149 = arith.subf %unpack3A_1147, %unpack3A_1139 : vector<16xf32>
        %max3A_1150 = arith.constant 0.000000e+00 : f32
        %max3A_1151 = vector.broadcast %max3A_1150 : f32 to vector<16xf32>
        %max3A_1152 = arith.maximumf %sub3A_1149, %max3A_1151 : vector<16xf32>
        %add3A_1153 = arith.addf %add3A_1079, %max3A_1152 : vector<16xf32>
        %sub3A_1154 = arith.subf %unpack3A_1148, %unpack3A_1140 : vector<16xf32>
        %max3A_1155 = arith.constant 0.000000e+00 : f32
        %max3A_1156 = vector.broadcast %max3A_1155 : f32 to vector<16xf32>
        %max3A_1157 = arith.maximumf %sub3A_1154, %max3A_1156 : vector<16xf32>
        %add3A_1158 = arith.addf %add3A_1084, %max3A_1157 : vector<16xf32>
        %get3A_1159 = arith.constant 1 : i32
        %get3A_1160 = arith.index_cast %get3A_1159 : i32 to index
        %get3A_1161 = arith.index_cast %add3A_1112 : i32 to index
        %get3A_1162 = arith.constant 48 : index
        %get3A_1163 = tpu.vector_load %arg8[%get3A_1160, %get3A_1161, %get3A_1162] {strides = array<i32>} : memref<2x128x64xi32, #tpu.memory_space<vmem>>, vector<16xi32>,
        %bitcast3A_1164 = vector.bitcast %get3A_1163 : vector<16xi32> to vector<32xbf16>
        %unpack3A_1165 = tpu.unpack_subelements %bitcast3A_1164, 0 {pack_format = #tpu.pack_format<interleaved>} : vector<32xbf16> -> vector<16xf32>
        %unpack3A_1166 = tpu.unpack_subelements %bitcast3A_1164, 1 {pack_format = #tpu.pack_format<interleaved>} : vector<32xbf16> -> vector<16xf32>
        %get3A_1167 = arith.constant 1 : i32
        %get3A_1168 = arith.index_cast %get3A_1167 : i32 to index
        %get3A_1169 = arith.index_cast %add3A_1112 : i32 to index
        %get3A_1170 = arith.constant 16 : index
        %get3A_1171 = tpu.vector_load %arg9[%get3A_1168, %get3A_1169, %get3A_1170] {strides = array<i32>} : memref<2x128x32xi32, #tpu.memory_space<vmem>>, vector<16xi32>,
        %bitcast3A_1172 = vector.bitcast %get3A_1171 : vector<16xi32> to vector<32xbf16>
        %unpack3A_1173 = tpu.unpack_subelements %bitcast3A_1172, 0 {pack_format = #tpu.pack_format<interleaved>} : vector<32xbf16> -> vector<16xf32>
        %unpack3A_1174 = tpu.unpack_subelements %bitcast3A_1172, 1 {pack_format = #tpu.pack_format<interleaved>} : vector<32xbf16> -> vector<16xf32>
        %sub3A_1175 = arith.subf %unpack3A_1173, %unpack3A_1165 : vector<16xf32>
        %max3A_1176 = arith.constant 0.000000e+00 : f32
        %max3A_1177 = vector.broadcast %max3A_1176 : f32 to vector<16xf32>
        %max3A_1178 = arith.maximumf %sub3A_1175, %max3A_1177 : vector<16xf32>
        %add3A_1179 = arith.addf %add3A_1105, %max3A_1178 : vector<16xf32>
        %sub3A_1180 = arith.subf %unpack3A_1174, %unpack3A_1166 : vector<16xf32>
        %max3A_1181 = arith.constant 0.000000e+00 : f32
        %max3A_1182 = vector.broadcast %max3A_1181 : f32 to vector<16xf32>
        %max3A_1183 = arith.maximumf %sub3A_1180, %max3A_1182 : vector<16xf32>
        %add3A_1184 = arith.addf %add3A_1110, %max3A_1183 : vector<16xf32>
        %add3A_1185 = arith.constant 13 : i32
        %add3A_1186 = arith.addi %mul3A_226, %add3A_1185 : i32
        %get3A_1187 = arith.constant 1 : i32
        %get3A_1188 = arith.index_cast %get3A_1187 : i32 to index
        %get3A_1189 = arith.index_cast %add3A_1186 : i32 to index
        %get3A_1190 = arith.constant 0 : index
        %get3A_1191 = tpu.vector_load %arg8[%get3A_1188, %get3A_1189, %get3A_1190] {strides = array<i32>} : memref<2x128x64xi32, #tpu.memory_space<vmem>>, vector<16xi32>,
        %bitcast3A_1192 = vector.bitcast %get3A_1191 : vector<16xi32> to vector<32xbf16>
        %unpack3A_1193 = tpu.unpack_subelements %bitcast3A_1192, 0 {pack_format = #tpu.pack_format<interleaved>} : vector<32xbf16> -> vector<16xf32>
        %unpack3A_1194 = tpu.unpack_subelements %bitcast3A_1192, 1 {pack_format = #tpu.pack_format<interleaved>} : vector<32xbf16> -> vector<16xf32>
        %add3A_1195 = arith.addf %add3A_1121, %unpack3A_1193 : vector<16xf32>
        %add3A_1196 = arith.addf %add3A_1122, %unpack3A_1194 : vector<16xf32>
        %get3A_1197 = arith.constant 1 : i32
        %get3A_1198 = arith.index_cast %get3A_1197 : i32 to index
        %get3A_1199 = arith.index_cast %add3A_1186 : i32 to index
        %get3A_1200 = arith.constant 16 : index
        %get3A_1201 = tpu.vector_load %arg8[%get3A_1198, %get3A_1199, %get3A_1200] {strides = array<i32>} : memref<2x128x64xi32, #tpu.memory_space<vmem>>, vector<16xi32>,
        %bitcast3A_1202 = vector.bitcast %get3A_1201 : vector<16xi32> to vector<32xbf16>
        %unpack3A_1203 = tpu.unpack_subelements %bitcast3A_1202, 0 {pack_format = #tpu.pack_format<interleaved>} : vector<32xbf16> -> vector<16xf32>
        %unpack3A_1204 = tpu.unpack_subelements %bitcast3A_1202, 1 {pack_format = #tpu.pack_format<interleaved>} : vector<32xbf16> -> vector<16xf32>
        %add3A_1205 = arith.addf %add3A_1131, %unpack3A_1203 : vector<16xf32>
        %add3A_1206 = arith.addf %add3A_1132, %unpack3A_1204 : vector<16xf32>
        %get3A_1207 = arith.constant 1 : i32
        %get3A_1208 = arith.index_cast %get3A_1207 : i32 to index
        %get3A_1209 = arith.index_cast %add3A_1186 : i32 to index
        %get3A_1210 = arith.constant 32 : index
        %get3A_1211 = tpu.vector_load %arg8[%get3A_1208, %get3A_1209, %get3A_1210] {strides = array<i32>} : memref<2x128x64xi32, #tpu.memory_space<vmem>>, vector<16xi32>,
        %bitcast3A_1212 = vector.bitcast %get3A_1211 : vector<16xi32> to vector<32xbf16>
        %unpack3A_1213 = tpu.unpack_subelements %bitcast3A_1212, 0 {pack_format = #tpu.pack_format<interleaved>} : vector<32xbf16> -> vector<16xf32>
        %unpack3A_1214 = tpu.unpack_subelements %bitcast3A_1212, 1 {pack_format = #tpu.pack_format<interleaved>} : vector<32xbf16> -> vector<16xf32>
        %get3A_1215 = arith.constant 1 : i32
        %get3A_1216 = arith.index_cast %get3A_1215 : i32 to index
        %get3A_1217 = arith.index_cast %add3A_1186 : i32 to index
        %get3A_1218 = arith.constant 0 : index
        %get3A_1219 = tpu.vector_load %arg9[%get3A_1216, %get3A_1217, %get3A_1218] {strides = array<i32>} : memref<2x128x32xi32, #tpu.memory_space<vmem>>, vector<16xi32>,
        %bitcast3A_1220 = vector.bitcast %get3A_1219 : vector<16xi32> to vector<32xbf16>
        %unpack3A_1221 = tpu.unpack_subelements %bitcast3A_1220, 0 {pack_format = #tpu.pack_format<interleaved>} : vector<32xbf16> -> vector<16xf32>
        %unpack3A_1222 = tpu.unpack_subelements %bitcast3A_1220, 1 {pack_format = #tpu.pack_format<interleaved>} : vector<32xbf16> -> vector<16xf32>
        %sub3A_1223 = arith.subf %unpack3A_1221, %unpack3A_1213 : vector<16xf32>
        %max3A_1224 = arith.constant 0.000000e+00 : f32
        %max3A_1225 = vector.broadcast %max3A_1224 : f32 to vector<16xf32>
        %max3A_1226 = arith.maximumf %sub3A_1223, %max3A_1225 : vector<16xf32>
        %add3A_1227 = arith.addf %add3A_1153, %max3A_1226 : vector<16xf32>
        %sub3A_1228 = arith.subf %unpack3A_1222, %unpack3A_1214 : vector<16xf32>
        %max3A_1229 = arith.constant 0.000000e+00 : f32
        %max3A_1230 = vector.broadcast %max3A_1229 : f32 to vector<16xf32>
        %max3A_1231 = arith.maximumf %sub3A_1228, %max3A_1230 : vector<16xf32>
        %add3A_1232 = arith.addf %add3A_1158, %max3A_1231 : vector<16xf32>
        %get3A_1233 = arith.constant 1 : i32
        %get3A_1234 = arith.index_cast %get3A_1233 : i32 to index
        %get3A_1235 = arith.index_cast %add3A_1186 : i32 to index
        %get3A_1236 = arith.constant 48 : index
        %get3A_1237 = tpu.vector_load %arg8[%get3A_1234, %get3A_1235, %get3A_1236] {strides = array<i32>} : memref<2x128x64xi32, #tpu.memory_space<vmem>>, vector<16xi32>,
        %bitcast3A_1238 = vector.bitcast %get3A_1237 : vector<16xi32> to vector<32xbf16>
        %unpack3A_1239 = tpu.unpack_subelements %bitcast3A_1238, 0 {pack_format = #tpu.pack_format<interleaved>} : vector<32xbf16> -> vector<16xf32>
        %unpack3A_1240 = tpu.unpack_subelements %bitcast3A_1238, 1 {pack_format = #tpu.pack_format<interleaved>} : vector<32xbf16> -> vector<16xf32>
        %get3A_1241 = arith.constant 1 : i32
        %get3A_1242 = arith.index_cast %get3A_1241 : i32 to index
        %get3A_1243 = arith.index_cast %add3A_1186 : i32 to index
        %get3A_1244 = arith.constant 16 : index
        %get3A_1245 = tpu.vector_load %arg9[%get3A_1242, %get3A_1243, %get3A_1244] {strides = array<i32>} : memref<2x128x32xi32, #tpu.memory_space<vmem>>, vector<16xi32>,
        %bitcast3A_1246 = vector.bitcast %get3A_1245 : vector<16xi32> to vector<32xbf16>
        %unpack3A_1247 = tpu.unpack_subelements %bitcast3A_1246, 0 {pack_format = #tpu.pack_format<interleaved>} : vector<32xbf16> -> vector<16xf32>
        %unpack3A_1248 = tpu.unpack_subelements %bitcast3A_1246, 1 {pack_format = #tpu.pack_format<interleaved>} : vector<32xbf16> -> vector<16xf32>
        %sub3A_1249 = arith.subf %unpack3A_1247, %unpack3A_1239 : vector<16xf32>
        %max3A_1250 = arith.constant 0.000000e+00 : f32
        %max3A_1251 = vector.broadcast %max3A_1250 : f32 to vector<16xf32>
        %max3A_1252 = arith.maximumf %sub3A_1249, %max3A_1251 : vector<16xf32>
        %add3A_1253 = arith.addf %add3A_1179, %max3A_1252 : vector<16xf32>
        %sub3A_1254 = arith.subf %unpack3A_1248, %unpack3A_1240 : vector<16xf32>
        %max3A_1255 = arith.constant 0.000000e+00 : f32
        %max3A_1256 = vector.broadcast %max3A_1255 : f32 to vector<16xf32>
        %max3A_1257 = arith.maximumf %sub3A_1254, %max3A_1256 : vector<16xf32>
        %add3A_1258 = arith.addf %add3A_1184, %max3A_1257 : vector<16xf32>
        %add3A_1259 = arith.constant 14 : i32
        %add3A_1260 = arith.addi %mul3A_226, %add3A_1259 : i32
        %get3A_1261 = arith.constant 1 : i32
        %get3A_1262 = arith.index_cast %get3A_1261 : i32 to index
        %get3A_1263 = arith.index_cast %add3A_1260 : i32 to index
        %get3A_1264 = arith.constant 0 : index
        %get3A_1265 = tpu.vector_load %arg8[%get3A_1262, %get3A_1263, %get3A_1264] {strides = array<i32>} : memref<2x128x64xi32, #tpu.memory_space<vmem>>, vector<16xi32>,
        %bitcast3A_1266 = vector.bitcast %get3A_1265 : vector<16xi32> to vector<32xbf16>
        %unpack3A_1267 = tpu.unpack_subelements %bitcast3A_1266, 0 {pack_format = #tpu.pack_format<interleaved>} : vector<32xbf16> -> vector<16xf32>
        %unpack3A_1268 = tpu.unpack_subelements %bitcast3A_1266, 1 {pack_format = #tpu.pack_format<interleaved>} : vector<32xbf16> -> vector<16xf32>
        %add3A_1269 = arith.addf %add3A_1195, %unpack3A_1267 : vector<16xf32>
        %add3A_1270 = arith.addf %add3A_1196, %unpack3A_1268 : vector<16xf32>
        %get3A_1271 = arith.constant 1 : i32
        %get3A_1272 = arith.index_cast %get3A_1271 : i32 to index
        %get3A_1273 = arith.index_cast %add3A_1260 : i32 to index
        %get3A_1274 = arith.constant 16 : index
        %get3A_1275 = tpu.vector_load %arg8[%get3A_1272, %get3A_1273, %get3A_1274] {strides = array<i32>} : memref<2x128x64xi32, #tpu.memory_space<vmem>>, vector<16xi32>,
        %bitcast3A_1276 = vector.bitcast %get3A_1275 : vector<16xi32> to vector<32xbf16>
        %unpack3A_1277 = tpu.unpack_subelements %bitcast3A_1276, 0 {pack_format = #tpu.pack_format<interleaved>} : vector<32xbf16> -> vector<16xf32>
        %unpack3A_1278 = tpu.unpack_subelements %bitcast3A_1276, 1 {pack_format = #tpu.pack_format<interleaved>} : vector<32xbf16> -> vector<16xf32>
        %add3A_1279 = arith.addf %add3A_1205, %unpack3A_1277 : vector<16xf32>
        %add3A_1280 = arith.addf %add3A_1206, %unpack3A_1278 : vector<16xf32>
        %get3A_1281 = arith.constant 1 : i32
        %get3A_1282 = arith.index_cast %get3A_1281 : i32 to index
        %get3A_1283 = arith.index_cast %add3A_1260 : i32 to index
        %get3A_1284 = arith.constant 32 : index
        %get3A_1285 = tpu.vector_load %arg8[%get3A_1282, %get3A_1283, %get3A_1284] {strides = array<i32>} : memref<2x128x64xi32, #tpu.memory_space<vmem>>, vector<16xi32>,
        %bitcast3A_1286 = vector.bitcast %get3A_1285 : vector<16xi32> to vector<32xbf16>
        %unpack3A_1287 = tpu.unpack_subelements %bitcast3A_1286, 0 {pack_format = #tpu.pack_format<interleaved>} : vector<32xbf16> -> vector<16xf32>
        %unpack3A_1288 = tpu.unpack_subelements %bitcast3A_1286, 1 {pack_format = #tpu.pack_format<interleaved>} : vector<32xbf16> -> vector<16xf32>
        %get3A_1289 = arith.constant 1 : i32
        %get3A_1290 = arith.index_cast %get3A_1289 : i32 to index
        %get3A_1291 = arith.index_cast %add3A_1260 : i32 to index
        %get3A_1292 = arith.constant 0 : index
        %get3A_1293 = tpu.vector_load %arg9[%get3A_1290, %get3A_1291, %get3A_1292] {strides = array<i32>} : memref<2x128x32xi32, #tpu.memory_space<vmem>>, vector<16xi32>,
        %bitcast3A_1294 = vector.bitcast %get3A_1293 : vector<16xi32> to vector<32xbf16>
        %unpack3A_1295 = tpu.unpack_subelements %bitcast3A_1294, 0 {pack_format = #tpu.pack_format<interleaved>} : vector<32xbf16> -> vector<16xf32>
        %unpack3A_1296 = tpu.unpack_subelements %bitcast3A_1294, 1 {pack_format = #tpu.pack_format<interleaved>} : vector<32xbf16> -> vector<16xf32>
        %sub3A_1297 = arith.subf %unpack3A_1295, %unpack3A_1287 : vector<16xf32>
        %max3A_1298 = arith.constant 0.000000e+00 : f32
        %max3A_1299 = vector.broadcast %max3A_1298 : f32 to vector<16xf32>
        %max3A_1300 = arith.maximumf %sub3A_1297, %max3A_1299 : vector<16xf32>
        %add3A_1301 = arith.addf %add3A_1227, %max3A_1300 : vector<16xf32>
        %sub3A_1302 = arith.subf %unpack3A_1296, %unpack3A_1288 : vector<16xf32>
        %max3A_1303 = arith.constant 0.000000e+00 : f32
        %max3A_1304 = vector.broadcast %max3A_1303 : f32 to vector<16xf32>
        %max3A_1305 = arith.maximumf %sub3A_1302, %max3A_1304 : vector<16xf32>
        %add3A_1306 = arith.addf %add3A_1232, %max3A_1305 : vector<16xf32>
        %get3A_1307 = arith.constant 1 : i32
        %get3A_1308 = arith.index_cast %get3A_1307 : i32 to index
        %get3A_1309 = arith.index_cast %add3A_1260 : i32 to index
        %get3A_1310 = arith.constant 48 : index
        %get3A_1311 = tpu.vector_load %arg8[%get3A_1308, %get3A_1309, %get3A_1310] {strides = array<i32>} : memref<2x128x64xi32, #tpu.memory_space<vmem>>, vector<16xi32>,
        %bitcast3A_1312 = vector.bitcast %get3A_1311 : vector<16xi32> to vector<32xbf16>
        %unpack3A_1313 = tpu.unpack_subelements %bitcast3A_1312, 0 {pack_format = #tpu.pack_format<interleaved>} : vector<32xbf16> -> vector<16xf32>
        %unpack3A_1314 = tpu.unpack_subelements %bitcast3A_1312, 1 {pack_format = #tpu.pack_format<interleaved>} : vector<32xbf16> -> vector<16xf32>
        %get3A_1315 = arith.constant 1 : i32
        %get3A_1316 = arith.index_cast %get3A_1315 : i32 to index
        %get3A_1317 = arith.index_cast %add3A_1260 : i32 to index
        %get3A_1318 = arith.constant 16 : index
        %get3A_1319 = tpu.vector_load %arg9[%get3A_1316, %get3A_1317, %get3A_1318] {strides = array<i32>} : memref<2x128x32xi32, #tpu.memory_space<vmem>>, vector<16xi32>,
        %bitcast3A_1320 = vector.bitcast %get3A_1319 : vector<16xi32> to vector<32xbf16>
        %unpack3A_1321 = tpu.unpack_subelements %bitcast3A_1320, 0 {pack_format = #tpu.pack_format<interleaved>} : vector<32xbf16> -> vector<16xf32>
        %unpack3A_1322 = tpu.unpack_subelements %bitcast3A_1320, 1 {pack_format = #tpu.pack_format<interleaved>} : vector<32xbf16> -> vector<16xf32>
        %sub3A_1323 = arith.subf %unpack3A_1321, %unpack3A_1313 : vector<16xf32>
        %max3A_1324 = arith.constant 0.000000e+00 : f32
        %max3A_1325 = vector.broadcast %max3A_1324 : f32 to vector<16xf32>
        %max3A_1326 = arith.maximumf %sub3A_1323, %max3A_1325 : vector<16xf32>
        %add3A_1327 = arith.addf %add3A_1253, %max3A_1326 : vector<16xf32>
        %sub3A_1328 = arith.subf %unpack3A_1322, %unpack3A_1314 : vector<16xf32>
        %max3A_1329 = arith.constant 0.000000e+00 : f32
        %max3A_1330 = vector.broadcast %max3A_1329 : f32 to vector<16xf32>
        %max3A_1331 = arith.maximumf %sub3A_1328, %max3A_1330 : vector<16xf32>
        %add3A_1332 = arith.addf %add3A_1258, %max3A_1331 : vector<16xf32>
        %add3A_1333 = arith.constant 15 : i32
        %add3A_1334 = arith.addi %mul3A_226, %add3A_1333 : i32
        %get3A_1335 = arith.constant 1 : i32
        %get3A_1336 = arith.index_cast %get3A_1335 : i32 to index
        %get3A_1337 = arith.index_cast %add3A_1334 : i32 to index
        %get3A_1338 = arith.constant 0 : index
        %get3A_1339 = tpu.vector_load %arg8[%get3A_1336, %get3A_1337, %get3A_1338] {strides = array<i32>} : memref<2x128x64xi32, #tpu.memory_space<vmem>>, vector<16xi32>,
        %bitcast3A_1340 = vector.bitcast %get3A_1339 : vector<16xi32> to vector<32xbf16>
        %unpack3A_1341 = tpu.unpack_subelements %bitcast3A_1340, 0 {pack_format = #tpu.pack_format<interleaved>} : vector<32xbf16> -> vector<16xf32>
        %unpack3A_1342 = tpu.unpack_subelements %bitcast3A_1340, 1 {pack_format = #tpu.pack_format<interleaved>} : vector<32xbf16> -> vector<16xf32>
        %add3A_1343 = arith.addf %add3A_1269, %unpack3A_1341 : vector<16xf32>
        %add3A_1344 = arith.addf %add3A_1270, %unpack3A_1342 : vector<16xf32>
        %get3A_1345 = arith.constant 1 : i32
        %get3A_1346 = arith.index_cast %get3A_1345 : i32 to index
        %get3A_1347 = arith.index_cast %add3A_1334 : i32 to index
        %get3A_1348 = arith.constant 16 : index
        %get3A_1349 = tpu.vector_load %arg8[%get3A_1346, %get3A_1347, %get3A_1348] {strides = array<i32>} : memref<2x128x64xi32, #tpu.memory_space<vmem>>, vector<16xi32>,
        %bitcast3A_1350 = vector.bitcast %get3A_1349 : vector<16xi32> to vector<32xbf16>
        %unpack3A_1351 = tpu.unpack_subelements %bitcast3A_1350, 0 {pack_format = #tpu.pack_format<interleaved>} : vector<32xbf16> -> vector<16xf32>
        %unpack3A_1352 = tpu.unpack_subelements %bitcast3A_1350, 1 {pack_format = #tpu.pack_format<interleaved>} : vector<32xbf16> -> vector<16xf32>
        %add3A_1353 = arith.addf %add3A_1279, %unpack3A_1351 : vector<16xf32>
        %add3A_1354 = arith.addf %add3A_1280, %unpack3A_1352 : vector<16xf32>
        %get3A_1355 = arith.constant 1 : i32
        %get3A_1356 = arith.index_cast %get3A_1355 : i32 to index
        %get3A_1357 = arith.index_cast %add3A_1334 : i32 to index
        %get3A_1358 = arith.constant 32 : index
        %get3A_1359 = tpu.vector_load %arg8[%get3A_1356, %get3A_1357, %get3A_1358] {strides = array<i32>} : memref<2x128x64xi32, #tpu.memory_space<vmem>>, vector<16xi32>,
        %bitcast3A_1360 = vector.bitcast %get3A_1359 : vector<16xi32> to vector<32xbf16>
        %unpack3A_1361 = tpu.unpack_subelements %bitcast3A_1360, 0 {pack_format = #tpu.pack_format<interleaved>} : vector<32xbf16> -> vector<16xf32>
        %unpack3A_1362 = tpu.unpack_subelements %bitcast3A_1360, 1 {pack_format = #tpu.pack_format<interleaved>} : vector<32xbf16> -> vector<16xf32>
        %get3A_1363 = arith.constant 1 : i32
        %get3A_1364 = arith.index_cast %get3A_1363 : i32 to index
        %get3A_1365 = arith.index_cast %add3A_1334 : i32 to index
        %get3A_1366 = arith.constant 0 : index
        %get3A_1367 = tpu.vector_load %arg9[%get3A_1364, %get3A_1365, %get3A_1366] {strides = array<i32>} : memref<2x128x32xi32, #tpu.memory_space<vmem>>, vector<16xi32>,
        %bitcast3A_1368 = vector.bitcast %get3A_1367 : vector<16xi32> to vector<32xbf16>
        %unpack3A_1369 = tpu.unpack_subelements %bitcast3A_1368, 0 {pack_format = #tpu.pack_format<interleaved>} : vector<32xbf16> -> vector<16xf32>
        %unpack3A_1370 = tpu.unpack_subelements %bitcast3A_1368, 1 {pack_format = #tpu.pack_format<interleaved>} : vector<32xbf16> -> vector<16xf32>
        %sub3A_1371 = arith.subf %unpack3A_1369, %unpack3A_1361 : vector<16xf32>
        %max3A_1372 = arith.constant 0.000000e+00 : f32
        %max3A_1373 = vector.broadcast %max3A_1372 : f32 to vector<16xf32>
        %max3A_1374 = arith.maximumf %sub3A_1371, %max3A_1373 : vector<16xf32>
        %add3A_1375 = arith.addf %add3A_1301, %max3A_1374 : vector<16xf32>
        %sub3A_1376 = arith.subf %unpack3A_1370, %unpack3A_1362 : vector<16xf32>
        %max3A_1377 = arith.constant 0.000000e+00 : f32
        %max3A_1378 = vector.broadcast %max3A_1377 : f32 to vector<16xf32>
        %max3A_1379 = arith.maximumf %sub3A_1376, %max3A_1378 : vector<16xf32>
        %add3A_1380 = arith.addf %add3A_1306, %max3A_1379 : vector<16xf32>
        %get3A_1381 = arith.constant 1 : i32
        %get3A_1382 = arith.index_cast %get3A_1381 : i32 to index
        %get3A_1383 = arith.index_cast %add3A_1334 : i32 to index
        %get3A_1384 = arith.constant 48 : index
        %get3A_1385 = tpu.vector_load %arg8[%get3A_1382, %get3A_1383, %get3A_1384] {strides = array<i32>} : memref<2x128x64xi32, #tpu.memory_space<vmem>>, vector<16xi32>,
        %bitcast3A_1386 = vector.bitcast %get3A_1385 : vector<16xi32> to vector<32xbf16>
        %unpack3A_1387 = tpu.unpack_subelements %bitcast3A_1386, 0 {pack_format = #tpu.pack_format<interleaved>} : vector<32xbf16> -> vector<16xf32>
        %unpack3A_1388 = tpu.unpack_subelements %bitcast3A_1386, 1 {pack_format = #tpu.pack_format<interleaved>} : vector<32xbf16> -> vector<16xf32>
        %get3A_1389 = arith.constant 1 : i32
        %get3A_1390 = arith.index_cast %get3A_1389 : i32 to index
        %get3A_1391 = arith.index_cast %add3A_1334 : i32 to index
        %get3A_1392 = arith.constant 16 : index
        %get3A_1393 = tpu.vector_load %arg9[%get3A_1390, %get3A_1391, %get3A_1392] {strides = array<i32>} : memref<2x128x32xi32, #tpu.memory_space<vmem>>, vector<16xi32>,
        %bitcast3A_1394 = vector.bitcast %get3A_1393 : vector<16xi32> to vector<32xbf16>
        %unpack3A_1395 = tpu.unpack_subelements %bitcast3A_1394, 0 {pack_format = #tpu.pack_format<interleaved>} : vector<32xbf16> -> vector<16xf32>
        %unpack3A_1396 = tpu.unpack_subelements %bitcast3A_1394, 1 {pack_format = #tpu.pack_format<interleaved>} : vector<32xbf16> -> vector<16xf32>
        %sub3A_1397 = arith.subf %unpack3A_1395, %unpack3A_1387 : vector<16xf32>
        %max3A_1398 = arith.constant 0.000000e+00 : f32
        %max3A_1399 = vector.broadcast %max3A_1398 : f32 to vector<16xf32>
        %max3A_1400 = arith.maximumf %sub3A_1397, %max3A_1399 : vector<16xf32>
        %add3A_1401 = arith.addf %add3A_1327, %max3A_1400 : vector<16xf32>
        %sub3A_1402 = arith.subf %unpack3A_1396, %unpack3A_1388 : vector<16xf32>
        %max3A_1403 = arith.constant 0.000000e+00 : f32
        %max3A_1404 = vector.broadcast %max3A_1403 : f32 to vector<16xf32>
        %max3A_1405 = arith.maximumf %sub3A_1402, %max3A_1404 : vector<16xf32>
        %add3A_1406 = arith.addf %add3A_1332, %max3A_1405 : vector<16xf32>
        %mul3A_1407 = arith.constant 6.250000e-02 : f32
        %mul3A_1408 = vector.broadcast %mul3A_1407 : f32 to vector<16xf32>
        %mul3A_1409 = arith.mulf %add3A_1343, %mul3A_1408 : vector<16xf32>
        %swap3A = arith.constant 1 : i32
        %swap3A_1410 = arith.index_cast %swap3A : i32 to index
        %swap3A_1411 = arith.index_cast %scan3A_208 : i32 to index
        %swap3A_1412 = arith.constant 0 : index
        %swap3A_1413 = tpu.vector_load %arg10[%swap3A_1410, %swap3A_1411, %swap3A_1412] {strides = array<i32>} : memref<2x8x128xf32, #tpu.memory_space<vmem>>, vector<16xf32>,
        tpu.vector_store %arg10[%swap3A_1410, %swap3A_1411, %swap3A_1412], %mul3A_1409 {strides = array<i32>} : memref<2x8x128xf32, #tpu.memory_space<vmem>>, vector<16xf32>,
        %mul3A_1414 = arith.constant 6.250000e-02 : f32
        %mul3A_1415 = vector.broadcast %mul3A_1414 : f32 to vector<16xf32>
        %mul3A_1416 = arith.mulf %add3A_1344, %mul3A_1415 : vector<16xf32>
        %swap3A_1417 = arith.constant 1 : i32
        %swap3A_1418 = arith.index_cast %swap3A_1417 : i32 to index
        %swap3A_1419 = arith.index_cast %scan3A_208 : i32 to index
        %swap3A_1420 = arith.constant 16 : index
        %swap3A_1421 = tpu.vector_load %arg10[%swap3A_1418, %swap3A_1419, %swap3A_1420] {strides = array<i32>} : memref<2x8x128xf32, #tpu.memory_space<vmem>>, vector<16xf32>,
        tpu.vector_store %arg10[%swap3A_1418, %swap3A_1419, %swap3A_1420], %mul3A_1416 {strides = array<i32>} : memref<2x8x128xf32, #tpu.memory_space<vmem>>, vector<16xf32>,
        %mul3A_1422 = arith.constant 6.250000e-02 : f32
        %mul3A_1423 = vector.broadcast %mul3A_1422 : f32 to vector<16xf32>
        %mul3A_1424 = arith.mulf %add3A_1353, %mul3A_1423 : vector<16xf32>
        %swap3A_1425 = arith.constant 1 : i32
        %swap3A_1426 = arith.index_cast %swap3A_1425 : i32 to index
        %swap3A_1427 = arith.index_cast %scan3A_208 : i32 to index
        %swap3A_1428 = arith.constant 32 : index
        %swap3A_1429 = tpu.vector_load %arg10[%swap3A_1426, %swap3A_1427, %swap3A_1428] {strides = array<i32>} : memref<2x8x128xf32, #tpu.memory_space<vmem>>, vector<16xf32>,
        tpu.vector_store %arg10[%swap3A_1426, %swap3A_1427, %swap3A_1428], %mul3A_1424 {strides = array<i32>} : memref<2x8x128xf32, #tpu.memory_space<vmem>>, vector<16xf32>,
        %mul3A_1430 = arith.constant 6.250000e-02 : f32
        %mul3A_1431 = vector.broadcast %mul3A_1430 : f32 to vector<16xf32>
        %mul3A_1432 = arith.mulf %add3A_1354, %mul3A_1431 : vector<16xf32>
        %swap3A_1433 = arith.constant 1 : i32
        %swap3A_1434 = arith.index_cast %swap3A_1433 : i32 to index
        %swap3A_1435 = arith.index_cast %scan3A_208 : i32 to index
        %swap3A_1436 = arith.constant 48 : index
        %swap3A_1437 = tpu.vector_load %arg10[%swap3A_1434, %swap3A_1435, %swap3A_1436] {strides = array<i32>} : memref<2x8x128xf32, #tpu.memory_space<vmem>>, vector<16xf32>,
        tpu.vector_store %arg10[%swap3A_1434, %swap3A_1435, %swap3A_1436], %mul3A_1432 {strides = array<i32>} : memref<2x8x128xf32, #tpu.memory_space<vmem>>, vector<16xf32>,
        %mul3A_1438 = arith.constant 6.250000e-02 : f32
        %mul3A_1439 = vector.broadcast %mul3A_1438 : f32 to vector<16xf32>
        %mul3A_1440 = arith.mulf %add3A_1375, %mul3A_1439 : vector<16xf32>
        %swap3A_1441 = arith.constant 1 : i32
        %swap3A_1442 = arith.index_cast %swap3A_1441 : i32 to index
        %swap3A_1443 = arith.index_cast %scan3A_208 : i32 to index
        %swap3A_1444 = arith.constant 64 : index
        %swap3A_1445 = tpu.vector_load %arg10[%swap3A_1442, %swap3A_1443, %swap3A_1444] {strides = array<i32>} : memref<2x8x128xf32, #tpu.memory_space<vmem>>, vector<16xf32>,
        tpu.vector_store %arg10[%swap3A_1442, %swap3A_1443, %swap3A_1444], %mul3A_1440 {strides = array<i32>} : memref<2x8x128xf32, #tpu.memory_space<vmem>>, vector<16xf32>,
        %mul3A_1446 = arith.constant 6.250000e-02 : f32
        %mul3A_1447 = vector.broadcast %mul3A_1446 : f32 to vector<16xf32>
        %mul3A_1448 = arith.mulf %add3A_1380, %mul3A_1447 : vector<16xf32>
        %swap3A_1449 = arith.constant 1 : i32
        %swap3A_1450 = arith.index_cast %swap3A_1449 : i32 to index
        %swap3A_1451 = arith.index_cast %scan3A_208 : i32 to index
        %swap3A_1452 = arith.constant 80 : index
        %swap3A_1453 = tpu.vector_load %arg10[%swap3A_1450, %swap3A_1451, %swap3A_1452] {strides = array<i32>} : memref<2x8x128xf32, #tpu.memory_space<vmem>>, vector<16xf32>,
        tpu.vector_store %arg10[%swap3A_1450, %swap3A_1451, %swap3A_1452], %mul3A_1448 {strides = array<i32>} : memref<2x8x128xf32, #tpu.memory_space<vmem>>, vector<16xf32>,
        %mul3A_1454 = arith.constant 6.250000e-02 : f32
        %mul3A_1455 = vector.broadcast %mul3A_1454 : f32 to vector<16xf32>
        %mul3A_1456 = arith.mulf %add3A_1401, %mul3A_1455 : vector<16xf32>
        %swap3A_1457 = arith.constant 1 : i32
        %swap3A_1458 = arith.index_cast %swap3A_1457 : i32 to index
        %swap3A_1459 = arith.index_cast %scan3A_208 : i32 to index
        %swap3A_1460 = arith.constant 96 : index
        %swap3A_1461 = tpu.vector_load %arg10[%swap3A_1458, %swap3A_1459, %swap3A_1460] {strides = array<i32>} : memref<2x8x128xf32, #tpu.memory_space<vmem>>, vector<16xf32>,
        tpu.vector_store %arg10[%swap3A_1458, %swap3A_1459, %swap3A_1460], %mul3A_1456 {strides = array<i32>} : memref<2x8x128xf32, #tpu.memory_space<vmem>>, vector<16xf32>,
        %mul3A_1462 = arith.constant 6.250000e-02 : f32
        %mul3A_1463 = vector.broadcast %mul3A_1462 : f32 to vector<16xf32>
        %mul3A_1464 = arith.mulf %add3A_1406, %mul3A_1463 : vector<16xf32>
        %swap3A_1465 = arith.constant 1 : i32
        %swap3A_1466 = arith.index_cast %swap3A_1465 : i32 to index
        %swap3A_1467 = arith.index_cast %scan3A_208 : i32 to index
        %swap3A_1468 = arith.constant 112 : index
        %swap3A_1469 = tpu.vector_load %arg10[%swap3A_1466, %swap3A_1467, %swap3A_1468] {strides = array<i32>} : memref<2x8x128xf32, #tpu.memory_space<vmem>>, vector<16xf32>,
        tpu.vector_store %arg10[%swap3A_1466, %swap3A_1467, %swap3A_1468], %mul3A_1464 {strides = array<i32>} : memref<2x8x128xf32, #tpu.memory_space<vmem>>, vector<16xf32>,
        %scan3A_1470 = arith.constant 0 : i32
        scf.yield %scan3A_1470 : i32
      }
      %scan3A_183 = arith.constant 8 : i32
      %mul3A_184 = arith.constant 8 : i32
      %mul3A_185 = arith.muli %add3A_149, %mul3A_184 : i32
      %add3A_186 = arith.addi %mul3A_4, %mul3A_185 : i32
      %dma_start3A_187 = arith.constant 1 : i32
      %dma_start3A_188 = arith.constant 0 : i32
      %dma_start3A_189 = arith.constant 0 : i32
      %dma_start3A_190 = tpu.memref_slice %arg10[%dma_start3A_187, %dma_start3A_188, %dma_start3A_189] : memref<2x8x128xf32, #tpu.memory_space<vmem>> -> memref<1x8x128xf32, #tpu.memory_space<vmem>>
      %dma_start3A_191 = tpu.memref_squeeze %dma_start3A_190 : memref<1x8x128xf32, #tpu.memory_space<vmem>> -> memref<8x128xf32, #tpu.memory_space<vmem>>
      %dma_start3A_192 = arith.constant 0 : i32
      %dma_start3A_193 = tpu.memref_slice %arg5[%add3A_186, %dma_start3A_192] : memref<10240x128xf32, #tpu.memory_space<hbm>> -> memref<8x128xf32, #tpu.memory_space<hbm>>
      %dma_start3A_194 = arith.constant 0 : i32
      %dma_start3A_195 = tpu.memref_slice %arg5[%add3A_186, %dma_start3A_194] : memref<10240x128xf32, #tpu.memory_space<hbm>> -> memref<8x128xf32, #tpu.memory_space<hbm>>
      %dma_start3A_196 = arith.constant 0 : i32
      %dma_start3A_197 = arith.constant 0 : i32
      %dma_start3A_198 = tpu.memref_slice %arg10[%dma_start3A_187, %dma_start3A_196, %dma_start3A_197] : memref<2x8x128xf32, #tpu.memory_space<vmem>> -> memref<1x8x128xf32, #tpu.memory_space<vmem>>
      %dma_start3A_199 = tpu.memref_squeeze %dma_start3A_198 : memref<1x8x128xf32, #tpu.memory_space<vmem>> -> memref<8x128xf32, #tpu.memory_space<vmem>>
      tpu.enqueue_dma source(%dma_start3A_199 : memref<8x128xf32, #tpu.memory_space<vmem>>) target(%dma_start3A_195 : memref<8x128xf32, #tpu.memory_space<hbm>>) target_semaphore(%arg16 : memref<!tpu.dma_semaphore, #tpu.memory_space<semaphore_mem>>)
      %add3A_200 = arith.constant 2 : i32
      %add3A_201 = arith.addi %add3A_149, %add3A_200 : i32
      %lt3A_202 = arith.constant 40 : i32
      %lt3A_203 = arith.cmpi slt, %add3A_201, %lt3A_202 : i32
      %convert_element_type3A_204 = arith.extui %lt3A_203 : i1 to i32
      %cond3A_205 = arith.constant 0 : i32
      %cond3A_206 = arith.cmpi ne, %convert_element_type3A_204, %cond3A_205 : i32
      scf.if %cond3A_206 {
        %add3A_208 = arith.constant 2 : i32
        %add3A_209 = arith.addi %add3A_149, %add3A_208 : i32
        %dma_start3A_210 = arith.constant 1 : i32
        %dma_start3A_211 = arith.constant 0 : i32
        %dma_start3A_212 = arith.constant 0 : i32
        %dma_start3A_213 = tpu.memref_slice %arg8[%dma_start3A_210, %dma_start3A_211, %dma_start3A_212] : memref<2x128x64xi32, #tpu.memory_space<vmem>> -> memref<1x128x64xi32, #tpu.memory_space<vmem>>
        %dma_start3A_214 = tpu.memref_squeeze %dma_start3A_213 : memref<1x128x64xi32, #tpu.memory_space<vmem>> -> memref<128x64xi32, #tpu.memory_space<vmem>>
        %dma_start3A_215 = arith.constant 0 : i32
        %dma_start3A_216 = tpu.memref_slice %arg6[%add3A_209, %dma_start3A_215] : memref<40x128xi32, #tpu.memory_space<vmem>> -> memref<1x128xi32, #tpu.memory_space<vmem>>
        %dma_start3A_217 = tpu.memref_squeeze %dma_start3A_216 : memref<1x128xi32, #tpu.memory_space<vmem>> -> memref<128xi32, #tpu.memory_space<vmem>>
        %dma_start3A_218 = arith.constant 0 : i32
        %dma_start3A_219 = arith.constant 0 : i32
        %dma_start3A_220 = tpu.memref_slice %arg2[%dma_start3A_218, %dma_start3A_219] : memref<10000x64xi32, #tpu.memory_space<hbm>> -> memref<10000x64xi32, #tpu.memory_space<hbm>>
        tpu.enqueue_indirect_dma source(%dma_start3A_220 : memref<10000x64xi32, #tpu.memory_space<hbm>>) target(%dma_start3A_214 : memref<128x64xi32, #tpu.memory_space<vmem>>) offsets(%dma_start3A_217 : memref<128xi32, #tpu.memory_space<vmem>>) semaphore(%arg12 : memref<!tpu.dma_semaphore, #tpu.memory_space<semaphore_mem>>)
        %dma_start3A_221 = arith.constant 1 : i32
        %dma_start3A_222 = arith.constant 0 : i32
        %dma_start3A_223 = arith.constant 0 : i32
        %dma_start3A_224 = tpu.memref_slice %arg9[%dma_start3A_221, %dma_start3A_222, %dma_start3A_223] : memref<2x128x32xi32, #tpu.memory_space<vmem>> -> memref<1x128x32xi32, #tpu.memory_space<vmem>>
        %dma_start3A_225 = tpu.memref_squeeze %dma_start3A_224 : memref<1x128x32xi32, #tpu.memory_space<vmem>> -> memref<128x32xi32, #tpu.memory_space<vmem>>
        %dma_start3A_226 = arith.constant 0 : i32
        %dma_start3A_227 = tpu.memref_slice %arg7[%add3A_209, %dma_start3A_226] : memref<40x128xi32, #tpu.memory_space<vmem>> -> memref<1x128xi32, #tpu.memory_space<vmem>>
        %dma_start3A_228 = tpu.memref_squeeze %dma_start3A_227 : memref<1x128xi32, #tpu.memory_space<vmem>> -> memref<128xi32, #tpu.memory_space<vmem>>
        %dma_start3A_229 = arith.constant 0 : i32
        %dma_start3A_230 = arith.constant 0 : i32
        %dma_start3A_231 = tpu.memref_slice %arg3[%dma_start3A_229, %dma_start3A_230] : memref<10000x32xi32, #tpu.memory_space<hbm>> -> memref<10000x32xi32, #tpu.memory_space<hbm>>
        tpu.enqueue_indirect_dma source(%dma_start3A_231 : memref<10000x32xi32, #tpu.memory_space<hbm>>) target(%dma_start3A_225 : memref<128x32xi32, #tpu.memory_space<vmem>>) offsets(%dma_start3A_228 : memref<128xi32, #tpu.memory_space<vmem>>) semaphore(%arg14 : memref<!tpu.dma_semaphore, #tpu.memory_space<semaphore_mem>>)
      } else {
      }
      %scan3A_207 = arith.constant 0 : i32
      scf.yield %scan3A_207 : i32
    }
    %scan3A_57 = arith.constant 20 : i32
    %add3A_58 = arith.constant 304 : i32
    %add3A_59 = arith.addi %mul3A_4, %add3A_58 : i32
    %dma_wait3A = arith.constant 0 : i32
    %dma_wait3A_60 = arith.constant 0 : i32
    %dma_wait3A_61 = arith.constant 0 : i32
    %dma_wait3A_62 = tpu.memref_slice %arg10[%dma_wait3A, %dma_wait3A_60, %dma_wait3A_61] : memref<2x8x128xf32, #tpu.memory_space<vmem>> -> memref<1x8x128xf32, #tpu.memory_space<vmem>>
    %dma_wait3A_63 = tpu.memref_squeeze %dma_wait3A_62 : memref<1x8x128xf32, #tpu.memory_space<vmem>> -> memref<8x128xf32, #tpu.memory_space<vmem>>
    %dma_wait3A_64 = arith.constant 0 : i32
    %dma_wait3A_65 = tpu.memref_slice %arg5[%add3A_59, %dma_wait3A_64] : memref<10240x128xf32, #tpu.memory_space<hbm>> -> memref<8x128xf32, #tpu.memory_space<hbm>>
    %dma_wait3A_66 = arith.constant 0 : i32
    %dma_wait3A_67 = tpu.memref_slice %arg5[%add3A_59, %dma_wait3A_66] : memref<10240x128xf32, #tpu.memory_space<hbm>> -> memref<8x128xf32, #tpu.memory_space<hbm>>
    %dma_wait3A_68 = arith.constant 0 : i32
    %dma_wait3A_69 = arith.constant 0 : i32
    %dma_wait3A_70 = tpu.memref_slice %arg10[%dma_wait3A, %dma_wait3A_68, %dma_wait3A_69] : memref<2x8x128xf32, #tpu.memory_space<vmem>> -> memref<1x8x128xf32, #tpu.memory_space<vmem>>
    %dma_wait3A_71 = tpu.memref_squeeze %dma_wait3A_70 : memref<1x8x128xf32, #tpu.memory_space<vmem>> -> memref<8x128xf32, #tpu.memory_space<vmem>>
    tpu.wait_dma2 semaphore(%arg15 : memref<!tpu.dma_semaphore, #tpu.memory_space<semaphore_mem>>) src(%dma_wait3A_71 : memref<8x128xf32, #tpu.memory_space<vmem>>) dst(%dma_wait3A_67 : memref<8x128xf32, #tpu.memory_space<hbm>>)
    %add3A_72 = arith.constant 312 : i32
    %add3A_73 = arith.addi %mul3A_4, %add3A_72 : i32
    %dma_wait3A_74 = arith.constant 1 : i32
    %dma_wait3A_75 = arith.constant 0 : i32
    %dma_wait3A_76 = arith.constant 0 : i32
    %dma_wait3A_77 = tpu.memref_slice %arg10[%dma_wait3A_74, %dma_wait3A_75, %dma_wait3A_76] : memref<2x8x128xf32, #tpu.memory_space<vmem>> -> memref<1x8x128xf32, #tpu.memory_space<vmem>>
    %dma_wait3A_78 = tpu.memref_squeeze %dma_wait3A_77 : memref<1x8x128xf32, #tpu.memory_space<vmem>> -> memref<8x128xf32, #tpu.memory_space<vmem>>
    %dma_wait3A_79 = arith.constant 0 : i32
    %dma_wait3A_80 = tpu.memref_slice %arg5[%add3A_73, %dma_wait3A_79] : memref<10240x128xf32, #tpu.memory_space<hbm>> -> memref<8x128xf32, #tpu.memory_space<hbm>>
    %dma_wait3A_81 = arith.constant 0 : i32
    %dma_wait3A_82 = tpu.memref_slice %arg5[%add3A_73, %dma_wait3A_81] : memref<10240x128xf32, #tpu.memory_space<hbm>> -> memref<8x128xf32, #tpu.memory_space<hbm>>
    %dma_wait3A_83 = arith.constant 0 : i32
    %dma_wait3A_84 = arith.constant 0 : i32
    %dma_wait3A_85 = tpu.memref_slice %arg10[%dma_wait3A_74, %dma_wait3A_83, %dma_wait3A_84] : memref<2x8x128xf32, #tpu.memory_space<vmem>> -> memref<1x8x128xf32, #tpu.memory_space<vmem>>
    %dma_wait3A_86 = tpu.memref_squeeze %dma_wait3A_85 : memref<1x8x128xf32, #tpu.memory_space<vmem>> -> memref<8x128xf32, #tpu.memory_space<vmem>>
    tpu.wait_dma2 semaphore(%arg16 : memref<!tpu.dma_semaphore, #tpu.memory_space<semaphore_mem>>) src(%dma_wait3A_86 : memref<8x128xf32, #tpu.memory_space<vmem>>) dst(%dma_wait3A_82 : memref<8x128xf32, #tpu.memory_space<hbm>>)
    return
  }
}

module attributes {stable_mosaic.version = 14 : i64} {
  func.func @_tables_body(%arg0: i32, %arg1: memref<128x10000xf32, #tpu.memory_space<vmem>>, %arg2: memref<128x128xf32, #tpu.memory_space<vmem>>, %arg3: memref<1x128xf32, #tpu.memory_space<vmem>>, %arg4: memref<1x64xf32, #tpu.memory_space<vmem>>, %arg5: memref<5000x128xi32, #tpu.memory_space<vmem>>, %arg6: memref<2500x128xi32, #tpu.memory_space<vmem>>) attributes {dimension_semantics = [#tpu.dimension_semantics<arbitrary>], iteration_bounds = array<i64: 1>, scalar_prefetch = 0 : i64, scratch_operands = 0 : i64, tpu.core_type = #tpu.core_type<tc>, window_params = [{pipeline_mode = #tpu.pipeline_mode<synchronous>, transform_indices = @transform_0, window_bounds = array<i64: 128, 10000>}, {pipeline_mode = #tpu.pipeline_mode<synchronous>, transform_indices = @transform_1, window_bounds = array<i64: 128, 128>}, {pipeline_mode = #tpu.pipeline_mode<synchronous>, transform_indices = @transform_2, window_bounds = array<i64: 1, 128>}, {pipeline_mode = #tpu.pipeline_mode<synchronous>, transform_indices = @transform_3, window_bounds = array<i64: 1, 64>}, {pipeline_mode = #tpu.pipeline_mode<synchronous>, transform_indices = @transform_4, window_bounds = array<i64: 5000, 128>}, {pipeline_mode = #tpu.pipeline_mode<synchronous>, transform_indices = @transform_5, window_bounds = array<i64: 2500, 128>}]} {
    %get3A = arith.constant 0 : index
    %get3A_0 = arith.constant 0 : index
    %get3A_1 = vector.load %arg1[%get3A, %get3A_0] : memref<128x10000xf32, #tpu.memory_space<vmem>>, vector<128x10000xf32>
    %get3A_2 = arith.constant 0 : index
    %get3A_3 = arith.constant 0 : index
    %get3A_4 = vector.load %arg2[%get3A_2, %get3A_3] : memref<128x128xf32, #tpu.memory_space<vmem>>, vector<128x128xf32>
    %dot_general3A = arith.constant dense<0.000000e+00> : vector<10000x128xf32>
    %dot_general3A_5 = tpu.matmul %get3A_1, %get3A_4, %dot_general3A {dimension_numbers = #tpu.dot_dimension_numbers<[0], [0], [1], [1], [0, 1, 1, 1], [], []>, transpose_lhs_hint = false} : vector<128x10000xf32>, vector<128x128xf32>, vector<10000x128xf32> -> vector<10000x128xf32>
    %get3A_6 = arith.constant 0 : index
    %get3A_7 = arith.constant 0 : index
    %get3A_8 = vector.load %arg3[%get3A_6, %get3A_7] : memref<1x128xf32, #tpu.memory_space<vmem>>, vector<1x128xf32>
    %add3A = vector.broadcast %get3A_8 : vector<1x128xf32> to vector<10000x128xf32>
    %add3A_9 = arith.addf %dot_general3A_5, %add3A : vector<10000x128xf32>
    %iota3A = tpu.iota {dimensions = array<i32: 1>} : vector<10000x128xi32>
    %jit3A = arith.constant 64 : i32
    %eq3A = arith.constant 0 : i32
    %eq3A_10 = arith.cmpi eq, %jit3A, %eq3A : i32
    %jit3A_11 = arith.constant 1 : i32
    %select_n3A = arith.select %eq3A_10, %jit3A_11, %jit3A : i32
    %rem3A = vector.broadcast %select_n3A : i32 to vector<10000x128xi32>
    %rem3A_12 = arith.remsi %iota3A, %rem3A : vector<10000x128xi32>
    %ne3A = arith.constant 0 : i32
    %ne3A_13 = vector.broadcast %ne3A : i32 to vector<10000x128xi32>
    %ne3A_14 = arith.cmpi ne, %rem3A_12, %ne3A_13 : vector<10000x128xi32>
    %lt3A = arith.constant 0 : i32
    %lt3A_15 = vector.broadcast %lt3A : i32 to vector<10000x128xi32>
    %lt3A_16 = arith.cmpi slt, %rem3A_12, %lt3A_15 : vector<10000x128xi32>
    %lt3A_17 = arith.constant 0 : i32
    %lt3A_18 = arith.cmpi slt, %select_n3A, %lt3A_17 : i32
    %ne3A_19 = vector.broadcast %lt3A_18 : i1 to vector<10000x128xi1>
    %ne3A_20 = vector.broadcast %ne3A_19 : vector<10000x128xi1> to vector<10000x128xi1>
    %ne3A_21 = arith.xori %lt3A_16, %ne3A_20 : vector<10000x128xi1>
    %and3A = arith.andi %ne3A_21, %ne3A_14 : vector<10000x128xi1>
    %add3A_22 = vector.broadcast %select_n3A : i32 to vector<10000x128xi32>
    %add3A_23 = arith.addi %rem3A_12, %add3A_22 : vector<10000x128xi32>
    %select_n3A_24 = arith.select %and3A, %add3A_23, %rem3A_12 : vector<10000x128xi1>, vector<10000x128xi32>
    %lt3A_25 = arith.constant 32 : i32
    %lt3A_26 = vector.broadcast %lt3A_25 : i32 to vector<10000x128xi32>
    %lt3A_27 = arith.cmpi slt, %select_n3A_24, %lt3A_26 : vector<10000x128xi32>
    %max3A = arith.constant 0.000000e+00 : f32
    %max3A_28 = vector.broadcast %max3A : f32 to vector<10000x128xf32>
    %max3A_29 = arith.maximumf %add3A_9, %max3A_28 : vector<10000x128xf32>
    %select_n3A_30 = arith.select %lt3A_27, %max3A_29, %add3A_9 : vector<10000x128xi1>, vector<10000x128xf32>
    %slice3A = vector.extract_strided_slice %select_n3A_30 {offsets = [0, 0], sizes = [10000, 64], strides = [1, 1]} : vector<10000x128xf32> to vector<10000x64xf32>
    %slice3A_31 = vector.extract_strided_slice %select_n3A_30 {offsets = [0, 64], sizes = [10000, 64], strides = [1, 1]} : vector<10000x128xf32> to vector<10000x64xf32>
    %bitcast_convert_type3A = tpu.bitcast %slice3A : vector<10000x64xf32> -> vector<10000x64xi32>
    %bitcast_convert_type3A_32 = tpu.bitcast %slice3A_31 : vector<10000x64xf32> -> vector<10000x64xi32>
    %add3A_33 = arith.constant 32767 : i32
    %add3A_34 = vector.broadcast %add3A_33 : i32 to vector<10000x64xi32>
    %add3A_35 = arith.addi %bitcast_convert_type3A, %add3A_34 : vector<10000x64xi32>
    %shift_right_arithmetic3A = arith.constant 16 : i32
    %shift_right_arithmetic3A_36 = vector.broadcast %shift_right_arithmetic3A : i32 to vector<10000x64xi32>
    %shift_right_arithmetic3A_37 = arith.shrsi %bitcast_convert_type3A, %shift_right_arithmetic3A_36 : vector<10000x64xi32>
    %and3A_38 = arith.constant 1 : i32
    %and3A_39 = vector.broadcast %and3A_38 : i32 to vector<10000x64xi32>
    %and3A_40 = arith.andi %shift_right_arithmetic3A_37, %and3A_39 : vector<10000x64xi32>
    %add3A_41 = arith.addi %add3A_35, %and3A_40 : vector<10000x64xi32>
    %add3A_42 = arith.constant 32767 : i32
    %add3A_43 = vector.broadcast %add3A_42 : i32 to vector<10000x64xi32>
    %add3A_44 = arith.addi %bitcast_convert_type3A_32, %add3A_43 : vector<10000x64xi32>
    %shift_right_arithmetic3A_45 = arith.constant 16 : i32
    %shift_right_arithmetic3A_46 = vector.broadcast %shift_right_arithmetic3A_45 : i32 to vector<10000x64xi32>
    %shift_right_arithmetic3A_47 = arith.shrsi %bitcast_convert_type3A_32, %shift_right_arithmetic3A_46 : vector<10000x64xi32>
    %and3A_48 = arith.constant 1 : i32
    %and3A_49 = vector.broadcast %and3A_48 : i32 to vector<10000x64xi32>
    %and3A_50 = arith.andi %shift_right_arithmetic3A_47, %and3A_49 : vector<10000x64xi32>
    %add3A_51 = arith.addi %add3A_44, %and3A_50 : vector<10000x64xi32>
    %shift_right_arithmetic3A_52 = arith.constant 16 : i32
    %shift_right_arithmetic3A_53 = vector.broadcast %shift_right_arithmetic3A_52 : i32 to vector<10000x64xi32>
    %shift_right_arithmetic3A_54 = arith.shrsi %add3A_41, %shift_right_arithmetic3A_53 : vector<10000x64xi32>
    %and3A_55 = arith.constant 65535 : i32
    %and3A_56 = vector.broadcast %and3A_55 : i32 to vector<10000x64xi32>
    %and3A_57 = arith.andi %shift_right_arithmetic3A_54, %and3A_56 : vector<10000x64xi32>
    %and3A_58 = arith.constant -65536 : i32
    %and3A_59 = vector.broadcast %and3A_58 : i32 to vector<10000x64xi32>
    %and3A_60 = arith.andi %add3A_51, %and3A_59 : vector<10000x64xi32>
    %or3A = arith.ori %and3A_57, %and3A_60 : vector<10000x64xi32>
    %slice3A_61 = vector.extract_strided_slice %or3A {offsets = [0, 0], sizes = [5000, 64], strides = [1, 1]} : vector<10000x64xi32> to vector<5000x64xi32>
    %slice3A_62 = vector.extract_strided_slice %or3A {offsets = [5000, 0], sizes = [5000, 64], strides = [1, 1]} : vector<10000x64xi32> to vector<5000x64xi32>
    %concatenate3A = tpu.concatenate %slice3A_61, %slice3A_62 in 1 : vector<5000x64xi32>, vector<5000x64xi32> -> vector<5000x128xi32>
    %swap3A = arith.constant 0 : index
    %swap3A_63 = arith.constant 0 : index
    %swap3A_64 = vector.load %arg5[%swap3A, %swap3A_63] : memref<5000x128xi32, #tpu.memory_space<vmem>>, vector<5000x128xi32>
    tpu.vector_store %arg5[%swap3A, %swap3A_63], %concatenate3A {strides = array<i32>} : memref<5000x128xi32, #tpu.memory_space<vmem>>, vector<5000x128xi32>,
    %slice3A_65 = vector.extract_strided_slice %slice3A {offsets = [0, 32], sizes = [10000, 32], strides = [1, 1]} : vector<10000x64xf32> to vector<10000x32xf32>
    %get3A_66 = arith.constant 0 : index
    %get3A_67 = arith.constant 0 : index
    %get3A_68 = vector.load %arg4[%get3A_66, %get3A_67] : memref<1x64xf32, #tpu.memory_space<vmem>>, vector<1x32xf32>
    %add3A_69 = vector.broadcast %get3A_68 : vector<1x32xf32> to vector<10000x32xf32>
    %add3A_70 = arith.addf %slice3A_65, %add3A_69 : vector<10000x32xf32>
    %slice3A_71 = vector.extract_strided_slice %slice3A_31 {offsets = [0, 32], sizes = [10000, 32], strides = [1, 1]} : vector<10000x64xf32> to vector<10000x32xf32>
    %get3A_72 = arith.constant 0 : index
    %get3A_73 = arith.constant 32 : index
    %get3A_74 = vector.load %arg4[%get3A_72, %get3A_73] : memref<1x64xf32, #tpu.memory_space<vmem>>, vector<1x32xf32>
    %add3A_75 = vector.broadcast %get3A_74 : vector<1x32xf32> to vector<10000x32xf32>
    %add3A_76 = arith.addf %slice3A_71, %add3A_75 : vector<10000x32xf32>
    %bitcast_convert_type3A_77 = tpu.bitcast %add3A_70 : vector<10000x32xf32> -> vector<10000x32xi32>
    %bitcast_convert_type3A_78 = tpu.bitcast %add3A_76 : vector<10000x32xf32> -> vector<10000x32xi32>
    %add3A_79 = arith.constant 32767 : i32
    %add3A_80 = vector.broadcast %add3A_79 : i32 to vector<10000x32xi32>
    %add3A_81 = arith.addi %bitcast_convert_type3A_77, %add3A_80 : vector<10000x32xi32>
    %shift_right_arithmetic3A_82 = arith.constant 16 : i32
    %shift_right_arithmetic3A_83 = vector.broadcast %shift_right_arithmetic3A_82 : i32 to vector<10000x32xi32>
    %shift_right_arithmetic3A_84 = arith.shrsi %bitcast_convert_type3A_77, %shift_right_arithmetic3A_83 : vector<10000x32xi32>
    %and3A_85 = arith.constant 1 : i32
    %and3A_86 = vector.broadcast %and3A_85 : i32 to vector<10000x32xi32>
    %and3A_87 = arith.andi %shift_right_arithmetic3A_84, %and3A_86 : vector<10000x32xi32>
    %add3A_88 = arith.addi %add3A_81, %and3A_87 : vector<10000x32xi32>
    %add3A_89 = arith.constant 32767 : i32
    %add3A_90 = vector.broadcast %add3A_89 : i32 to vector<10000x32xi32>
    %add3A_91 = arith.addi %bitcast_convert_type3A_78, %add3A_90 : vector<10000x32xi32>
    %shift_right_arithmetic3A_92 = arith.constant 16 : i32
    %shift_right_arithmetic3A_93 = vector.broadcast %shift_right_arithmetic3A_92 : i32 to vector<10000x32xi32>
    %shift_right_arithmetic3A_94 = arith.shrsi %bitcast_convert_type3A_78, %shift_right_arithmetic3A_93 : vector<10000x32xi32>
    %and3A_95 = arith.constant 1 : i32
    %and3A_96 = vector.broadcast %and3A_95 : i32 to vector<10000x32xi32>
    %and3A_97 = arith.andi %shift_right_arithmetic3A_94, %and3A_96 : vector<10000x32xi32>
    %add3A_98 = arith.addi %add3A_91, %and3A_97 : vector<10000x32xi32>
    %shift_right_arithmetic3A_99 = arith.constant 16 : i32
    %shift_right_arithmetic3A_100 = vector.broadcast %shift_right_arithmetic3A_99 : i32 to vector<10000x32xi32>
    %shift_right_arithmetic3A_101 = arith.shrsi %add3A_88, %shift_right_arithmetic3A_100 : vector<10000x32xi32>
    %and3A_102 = arith.constant 65535 : i32
    %and3A_103 = vector.broadcast %and3A_102 : i32 to vector<10000x32xi32>
    %and3A_104 = arith.andi %shift_right_arithmetic3A_101, %and3A_103 : vector<10000x32xi32>
    %and3A_105 = arith.constant -65536 : i32
    %and3A_106 = vector.broadcast %and3A_105 : i32 to vector<10000x32xi32>
    %and3A_107 = arith.andi %add3A_98, %and3A_106 : vector<10000x32xi32>
    %or3A_108 = arith.ori %and3A_104, %and3A_107 : vector<10000x32xi32>
    %slice3A_109 = vector.extract_strided_slice %or3A_108 {offsets = [0, 0], sizes = [2500, 32], strides = [1, 1]} : vector<10000x32xi32> to vector<2500x32xi32>
    %slice3A_110 = vector.extract_strided_slice %or3A_108 {offsets = [2500, 0], sizes = [2500, 32], strides = [1, 1]} : vector<10000x32xi32> to vector<2500x32xi32>
    %slice3A_111 = vector.extract_strided_slice %or3A_108 {offsets = [5000, 0], sizes = [2500, 32], strides = [1, 1]} : vector<10000x32xi32> to vector<2500x32xi32>
    %slice3A_112 = vector.extract_strided_slice %or3A_108 {offsets = [7500, 0], sizes = [2500, 32], strides = [1, 1]} : vector<10000x32xi32> to vector<2500x32xi32>
    %concatenate3A_113 = tpu.concatenate %slice3A_109, %slice3A_110, %slice3A_111, %slice3A_112 in 1 : vector<2500x32xi32>, vector<2500x32xi32>, vector<2500x32xi32>, vector<2500x32xi32> -> vector<2500x128xi32>
    %swap3A_114 = arith.constant 0 : index
    %swap3A_115 = arith.constant 0 : index
    %swap3A_116 = vector.load %arg6[%swap3A_114, %swap3A_115] : memref<2500x128xi32, #tpu.memory_space<vmem>>, vector<2500x128xi32>
    tpu.vector_store %arg6[%swap3A_114, %swap3A_115], %concatenate3A_113 {strides = array<i32>} : memref<2500x128xi32, #tpu.memory_space<vmem>>, vector<2500x128xi32>,
    return
  }
  func.func @transform_0(%arg0: i32) -> (i32, i32) {
    %c0_i32 = arith.constant 0 : i32
    %c0_i32_0 = arith.constant 0 : i32
    %c0_i32_1 = arith.constant 0 : i32
    return %c0_i32, %c0_i32_0 : i32, i32
  }
  func.func @transform_1(%arg0: i32) -> (i32, i32) {
    %c0_i32 = arith.constant 0 : i32
    %c0_i32_0 = arith.constant 0 : i32
    %c0_i32_1 = arith.constant 0 : i32
    return %c0_i32, %c0_i32_0 : i32, i32
  }
  func.func @transform_2(%arg0: i32) -> (i32, i32) {
    %c0_i32 = arith.constant 0 : i32
    %c0_i32_0 = arith.constant 0 : i32
    %c0_i32_1 = arith.constant 0 : i32
    return %c0_i32, %c0_i32_0 : i32, i32
  }
  func.func @transform_3(%arg0: i32) -> (i32, i32) {
    %c0_i32 = arith.constant 0 : i32
    %c0_i32_0 = arith.constant 0 : i32
    %c0_i32_1 = arith.constant 0 : i32
    return %c0_i32, %c0_i32_0 : i32, i32
  }
  func.func @transform_4(%arg0: i32) -> (i32, i32) {
    %c0_i32 = arith.constant 0 : i32
    %c0_i32_0 = arith.constant 0 : i32
    %c0_i32_1 = arith.constant 0 : i32
    return %c0_i32, %c0_i32_0 : i32, i32
  }
  func.func @transform_5(%arg0: i32) -> (i32, i32) {
    %c0_i32 = arith.constant 0 : i32
    %c0_i32_0 = arith.constant 0 : i32
    %c0_i32_1 = arith.constant 0 : i32
    return %c0_i32, %c0_i32_0 : i32, i32
  }
}

</mosaic_0001>

<sc_bundles>
// kernel: kernel.4.cloned.1.call-start
scs
__scs_entry_jumppad:
0x0: {  	(pc) =	sbr.rel $0x88, $3  }
0x1: {  	(tag) =	ssettag $0x0;
	lr =	simm.s32 $0x1  }
0x2: {  	[smem:$0x3F9D] =	sst lr;
	_ =	strace $0xD0000000  }
0x3: {  	_ = 	snop  }
0x4: {  	_ = 	snop  }
0x5: {  	_ = 	snop  }
0x6: {  	_ = 	snop  }
0x7: {  	_ = 	snop  }
__scs_overlays_trampoline_lowered:
0x8: {  	[smem:$0x3FAC] =	sst s0  }
0x9: {  	[smem:$0x3FAD] =	sst s1  }
0xa: {  	[smem:$0x3FAE] =	sst s2  }
0xb: {  	[smem:$0x3FAF] =	sst s3  }
0xc: {  	[smem:$0x3FB0] =	sst s4  }
0xd: {  	[smem:$0x3FB1] =	sst s5  }
0xe: {  	[smem:$0x3FB2] =	sst s6  }
0xf: {  	[smem:$0x3FB3] =	sst s7  }
0x10: {  	[smem:$0x3FB4] =	sst s8  }
0x11: {  	[smem:$0x3FB5] =	sst s9;
	s0 =	simm.s32 @!p0 $0x0  }
0x12: {  	s1 =	sld [smem:$0x3F9B];
	s0 =	simm.s32 @p0 $0x1  }
0x13: {  	[smem:$0x3FB6] =	sst s0;
	s0 =	simm.s32 @!p1 $0x0  }
0x14: {  	s2 =	sld [smem:$0x3F9A];
	s0 =	simm.s32 @p1 $0x1  }
0x15: {  	[smem:$0x3FB7] =	sst s0;
	s0 =	simm.s32 @!p2 $0x0  }
0x16: {  	s3 =	sld [smem:$0x3FDB];
	s0 =	simm.s32 @p2 $0x1  }
0x17: {  	s4 =	simm.s32 $0x1BF5;
	[smem:$0x3FB9] =	sst s0  }
0x18: {  	s0 =	sld [smem:$0x3F9C];
	_ =	swait.ge [sflag:s4], $0x0  }
0x19: {  	s7 =	sld [smem:$0x3F9D]  }
0x1a: {  	s8 =	sadd.s32 $0xFFFFE003, lr  }
0x1b: {  	s9 =	sadd.s32 $0xFFFFFEF7, lr;
	s5 =	simm.s32 $0xFFFFFFFF;
	p2 =	slt.u32 s8, $0xFFFFF086  }
0x1c: {  	p1 =	slt.u32 s9, $0xF7A;
	s5 =	simm.s32 @!p2 $0x0  }
0x1d: {  	s5 =	simm.s32 @p1 $0x1;
	p0 =	seq.s32 s7, s2  }
0x1e: {  	s7 =	smul.u32 @!p0 $0xF7A, s2;
	p2 =	seq.s32 @!p0 s5, $0x0  }
0x1f: {  	s9 =	smul.u32 $0xF7A, s1;
	s8 =	simm.s32 @!p0 $0x1BF5;
	p2 =	por !p2, p0  }
0x20: {  	[sflag:s8] =	ssyncset.s32 @!p0 $0xFFFFF086;
	s6 =	sadd.s32 @!p0 s3, s7;
	s7 =	simm.s32 @!p0 $0x108  }
0x21: {  	s3 =	sadd.s32 s3, s9;
	s6 =	sadd.s32 @!p0 $0x88, s6;
	s7 =	simm.s32 @p2 $0x1082  }
0x22: {  	[simem:s7], [sflag:s8] =	dma.local @!p0 [hbm:s6], $0xF7A  }
0x23: {  	s9 =	sor.u32 $0xD0000000, s2;
	s6 =	simm.s32 $0x108;
	_ =	swait.ge @!p0 [sflag:s8], $0x0  }
0x24: {  	s3 =	sadd.s32 $0x88, s3;
	s6 =	simm.s32 @!p1 $0x1082;
	[sflag:s4] =	ssyncset.s32 $0xFFFFF086  }
0x25: {  	[simem:s6], [sflag:s4] =	dma.local [hbm:s3], $0xF7A  }
0x26: {  	[smem:$0x3F9D] =	sst s1;
	(tag) =	ssettag s2;
	_ =	strace s9  }
0x27: {  	s1 =	sld [smem:$0x3FAD]  }
0x28: {  	s2 =	sld [smem:$0x3FAE]  }
0x29: {  	s4 =	sld [smem:$0x3FB0]  }
0x2a: {  	p0 =	seq.s32 s5, $0x0;
	s5 =	sld [smem:$0x3FB1]  }
0x2b: {  	s6 =	sld [smem:$0x3FB2]  }
0x2c: {  	s7 =	sld [smem:$0x3FB3]  }
0x2d: {  	s3 =	simm.s32 $0x108;
	s8 =	sld [smem:$0x3FB4]  }
0x2e: {  	s3 =	simm.s32 @!p0 $0x1082;
	s9 =	sld [smem:$0x3FB5]  }
0x2f: {  	lr =	sadd.s32 s0, s3;
	s0 =	sld [smem:$0x3FAC]  }
0x30: {  	s3 =	sld [smem:$0x3FAF]  }
0x31: {  	[smem:$0x3FB8] =	sst s10  }
0x32: {  	s10 =	sld [smem:$0x3FB6];
	_ =	sdelay $0x3  }
0x33: {  	p0 =	seq.s32 s10, $0x1;
	s10 =	sld [smem:$0x3FB8];
	_ =	sdelay $0x3  }
0x34: {  	[smem:$0x3FB8] =	sst s10  }
0x35: {  	s10 =	sld [smem:$0x3FB7];
	_ =	sdelay $0x3  }
0x36: {  	p1 =	seq.s32 s10, $0x1;
	s10 =	sld [smem:$0x3FB8];
	_ =	sdelay $0x3  }
0x37: {  	[smem:$0x3FB8] =	sst s10  }
0x38: {  	s10 =	sld [smem:$0x3FB9]  }
0x39: {  	_ = 	snop;
	(pc) =	sbr.ind lr, $3  }
0x3a: {  	_ = 	snop  }
0x3b: {  	_ = 	snop  }
0x3c: {  	p2 =	seq.s32 s10, $0x1;
	s10 =	sld [smem:$0x3FB8]  }
0x3d: {  	_ =	shalt  }
0x3e: {  	_ =	shalt  }
0x3f: {  	_ =	shalt  }
0x40: {  	_ =	shalt  }
0x41: {  	_ =	shalt  }
0x42: {  	_ =	shalt  }
0x43: {  	_ =	shalt  }
0x44: {  	_ =	shalt  }
0x45: {  	_ =	shalt  }
0x46: {  	_ =	shalt  }
0x47: {  	_ =	shalt  }
0x48: {  	_ =	shalt  }
0x49: {  	_ =	shalt  }
0x4a: {  	_ =	shalt  }
0x4b: {  	_ =	shalt  }
0x4c: {  	_ =	shalt  }
0x4d: {  	_ =	shalt  }
0x4e: {  	_ =	shalt  }
0x4f: {  	_ =	shalt  }
0x50: {  	_ =	shalt  }
0x51: {  	_ =	shalt  }
0x52: {  	_ =	shalt  }
0x53: {  	_ =	shalt  }
0x54: {  	_ =	shalt  }
0x55: {  	_ =	shalt  }
0x56: {  	_ =	shalt  }
0x57: {  	_ =	shalt  }
0x58: {  	_ =	shalt  }
0x59: {  	_ =	shalt  }
0x5a: {  	_ =	shalt  }
0x5b: {  	_ =	shalt  }
0x5c: {  	_ =	shalt  }
0x5d: {  	_ =	shalt  }
0x5e: {  	_ =	shalt  }
0x5f: {  	_ =	shalt  }
0x60: {  	_ =	shalt  }
0x61: {  	_ =	shalt  }
0x62: {  	_ =	shalt  }
0x63: {  	_ =	shalt  }
0x64: {  	_ =	shalt  }
0x65: {  	_ =	shalt  }
0x66: {  	_ =	shalt  }
0x67: {  	_ =	shalt  }
0x68: {  	_ =	shalt  }
0x69: {  	_ =	shalt  }
0x6a: {  	_ =	shalt  }
0x6b: {  	_ =	shalt  }
0x6c: {  	_ =	shalt  }
0x6d: {  	_ =	shalt  }
0x6e: {  	_ =	shalt  }
0x6f: {  	_ =	shalt  }
0x70: {  	_ =	shalt  }
0x71: {  	_ =	shalt  }
0x72: {  	_ =	shalt  }
0x73: {  	_ =	shalt  }
0x74: {  	_ =	shalt  }
0x75: {  	_ =	shalt  }
0x76: {  	_ =	shalt  }
0x77: {  	_ =	shalt  }
0x78: {  	_ =	shalt  }
0x79: {  	_ =	shalt  }
0x7a: {  	_ =	shalt  }
0x7b: {  	_ =	shalt  }
0x7c: {  	_ =	shalt  }
0x7d: {  	_ =	shalt  }
0x7e: {  	_ =	shalt  }
0x7f: {  	_ =	shalt  }
0x80: {  	_ =	shalt  }
0x81: {  	_ =	shalt  }
0x82: {  	_ =	shalt  }
0x83: {  	_ =	shalt  }
0x84: {  	_ =	shalt  }
0x85: {  	_ =	shalt  }
0x86: {  	_ =	shalt  }
0x87: {  	_ =	shalt  }
.Lfunc_end0:
.L_simem_size_0:
called_computation_lowered:
.L_overlay_start_0:
0x88: {  	s2 =	sld [smem:$0x3FD9]  }
0x89: {  	s3 =	sld [smem:$0x3FFE];
	_ =	sdelay $0x1  }
0x8a: {  	s1 =	srdreg.scid  }
0x8b: {  	s0 =	sand.u32 $0x1, s1  }
0x8c: {  	s17 =	sshll.u32 s0, $0xA;
	s2 =	sadd.s32 s3, s2  }
0x8d: {  	s2 =	sadd.s32 s2, s17  }
0x8e: {  	[smem:$0x3FC4] =	sst s2  }
0x8f: {  	_ = 	snop  }
0x90: {  	s2 =	sld [smem:$0x3FD0];
	(tm) =	ssettm $0x1  }
0x91: {  	s18 =	sld [smem:$0x3FFB];
	_ =	sdelay $0x3  }
0x92: {  	_ =	strace s18  }
0x93: {  	s3 =	sld [smem:$0x3FFC];
	_ =	sdelay $0x3  }
0x94: {  	_ =	strace s3  }
0x95: {  	s3 =	sld [smem:$0x3FFD];
	_ =	sdelay $0x3  }
0x96: {  	_ =	strace s3  }
0x97: {  	_ =	strace $0x8FFFFFFF  }
0x98: {  	s19 =	sld [smem:$0x3FDB];
	_ =	sdelay $0x1  }
0x99: {  	s4 =	simm.s32 $_scs_section_size  }
0x9a: {  	s5 =	simm.s32 $_size__tile_overlayer_lowered;
	s6 =	simm.s32 $_tile_overlayer_lowered  }
0x9b: {  	s22 =	simm.s32 $0x1BFF;
	s21 =	sshll.u32 s6, $0x1;
	s3 =	sadd.s32 s4, s19  }
0x9c: {  	s7 =	simm.s32 $0x0;
	s20 =	sshll.u32 s5, $0x1;
	s5 =	sadd.s32 s21, s3  }
0x9d: {  	[timem:s7], [sflag:s22] =	dma.local [hbm:s5], s20  }
0x9e: {  	_ =	swait.ge [sflag:s22], s20  }
0x9f: {  	s4 =	ssub.s32 $0x0, s20;
	[sflag:s22] =	ssyncset.done $0x0  }
0xa0: {  	[sflag:s22] =	ssyncadd.s32 s4;
	_ =	sdelay $0x1  }
0xa1: {  	s23 =	simm.s32 $0x1B8B  }
0xa2: {  	_ =	swait.ge [sflag:s23], $0x1  }
0xa3: {  	[sflag:s23] =	ssyncset.done $0x0  }
0xa4: {  	s25 =	simm.s32 $0x1B8E;
	s24 =	sld [smem:$0x3FFE];
	[sflag:s23] =	ssyncadd.s32 $0xFFFFFFFF  }
0xa5: {  	s26 =	simm.s32 $execute0_lowered;
	[smem:$0x3FD2] =	sst s25  }
0xa6: {  	s5 =	sshll.u32 s26, $0x1;
	_ =	strace $0x80000046;
	[dreg:$0x1] =	wrdreg $0xFFFFFFFF  }
0xa7: {  	s28 =	simm.s32 $_size_execute0_lowered;
	s3 =	sadd.s32 s3, s5;
	[dreg:$0x0] =	wrdreg $0x0  }
0xa8: {  	s5 =	sshll.u32 s28, $0x1;
	[dreg:$0x2] =	wrdreg s3  }
0xa9: {  	[dreg:$0x3] =	wrdreg s5  }
0xaa: {  	[dreg:$0x4] =	wrdreg $0xC0  }
0xab: {  	_ =	task [dreg:s7], $0x5FFFF  }
0xac: {  	[dreg:$0x1] =	wrdreg $0xFFFFFFFF  }
0xad: {  	[dreg:$0x0] =	wrdreg $0x60  }
0xae: {  	[dreg:$0x2] =	wrdreg s2  }
0xaf: {  	[dreg:$0x3] =	wrdreg s24  }
0xb0: {  	[dreg:$0x4] =	wrdreg $0x9  }
0xb1: {  	_ =	task.clear_ibuf [dreg:s7], $0x5FFFF;
	_ =	strace $0x90000046  }
0xb2: {  	s29 =	simm.s32 $0x9;
	_ =	strace $0x80000048  }
0xb3: {  	_ =	swait.ge [sflag:s29], $0x1  }
0xb4: {  	[sflag:s29] =	ssyncadd.s32 $0xFFFFFFFF  }
0xb5: {  	_ =	strace $0x90000048  }
0xb6: {  	_ =	sfence  }
0xb7: {  	s30 =	sld [smem:$0x0];
	_ =	sdelay $0x2  }
0xb8: {  	s31 =	sshll.u32 s1, $0xD;
	s1 =	sshrl.u32 s1, $0x2  }
0xb9: {  	s3 =	sand.u32 $0x4000, s31;
	s1 =	sadd.s32 s1, s30  }
0xba: {  	s0 =	sor.u32 s3, s0;
	s1 =	sshll.u32 s1, $0x11  }
0xbb: {  	s0 =	sor.u32 s1, s0  }
0xbc: {  	s0 =	sadd.s32 $0x8F2B, s0  }
0xbd: {  	[sflag:s0] =	ssyncadd.remote.s32 $0x1  }
0xbe: {  	_ =	sfence.sel $0xFFFF  }
0xbf: {  	[dreg:$0x0] =	wrdreg $0xFFFFFFFF;
	(pc) =	sbr.abs _section_cstart, $3  }
0xc0: {  	[dreg:$0x1] =	wrdreg $0xFFFFFFFF  }
0xc1: {  	_ =	task.clear_ibuf [dreg:s7], $0x2FFFF;
	_ =	strace $0x9FFFFFFF  }
0xc2: {  	(tm) =	ssettm $0x7FFFFFFF  }
0xc3: {  	_ =	shalt  }
tec
execute0_lowered:
.L_overlay_start_1:
0x0: {  	(tag) =	ssettag $0x1  }
0x1: {  	s0 =	srdreg.scid  }
0x2: {  	s1 =	stileid.u32;
	s2 =	rddreg [dreg:$0x0]  }
0x3: {  	s5 =	rddreg [dreg:$0x1];
	s3 =	simm.s32 $0x0;
	s11 =	simm.s32 $0x7  }
0x4: {  	s12 =	simm.s32 $0x1400;
	s13 =	simm.s32 $0x80;
	s15 =	simm.s32 $0x6800  }
0x5: {  	s16 =	simm.s32 $0x4800;
	s17 =	simm.s32 $0x1480;
	s18 =	simm.s32 $0x7800  }
0x6: {  	s19 =	simm.s32 $0x1;
	s20 =	simm.s32 $0x3;
	s21 =	simm.s32 $0x8800  }
0x7: {  	s22 =	simm.s32 $0x2;
	s0 =	sand.u32 $0x1, s0;
	s1 =	sshll.u32 s1, $0x1  }
0x8: {  	s23 =	simm.s32 $0x4;
	s24 =	simm.s32 $0x8C00;
	s1 =	sor.u32 s1, s0  }
0x9: {  	s25 =	simm.s32 $0x5;
	s26 =	simm.s32 $0x6;
	s1 =	sxor.u32 $0x1, s1  }
0xa: {  	s28 =	simm.s32 $0x0;
	[smem:$0x7FF] =	sst s3;
	s10 =	smul.u32 $0x1400, s1  }
.Ltmp0:
0xb: {  	s4 =	sadd.s32 $0xC200, s5;
	s0 =	ssub.s32 $0x2, s0;
	(pc) =	sbr.rel .LBB2_1-.Ltmp0, $4  }
0xc: {  	_ =	strace $0x80000047;
	s30 =	sshrl.u32 s0, $0x1;
	s6 =	sshrl.u32 s10, $0x3  }
0xd: {  	s0 =	ssub.s32 s0, s30;
	s7 =	sadd.s32 s6, s5;
	s5 =	sadd.s32 $0x16000, s5  }
0xe: {  	s8 =	smul.u32 $0xA000, s1;
	s9 =	smax.u32 s0, $0x1;
	s31 =	sadd.s32 s10, s5  }
0xf: {  	s6 =	sadd.s32 $0x7200, s7;
	s7 =	sadd.s32 $0x2200, s7;
	s10 =	sadd.s32 $0x80, s31  }
.LBB2_8:
0x10: {  	s28 =	sadd.s32 $0x1, s28  }
0x11: {  	_ =	swait.ge [sflag:s25], $0x400;
	p0 =	sne.s32 s28, s9  }
.Ltmp1:
0x12: {  	[sflag:s25] =	ssyncset.done $0x0;
	(pc) =	sbr.rel @!p0 .LBB2_9-.Ltmp1, $4  }
0x13: {  	[sflag:s25] =	ssyncadd.s32 $0xFFFFFC00  }
0x14: {  	_ =	swait.ge [sflag:s26], $0x400  }
0x15: {  	[sflag:s26] =	ssyncset.done $0x0  }
0x16: {  	[sflag:s26] =	ssyncadd.s32 $0xFFFFFC00  }
.LBB2_1:
0x17: {  	[tilespmem:s3], [sflag:$0x7] =	stream.linear.gather [hbm4b:s6+s3], $0x1400, $0x38;
	[tilespmem:$0x9000] =	vst v63  }
0x18: {  	_ =	swait.ge [sflag:s11], $0x1400  }
0x19: {  	[sflag:s11] =	ssyncset.done $0x0  }
0x1a: {  	[sflag:s11] =	ssyncadd.s32 $0xFFFFEC00  }
0x1b: {  	[tilespmem:s12], [sflag:$0x7] =	stream.linear.gather [hbm4b:s7+s3], $0x1400, $0x38;
	[tilespmem:$0x9000] =	vst v63  }
0x1c: {  	_ =	swait.ge [sflag:s11], $0x1400  }
0x1d: {  	[sflag:s11] =	ssyncset.done $0x0  }
0x1e: {  	s0 =	simm.s32 $0x2800;
	[sflag:s11] =	ssyncadd.s32 $0xFFFFEC00  }
0x1f: {  	[tilespmem:s0], [sflag:$0x1] =	stream.indirect.gather [hbm4b:s2+s13], $0x40, s3, s13, $0xb8;
	[tilespmem:$0x9000] =	vst v63  }
0x20: {  	_ = 	snop  }
0x21: {  	[tilespmem:s15], [sflag:$0x3] =	stream.indirect.gather [hbm4b:s4+s13], $0x20, s12, s13, $0xb8;
	[tilespmem:$0x9000] =	vst v63  }
0x22: {  	_ = 	snop  }
0x23: {  	[tilespmem:s16], [sflag:$0x2] =	stream.indirect.gather [hbm4b:s2+s13], $0x40, s13, s13, $0xb8;
	[tilespmem:$0x9000] =	vst v63  }
0x24: {  	s29 =	simm.s32 $0x0  }
0x25: {  	[tilespmem:s18], [sflag:$0x4] =	stream.indirect.gather [hbm4b:s4+s13], $0x20, s17, s13, $0xb8;
	[tilespmem:$0x9000] =	vst v63  }
.LBB2_2:
0x26: {  	_ =	swait.ge [sflag:s19], $0x2000  }
0x27: {  	[sflag:s19] =	ssyncset.done $0x0  }
0x28: {  	[sflag:s19] =	ssyncadd.s32 $0xFFFFE000  }
0x29: {  	_ =	swait.ge [sflag:s20], $0x1000  }
0x2a: {  	p0 =	seq.s32 s29, $0x0;
	[sflag:s20] =	ssyncset.done $0x0  }
0x2b: {  	s0 =	simm.s32 @!p0 $0x5;
	[sflag:s20] =	ssyncadd.s32 $0xFFFFF000  }
0x2c: {  	_ =	swait.ge @!p0 [sflag:s0], $0x400  }
0x2d: {  	s30 =	sshll.u32 s29, $0x8;
	s31 =	simm.s32 $0x0;
	[sflag:s0] =	ssyncset.done @!p0 $0x0  }
0x2e: {  	s1 =	simm.s32 $0x6900;
	[sflag:s0] =	ssyncadd.s32 @!p0 $0xFFFFFC00;
	s0 =	simm.s32 $0x2A00  }
.LBB2_3:
0x2f: {  	v0 =	vld [tilespmem:s0+$0xFFFFFE00]  }
0x30: {  	v1 =	vld [tilespmem:s0+$0xFFFFFE10]  }
0x31: {  	v2 =	vld [tilespmem:s0+$0xFFFFFE20]  }
0x32: {  	v3 =	vld [tilespmem:s1+$0xFFFFFF00]  }
0x33: {  	v4 =	vld [tilespmem:s0+$0xFFFFFE30]  }
0x34: {  	v6 =	vld [tilespmem:s1+$0xFFFFFF10]  }
0x35: {  	v10 =	vld [tilespmem:s0+$0xFFFFFE40]  }
0x36: {  	v47 =	vld [tilespmem:s0+$0xFFFFFE50]  }
0x37: {  	v48 =	vld [tilespmem:s0+$0xFFFFFE60]  }
0x38: {  	v11 =	vld [tilespmem:s1+$0xFFFFFF20]  }
0x39: {  	v12 =	vld [tilespmem:s0+$0xFFFFFE70]  }
0x3a: {  	v14 =	vld [tilespmem:s1+$0xFFFFFF30]  }
0x3b: {  	v53 =	vld [tilespmem:s0+$0xFFFFFE80]  }
0x3c: {  	v16 =	vld [tilespmem:s0+$0xFFFFFE90]  }
0x3d: {  	v54 =	vld [tilespmem:s0+$0xFFFFFEA0];
	v5 =	vunpack.i.l.bf16.f32 v0;
	v0 =	vunpack.i.u.bf16.f32 v0  }
0x3e: {  	v56 =	vld [tilespmem:s1+$0xFFFFFF40];
	v7 =	vunpack.i.u.bf16.f32 v1;
	v1 =	vunpack.i.l.bf16.f32 v1;
	v8 =	vunpack.i.l.bf16.f32 v2  }
0x3f: {  	v59 =	vld [tilespmem:s0+$0xFFFFFEB0];
	v9 =	vunpack.i.l.bf16.f32 v3;
	v2 =	vunpack.i.u.bf16.f32 v2;
	v3 =	vunpack.i.u.bf16.f32 v3  }
0x40: {  	v61 =	vld [tilespmem:s1+$0xFFFFFF50];
	v45 =	vunpack.i.l.bf16.f32 v4;
	v46 =	vunpack.i.l.bf16.f32 v6;
	v4 =	vunpack.i.u.bf16.f32 v4  }
0x41: {  	v21 =	vld [tilespmem:s0+$0xFFFFFEC0];
	v6 =	vunpack.i.u.bf16.f32 v6;
	v13 =	vunpack.i.u.bf16.f32 v10;
	v10 =	vunpack.i.l.bf16.f32 v10  }
0x42: {  	v24 =	vld [tilespmem:s0+$0xFFFFFED0];
	v49 =	vunpack.i.l.bf16.f32 v47;
	v50 =	vunpack.i.u.bf16.f32 v48;
	v51 =	vunpack.i.u.bf16.f32 v11  }
0x43: {  	v25 =	vld [tilespmem:s0+$0xFFFFFEE0];
	v11 =	vunpack.i.l.bf16.f32 v11;
	v52 =	vunpack.i.u.bf16.f32 v12;
	v12 =	vunpack.i.l.bf16.f32 v12  }
0x44: {  	v26 =	vld [tilespmem:s1+$0xFFFFFF60];
	v15 =	vunpack.i.u.bf16.f32 v14;
	v14 =	vunpack.i.l.bf16.f32 v14;
	v60 =	vunpack.i.l.bf16.f32 v53  }
0x45: {  	v28 =	vld [tilespmem:s0+$0xFFFFFEF0];
	v62 =	vunpack.i.u.bf16.f32 v53;
	v63 =	vunpack.i.l.bf16.f32 v16;
	v17 =	vunpack.i.u.bf16.f32 v16  }
0x46: {  	v31 =	vld [tilespmem:s1+$0xFFFFFF70];
	v18 =	vunpack.i.l.bf16.f32 v54;
	v19 =	vunpack.i.l.bf16.f32 v56;
	v20 =	vunpack.i.u.bf16.f32 v54  }
0x47: {  	v42 =	vld [tilespmem:s0+$0xFFFFFF20];
	v22 =	vunpack.i.l.bf16.f32 v59;
	v23 =	vunpack.i.l.bf16.f32 v61;
	v30 =	vunpack.i.l.bf16.f32 v21  }
0x48: {  	v32 =	vunpack.i.u.bf16.f32 v21;
	v33 =	vunpack.i.u.bf16.f32 v24;
	v34 =	vunpack.i.l.bf16.f32 v24  }
0x49: {  	v39 =	vld [tilespmem:s0+$0xFFFFFF00];
	v35 =	vunpack.i.l.bf16.f32 v25;
	v36 =	vunpack.i.l.bf16.f32 v26;
	v5 =	vadd.f32 $0.0e+00, v5  }
0x4a: {  	v40 =	vld [tilespmem:s0+$0xFFFFFF10];
	v37 =	vunpack.i.l.bf16.f32 v28;
	v0 =	vadd.f32 $0.0e+00, v0;
	v1 =	vadd.f32 $0.0e+00, v1  }
0x4b: {  	v38 =	vunpack.i.l.bf16.f32 v31;
	v8 =	vsub.f32 v9, v8;
	v2 =	vsub.f32 v3, v2  }
0x4c: {  	v53 =	vunpack.i.u.bf16.f32 v42;
	v3 =	vsub.f32 v46, v45;
	v7 =	vadd.f32 $0.0e+00, v7  }
0x4d: {  	v4 =	vsub.f32 v6, v4;
	v9 =	vunpack.i.u.bf16.f32 v47;
	v6 =	vunpack.i.l.bf16.f32 v48  }
0x4e: {  	v12 =	vsub.f32 v14, v12;
	v14 =	vunpack.i.u.bf16.f32 v25;
	v48 =	vunpack.i.u.bf16.f32 v39  }
0x4f: {  	v6 =	vsub.f32 v11, v6;
	v11 =	vsub.f32 v15, v52;
	v52 =	vunpack.i.u.bf16.f32 v40  }
0x50: {  	v8 =	vmax.f32 v8, $0.0e+00;
	v2 =	vmax.f32 v2, $0.0e+00;
	v5 =	vadd.f32 v10, v5  }
0x51: {  	v3 =	vmax.f32 v3, $0.0e+00;
	v0 =	vadd.f32 v13, v0;
	v1 =	vadd.f32 v49, v1  }
0x52: {  	v4 =	vmax.f32 v4, $0.0e+00;
	v10 =	vsub.f32 v51, v50;
	v7 =	vadd.f32 v9, v7  }
0x53: {  	v57 =	vmax.f32 v12, $0.0e+00;
	v9 =	vunpack.i.u.bf16.f32 v56;
	v13 =	vsub.f32 v23, v22  }
0x54: {  	v12 =	vsub.f32 v38, v37;
	v49 =	vunpack.i.l.bf16.f32 v39;
	v8 =	vadd.f32 $0.0e+00, v8  }
0x55: {  	v51 =	vunpack.i.l.bf16.f32 v40;
	v2 =	vadd.f32 $0.0e+00, v2;
	v3 =	vadd.f32 $0.0e+00, v3  }
0x56: {  	v4 =	vadd.f32 $0.0e+00, v4;
	v6 =	vmax.f32 v6, $0.0e+00;
	v58 =	vmax.f32 v11, $0.0e+00  }
0x57: {  	v9 =	vsub.f32 v9, v20;
	v11 =	vunpack.i.u.bf16.f32 v59;
	v5 =	vadd.f32 v60, v5  }
0x58: {  	v45 =	vld [tilespmem:s1+$0xFFFFFF80];
	v55 =	vmax.f32 v10, $0.0e+00;
	v0 =	vadd.f32 v62, v0;
	v1 =	vadd.f32 v63, v1  }
0x59: {  	v7 =	vadd.f32 v17, v7;
	v10 =	vunpack.i.u.bf16.f32 v61;
	v27 =	vmax.f32 v13, $0.0e+00  }
0x5a: {  	v47 =	vld [tilespmem:s0+$0xFFFFFF30];
	v13 =	vunpack.i.u.bf16.f32 v31;
	v6 =	vadd.f32 v6, v8;
	v2 =	vadd.f32 v55, v2  }
0x5b: {  	v24 =	vld [tilespmem:s0+$0xFFFFFF80];
	v44 =	vmax.f32 v12, $0.0e+00;
	v3 =	vadd.f32 v57, v3;
	v4 =	vadd.f32 v58, v4  }
0x5c: {  	v50 =	vld [tilespmem:s1+$0xFFFFFF90];
	v8 =	vsub.f32 v19, v18;
	v9 =	vmax.f32 v9, $0.0e+00;
	v10 =	vsub.f32 v10, v11  }
0x5d: {  	v56 =	vld [tilespmem:s0+$0xFFFFFF40];
	v11 =	vunpack.i.u.bf16.f32 v26;
	v54 =	vunpack.i.u.bf16.f32 v45;
	v5 =	vadd.f32 v30, v5  }
0x5e: {  	v12 =	vunpack.i.l.bf16.f32 v45;
	v0 =	vadd.f32 v32, v0;
	v1 =	vadd.f32 v34, v1  }
0x5f: {  	v55 =	vunpack.i.u.bf16.f32 v47;
	v11 =	vsub.f32 v11, v14;
	v7 =	vadd.f32 v33, v7  }
0x60: {  	v33 =	vunpack.i.l.bf16.f32 v24;
	v8 =	vmax.f32 v8, $0.0e+00;
	v2 =	vadd.f32 v9, v2  }
0x61: {  	v59 =	vld [tilespmem:s0+$0xFFFFFF60];
	v3 =	vadd.f32 v27, v3;
	v29 =	vmax.f32 v10, $0.0e+00;
	v10 =	vsub.f32 v36, v35  }
0x62: {  	v60 =	vld [tilespmem:s1+$0xFFFFFFA0];
	v9 =	vunpack.i.u.bf16.f32 v28;
	v57 =	vunpack.i.u.bf16.f32 v50;
	v17 =	vunpack.i.l.bf16.f32 v56  }
0x63: {  	v63 =	vld [tilespmem:s0+$0xFFFFFF70];
	v19 =	vunpack.i.u.bf16.f32 v56;
	v6 =	vadd.f32 v8, v6;
	v4 =	vadd.f32 v29, v4  }
0x64: {  	v31 =	vld [tilespmem:s0+$0xFFFFFFB0];
	v35 =	vunpack.i.u.bf16.f32 v24;
	v9 =	vsub.f32 v13, v9;
	v5 =	vadd.f32 v49, v5  }
0x65: {  	v43 =	vmax.f32 v11, $0.0e+00;
	v0 =	vadd.f32 v48, v0;
	v1 =	vadd.f32 v51, v1  }
0x66: {  	v8 =	vsub.f32 v54, v53;
	v13 =	vunpack.i.l.bf16.f32 v50;
	v7 =	vadd.f32 v52, v7  }
0x67: {  	v58 =	vld [tilespmem:s0+$0xFFFFFF50];
	v22 =	vunpack.i.l.bf16.f32 v59;
	v41 =	vmax.f32 v10, $0.0e+00;
	v2 =	vadd.f32 v43, v2  }
0x68: {  	v3 =	vadd.f32 v44, v3;
	v10 =	vunpack.i.l.bf16.f32 v42;
	v23 =	vunpack.i.l.bf16.f32 v60  }
0x69: {  	v18 =	vld [tilespmem:s1+$0xFFFFFFB0];
	v25 =	vunpack.i.l.bf16.f32 v63;
	v11 =	vunpack.i.u.bf16.f32 v63;
	v40 =	vunpack.i.l.bf16.f32 v31  }
0x6a: {  	v6 =	vadd.f32 v41, v6;
	v46 =	vmax.f32 v9, $0.0e+00;
	v10 =	vsub.f32 v12, v10  }
0x6b: {  	v34 =	vld [tilespmem:s1+$0xFFFFFFD0];
	v9 =	vunpack.i.l.bf16.f32 v47;
	v12 =	vsub.f32 v57, v55;
	v8 =	vmax.f32 v8, $0.0e+00  }
0x6c: {  	v27 =	vld [tilespmem:s0+$0xFFFFFF90];
	v5 =	vadd.f32 v17, v5;
	v20 =	vunpack.i.l.bf16.f32 v58;
	v0 =	vadd.f32 v19, v0  }
0x6d: {  	v28 =	vld [tilespmem:s0+$0xFFFFFFA0];
	v21 =	vunpack.i.u.bf16.f32 v58;
	v4 =	vadd.f32 v46, v4;
	v9 =	vsub.f32 v13, v9  }
0x6e: {  	v26 =	vunpack.i.l.bf16.f32 v18;
	v2 =	vadd.f32 v8, v2;
	v1 =	vadd.f32 v20, v1  }
0x6f: {  	v7 =	vadd.f32 v21, v7;
	v13 =	vunpack.i.u.bf16.f32 v59;
	v8 =	vsub.f32 v23, v22  }
0x70: {  	v29 =	vld [tilespmem:s1+$0xFFFFFFC0];
	v41 =	vunpack.i.l.bf16.f32 v34;
	v10 =	vmax.f32 v10, $0.0e+00;
	v62 =	vmax.f32 v12, $0.0e+00  }
0x71: {  	v49 =	vld [tilespmem:s1+$0xFFFFFFE0];
	v5 =	vadd.f32 v33, v5;
	v0 =	vadd.f32 v35, v0;
	v36 =	vunpack.i.u.bf16.f32 v27  }
0x72: {  	v51 =	vld [tilespmem:s0+$0xFFFFFFF0];
	v37 =	vunpack.i.l.bf16.f32 v27;
	v38 =	vunpack.i.l.bf16.f32 v28;
	v14 =	vunpack.i.u.bf16.f32 v28  }
0x73: {  	v42 =	vld [tilespmem:s0+$0xFFFFFFC0];
	v12 =	vsub.f32 v41, v40;
	v6 =	vadd.f32 v10, v6;
	v61 =	vmax.f32 v9, $0.0e+00  }
0x74: {  	v43 =	vld [tilespmem:s0+$0xFFFFFFD0];
	v4 =	vadd.f32 v62, v4;
	v10 =	vunpack.i.u.bf16.f32 v60;
	v9 =	vunpack.i.u.bf16.f32 v18  }
0x75: {  	v8 =	vmax.f32 v8, $0.0e+00;
	v1 =	vadd.f32 v37, v1;
	v39 =	vunpack.i.l.bf16.f32 v29  }
0x76: {  	v54 =	vld [tilespmem:s1+$0xFFFFFFF0];
	v7 =	vadd.f32 v36, v7;
	v58 =	vunpack.i.u.bf16.f32 v49;
	v3 =	vadd.f32 v61, v3  }
0x77: {  	v63 =	vld [tilespmem:s0+$0x20];
	v59 =	vunpack.i.u.bf16.f32 v51;
	v10 =	vsub.f32 v10, v13;
	v13 =	vsub.f32 v26, v25  }
0x78: {  	v17 =	vld [tilespmem:s1+$0x0];
	v9 =	vsub.f32 v9, v11;
	v11 =	vunpack.i.u.bf16.f32 v29;
	v48 =	vmax.f32 v12, $0.0e+00  }
0x79: {  	v52 =	vunpack.i.u.bf16.f32 v42;
	v53 =	vunpack.i.l.bf16.f32 v42;
	v55 =	vunpack.i.l.bf16.f32 v43  }
0x7a: {  	v46 =	vld [tilespmem:s0+$0xFFFFFFE0];
	v56 =	vunpack.i.u.bf16.f32 v43;
	v12 =	vunpack.i.l.bf16.f32 v49;
	v6 =	vadd.f32 v8, v6  }
0x7b: {  	v20 =	vld [tilespmem:s0+$0x30];
	v61 =	vunpack.i.u.bf16.f32 v54;
	v11 =	vsub.f32 v11, v14;
	v5 =	vadd.f32 v53, v5  }
0x7c: {  	v22 =	vld [tilespmem:s1+$0x10];
	v26 =	vunpack.i.l.bf16.f32 v63;
	v0 =	vadd.f32 v52, v0;
	v1 =	vadd.f32 v55, v1  }
0x7d: {  	v28 =	vld [tilespmem:s0+$0x40];
	v7 =	vadd.f32 v56, v7;
	v27 =	vunpack.i.l.bf16.f32 v17;
	v10 =	vmax.f32 v10, $0.0e+00  }
0x7e: {  	v33 =	vld [tilespmem:s1+$0x20];
	v30 =	vmax.f32 v13, $0.0e+00;
	v32 =	vmax.f32 v9, $0.0e+00;
	v9 =	vsub.f32 v39, v38  }
0x7f: {  	v13 =	vunpack.i.u.bf16.f32 v34;
	v57 =	vunpack.i.u.bf16.f32 v46;
	v2 =	vadd.f32 v10, v2  }
0x80: {  	v60 =	vld [tilespmem:s0+$0x0];
	v29 =	vunpack.i.l.bf16.f32 v20;
	v3 =	vadd.f32 v30, v3;
	v4 =	vadd.f32 v32, v4  }
0x81: {  	v10 =	vunpack.i.u.bf16.f32 v31;
	v47 =	vmax.f32 v11, $0.0e+00;
	v8 =	vsub.f32 v58, v57  }
0x82: {  	v62 =	vld [tilespmem:s0+$0x10];
	v30 =	vunpack.i.l.bf16.f32 v22;
	v11 =	vunpack.i.u.bf16.f32 v20;
	v37 =	vunpack.i.l.bf16.f32 v28  }
0x83: {  	v39 =	vunpack.i.u.bf16.f32 v28;
	v43 =	vunpack.i.l.bf16.f32 v33;
	v44 =	vmax.f32 v9, $0.0e+00  }
0x84: {  	v35 =	vld [tilespmem:s0+$0x70];
	v45 =	vsub.f32 v13, v10;
	v10 =	vunpack.i.l.bf16.f32 v46;
	v9 =	vunpack.i.l.bf16.f32 v51  }
0x85: {  	v53 =	vld [tilespmem:s1+$0x40];
	v13 =	vunpack.i.l.bf16.f32 v54;
	v21 =	vunpack.i.l.bf16.f32 v60;
	v6 =	vadd.f32 v44, v6  }
0x86: {  	v55 =	vld [tilespmem:s0+$0xB0];
	v23 =	vunpack.i.u.bf16.f32 v60;
	v2 =	vadd.f32 v47, v2;
	v3 =	vadd.f32 v48, v3  }
0x87: {  	v24 =	vunpack.i.l.bf16.f32 v62;
	v10 =	vsub.f32 v12, v10;
	v9 =	vsub.f32 v13, v9  }
0x88: {  	v25 =	vunpack.i.u.bf16.f32 v62;
	v12 =	vsub.f32 v61, v59;
	v5 =	vadd.f32 v21, v5  }
0x89: {  	v8 =	vmax.f32 v8, $0.0e+00;
	v0 =	vadd.f32 v23, v0;
	v1 =	vadd.f32 v24, v1  }
0x8a: {  	v38 =	vld [tilespmem:s1+$0x30];
	v7 =	vadd.f32 v25, v7;
	v13 =	vunpack.i.u.bf16.f32 v63;
	v44 =	vunpack.i.l.bf16.f32 v35  }
0x8b: {  	v31 =	vld [tilespmem:s0+$0x50];
	v50 =	vmax.f32 v45, $0.0e+00;
	v62 =	vunpack.i.u.bf16.f32 v53;
	v63 =	vunpack.i.u.bf16.f32 v55  }
0x8c: {  	v32 =	vld [tilespmem:s0+$0x60];
	v4 =	vadd.f32 v50, v4;
	v10 =	vmax.f32 v10, $0.0e+00;
	v2 =	vadd.f32 v8, v2  }
0x8d: {  	v58 =	vld [tilespmem:s1+$0x50];
	v18 =	vmax.f32 v9, $0.0e+00;
	v19 =	vmax.f32 v12, $0.0e+00;
	v8 =	vsub.f32 v27, v26  }
0x8e: {  	v20 =	vld [tilespmem:s0+$0xC0];
	v9 =	vunpack.i.u.bf16.f32 v22;
	v5 =	vadd.f32 v37, v5;
	v0 =	vadd.f32 v39, v0  }
0x8f: {  	v45 =	vunpack.i.l.bf16.f32 v38;
	v6 =	vadd.f32 v10, v6;
	v3 =	vadd.f32 v18, v3  }
0x90: {  	v46 =	vld [tilespmem:s0+$0x80];
	v10 =	vunpack.i.u.bf16.f32 v17;
	v9 =	vsub.f32 v9, v11;
	v40 =	vunpack.i.u.bf16.f32 v31  }
0x91: {  	v41 =	vunpack.i.l.bf16.f32 v31;
	v42 =	vunpack.i.l.bf16.f32 v32;
	v14 =	vunpack.i.u.bf16.f32 v32  }
0x92: {  	v11 =	vunpack.i.u.bf16.f32 v33;
	v12 =	vsub.f32 v45, v44;
	v21 =	vunpack.i.u.bf16.f32 v58  }
0x93: {  	v47 =	vld [tilespmem:s0+$0x90];
	v28 =	vunpack.i.l.bf16.f32 v20;
	v4 =	vadd.f32 v19, v4;
	v10 =	vsub.f32 v10, v13  }
0x94: {  	v23 =	vld [tilespmem:s0+$0xE0];
	v13 =	vsub.f32 v30, v29;
	v8 =	vmax.f32 v8, $0.0e+00;
	v1 =	vadd.f32 v41, v1  }
0x95: {  	v11 =	vsub.f32 v11, v14;
	v7 =	vadd.f32 v40, v7;
	v56 =	vunpack.i.u.bf16.f32 v46  }
0x96: {  	v57 =	vunpack.i.l.bf16.f32 v46;
	v30 =	vunpack.i.u.bf16.f32 v20;
	v6 =	vadd.f32 v8, v6  }
0x97: {  	v36 =	vmax.f32 v9, $0.0e+00;
	v9 =	vsub.f32 v43, v42;
	v52 =	vmax.f32 v12, $0.0e+00  }
0x98: {  	v50 =	vld [tilespmem:s0+$0xA0];
	v5 =	vadd.f32 v57, v5;
	v0 =	vadd.f32 v56, v0;
	v59 =	vunpack.i.l.bf16.f32 v47  }
0x99: {  	v22 =	vld [tilespmem:s0+$0xD0];
	v60 =	vunpack.i.u.bf16.f32 v47;
	v12 =	vunpack.i.l.bf16.f32 v53;
	v33 =	vunpack.i.l.bf16.f32 v23  }
0x9a: {  	v24 =	vld [tilespmem:s1+$0x60];
	v10 =	vmax.f32 v10, $0.0e+00;
	v34 =	vmax.f32 v13, $0.0e+00;
	v4 =	vadd.f32 v36, v4  }
0x9b: {  	v27 =	vld [tilespmem:s0+$0xF0];
	v13 =	vunpack.i.u.bf16.f32 v38;
	v1 =	vadd.f32 v59, v1;
	v7 =	vadd.f32 v60, v7  }
0x9c: {  	v39 =	vld [tilespmem:s0+$0x120];
	v51 =	vmax.f32 v11, $0.0e+00;
	v2 =	vadd.f32 v10, v2;
	v3 =	vadd.f32 v34, v3  }
0x9d: {  	v10 =	vunpack.i.u.bf16.f32 v35;
	v48 =	vmax.f32 v9, $0.0e+00;
	v61 =	vunpack.i.u.bf16.f32 v50  }
0x9e: {  	v9 =	vunpack.i.l.bf16.f32 v55;
	v5 =	vadd.f32 v28, v5;
	v31 =	vunpack.i.l.bf16.f32 v22  }
0x9f: {  	v45 =	vld [tilespmem:s1+$0x90];
	v0 =	vadd.f32 v30, v0;
	v32 =	vunpack.i.u.bf16.f32 v22;
	v34 =	vunpack.i.l.bf16.f32 v24  }
0xa0: {  	v29 =	vld [tilespmem:s1+$0x70];
	v36 =	vunpack.i.l.bf16.f32 v27;
	v11 =	vunpack.i.u.bf16.f32 v27;
	v49 =	vsub.f32 v13, v10  }
0xa1: {  	v40 =	vld [tilespmem:s1+$0x80];
	v14 =	vunpack.i.u.bf16.f32 v39;
	v6 =	vadd.f32 v48, v6;
	v8 =	vsub.f32 v62, v61  }
0xa2: {  	v42 =	vld [tilespmem:s0+$0x130];
	v10 =	vunpack.i.l.bf16.f32 v50;
	v1 =	vadd.f32 v31, v1;
	v7 =	vadd.f32 v32, v7  }
0xa3: {  	v13 =	vunpack.i.l.bf16.f32 v58;
	v2 =	vadd.f32 v51, v2;
	v3 =	vadd.f32 v52, v3  }
0xa4: {  	v53 =	vunpack.i.l.bf16.f32 v45;
	v10 =	vsub.f32 v12, v10;
	v9 =	vsub.f32 v13, v9  }
0xa5: {  	v38 =	vld [tilespmem:s0+$0x110];
	v12 =	vsub.f32 v21, v63;
	v13 =	vunpack.i.u.bf16.f32 v23;
	v37 =	vunpack.i.l.bf16.f32 v29  }
0xa6: {  	v50 =	vunpack.i.l.bf16.f32 v40;
	v54 =	vmax.f32 v49, $0.0e+00;
	v8 =	vmax.f32 v8, $0.0e+00  }
0xa7: {  	v35 =	vld [tilespmem:s0+$0x100];
	v49 =	vunpack.i.l.bf16.f32 v39;
	v52 =	vunpack.i.l.bf16.f32 v42;
	v4 =	vadd.f32 v54, v4  }
0xa8: {  	v55 =	vld [tilespmem:s0+$0x160];
	v10 =	vmax.f32 v10, $0.0e+00;
	v2 =	vadd.f32 v8, v2;
	v25 =	vmax.f32 v9, $0.0e+00  }
0xa9: {  	v28 =	vld [tilespmem:s0+$0x1A0];
	v26 =	vmax.f32 v12, $0.0e+00;
	v8 =	vsub.f32 v34, v33;
	v9 =	vunpack.i.u.bf16.f32 v29  }
0xaa: {  	v30 =	vld [tilespmem:s1+$0xC0];
	v47 =	vunpack.i.u.bf16.f32 v38;
	v48 =	vunpack.i.l.bf16.f32 v38;
	v6 =	vadd.f32 v10, v6  }
0xab: {  	v58 =	vld [tilespmem:s1+$0xA0];
	v3 =	vadd.f32 v25, v3;
	v10 =	vunpack.i.u.bf16.f32 v24;
	v9 =	vsub.f32 v9, v11  }
0xac: {  	v61 =	vld [tilespmem:s0+$0x170];
	v44 =	vunpack.i.l.bf16.f32 v35;
	v46 =	vunpack.i.u.bf16.f32 v35;
	v1 =	vadd.f32 v48, v1  }
0xad: {  	v32 =	vld [tilespmem:s0+$0x1B0];
	v11 =	vunpack.i.u.bf16.f32 v40;
	v7 =	vadd.f32 v47, v7;
	v4 =	vadd.f32 v26, v4  }
0xae: {  	v51 =	vld [tilespmem:s0+$0x140];
	v20 =	vunpack.i.l.bf16.f32 v55;
	v10 =	vsub.f32 v10, v13;
	v13 =	vsub.f32 v37, v36  }
0xaf: {  	v63 =	vld [tilespmem:s1+$0xB0];
	v22 =	vunpack.i.u.bf16.f32 v55;
	v5 =	vadd.f32 v44, v5;
	v0 =	vadd.f32 v46, v0  }
0xb0: {  	v8 =	vmax.f32 v8, $0.0e+00;
	v11 =	vsub.f32 v11, v14;
	v14 =	vsub.f32 v53, v52  }
0xb1: {  	v21 =	vunpack.i.l.bf16.f32 v58;
	v23 =	vunpack.i.l.bf16.f32 v61;
	v36 =	vunpack.i.l.bf16.f32 v28  }
0xb2: {  	v37 =	vunpack.i.l.bf16.f32 v30;
	v39 =	vunpack.i.l.bf16.f32 v32;
	v6 =	vadd.f32 v8, v6  }
0xb3: {  	v43 =	vmax.f32 v9, $0.0e+00;
	v9 =	vsub.f32 v50, v49;
	v17 =	vunpack.i.u.bf16.f32 v51  }
0xb4: {  	v54 =	vld [tilespmem:s0+$0x150];
	v18 =	vunpack.i.l.bf16.f32 v51;
	v8 =	vsub.f32 v21, v20;
	v24 =	vunpack.i.l.bf16.f32 v63  }
0xb5: {  	v34 =	vld [tilespmem:s1+$0xD0];
	v10 =	vmax.f32 v10, $0.0e+00;
	v41 =	vmax.f32 v13, $0.0e+00;
	v4 =	vadd.f32 v43, v4  }
0xb6: {  	v38 =	vld [tilespmem:s0+$0x1C0];
	v13 =	vunpack.i.u.bf16.f32 v45;
	v59 =	vmax.f32 v11, $0.0e+00;
	v5 =	vadd.f32 v18, v5  }
0xb7: {  	v60 =	vmax.f32 v14, $0.0e+00;
	v0 =	vadd.f32 v17, v0;
	v11 =	vsub.f32 v24, v23  }
0xb8: {  	v2 =	vadd.f32 v10, v2;
	v3 =	vadd.f32 v41, v3;
	v10 =	vunpack.i.u.bf16.f32 v42  }
0xb9: {  	v25 =	vld [tilespmem:s0+$0x180];
	v56 =	vmax.f32 v9, $0.0e+00;
	v19 =	vunpack.i.l.bf16.f32 v54;
	v9 =	vunpack.i.u.bf16.f32 v63  }
0xba: {  	v27 =	vunpack.i.u.bf16.f32 v54;
	v8 =	vmax.f32 v8, $0.0e+00;
	v40 =	vunpack.i.l.bf16.f32 v34  }
0xbb: {  	v47 =	vld [tilespmem:s0+$0x1F0];
	v46 =	vunpack.i.l.bf16.f32 v38;
	v48 =	vunpack.i.u.bf16.f32 v38;
	v57 =	vsub.f32 v13, v10  }
0xbc: {  	v26 =	vld [tilespmem:s0+$0x190];
	v6 =	vadd.f32 v56, v6;
	v1 =	vadd.f32 v19, v1;
	v10 =	vunpack.i.u.bf16.f32 v58  }
0xbd: {  	v13 =	vunpack.i.u.bf16.f32 v61;
	v7 =	vadd.f32 v27, v7;
	v31 =	vmax.f32 v11, $0.0e+00  }
0xbe: {  	v33 =	vunpack.i.l.bf16.f32 v25;
	v14 =	vunpack.i.u.bf16.f32 v25;
	v2 =	vadd.f32 v59, v2  }
0xbf: {  	v49 =	vld [tilespmem:s1+$0xF0];
	v11 =	vunpack.i.u.bf16.f32 v32;
	v3 =	vadd.f32 v60, v3;
	v10 =	vsub.f32 v10, v22  }
0xc0: {  	v55 =	vunpack.i.l.bf16.f32 v47;
	v9 =	vsub.f32 v9, v13;
	v5 =	vadd.f32 v33, v5  }
0xc1: {  	v43 =	vld [tilespmem:s0+$0x1D0];
	v35 =	vunpack.i.l.bf16.f32 v26;
	v0 =	vadd.f32 v14, v0;
	v12 =	vunpack.i.u.bf16.f32 v26  }
0xc2: {  	v41 =	vld [tilespmem:s0+$0x1E0];
	v13 =	vunpack.i.u.bf16.f32 v28;
	v6 =	vadd.f32 v8, v6;
	v1 =	vadd.f32 v35, v1  }
0xc3: {  	v42 =	vld [tilespmem:s1+$0xE0];
	v62 =	vmax.f32 v57, $0.0e+00;
	v7 =	vadd.f32 v12, v7;
	v8 =	vsub.f32 v37, v36  }
0xc4: {  	v56 =	vunpack.i.l.bf16.f32 v49;
	v4 =	vadd.f32 v62, v4;
	v29 =	vmax.f32 v10, $0.0e+00  }
0xc5: {  	v9 =	vmax.f32 v9, $0.0e+00;
	v3 =	vadd.f32 v31, v3;
	v5 =	vadd.f32 v46, v5  }
0xc6: {  	v10 =	vunpack.i.u.bf16.f32 v30;
	v0 =	vadd.f32 v48, v0;
	v2 =	vadd.f32 v29, v2  }
0xc7: {  	v52 =	vunpack.i.u.bf16.f32 v43;
	v10 =	vsub.f32 v10, v13;
	v13 =	vsub.f32 v40, v39  }
0xc8: {  	v8 =	vmax.f32 v8, $0.0e+00;
	v50 =	vunpack.i.l.bf16.f32 v41;
	v51 =	vunpack.i.l.bf16.f32 v42  }
0xc9: {  	v7 =	vadd.f32 v52, v7;
	v53 =	vunpack.i.u.bf16.f32 v41;
	v54 =	vunpack.i.u.bf16.f32 v42  }
0xca: {  	v4 =	vadd.f32 v9, v4;
	v9 =	vunpack.i.u.bf16.f32 v34;
	v6 =	vadd.f32 v8, v6  }
0xcb: {  	v8 =	vsub.f32 v51, v50;
	v5 =	vmul.f32 $6.250000000e-02, v5;
	v0 =	vmul.f32 $6.250000000e-02, v0  }
0xcc: {  	v10 =	vmax.f32 v10, $0.0e+00;
	v9 =	vsub.f32 v9, v11;
	v44 =	vmax.f32 v13, $0.0e+00  }
0xcd: {  	v11 =	vunpack.i.l.bf16.f32 v43;
	v58 =	vmul.f32 $6.250000000e-02, v7;
	v2 =	vadd.f32 v10, v2  }
0xce: {  	v3 =	vadd.f32 v44, v3;
	v1 =	vadd.f32 v11, v1;
	v8 =	vmax.f32 v8, $0.0e+00  }
0xcf: {  	v11 =	vsub.f32 v54, v53;
	v10 =	vunpack.i.u.bf16.f32 v47;
	v45 =	vmax.f32 v9, $0.0e+00  }
0xd0: {  	s14 =	sshra.s32 s31, $0x2;
	v6 =	vadd.f32 v8, v6;
	v8 =	vsub.f32 v56, v55;
	v9 =	vunpack.i.u.bf16.f32 v49  }
0xd1: {  	[tilespmem:s14+$0x8800] =	vst v5;
	v4 =	vadd.f32 v45, v4;
	v11 =	vmax.f32 v11, $0.0e+00;
	v9 =	vsub.f32 v9, v10  }
0xd2: {  	[tilespmem:s14+$0x8810] =	vst v0;
	v1 =	vmul.f32 $6.250000000e-02, v1;
	v2 =	vadd.f32 v11, v2;
	v57 =	vmax.f32 v8, $0.0e+00  }
0xd3: {  	p1 =	sne.s32 s31, $0xE00;
	[tilespmem:s14+$0x8830] =	vst v58;
	v60 =	vmul.f32 $6.250000000e-02, v6;
	v3 =	vadd.f32 v57, v3;
	v59 =	vmax.f32 v9, $0.0e+00  }
.Ltmp2:
0xd4: {  	[tilespmem:s14+$0x8820] =	vst v1;
	v4 =	vadd.f32 v59, v4;
	v61 =	vmul.f32 $6.250000000e-02, v2;
	(pc) =	sbr.rel @p1 .LBB2_3-.Ltmp2, $4  }
0xd5: {  	[tilespmem:s14+$0x8840] =	vst v60;
	v62 =	vmul.f32 $6.250000000e-02, v3  }
0xd6: {  	[tilespmem:s14+$0x8850] =	vst v61;
	v63 =	vmul.f32 $6.250000000e-02, v4  }
0xd7: {  	[tilespmem:s14+$0x8860] =	vst v62  }
0xd8: {  	s31 =	sadd.s32 $0x200, s31;
	s1 =	sadd.s32 $0x200, s1;
	s0 =	sadd.s32 $0x400, s0;
	[tilespmem:s14+$0x8870] =	vst v63  }
0xd9: {  	s0 =	sshll.u32 s29, $0xB  }
0xda: {  	s0 =	sadd.s32 s8, s0  }
0xdb: {  	s0 =	sshrl.u32 s0, $0x3  }
0xdc: {  	p1 =	seq.s32 s29, $0x13;
	s0 =	sadd.s32 s5, s0  }
0xdd: {  	[hbm4b:s0+s3] =	stream.linear.scatter [tilespmem:s21], [sflag:$0x5], $0x400, $0x38;
	[tilespmem:$0x9000] =	vst v63  }
0xde: {  	s1 =	simm.s32 @!p1 $0x80;
	s14 =	simm.s32 @!p1 $0x2800;
	s0 =	sadd.s32 @!p1 $0x100, s30  }
0xdf: {  	[tilespmem:s14], [sflag:$0x1] =	stream.indirect.gather @!p1 [hbm4b:s2+s1], $0x40, s0, s1, $0xb8;
	[tilespmem:$0x9000] =	vst v63  }
0xe0: {  	s0 =	sadd.s32 @!p1 $0x1500, s30;
	s14 =	simm.s32 @!p1 $0x6800  }
0xe1: {  	[tilespmem:s14], [sflag:$0x3] =	stream.indirect.gather @!p1 [hbm4b:s4+s1], $0x20, s0, s1, $0xb8;
	[tilespmem:$0x9000] =	vst v63  }
0xe2: {  	_ =	swait.ge [sflag:s22], $0x2000  }
0xe3: {  	[sflag:s22] =	ssyncset.done $0x0  }
0xe4: {  	[sflag:s22] =	ssyncadd.s32 $0xFFFFE000  }
0xe5: {  	_ =	swait.ge [sflag:s23], $0x1000  }
0xe6: {  	[sflag:s23] =	ssyncset.done $0x0  }
0xe7: {  	s0 =	simm.s32 @!p0 $0x6;
	[sflag:s23] =	ssyncadd.s32 $0xFFFFF000  }
0xe8: {  	_ =	swait.ge @!p0 [sflag:s0], $0x400  }
0xe9: {  	s31 =	simm.s32 $0x0;
	[sflag:s0] =	ssyncset.done @!p0 $0x0  }
0xea: {  	s1 =	simm.s32 $0x79F0;
	[sflag:s0] =	ssyncadd.s32 @!p0 $0xFFFFFC00;
	s0 =	simm.s32 $0x4BF0  }
.LBB2_5:
0xeb: {  	v0 =	vld [tilespmem:s0+$0xFFFFFC10]  }
0xec: {  	v1 =	vld [tilespmem:s0+$0xFFFFFC20]  }
0xed: {  	v2 =	vld [tilespmem:s0+$0xFFFFFC30]  }
0xee: {  	v3 =	vld [tilespmem:s1+$0xFFFFFE10]  }
0xef: {  	v4 =	vld [tilespmem:s0+$0xFFFFFC40]  }
0xf0: {  	v6 =	vld [tilespmem:s1+$0xFFFFFE20]  }
0xf1: {  	v10 =	vld [tilespmem:s0+$0xFFFFFC50]  }
0xf2: {  	v47 =	vld [tilespmem:s0+$0xFFFFFC60]  }
0xf3: {  	v48 =	vld [tilespmem:s0+$0xFFFFFC70]  }
0xf4: {  	v11 =	vld [tilespmem:s1+$0xFFFFFE30]  }
0xf5: {  	v12 =	vld [tilespmem:s0+$0xFFFFFC80]  }
0xf6: {  	v14 =	vld [tilespmem:s1+$0xFFFFFE40]  }
0xf7: {  	v53 =	vld [tilespmem:s0+$0xFFFFFC90]  }
0xf8: {  	v16 =	vld [tilespmem:s0+$0xFFFFFCA0]  }
0xf9: {  	v54 =	vld [tilespmem:s0+$0xFFFFFCB0];
	v5 =	vunpack.i.l.bf16.f32 v0;
	v0 =	vunpack.i.u.bf16.f32 v0  }
0xfa: {  	v56 =	vld [tilespmem:s1+$0xFFFFFE50];
	v7 =	vunpack.i.u.bf16.f32 v1;
	v1 =	vunpack.i.l.bf16.f32 v1;
	v8 =	vunpack.i.l.bf16.f32 v2  }
0xfb: {  	v59 =	vld [tilespmem:s0+$0xFFFFFCC0];
	v9 =	vunpack.i.l.bf16.f32 v3;
	v2 =	vunpack.i.u.bf16.f32 v2;
	v3 =	vunpack.i.u.bf16.f32 v3  }
0xfc: {  	v61 =	vld [tilespmem:s1+$0xFFFFFE60];
	v45 =	vunpack.i.l.bf16.f32 v4;
	v46 =	vunpack.i.l.bf16.f32 v6;
	v4 =	vunpack.i.u.bf16.f32 v4  }
0xfd: {  	v21 =	vld [tilespmem:s0+$0xFFFFFCD0];
	v6 =	vunpack.i.u.bf16.f32 v6;
	v13 =	vunpack.i.u.bf16.f32 v10;
	v10 =	vunpack.i.l.bf16.f32 v10  }
0xfe: {  	v24 =	vld [tilespmem:s0+$0xFFFFFCE0];
	v49 =	vunpack.i.l.bf16.f32 v47;
	v50 =	vunpack.i.u.bf16.f32 v48;
	v51 =	vunpack.i.u.bf16.f32 v11  }
0xff: {  	v25 =	vld [tilespmem:s0+$0xFFFFFCF0];
	v11 =	vunpack.i.l.bf16.f32 v11;
	v52 =	vunpack.i.u.bf16.f32 v12;
	v12 =	vunpack.i.l.bf16.f32 v12  }
0x100: {  	v26 =	vld [tilespmem:s1+$0xFFFFFE70];
	v15 =	vunpack.i.u.bf16.f32 v14;
	v14 =	vunpack.i.l.bf16.f32 v14;
	v60 =	vunpack.i.l.bf16.f32 v53  }
0x101: {  	v28 =	vld [tilespmem:s0+$0xFFFFFD00];
	v62 =	vunpack.i.u.bf16.f32 v53;
	v63 =	vunpack.i.l.bf16.f32 v16;
	v17 =	vunpack.i.u.bf16.f32 v16  }
0x102: {  	v31 =	vld [tilespmem:s1+$0xFFFFFE80];
	v18 =	vunpack.i.l.bf16.f32 v54;
	v19 =	vunpack.i.l.bf16.f32 v56;
	v20 =	vunpack.i.u.bf16.f32 v54  }
0x103: {  	v42 =	vld [tilespmem:s0+$0xFFFFFD30];
	v22 =	vunpack.i.l.bf16.f32 v59;
	v23 =	vunpack.i.l.bf16.f32 v61;
	v30 =	vunpack.i.l.bf16.f32 v21  }
0x104: {  	v32 =	vunpack.i.u.bf16.f32 v21;
	v33 =	vunpack.i.u.bf16.f32 v24;
	v34 =	vunpack.i.l.bf16.f32 v24  }
0x105: {  	v39 =	vld [tilespmem:s0+$0xFFFFFD10];
	v35 =	vunpack.i.l.bf16.f32 v25;
	v36 =	vunpack.i.l.bf16.f32 v26;
	v5 =	vadd.f32 $0.0e+00, v5  }
0x106: {  	v40 =	vld [tilespmem:s0+$0xFFFFFD20];
	v37 =	vunpack.i.l.bf16.f32 v28;
	v0 =	vadd.f32 $0.0e+00, v0;
	v1 =	vadd.f32 $0.0e+00, v1  }
0x107: {  	v38 =	vunpack.i.l.bf16.f32 v31;
	v8 =	vsub.f32 v9, v8;
	v2 =	vsub.f32 v3, v2  }
0x108: {  	v53 =	vunpack.i.u.bf16.f32 v42;
	v3 =	vsub.f32 v46, v45;
	v7 =	vadd.f32 $0.0e+00, v7  }
0x109: {  	v4 =	vsub.f32 v6, v4;
	v9 =	vunpack.i.u.bf16.f32 v47;
	v6 =	vunpack.i.l.bf16.f32 v48  }
0x10a: {  	v12 =	vsub.f32 v14, v12;
	v14 =	vunpack.i.u.bf16.f32 v25;
	v48 =	vunpack.i.u.bf16.f32 v39  }
0x10b: {  	v6 =	vsub.f32 v11, v6;
	v11 =	vsub.f32 v15, v52;
	v52 =	vunpack.i.u.bf16.f32 v40  }
0x10c: {  	v8 =	vmax.f32 v8, $0.0e+00;
	v2 =	vmax.f32 v2, $0.0e+00;
	v5 =	vadd.f32 v10, v5  }
0x10d: {  	v3 =	vmax.f32 v3, $0.0e+00;
	v0 =	vadd.f32 v13, v0;
	v1 =	vadd.f32 v49, v1  }
0x10e: {  	v4 =	vmax.f32 v4, $0.0e+00;
	v10 =	vsub.f32 v51, v50;
	v7 =	vadd.f32 v9, v7  }
0x10f: {  	v57 =	vmax.f32 v12, $0.0e+00;
	v9 =	vunpack.i.u.bf16.f32 v56;
	v13 =	vsub.f32 v23, v22  }
0x110: {  	v12 =	vsub.f32 v38, v37;
	v49 =	vunpack.i.l.bf16.f32 v39;
	v8 =	vadd.f32 $0.0e+00, v8  }
0x111: {  	v51 =	vunpack.i.l.bf16.f32 v40;
	v2 =	vadd.f32 $0.0e+00, v2;
	v3 =	vadd.f32 $0.0e+00, v3  }
0x112: {  	v4 =	vadd.f32 $0.0e+00, v4;
	v6 =	vmax.f32 v6, $0.0e+00;
	v58 =	vmax.f32 v11, $0.0e+00  }
0x113: {  	v9 =	vsub.f32 v9, v20;
	v11 =	vunpack.i.u.bf16.f32 v59;
	v5 =	vadd.f32 v60, v5  }
0x114: {  	v45 =	vld [tilespmem:s1+$0xFFFFFE90];
	v55 =	vmax.f32 v10, $0.0e+00;
	v0 =	vadd.f32 v62, v0;
	v1 =	vadd.f32 v63, v1  }
0x115: {  	v7 =	vadd.f32 v17, v7;
	v10 =	vunpack.i.u.bf16.f32 v61;
	v27 =	vmax.f32 v13, $0.0e+00  }
0x116: {  	v47 =	vld [tilespmem:s0+$0xFFFFFD40];
	v13 =	vunpack.i.u.bf16.f32 v31;
	v6 =	vadd.f32 v6, v8;
	v2 =	vadd.f32 v55, v2  }
0x117: {  	v24 =	vld [tilespmem:s0+$0xFFFFFD90];
	v44 =	vmax.f32 v12, $0.0e+00;
	v3 =	vadd.f32 v57, v3;
	v4 =	vadd.f32 v58, v4  }
0x118: {  	v50 =	vld [tilespmem:s1+$0xFFFFFEA0];
	v8 =	vsub.f32 v19, v18;
	v9 =	vmax.f32 v9, $0.0e+00;
	v10 =	vsub.f32 v10, v11  }
0x119: {  	v56 =	vld [tilespmem:s0+$0xFFFFFD50];
	v11 =	vunpack.i.u.bf16.f32 v26;
	v54 =	vunpack.i.u.bf16.f32 v45;
	v5 =	vadd.f32 v30, v5  }
0x11a: {  	v12 =	vunpack.i.l.bf16.f32 v45;
	v0 =	vadd.f32 v32, v0;
	v1 =	vadd.f32 v34, v1  }
0x11b: {  	v55 =	vunpack.i.u.bf16.f32 v47;
	v11 =	vsub.f32 v11, v14;
	v7 =	vadd.f32 v33, v7  }
0x11c: {  	v33 =	vunpack.i.l.bf16.f32 v24;
	v8 =	vmax.f32 v8, $0.0e+00;
	v2 =	vadd.f32 v9, v2  }
0x11d: {  	v59 =	vld [tilespmem:s0+$0xFFFFFD70];
	v3 =	vadd.f32 v27, v3;
	v29 =	vmax.f32 v10, $0.0e+00;
	v10 =	vsub.f32 v36, v35  }
0x11e: {  	v60 =	vld [tilespmem:s1+$0xFFFFFEB0];
	v9 =	vunpack.i.u.bf16.f32 v28;
	v57 =	vunpack.i.u.bf16.f32 v50;
	v17 =	vunpack.i.l.bf16.f32 v56  }
0x11f: {  	v63 =	vld [tilespmem:s0+$0xFFFFFD80];
	v19 =	vunpack.i.u.bf16.f32 v56;
	v6 =	vadd.f32 v8, v6;
	v4 =	vadd.f32 v29, v4  }
0x120: {  	v31 =	vld [tilespmem:s0+$0xFFFFFDC0];
	v35 =	vunpack.i.u.bf16.f32 v24;
	v9 =	vsub.f32 v13, v9;
	v5 =	vadd.f32 v49, v5  }
0x121: {  	v43 =	vmax.f32 v11, $0.0e+00;
	v0 =	vadd.f32 v48, v0;
	v1 =	vadd.f32 v51, v1  }
0x122: {  	v8 =	vsub.f32 v54, v53;
	v13 =	vunpack.i.l.bf16.f32 v50;
	v7 =	vadd.f32 v52, v7  }
0x123: {  	v58 =	vld [tilespmem:s0+$0xFFFFFD60];
	v22 =	vunpack.i.l.bf16.f32 v59;
	v41 =	vmax.f32 v10, $0.0e+00;
	v2 =	vadd.f32 v43, v2  }
0x124: {  	v3 =	vadd.f32 v44, v3;
	v10 =	vunpack.i.l.bf16.f32 v42;
	v23 =	vunpack.i.l.bf16.f32 v60  }
0x125: {  	v18 =	vld [tilespmem:s1+$0xFFFFFEC0];
	v25 =	vunpack.i.l.bf16.f32 v63;
	v11 =	vunpack.i.u.bf16.f32 v63;
	v40 =	vunpack.i.l.bf16.f32 v31  }
0x126: {  	v6 =	vadd.f32 v41, v6;
	v46 =	vmax.f32 v9, $0.0e+00;
	v10 =	vsub.f32 v12, v10  }
0x127: {  	v34 =	vld [tilespmem:s1+$0xFFFFFEE0];
	v9 =	vunpack.i.l.bf16.f32 v47;
	v12 =	vsub.f32 v57, v55;
	v8 =	vmax.f32 v8, $0.0e+00  }
0x128: {  	v27 =	vld [tilespmem:s0+$0xFFFFFDA0];
	v5 =	vadd.f32 v17, v5;
	v20 =	vunpack.i.l.bf16.f32 v58;
	v0 =	vadd.f32 v19, v0  }
0x129: {  	v28 =	vld [tilespmem:s0+$0xFFFFFDB0];
	v21 =	vunpack.i.u.bf16.f32 v58;
	v4 =	vadd.f32 v46, v4;
	v9 =	vsub.f32 v13, v9  }
0x12a: {  	v26 =	vunpack.i.l.bf16.f32 v18;
	v2 =	vadd.f32 v8, v2;
	v1 =	vadd.f32 v20, v1  }
0x12b: {  	v7 =	vadd.f32 v21, v7;
	v13 =	vunpack.i.u.bf16.f32 v59;
	v8 =	vsub.f32 v23, v22  }
0x12c: {  	v29 =	vld [tilespmem:s1+$0xFFFFFED0];
	v41 =	vunpack.i.l.bf16.f32 v34;
	v10 =	vmax.f32 v10, $0.0e+00;
	v62 =	vmax.f32 v12, $0.0e+00  }
0x12d: {  	v49 =	vld [tilespmem:s1+$0xFFFFFEF0];
	v5 =	vadd.f32 v33, v5;
	v0 =	vadd.f32 v35, v0;
	v36 =	vunpack.i.u.bf16.f32 v27  }
0x12e: {  	v51 =	vld [tilespmem:s0+$0xFFFFFE00];
	v37 =	vunpack.i.l.bf16.f32 v27;
	v38 =	vunpack.i.l.bf16.f32 v28;
	v14 =	vunpack.i.u.bf16.f32 v28  }
0x12f: {  	v42 =	vld [tilespmem:s0+$0xFFFFFDD0];
	v12 =	vsub.f32 v41, v40;
	v6 =	vadd.f32 v10, v6;
	v61 =	vmax.f32 v9, $0.0e+00  }
0x130: {  	v43 =	vld [tilespmem:s0+$0xFFFFFDE0];
	v4 =	vadd.f32 v62, v4;
	v10 =	vunpack.i.u.bf16.f32 v60;
	v9 =	vunpack.i.u.bf16.f32 v18  }
0x131: {  	v8 =	vmax.f32 v8, $0.0e+00;
	v1 =	vadd.f32 v37, v1;
	v39 =	vunpack.i.l.bf16.f32 v29  }
0x132: {  	v54 =	vld [tilespmem:s1+$0xFFFFFF00];
	v7 =	vadd.f32 v36, v7;
	v58 =	vunpack.i.u.bf16.f32 v49;
	v3 =	vadd.f32 v61, v3  }
0x133: {  	v63 =	vld [tilespmem:s0+$0xFFFFFE30];
	v59 =	vunpack.i.u.bf16.f32 v51;
	v10 =	vsub.f32 v10, v13;
	v13 =	vsub.f32 v26, v25  }
0x134: {  	v17 =	vld [tilespmem:s1+$0xFFFFFF10];
	v9 =	vsub.f32 v9, v11;
	v11 =	vunpack.i.u.bf16.f32 v29;
	v48 =	vmax.f32 v12, $0.0e+00  }
0x135: {  	v52 =	vunpack.i.u.bf16.f32 v42;
	v53 =	vunpack.i.l.bf16.f32 v42;
	v55 =	vunpack.i.l.bf16.f32 v43  }
0x136: {  	v46 =	vld [tilespmem:s0+$0xFFFFFDF0];
	v56 =	vunpack.i.u.bf16.f32 v43;
	v12 =	vunpack.i.l.bf16.f32 v49;
	v6 =	vadd.f32 v8, v6  }
0x137: {  	v20 =	vld [tilespmem:s0+$0xFFFFFE40];
	v61 =	vunpack.i.u.bf16.f32 v54;
	v11 =	vsub.f32 v11, v14;
	v5 =	vadd.f32 v53, v5  }
0x138: {  	v22 =	vld [tilespmem:s1+$0xFFFFFF20];
	v26 =	vunpack.i.l.bf16.f32 v63;
	v0 =	vadd.f32 v52, v0;
	v1 =	vadd.f32 v55, v1  }
0x139: {  	v28 =	vld [tilespmem:s0+$0xFFFFFE50];
	v7 =	vadd.f32 v56, v7;
	v27 =	vunpack.i.l.bf16.f32 v17;
	v10 =	vmax.f32 v10, $0.0e+00  }
0x13a: {  	v33 =	vld [tilespmem:s1+$0xFFFFFF30];
	v30 =	vmax.f32 v13, $0.0e+00;
	v32 =	vmax.f32 v9, $0.0e+00;
	v9 =	vsub.f32 v39, v38  }
0x13b: {  	v13 =	vunpack.i.u.bf16.f32 v34;
	v57 =	vunpack.i.u.bf16.f32 v46;
	v2 =	vadd.f32 v10, v2  }
0x13c: {  	v60 =	vld [tilespmem:s0+$0xFFFFFE10];
	v29 =	vunpack.i.l.bf16.f32 v20;
	v3 =	vadd.f32 v30, v3;
	v4 =	vadd.f32 v32, v4  }
0x13d: {  	v10 =	vunpack.i.u.bf16.f32 v31;
	v47 =	vmax.f32 v11, $0.0e+00;
	v8 =	vsub.f32 v58, v57  }
0x13e: {  	v62 =	vld [tilespmem:s0+$0xFFFFFE20];
	v30 =	vunpack.i.l.bf16.f32 v22;
	v11 =	vunpack.i.u.bf16.f32 v20;
	v37 =	vunpack.i.l.bf16.f32 v28  }
0x13f: {  	v39 =	vunpack.i.u.bf16.f32 v28;
	v43 =	vunpack.i.l.bf16.f32 v33;
	v44 =	vmax.f32 v9, $0.0e+00  }
0x140: {  	v35 =	vld [tilespmem:s0+$0xFFFFFE80];
	v45 =	vsub.f32 v13, v10;
	v10 =	vunpack.i.l.bf16.f32 v46;
	v9 =	vunpack.i.l.bf16.f32 v51  }
0x141: {  	v53 =	vld [tilespmem:s1+$0xFFFFFF50];
	v13 =	vunpack.i.l.bf16.f32 v54;
	v21 =	vunpack.i.l.bf16.f32 v60;
	v6 =	vadd.f32 v44, v6  }
0x142: {  	v55 =	vld [tilespmem:s0+$0xFFFFFEC0];
	v23 =	vunpack.i.u.bf16.f32 v60;
	v2 =	vadd.f32 v47, v2;
	v3 =	vadd.f32 v48, v3  }
0x143: {  	v24 =	vunpack.i.l.bf16.f32 v62;
	v10 =	vsub.f32 v12, v10;
	v9 =	vsub.f32 v13, v9  }
0x144: {  	v25 =	vunpack.i.u.bf16.f32 v62;
	v12 =	vsub.f32 v61, v59;
	v5 =	vadd.f32 v21, v5  }
0x145: {  	v8 =	vmax.f32 v8, $0.0e+00;
	v0 =	vadd.f32 v23, v0;
	v1 =	vadd.f32 v24, v1  }
0x146: {  	v38 =	vld [tilespmem:s1+$0xFFFFFF40];
	v7 =	vadd.f32 v25, v7;
	v13 =	vunpack.i.u.bf16.f32 v63;
	v44 =	vunpack.i.l.bf16.f32 v35  }
0x147: {  	v31 =	vld [tilespmem:s0+$0xFFFFFE60];
	v50 =	vmax.f32 v45, $0.0e+00;
	v62 =	vunpack.i.u.bf16.f32 v53;
	v63 =	vunpack.i.u.bf16.f32 v55  }
0x148: {  	v32 =	vld [tilespmem:s0+$0xFFFFFE70];
	v4 =	vadd.f32 v50, v4;
	v10 =	vmax.f32 v10, $0.0e+00;
	v2 =	vadd.f32 v8, v2  }
0x149: {  	v58 =	vld [tilespmem:s1+$0xFFFFFF60];
	v18 =	vmax.f32 v9, $0.0e+00;
	v19 =	vmax.f32 v12, $0.0e+00;
	v8 =	vsub.f32 v27, v26  }
0x14a: {  	v20 =	vld [tilespmem:s0+$0xFFFFFED0];
	v9 =	vunpack.i.u.bf16.f32 v22;
	v5 =	vadd.f32 v37, v5;
	v0 =	vadd.f32 v39, v0  }
0x14b: {  	v45 =	vunpack.i.l.bf16.f32 v38;
	v6 =	vadd.f32 v10, v6;
	v3 =	vadd.f32 v18, v3  }
0x14c: {  	v46 =	vld [tilespmem:s0+$0xFFFFFE90];
	v10 =	vunpack.i.u.bf16.f32 v17;
	v9 =	vsub.f32 v9, v11;
	v40 =	vunpack.i.u.bf16.f32 v31  }
0x14d: {  	v41 =	vunpack.i.l.bf16.f32 v31;
	v42 =	vunpack.i.l.bf16.f32 v32;
	v14 =	vunpack.i.u.bf16.f32 v32  }
0x14e: {  	v11 =	vunpack.i.u.bf16.f32 v33;
	v12 =	vsub.f32 v45, v44;
	v21 =	vunpack.i.u.bf16.f32 v58  }
0x14f: {  	v47 =	vld [tilespmem:s0+$0xFFFFFEA0];
	v28 =	vunpack.i.l.bf16.f32 v20;
	v4 =	vadd.f32 v19, v4;
	v10 =	vsub.f32 v10, v13  }
0x150: {  	v23 =	vld [tilespmem:s0+$0xFFFFFEF0];
	v13 =	vsub.f32 v30, v29;
	v8 =	vmax.f32 v8, $0.0e+00;
	v1 =	vadd.f32 v41, v1  }
0x151: {  	v11 =	vsub.f32 v11, v14;
	v7 =	vadd.f32 v40, v7;
	v56 =	vunpack.i.u.bf16.f32 v46  }
0x152: {  	v57 =	vunpack.i.l.bf16.f32 v46;
	v30 =	vunpack.i.u.bf16.f32 v20;
	v6 =	vadd.f32 v8, v6  }
0x153: {  	v36 =	vmax.f32 v9, $0.0e+00;
	v9 =	vsub.f32 v43, v42;
	v52 =	vmax.f32 v12, $0.0e+00  }
0x154: {  	v50 =	vld [tilespmem:s0+$0xFFFFFEB0];
	v5 =	vadd.f32 v57, v5;
	v0 =	vadd.f32 v56, v0;
	v59 =	vunpack.i.l.bf16.f32 v47  }
0x155: {  	v22 =	vld [tilespmem:s0+$0xFFFFFEE0];
	v60 =	vunpack.i.u.bf16.f32 v47;
	v12 =	vunpack.i.l.bf16.f32 v53;
	v33 =	vunpack.i.l.bf16.f32 v23  }
0x156: {  	v24 =	vld [tilespmem:s1+$0xFFFFFF70];
	v10 =	vmax.f32 v10, $0.0e+00;
	v34 =	vmax.f32 v13, $0.0e+00;
	v4 =	vadd.f32 v36, v4  }
0x157: {  	v27 =	vld [tilespmem:s0+$0xFFFFFF00];
	v13 =	vunpack.i.u.bf16.f32 v38;
	v1 =	vadd.f32 v59, v1;
	v7 =	vadd.f32 v60, v7  }
0x158: {  	v39 =	vld [tilespmem:s0+$0xFFFFFF30];
	v51 =	vmax.f32 v11, $0.0e+00;
	v2 =	vadd.f32 v10, v2;
	v3 =	vadd.f32 v34, v3  }
0x159: {  	v10 =	vunpack.i.u.bf16.f32 v35;
	v48 =	vmax.f32 v9, $0.0e+00;
	v61 =	vunpack.i.u.bf16.f32 v50  }
0x15a: {  	v9 =	vunpack.i.l.bf16.f32 v55;
	v5 =	vadd.f32 v28, v5;
	v31 =	vunpack.i.l.bf16.f32 v22  }
0x15b: {  	v45 =	vld [tilespmem:s1+$0xFFFFFFA0];
	v0 =	vadd.f32 v30, v0;
	v32 =	vunpack.i.u.bf16.f32 v22;
	v34 =	vunpack.i.l.bf16.f32 v24  }
0x15c: {  	v29 =	vld [tilespmem:s1+$0xFFFFFF80];
	v36 =	vunpack.i.l.bf16.f32 v27;
	v11 =	vunpack.i.u.bf16.f32 v27;
	v49 =	vsub.f32 v13, v10  }
0x15d: {  	v40 =	vld [tilespmem:s1+$0xFFFFFF90];
	v14 =	vunpack.i.u.bf16.f32 v39;
	v6 =	vadd.f32 v48, v6;
	v8 =	vsub.f32 v62, v61  }
0x15e: {  	v42 =	vld [tilespmem:s0+$0xFFFFFF40];
	v10 =	vunpack.i.l.bf16.f32 v50;
	v1 =	vadd.f32 v31, v1;
	v7 =	vadd.f32 v32, v7  }
0x15f: {  	v13 =	vunpack.i.l.bf16.f32 v58;
	v2 =	vadd.f32 v51, v2;
	v3 =	vadd.f32 v52, v3  }
0x160: {  	v53 =	vunpack.i.l.bf16.f32 v45;
	v10 =	vsub.f32 v12, v10;
	v9 =	vsub.f32 v13, v9  }
0x161: {  	v38 =	vld [tilespmem:s0+$0xFFFFFF20];
	v12 =	vsub.f32 v21, v63;
	v13 =	vunpack.i.u.bf16.f32 v23;
	v37 =	vunpack.i.l.bf16.f32 v29  }
0x162: {  	v50 =	vunpack.i.l.bf16.f32 v40;
	v54 =	vmax.f32 v49, $0.0e+00;
	v8 =	vmax.f32 v8, $0.0e+00  }
0x163: {  	v35 =	vld [tilespmem:s0+$0xFFFFFF10];
	v49 =	vunpack.i.l.bf16.f32 v39;
	v52 =	vunpack.i.l.bf16.f32 v42;
	v4 =	vadd.f32 v54, v4  }
0x164: {  	v55 =	vld [tilespmem:s0+$0xFFFFFF70];
	v10 =	vmax.f32 v10, $0.0e+00;
	v2 =	vadd.f32 v8, v2;
	v25 =	vmax.f32 v9, $0.0e+00  }
0x165: {  	v28 =	vld [tilespmem:s0+$0xFFFFFFB0];
	v26 =	vmax.f32 v12, $0.0e+00;
	v8 =	vsub.f32 v34, v33;
	v9 =	vunpack.i.u.bf16.f32 v29  }
0x166: {  	v30 =	vld [tilespmem:s1+$0xFFFFFFD0];
	v47 =	vunpack.i.u.bf16.f32 v38;
	v48 =	vunpack.i.l.bf16.f32 v38;
	v6 =	vadd.f32 v10, v6  }
0x167: {  	v58 =	vld [tilespmem:s1+$0xFFFFFFB0];
	v3 =	vadd.f32 v25, v3;
	v10 =	vunpack.i.u.bf16.f32 v24;
	v9 =	vsub.f32 v9, v11  }
0x168: {  	v61 =	vld [tilespmem:s0+$0xFFFFFF80];
	v44 =	vunpack.i.l.bf16.f32 v35;
	v46 =	vunpack.i.u.bf16.f32 v35;
	v1 =	vadd.f32 v48, v1  }
0x169: {  	v32 =	vld [tilespmem:s0+$0xFFFFFFC0];
	v11 =	vunpack.i.u.bf16.f32 v40;
	v7 =	vadd.f32 v47, v7;
	v4 =	vadd.f32 v26, v4  }
0x16a: {  	v51 =	vld [tilespmem:s0+$0xFFFFFF50];
	v20 =	vunpack.i.l.bf16.f32 v55;
	v10 =	vsub.f32 v10, v13;
	v13 =	vsub.f32 v37, v36  }
0x16b: {  	v63 =	vld [tilespmem:s1+$0xFFFFFFC0];
	v22 =	vunpack.i.u.bf16.f32 v55;
	v5 =	vadd.f32 v44, v5;
	v0 =	vadd.f32 v46, v0  }
0x16c: {  	v8 =	vmax.f32 v8, $0.0e+00;
	v11 =	vsub.f32 v11, v14;
	v14 =	vsub.f32 v53, v52  }
0x16d: {  	v21 =	vunpack.i.l.bf16.f32 v58;
	v23 =	vunpack.i.l.bf16.f32 v61;
	v36 =	vunpack.i.l.bf16.f32 v28  }
0x16e: {  	v37 =	vunpack.i.l.bf16.f32 v30;
	v39 =	vunpack.i.l.bf16.f32 v32;
	v6 =	vadd.f32 v8, v6  }
0x16f: {  	v43 =	vmax.f32 v9, $0.0e+00;
	v9 =	vsub.f32 v50, v49;
	v17 =	vunpack.i.u.bf16.f32 v51  }
0x170: {  	v54 =	vld [tilespmem:s0+$0xFFFFFF60];
	v18 =	vunpack.i.l.bf16.f32 v51;
	v8 =	vsub.f32 v21, v20;
	v24 =	vunpack.i.l.bf16.f32 v63  }
0x171: {  	v34 =	vld [tilespmem:s1+$0xFFFFFFE0];
	v10 =	vmax.f32 v10, $0.0e+00;
	v41 =	vmax.f32 v13, $0.0e+00;
	v4 =	vadd.f32 v43, v4  }
0x172: {  	v38 =	vld [tilespmem:s0+$0xFFFFFFD0];
	v13 =	vunpack.i.u.bf16.f32 v45;
	v59 =	vmax.f32 v11, $0.0e+00;
	v5 =	vadd.f32 v18, v5  }
0x173: {  	v60 =	vmax.f32 v14, $0.0e+00;
	v0 =	vadd.f32 v17, v0;
	v11 =	vsub.f32 v24, v23  }
0x174: {  	v2 =	vadd.f32 v10, v2;
	v3 =	vadd.f32 v41, v3;
	v10 =	vunpack.i.u.bf16.f32 v42  }
0x175: {  	v25 =	vld [tilespmem:s0+$0xFFFFFF90];
	v56 =	vmax.f32 v9, $0.0e+00;
	v19 =	vunpack.i.l.bf16.f32 v54;
	v9 =	vunpack.i.u.bf16.f32 v63  }
0x176: {  	v27 =	vunpack.i.u.bf16.f32 v54;
	v8 =	vmax.f32 v8, $0.0e+00;
	v40 =	vunpack.i.l.bf16.f32 v34  }
0x177: {  	v47 =	vld [tilespmem:s0+$0x0];
	v46 =	vunpack.i.l.bf16.f32 v38;
	v48 =	vunpack.i.u.bf16.f32 v38;
	v57 =	vsub.f32 v13, v10  }
0x178: {  	v26 =	vld [tilespmem:s0+$0xFFFFFFA0];
	v6 =	vadd.f32 v56, v6;
	v1 =	vadd.f32 v19, v1;
	v10 =	vunpack.i.u.bf16.f32 v58  }
0x179: {  	v13 =	vunpack.i.u.bf16.f32 v61;
	v7 =	vadd.f32 v27, v7;
	v31 =	vmax.f32 v11, $0.0e+00  }
0x17a: {  	v33 =	vunpack.i.l.bf16.f32 v25;
	v14 =	vunpack.i.u.bf16.f32 v25;
	v2 =	vadd.f32 v59, v2  }
0x17b: {  	v49 =	vld [tilespmem:s1+$0x0];
	v11 =	vunpack.i.u.bf16.f32 v32;
	v3 =	vadd.f32 v60, v3;
	v10 =	vsub.f32 v10, v22  }
0x17c: {  	v55 =	vunpack.i.l.bf16.f32 v47;
	v9 =	vsub.f32 v9, v13;
	v5 =	vadd.f32 v33, v5  }
0x17d: {  	v43 =	vld [tilespmem:s0+$0xFFFFFFE0];
	v35 =	vunpack.i.l.bf16.f32 v26;
	v0 =	vadd.f32 v14, v0;
	v12 =	vunpack.i.u.bf16.f32 v26  }
0x17e: {  	v41 =	vld [tilespmem:s0+$0xFFFFFFF0];
	v13 =	vunpack.i.u.bf16.f32 v28;
	v6 =	vadd.f32 v8, v6;
	v1 =	vadd.f32 v35, v1  }
0x17f: {  	v42 =	vld [tilespmem:s1+$0xFFFFFFF0];
	v62 =	vmax.f32 v57, $0.0e+00;
	v7 =	vadd.f32 v12, v7;
	v8 =	vsub.f32 v37, v36  }
0x180: {  	v56 =	vunpack.i.l.bf16.f32 v49;
	v4 =	vadd.f32 v62, v4;
	v29 =	vmax.f32 v10, $0.0e+00  }
0x181: {  	v9 =	vmax.f32 v9, $0.0e+00;
	v3 =	vadd.f32 v31, v3;
	v5 =	vadd.f32 v46, v5  }
0x182: {  	v10 =	vunpack.i.u.bf16.f32 v30;
	v0 =	vadd.f32 v48, v0;
	v2 =	vadd.f32 v29, v2  }
0x183: {  	v52 =	vunpack.i.u.bf16.f32 v43;
	v10 =	vsub.f32 v10, v13;
	v13 =	vsub.f32 v40, v39  }
0x184: {  	v8 =	vmax.f32 v8, $0.0e+00;
	v50 =	vunpack.i.l.bf16.f32 v41;
	v51 =	vunpack.i.l.bf16.f32 v42  }
0x185: {  	v7 =	vadd.f32 v52, v7;
	v53 =	vunpack.i.u.bf16.f32 v41;
	v54 =	vunpack.i.u.bf16.f32 v42  }
0x186: {  	v4 =	vadd.f32 v9, v4;
	v9 =	vunpack.i.u.bf16.f32 v34;
	v6 =	vadd.f32 v8, v6  }
0x187: {  	v8 =	vsub.f32 v51, v50;
	v5 =	vmul.f32 $6.250000000e-02, v5;
	v0 =	vmul.f32 $6.250000000e-02, v0  }
0x188: {  	v10 =	vmax.f32 v10, $0.0e+00;
	v9 =	vsub.f32 v9, v11;
	v44 =	vmax.f32 v13, $0.0e+00  }
0x189: {  	v11 =	vunpack.i.l.bf16.f32 v43;
	v58 =	vmul.f32 $6.250000000e-02, v7;
	v2 =	vadd.f32 v10, v2  }
0x18a: {  	v3 =	vadd.f32 v44, v3;
	v1 =	vadd.f32 v11, v1;
	v8 =	vmax.f32 v8, $0.0e+00  }
0x18b: {  	v11 =	vsub.f32 v54, v53;
	v10 =	vunpack.i.u.bf16.f32 v47;
	v45 =	vmax.f32 v9, $0.0e+00  }
0x18c: {  	s14 =	sshra.s32 s31, $0x2;
	v6 =	vadd.f32 v8, v6;
	v8 =	vsub.f32 v56, v55;
	v9 =	vunpack.i.u.bf16.f32 v49  }
0x18d: {  	[tilespmem:s14+$0x8C00] =	vst v5;
	v4 =	vadd.f32 v45, v4;
	v11 =	vmax.f32 v11, $0.0e+00;
	v9 =	vsub.f32 v9, v10  }
0x18e: {  	[tilespmem:s14+$0x8C10] =	vst v0;
	v1 =	vmul.f32 $6.250000000e-02, v1;
	v2 =	vadd.f32 v11, v2;
	v57 =	vmax.f32 v8, $0.0e+00  }
0x18f: {  	p0 =	sne.s32 s31, $0xE00;
	[tilespmem:s14+$0x8C30] =	vst v58;
	v60 =	vmul.f32 $6.250000000e-02, v6;
	v3 =	vadd.f32 v57, v3;
	v59 =	vmax.f32 v9, $0.0e+00  }
.Ltmp3:
0x190: {  	[tilespmem:s14+$0x8C20] =	vst v1;
	v4 =	vadd.f32 v59, v4;
	v61 =	vmul.f32 $6.250000000e-02, v2;
	(pc) =	sbr.rel @p0 .LBB2_5-.Ltmp3, $4  }
0x191: {  	[tilespmem:s14+$0x8C40] =	vst v60;
	v62 =	vmul.f32 $6.250000000e-02, v3  }
0x192: {  	[tilespmem:s14+$0x8C50] =	vst v61;
	v63 =	vmul.f32 $6.250000000e-02, v4  }
0x193: {  	[tilespmem:s14+$0x8C60] =	vst v62  }
0x194: {  	s31 =	sadd.s32 $0x200, s31;
	s1 =	sadd.s32 $0x200, s1;
	s0 =	sadd.s32 $0x400, s0;
	[tilespmem:s14+$0x8C70] =	vst v63  }
.Ltmp4:
0x195: {  	(pc) =	sbr.rel @p1 .LBB2_8-.Ltmp4, $3  }
0x196: {  	_ =	sdelay $0x1  }
0x197: {  	s0 =	sadd.s32 s10, s30  }
0x198: {  	[hbm4b:s0+s3] =	stream.linear.scatter [tilespmem:s24], [sflag:$0x6], $0x400, $0x38;
	[tilespmem:$0x9000] =	vst v63  }
.Ltmp5:
0x199: {  	(pc) =	sbr.rel .LBB2_2-.Ltmp5, $4  }
0x19a: {  	s0 =	sadd.s32 $0x180, s30  }
0x19b: {  	[tilespmem:s16], [sflag:$0x2] =	stream.indirect.gather [hbm4b:s2+s13], $0x40, s0, s13, $0xb8;
	[tilespmem:$0x9000] =	vst v63  }
0x19c: {  	s31 =	sadd.s32 $0x1580, s30;
	s29 =	sadd.s32 $0x1, s29  }
0x19d: {  	[tilespmem:s18], [sflag:$0x4] =	stream.indirect.gather [hbm4b:s4+s13], $0x20, s31, s13, $0xb8;
	[tilespmem:$0x9000] =	vst v63  }
.LBB2_9:
0x19e: {  	_ =	sfence.sel $0x180000  }
0x19f: {  	[bflag:$0x0] =	sbarrier.arrive $0xFFFF  }
0x1a0: {  	_ =	strace $0x90000047  }
0x1a1: {  	s0 =	stileid.u32;
	[bflag:$0x2] =	sbarrier.arrive $0xFFFF  }
0x1a2: {  	p0 =	sne.s32 s0, $0x0;
	s0 =	rddreg [dreg:$0x2]  }
0x1a3: {  	s0 =	sadd.s32 @!p0 $0x100000, s0  }
0x1a4: {  	[sflag:s0] =	ssyncadd.tile.s32 @!p0 $0x1;
	_ =	shalt  }
.Lfunc_end2:
_tile_overlayer_lowered:
.L_overlay_start_2:
0x1a5: {  	(tag) =	ssettag $0x2  }
0x1a6: {  	s0 =	rddreg [dreg:$0x0];
	s2 =	stileid.u32  }
0x1a7: {  	s1 =	rddreg [dreg:$0x1];
	p0 =	sne.s32 s2, $0x0  }
0x1a8: {  	s3 =	rddreg [dreg:$0x2];
	[bflag:$0x3] =	sbarrier.arrive $0xFFFF;
	s2 =	simm.s32 @!p0 $0x1C07  }
0x1a9: {  	[timem:s3], [sflag:s2] =	dma.local @!p0 [hbm:s0], s1  }
0x1aa: {  	s0 =	simm.s32 @!p0 $0x7  }
0x1ab: {  	_ =	swait.ge @!p0 [sflag:s0], s1  }
0x1ac: {  	s1 =	ssub.s32 @!p0 $0x0, s1;
	[sflag:s0] =	ssyncset.done @!p0 $0x0  }
0x1ad: {  	[sflag:s0] =	ssyncadd.s32 @!p0 s1  }
0x1ae: {  	[bflag:$0x3] =	sbarrier.arrive $0xFFFF  }
0x1af: {  	_ =	shalt  }

</sc_bundles>
